<compile_context>
chip_gen: v7x
topology: tpu7x:2x2x1
jax: 0.10.2.dev20260603
libtpu: 0.0.44.dev20260713+nightly
codegen_flags: <defaults>
</compile_context>

<pallas_src>
import functools

import jax
import jax.numpy as jnp
from jax import lax
from jax.experimental import pallas as pl
from jax.experimental.pallas import tpu as pltpu
from jax.experimental.pallas import tpu_sc as plsc

N = 10000
E = 160000
NG = 64
NW = 32
CH = 125
NCH = (E // NW) // CH
NPT = 632
NPAD = 16 * NPT
BN = 1000

_MESH = plsc.VectorSubcoreMesh(core_axis_name="c", subcore_axis_name="s")



@functools.partial(
    pl.kernel,
    out_type=jax.ShapeDtypeStruct((2, NPAD, 128), jnp.float32),
    mesh=_MESH,
    scratch_types=[
        pltpu.VMEM((NCH, CH), jnp.int32),
        pltpu.VMEM((NCH, CH), jnp.int32),
        pltpu.VMEM((CH, 128), jnp.float32),
        pltpu.VMEM((CH, 128), jnp.float32),
        pltpu.VMEM_SHARED((NPAD, 128), jnp.float32),
        pltpu.SemaphoreType.DMA,
        pltpu.SemaphoreType.DMA,
    ],
)
def _prop_sc(g_hbm, rows_hbm, cols_hbm, zeros_hbm, out_hbm,
             rows_v, cols_v, buf0, buf1, acc, sem0, sem1):
    c = lax.axis_index("c")
    s = lax.axis_index("s")
    w = s * 2 + c
    pltpu.sync_copy(rows_hbm.at[w], rows_v)
    pltpu.sync_copy(cols_hbm.at[w], cols_v)
    base = s * NPT
    pltpu.sync_copy(zeros_hbm.at[pl.ds(base, NPT)], acc.at[pl.ds(base, NPT)])
    plsc.subcore_barrier()

    pltpu.async_copy(g_hbm.at[rows_v.at[0]], buf0, sem0)
    pltpu.async_copy(g_hbm.at[rows_v.at[1]], buf1, sem1)

    def step(i, carry):
        j0 = 2 * i
        pltpu.make_async_copy(g_hbm.at[rows_v.at[j0]], buf0, sem0).wait()
        pltpu.sync_copy(buf0, acc.at[cols_v.at[j0]], add=True)
        pltpu.async_copy(g_hbm.at[rows_v.at[j0 + 2]], buf0, sem0)
        pltpu.make_async_copy(g_hbm.at[rows_v.at[j0 + 1]], buf1, sem1).wait()
        pltpu.sync_copy(buf1, acc.at[cols_v.at[j0 + 1]], add=True)
        pltpu.async_copy(g_hbm.at[rows_v.at[j0 + 3]], buf1, sem1)
        return carry

    lax.fori_loop(0, NCH // 2 - 1, step, 0)
    j0 = NCH - 2
    pltpu.make_async_copy(g_hbm.at[rows_v.at[j0]], buf0, sem0).wait()
    pltpu.sync_copy(buf0, acc.at[cols_v.at[j0]], add=True)
    pltpu.make_async_copy(g_hbm.at[rows_v.at[j0 + 1]], buf1, sem1).wait()
    pltpu.sync_copy(buf1, acc.at[cols_v.at[j0 + 1]], add=True)
    plsc.subcore_barrier()
    pltpu.sync_copy(acc.at[pl.ds(base, NPT)], out_hbm.at[c, pl.ds(base, NPT)])


@functools.partial(
    pl.kernel,
    out_type=jax.ShapeDtypeStruct((2, NPAD, 128), jnp.float32),
    mesh=_MESH,
    scratch_types=[
        pltpu.VMEM((NCH, CH), jnp.int32),
        pltpu.VMEM((CH, 128), jnp.float32),
        pltpu.VMEM_SHARED((NPAD, 128), jnp.float32),
    ],
)
def _deg_sc(rows_hbm, ones_hbm, zeros_hbm, out_hbm, idx_v, ones_v, acc):
    c = lax.axis_index("c")
    s = lax.axis_index("s")
    w = s * 2 + c
    base = s * NPT
    pltpu.sync_copy(ones_hbm, ones_v)
    pltpu.sync_copy(zeros_hbm.at[pl.ds(base, NPT)], acc.at[pl.ds(base, NPT)])
    plsc.subcore_barrier()
    pltpu.sync_copy(rows_hbm.at[w], idx_v)

    def step(j, carry):
        pltpu.sync_copy(ones_v, acc.at[idx_v.at[j]], add=True)
        return carry

    lax.fori_loop(0, NCH, step, 0)
    plsc.subcore_barrier()
    pltpu.sync_copy(acc.at[pl.ds(base, NPT)], out_hbm.at[c, pl.ds(base, NPT)])



def _dis_body(degp_ref, dis_ref):
    deg = degp_ref[0] + degp_ref[1]
    dis = jnp.where(deg > 0, lax.rsqrt(jnp.maximum(deg, 1e-12)), 0.0)
    dis_ref[...] = dis[:, 0:1]


_dis_tc = pl.pallas_call(
    _dis_body,
    grid=(NPAD // BN + 1,),
    in_specs=[pl.BlockSpec((2, BN, 128), lambda i: (0, i, 0))],
    out_specs=pl.BlockSpec((BN, 1), lambda i: (i, 0)),
    out_shape=jax.ShapeDtypeStruct((NPAD, 1), jnp.float32),
)


def _pre_body(x_ref, w_ref, dis_ref, g1_ref, g2_ref, r_ref):
    p = jnp.dot(x_ref[...], w_ref[...], preferred_element_type=jnp.float32)
    dis = dis_ref[...]
    g1_ref[...] = dis * p[:, 256:384]
    g2_ref[...] = dis * p[:, 128:256]
    r_ref[...] = p[:, 0:128] - p[:, 256:384]


_pre_tc = pl.pallas_call(
    _pre_body,
    grid=(N // BN,),
    in_specs=[
        pl.BlockSpec((BN, 256), lambda i: (i, 0)),
        pl.BlockSpec((256, 384), lambda i: (0, 0)),
        pl.BlockSpec((BN, 1), lambda i: (i, 0)),
    ],
    out_specs=[
        pl.BlockSpec((BN, 128), lambda i: (i, 0)),
        pl.BlockSpec((BN, 128), lambda i: (i, 0)),
        pl.BlockSpec((BN, 128), lambda i: (i, 0)),
    ],
    out_shape=[jax.ShapeDtypeStruct((N, 128), jnp.float32)] * 3,
)


def _mid_body(g2_ref, ap_ref, dis_ref, q_ref):
    dis = dis_ref[...]
    q_ref[...] = g2_ref[...] - 2.0 * dis * dis * (ap_ref[0] + ap_ref[1])


_mid_tc = pl.pallas_call(
    _mid_body,
    grid=(N // BN,),
    in_specs=[
        pl.BlockSpec((BN, 128), lambda i: (i, 0)),
        pl.BlockSpec((2, BN, 128), lambda i: (0, i, 0)),
        pl.BlockSpec((BN, 1), lambda i: (i, 0)),
    ],
    out_specs=pl.BlockSpec((BN, 128), lambda i: (i, 0)),
    out_shape=jax.ShapeDtypeStruct((N, 128), jnp.float32),
)


def _postpre_body(r_ref, ap_ref, dis_ref, b_ref, al_ref, w_ref,
                  g1_ref, g2_ref, r2_ref):
    dis = dis_ref[...]
    out1 = r_ref[...] - dis * (ap_ref[0] + ap_ref[1]) + b_ref[...]
    x2 = jnp.where(out1 >= 0, out1, al_ref[...] * out1)
    p = jnp.dot(x2.astype(jnp.bfloat16), w_ref[...],
                preferred_element_type=jnp.float32)
    g1_ref[...] = dis * p[:, 256:384]
    g2_ref[...] = dis * p[:, 128:256]
    r2_ref[...] = p[:, 0:128] - p[:, 256:384]


_postpre_tc = pl.pallas_call(
    _postpre_body,
    grid=(N // BN,),
    in_specs=[
        pl.BlockSpec((BN, 128), lambda i: (i, 0)),
        pl.BlockSpec((2, BN, 128), lambda i: (0, i, 0)),
        pl.BlockSpec((BN, 1), lambda i: (i, 0)),
        pl.BlockSpec((1, 128), lambda i: (0, 0)),
        pl.BlockSpec((1, 128), lambda i: (0, 0)),
        pl.BlockSpec((128, 384), lambda i: (0, 0)),
    ],
    out_specs=[
        pl.BlockSpec((BN, 128), lambda i: (i, 0)),
        pl.BlockSpec((BN, 128), lambda i: (i, 0)),
        pl.BlockSpec((BN, 128), lambda i: (i, 0)),
    ],
    out_shape=[jax.ShapeDtypeStruct((N, 128), jnp.float32)] * 3,
)


def _pool_body(r_ref, ap_ref, dis_ref, b_ref, al_ref, batch_ref,
               z_ref, zsum, csum):
    i = pl.program_id(0)

    @pl.when(i == 0)
    def _init():
        zsum[...] = jnp.zeros_like(zsum)
        csum[...] = jnp.zeros_like(csum)

    dis = dis_ref[...]
    out2 = r_ref[...] - dis * (ap_ref[0] + ap_ref[1]) + b_ref[...]
    h = jnp.where(out2 >= 0, out2, al_ref[...] * out2)
    gids = lax.broadcasted_iota(jnp.int32, (BN, NG), 1)
    mask = (batch_ref[...] == gids).astype(jnp.float32)
    dn = (((0,), (0,)), ((), ()))
    zsum[...] += lax.dot_general(mask, h, dn,
                                 preferred_element_type=jnp.float32)
    csum[...] += lax.dot_general(mask, jnp.ones_like(h), dn,
                                 preferred_element_type=jnp.float32)

    @pl.when(i == N // BN - 1)
    def _fin():
        z_ref[...] = zsum[...] / jnp.maximum(csum[...], 1.0)


_pool_tc = pl.pallas_call(
    _pool_body,
    grid=(N // BN,),
    in_specs=[
        pl.BlockSpec((BN, 128), lambda i: (i, 0)),
        pl.BlockSpec((2, BN, 128), lambda i: (0, i, 0)),
        pl.BlockSpec((BN, 1), lambda i: (i, 0)),
        pl.BlockSpec((1, 128), lambda i: (0, 0)),
        pl.BlockSpec((1, 128), lambda i: (0, 0)),
        pl.BlockSpec((BN, 1), lambda i: (i, 0)),
    ],
    out_specs=pl.BlockSpec((NG, 128), lambda i: (0, 0)),
    out_shape=jax.ShapeDtypeStruct((NG, 128), jnp.float32),
    scratch_shapes=[
        pltpu.VMEM((NG, 128), jnp.float32),
        pltpu.VMEM((NG, 128), jnp.float32),
    ],
)


def _cls_body(za_ref, zh_ref, w1_ref, b1_ref, a_ref, w2_ref, b2_ref,
              logits_ref, z_ref):
    z = jnp.concatenate([za_ref[...], zh_ref[...]], axis=1)
    h0 = jnp.dot(z, w1_ref[...], preferred_element_type=jnp.float32) + b1_ref[...]
    h = jnp.where(h0 >= 0, h0, a_ref[...] * h0)
    logits_ref[...] = (jnp.dot(h, w2_ref[...],
                               preferred_element_type=jnp.float32)
                       + b2_ref[...])
    z_ref[...] = z


_cls_tc = pl.pallas_call(
    _cls_body,
    out_shape=[
        jax.ShapeDtypeStruct((NG, 2), jnp.float32),
        jax.ShapeDtypeStruct((NG, 256), jnp.float32),
    ],
)



def kernel(x, edge_index_asd, edge_index_hc, batch,
           asd_W1, asd_b1, asd_a1, asd_W2, asd_b2, asd_a2,
           hc_W1, hc_b1, hc_a1, hc_W2, hc_b2, hc_a2,
           cls_W1, cls_b1, cls_a, cls_W2, cls_b2):
    zeros128 = jnp.zeros((NPAD, 128), jnp.float32)
    ones128 = jnp.ones((CH, 128), jnp.float32)

    rows_a = edge_index_asd[0].reshape(NW, NCH, CH)
    rows_h = edge_index_hc[0].reshape(NW, NCH, CH)
    degp_a = _deg_sc(rows_a, ones128, zeros128)
    degp_h = _deg_sc(rows_h, ones128, zeros128)
    dis_a = _dis_tc(degp_a)[:N]
    dis_h = _dis_tc(degp_h)[:N]
    batch2 = batch.reshape(N, 1)

    cols_a = edge_index_asd[1].reshape(NW, NCH, CH)
    cols_h = edge_index_hc[1].reshape(NW, NCH, CH)
    wc1_a = jnp.concatenate([asd_W1[0], asd_W1[1], asd_W1[2]], axis=1)
    wc2_a = jnp.concatenate([asd_W2[0], asd_W2[1], asd_W2[2]], axis=1)
    wc1_h = jnp.concatenate([hc_W1[0], hc_W1[1], hc_W1[2]], axis=1)
    wc2_h = jnp.concatenate([hc_W2[0], hc_W2[1], hc_W2[2]], axis=1)

    xb = x.astype(jnp.bfloat16)
    wc1_a = wc1_a.astype(jnp.bfloat16)
    wc1_h = wc1_h.astype(jnp.bfloat16)
    wc2_a = wc2_a.astype(jnp.bfloat16)
    wc2_h = wc2_h.astype(jnp.bfloat16)

    g1a, g2a, ra = _pre_tc(xb, wc1_a, dis_a)
    g1h, g2h, rh = _pre_tc(xb, wc1_h, dis_h)
    ap1a = _prop_sc(g1a, rows_a, cols_a, zeros128)
    ap1h = _prop_sc(g1h, rows_h, cols_h, zeros128)
    qa = _mid_tc(g2a, ap1a, dis_a)
    qh = _mid_tc(g2h, ap1h, dis_h)
    ap2a = _prop_sc(qa, rows_a, cols_a, zeros128)
    ap2h = _prop_sc(qh, rows_h, cols_h, zeros128)
    g1b_a, g2b_a, rb_a = _postpre_tc(ra, ap2a, dis_a, asd_b1.reshape(1, 128),
                                     asd_a1.reshape(1, 128), wc2_a)
    g1b_h, g2b_h, rb_h = _postpre_tc(rh, ap2h, dis_h, hc_b1.reshape(1, 128),
                                     hc_a1.reshape(1, 128), wc2_h)
    ap3a = _prop_sc(g1b_a, rows_a, cols_a, zeros128)
    ap3h = _prop_sc(g1b_h, rows_h, cols_h, zeros128)
    qb_a = _mid_tc(g2b_a, ap3a, dis_a)
    qb_h = _mid_tc(g2b_h, ap3h, dis_h)
    ap4a = _prop_sc(qb_a, rows_a, cols_a, zeros128)
    ap4h = _prop_sc(qb_h, rows_h, cols_h, zeros128)
    z_a = _pool_tc(rb_a, ap4a, dis_a, asd_b2.reshape(1, 128),
                   asd_a2.reshape(1, 128), batch2)
    z_h = _pool_tc(rb_h, ap4h, dis_h, hc_b2.reshape(1, 128),
                   hc_a2.reshape(1, 128), batch2)

    logits, z = _cls_tc(z_a, z_h, cls_W1, cls_b1.reshape(1, 256),
                        cls_a.reshape(1, 256), cls_W2, cls_b2.reshape(1, 2))
    return logits, z

# --- scband reference (transcript-rebuilt; emitter-appended) ---
"""Pipeline reference for scband-fgdnmodel-80401787781632 (READ-ONLY COPY).

The authoritative reference and input builder live on the scoring server;
editing this copy changes nothing except your own understanding.
"""

import jax, jax.numpy as jnp
import numpy as np

N_NODES = 10000
N_EDGES = 160000
IN_C = 256
HID = 128
OUT_C = 128
K = 3
N_GRAPHS = 64
N_CLASSES = 2


def _glorot(k, shape):
    fan = shape[-2] + shape[-1]
    lim = float(np.sqrt(6.0 / fan))
    return jax.random.uniform(k, shape, jnp.float32, -lim, lim)


def setup_inputs(seed: int = 0):
    key = jax.random.key(seed)
    ks = jax.random.split(key, 24)
    inp = {}
    inp['x'] = jax.random.normal(ks[0], (N_NODES, IN_C), dtype=jnp.float32)
    inp['edge_index_asd'] = jax.random.randint(ks[1], (2, N_EDGES), 0, N_NODES, dtype=jnp.int32)
    inp['edge_index_hc'] = jax.random.randint(ks[2], (2, N_EDGES), 0, N_NODES, dtype=jnp.int32)
    inp['batch'] = jnp.sort(jax.random.randint(ks[3], (N_NODES,), 0, N_GRAPHS, dtype=jnp.int32))
    # ASD branch params
    inp['asd_W1'] = _glorot(ks[4], (K, IN_C, HID))
    inp['asd_b1'] = jnp.zeros((HID,), jnp.float32)
    inp['asd_a1'] = jnp.full((HID,), 0.25, jnp.float32)
    inp['asd_W2'] = _glorot(ks[5], (K, HID, OUT_C))
    inp['asd_b2'] = jnp.zeros((OUT_C,), jnp.float32)
    inp['asd_a2'] = jnp.full((OUT_C,), 0.25, jnp.float32)
    # HC branch params
    inp['hc_W1'] = _glorot(ks[6], (K, IN_C, HID))
    inp['hc_b1'] = jnp.zeros((HID,), jnp.float32)
    inp['hc_a1'] = jnp.full((HID,), 0.25, jnp.float32)
    inp['hc_W2'] = _glorot(ks[7], (K, HID, OUT_C))
    inp['hc_b2'] = jnp.zeros((OUT_C,), jnp.float32)
    inp['hc_a2'] = jnp.full((OUT_C,), 0.25, jnp.float32)
    # classifier params (stored [in, out]; math matches torch Linear)
    F = 2 * OUT_C
    inp['cls_W1'] = _glorot(ks[8], (F, F))
    inp['cls_b1'] = jnp.zeros((F,), jnp.float32)
    inp['cls_a'] = jnp.full((F,), 0.25, jnp.float32)
    inp['cls_W2'] = _glorot(ks[9], (F, N_CLASSES))
    inp['cls_b2'] = jnp.zeros((N_CLASSES,), jnp.float32)
    return inp


def prelu(x, a):
    return jnp.where(x >= 0, x, a * x)


def cheb_norm(edge_index, num_nodes):
    # scaled Laplacian L_hat = 2L/lambda_max - I with lambda_max=2, sym norm:
    # diagonal cancels to 0; off-diagonal weight = -deg^{-1/2} deg^{-1/2}
    row, col = edge_index[0], edge_index[1]
    ones = jnp.ones(row.shape[0], dtype=jnp.float32)
    deg = jax.ops.segment_sum(ones, row, num_segments=num_nodes)
    dis = jnp.where(deg > 0, 1.0 / jnp.sqrt(jnp.maximum(deg, 1e-12)), 0.0)
    return -dis[row] * dis[col]


def cheb_conv(x, edge_index, norm, W, b):
    row, col = edge_index[0], edge_index[1]
    n = x.shape[0]
    def prop(h):
        return jax.ops.segment_sum(norm[:, None] * h[row], col, num_segments=n)
    Tx0 = x
    out = Tx0 @ W[0]
    Tx1 = prop(Tx0)
    out = out + Tx1 @ W[1]
    Tx2 = 2.0 * prop(Tx1) - Tx0
    out = out + Tx2 @ W[2]
    return out + b


def global_mean_pool(x, batch, num_graphs):
    s = jax.ops.segment_sum(x, batch, num_segments=num_graphs)
    cnt = jax.ops.segment_sum(jnp.ones(x.shape[0], jnp.float32), batch, num_segments=num_graphs)
    return s / jnp.maximum(cnt, 1.0)[:, None]


def branch(x, edge_index, batch, W1, b1, a1, W2, b2, a2):
    norm = cheb_norm(edge_index, x.shape[0])
    h = prelu(cheb_conv(x, edge_index, norm, W1, b1), a1)
    # dropout is identity in eval mode
    h = prelu(cheb_conv(h, edge_index, norm, W2, b2), a2)
    return global_mean_pool(h, batch, N_GRAPHS)


def reference(x, edge_index_asd, edge_index_hc, batch,
              asd_W1, asd_b1, asd_a1, asd_W2, asd_b2, asd_a2,
              hc_W1, hc_b1, hc_a1, hc_W2, hc_b2, hc_a2,
              cls_W1, cls_b1, cls_a, cls_W2, cls_b2):
    z_asd = branch(x, edge_index_asd, batch, asd_W1, asd_b1, asd_a1, asd_W2, asd_b2, asd_a2)
    z_hc = branch(x, edge_index_hc, batch, hc_W1, hc_b1, hc_a1, hc_W2, hc_b2, hc_a2)
    z = jnp.concatenate([z_asd, z_hc], axis=1)
    h = prelu(z @ cls_W1 + cls_b1, cls_a)
    logits = h @ cls_W2 + cls_b2
    return logits, z

if __name__ == "__main__":
    import jax
    _d = setup_inputs()
    print(jax.jit(kernel)(*tuple(_d.values())))

</pallas_src>

<mosaic_0001>
#map = affine_map<(d0, d1) -> (0, 0)>
#map1 = affine_map<(d0, d1) -> (0, 0, 0)>
module attributes {stable_mosaic.version = 14 : i64} {
  func.func @_prop_sc(%arg0: i32, %arg1: i32, %arg2: memref<10000x128xf32, #tpu.memory_space<hbm>>, %arg3: memref<32x40x125xi32, #tpu.memory_space<hbm>>, %arg4: memref<32x40x125xi32, #tpu.memory_space<hbm>>, %arg5: memref<10112x128xf32, #tpu.memory_space<hbm>>, %arg6: memref<2x10112x128xf32, #tpu.memory_space<hbm>>, %arg7: memref<40x125xi32, #tpu.memory_space<vmem>>, %arg8: memref<40x125xi32, #tpu.memory_space<vmem>>, %arg9: memref<125x128xf32, #tpu.memory_space<vmem>>, %arg10: memref<125x128xf32, #tpu.memory_space<vmem>>, %arg11: memref<10112x128xf32, #tpu.memory_space<vmem_shared>>, %arg12: memref<!tpu.dma_semaphore, #tpu.memory_space<semaphore_mem>>, %arg13: memref<!tpu.dma_semaphore, #tpu.memory_space<semaphore_mem>>) attributes {dimension_semantics = [#tpu.dimension_semantics<core_parallel>, #tpu.dimension_semantics<subcore_parallel>], iteration_bounds = array<i64: 2, 16>, scalar_prefetch = 0 : i64, scratch_operands = 7 : i64, tpu.core_type = #tpu.core_type<sc_vector_subcore>, window_params = [{transform_indices = #map}, {transform_indices = #map1}, {transform_indices = #map1}, {transform_indices = #map}, {transform_indices = #map1}]} {
    %mul3A = arith.constant 2 : i32
    %mul3A_0 = arith.muli %arg1, %mul3A : i32
    %add3A = arith.addi %mul3A_0, %arg0 : i32
    "tpu.region"() ({
      %run_scoped3A_36 = tpu.sem_alloc : memref<!tpu.dma_semaphore, #tpu.memory_space<semaphore_mem>>
      %dma_start3A_37 = arith.constant 0 : i32
      %dma_start3A_38 = arith.constant 0 : i32
      %dma_start3A_39 = tpu.memref_slice %arg3[%add3A, %dma_start3A_37, %dma_start3A_38] : memref<32x40x125xi32, #tpu.memory_space<hbm>> -> memref<1x40x125xi32, #tpu.memory_space<hbm>>
      %dma_start3A_40 = tpu.memref_squeeze %dma_start3A_39 : memref<1x40x125xi32, #tpu.memory_space<hbm>> -> memref<40x125xi32, #tpu.memory_space<hbm>>
      %dma_start3A_41 = arith.constant 0 : i32
      %dma_start3A_42 = arith.constant 0 : i32
      %dma_start3A_43 = tpu.memref_slice %arg3[%add3A, %dma_start3A_41, %dma_start3A_42] : memref<32x40x125xi32, #tpu.memory_space<hbm>> -> memref<1x40x125xi32, #tpu.memory_space<hbm>>
      %dma_start3A_44 = tpu.memref_squeeze %dma_start3A_43 : memref<1x40x125xi32, #tpu.memory_space<hbm>> -> memref<40x125xi32, #tpu.memory_space<hbm>>
      tpu.enqueue_dma source(%dma_start3A_44 : memref<40x125xi32, #tpu.memory_space<hbm>>) target(%arg7 : memref<40x125xi32, #tpu.memory_space<vmem>>) target_semaphore(%run_scoped3A_36 : memref<!tpu.dma_semaphore, #tpu.memory_space<semaphore_mem>>)
      %dma_wait3A_45 = arith.constant 0 : i32
      %dma_wait3A_46 = arith.constant 0 : i32
      %dma_wait3A_47 = tpu.memref_slice %arg3[%add3A, %dma_wait3A_45, %dma_wait3A_46] : memref<32x40x125xi32, #tpu.memory_space<hbm>> -> memref<1x40x125xi32, #tpu.memory_space<hbm>>
      %dma_wait3A_48 = tpu.memref_squeeze %dma_wait3A_47 : memref<1x40x125xi32, #tpu.memory_space<hbm>> -> memref<40x125xi32, #tpu.memory_space<hbm>>
      %dma_wait3A_49 = arith.constant 0 : i32
      %dma_wait3A_50 = arith.constant 0 : i32
      %dma_wait3A_51 = tpu.memref_slice %arg3[%add3A, %dma_wait3A_49, %dma_wait3A_50] : memref<32x40x125xi32, #tpu.memory_space<hbm>> -> memref<1x40x125xi32, #tpu.memory_space<hbm>>
      %dma_wait3A_52 = tpu.memref_squeeze %dma_wait3A_51 : memref<1x40x125xi32, #tpu.memory_space<hbm>> -> memref<40x125xi32, #tpu.memory_space<hbm>>
      tpu.wait_dma2 semaphore(%run_scoped3A_36 : memref<!tpu.dma_semaphore, #tpu.memory_space<semaphore_mem>>) src(%dma_wait3A_52 : memref<40x125xi32, #tpu.memory_space<hbm>>) dst(%arg7 : memref<40x125xi32, #tpu.memory_space<vmem>>)
      tpu.yield
    }) : () -> ()
    "tpu.region"() ({
      %run_scoped3A_36 = tpu.sem_alloc : memref<!tpu.dma_semaphore, #tpu.memory_space<semaphore_mem>>
      %dma_start3A_37 = arith.constant 0 : i32
      %dma_start3A_38 = arith.constant 0 : i32
      %dma_start3A_39 = tpu.memref_slice %arg4[%add3A, %dma_start3A_37, %dma_start3A_38] : memref<32x40x125xi32, #tpu.memory_space<hbm>> -> memref<1x40x125xi32, #tpu.memory_space<hbm>>
      %dma_start3A_40 = tpu.memref_squeeze %dma_start3A_39 : memref<1x40x125xi32, #tpu.memory_space<hbm>> -> memref<40x125xi32, #tpu.memory_space<hbm>>
      %dma_start3A_41 = arith.constant 0 : i32
      %dma_start3A_42 = arith.constant 0 : i32
      %dma_start3A_43 = tpu.memref_slice %arg4[%add3A, %dma_start3A_41, %dma_start3A_42] : memref<32x40x125xi32, #tpu.memory_space<hbm>> -> memref<1x40x125xi32, #tpu.memory_space<hbm>>
      %dma_start3A_44 = tpu.memref_squeeze %dma_start3A_43 : memref<1x40x125xi32, #tpu.memory_space<hbm>> -> memref<40x125xi32, #tpu.memory_space<hbm>>
      tpu.enqueue_dma source(%dma_start3A_44 : memref<40x125xi32, #tpu.memory_space<hbm>>) target(%arg8 : memref<40x125xi32, #tpu.memory_space<vmem>>) target_semaphore(%run_scoped3A_36 : memref<!tpu.dma_semaphore, #tpu.memory_space<semaphore_mem>>)
      %dma_wait3A_45 = arith.constant 0 : i32
      %dma_wait3A_46 = arith.constant 0 : i32
      %dma_wait3A_47 = tpu.memref_slice %arg4[%add3A, %dma_wait3A_45, %dma_wait3A_46] : memref<32x40x125xi32, #tpu.memory_space<hbm>> -> memref<1x40x125xi32, #tpu.memory_space<hbm>>
      %dma_wait3A_48 = tpu.memref_squeeze %dma_wait3A_47 : memref<1x40x125xi32, #tpu.memory_space<hbm>> -> memref<40x125xi32, #tpu.memory_space<hbm>>
      %dma_wait3A_49 = arith.constant 0 : i32
      %dma_wait3A_50 = arith.constant 0 : i32
      %dma_wait3A_51 = tpu.memref_slice %arg4[%add3A, %dma_wait3A_49, %dma_wait3A_50] : memref<32x40x125xi32, #tpu.memory_space<hbm>> -> memref<1x40x125xi32, #tpu.memory_space<hbm>>
      %dma_wait3A_52 = tpu.memref_squeeze %dma_wait3A_51 : memref<1x40x125xi32, #tpu.memory_space<hbm>> -> memref<40x125xi32, #tpu.memory_space<hbm>>
      tpu.wait_dma2 semaphore(%run_scoped3A_36 : memref<!tpu.dma_semaphore, #tpu.memory_space<semaphore_mem>>) src(%dma_wait3A_52 : memref<40x125xi32, #tpu.memory_space<hbm>>) dst(%arg8 : memref<40x125xi32, #tpu.memory_space<vmem>>)
      tpu.yield
    }) : () -> ()
    %mul3A_1 = arith.constant 632 : i32
    %mul3A_2 = arith.muli %arg1, %mul3A_1 : i32
    "tpu.region"() ({
      %run_scoped3A_36 = tpu.sem_alloc : memref<!tpu.dma_semaphore, #tpu.memory_space<semaphore_mem>>
      %dma_start3A_37 = arith.constant 0 : i32
      %dma_start3A_38 = tpu.memref_slice %arg11[%mul3A_2, %dma_start3A_37] : memref<10112x128xf32, #tpu.memory_space<vmem_shared>> -> memref<632x128xf32, #tpu.memory_space<vmem_shared>>
      %dma_start3A_39 = arith.constant 0 : i32
      %dma_start3A_40 = tpu.memref_slice %arg5[%mul3A_2, %dma_start3A_39] : memref<10112x128xf32, #tpu.memory_space<hbm>> -> memref<632x128xf32, #tpu.memory_space<hbm>>
      tpu.enqueue_dma source(%dma_start3A_40 : memref<632x128xf32, #tpu.memory_space<hbm>>) target(%dma_start3A_38 : memref<632x128xf32, #tpu.memory_space<vmem_shared>>) target_semaphore(%run_scoped3A_36 : memref<!tpu.dma_semaphore, #tpu.memory_space<semaphore_mem>>)
      %dma_wait3A_41 = arith.constant 0 : i32
      %dma_wait3A_42 = tpu.memref_slice %arg11[%mul3A_2, %dma_wait3A_41] : memref<10112x128xf32, #tpu.memory_space<vmem_shared>> -> memref<632x128xf32, #tpu.memory_space<vmem_shared>>
      %dma_wait3A_43 = arith.constant 0 : i32
      %dma_wait3A_44 = tpu.memref_slice %arg5[%mul3A_2, %dma_wait3A_43] : memref<10112x128xf32, #tpu.memory_space<hbm>> -> memref<632x128xf32, #tpu.memory_space<hbm>>
      tpu.wait_dma2 semaphore(%run_scoped3A_36 : memref<!tpu.dma_semaphore, #tpu.memory_space<semaphore_mem>>) src(%dma_wait3A_44 : memref<632x128xf32, #tpu.memory_space<hbm>>) dst(%dma_wait3A_42 : memref<632x128xf32, #tpu.memory_space<vmem_shared>>)
      tpu.yield
    }) : () -> ()
    %barrier3A = arith.constant 0 : index
    tpu.barrier barrier_id(%barrier3A)
    %dma_start3A = arith.constant 0 : i32
    %dma_start3A_3 = arith.constant 0 : i32
    %dma_start3A_4 = tpu.memref_slice %arg7[%dma_start3A, %dma_start3A_3] : memref<40x125xi32, #tpu.memory_space<vmem>> -> memref<1x125xi32, #tpu.memory_space<vmem>>
    %dma_start3A_5 = tpu.memref_squeeze %dma_start3A_4 : memref<1x125xi32, #tpu.memory_space<vmem>> -> memref<125xi32, #tpu.memory_space<vmem>>
    %dma_start3A_6 = arith.constant 0 : i32
    %dma_start3A_7 = arith.constant 0 : i32
    %dma_start3A_8 = tpu.memref_slice %arg2[%dma_start3A_6, %dma_start3A_7] : memref<10000x128xf32, #tpu.memory_space<hbm>> -> memref<10000x128xf32, #tpu.memory_space<hbm>>
    tpu.enqueue_indirect_dma source(%dma_start3A_8 : memref<10000x128xf32, #tpu.memory_space<hbm>>) target(%arg9 : memref<125x128xf32, #tpu.memory_space<vmem>>) offsets(%dma_start3A_5 : memref<125xi32, #tpu.memory_space<vmem>>) semaphore(%arg12 : memref<!tpu.dma_semaphore, #tpu.memory_space<semaphore_mem>>)
    %dma_start3A_9 = arith.constant 1 : i32
    %dma_start3A_10 = arith.constant 0 : i32
    %dma_start3A_11 = tpu.memref_slice %arg7[%dma_start3A_9, %dma_start3A_10] : memref<40x125xi32, #tpu.memory_space<vmem>> -> memref<1x125xi32, #tpu.memory_space<vmem>>
    %dma_start3A_12 = tpu.memref_squeeze %dma_start3A_11 : memref<1x125xi32, #tpu.memory_space<vmem>> -> memref<125xi32, #tpu.memory_space<vmem>>
    %dma_start3A_13 = arith.constant 0 : i32
    %dma_start3A_14 = arith.constant 0 : i32
    %dma_start3A_15 = tpu.memref_slice %arg2[%dma_start3A_13, %dma_start3A_14] : memref<10000x128xf32, #tpu.memory_space<hbm>> -> memref<10000x128xf32, #tpu.memory_space<hbm>>
    tpu.enqueue_indirect_dma source(%dma_start3A_15 : memref<10000x128xf32, #tpu.memory_space<hbm>>) target(%arg10 : memref<125x128xf32, #tpu.memory_space<vmem>>) offsets(%dma_start3A_12 : memref<125xi32, #tpu.memory_space<vmem>>) semaphore(%arg13 : memref<!tpu.dma_semaphore, #tpu.memory_space<semaphore_mem>>)
    %scan3A = arith.constant 0 : i32
    %scan3A_16 = arith.constant 0 : i32
    %scan3A_17 = arith.constant 19 : i32
    %scan3A_18 = arith.addi %scan3A_16, %scan3A_17 : i32
    %scan3A_19 = arith.constant 1 : i32
    scf.for %scan3A_36 = %scan3A_16 to %scan3A_18 step %scan3A_19  : i32 {
      %mul3A_37 = arith.constant 2 : i32
      %mul3A_38 = arith.muli %mul3A_37, %scan3A_36 : i32
      %dma_wait3A_39 = arith.constant 0 : i32
      %dma_wait3A_40 = tpu.memref_slice %arg7[%mul3A_38, %dma_wait3A_39] : memref<40x125xi32, #tpu.memory_space<vmem>> -> memref<1x125xi32, #tpu.memory_space<vmem>>
      %dma_wait3A_41 = tpu.memref_squeeze %dma_wait3A_40 : memref<1x125xi32, #tpu.memory_space<vmem>> -> memref<125xi32, #tpu.memory_space<vmem>>
      %dma_wait3A_42 = arith.constant 0 : i32
      %dma_wait3A_43 = arith.constant 0 : i32
      %dma_wait3A_44 = tpu.memref_slice %arg2[%dma_wait3A_42, %dma_wait3A_43] : memref<10000x128xf32, #tpu.memory_space<hbm>> -> memref<10000x128xf32, #tpu.memory_space<hbm>>
      tpu.wait_indirect_dma semaphore(%arg12 : memref<!tpu.dma_semaphore, #tpu.memory_space<semaphore_mem>>) src(%dma_wait3A_44 : memref<10000x128xf32, #tpu.memory_space<hbm>>) dst(%arg9 : memref<125x128xf32, #tpu.memory_space<vmem>>)
      "tpu.region"() ({
        %run_scoped3A_71 = tpu.sem_alloc : memref<!tpu.dma_semaphore, #tpu.memory_space<semaphore_mem>>
        %dma_start3A_72 = arith.constant 0 : i32
        %dma_start3A_73 = tpu.memref_slice %arg8[%mul3A_38, %dma_start3A_72] : memref<40x125xi32, #tpu.memory_space<vmem>> -> memref<1x125xi32, #tpu.memory_space<vmem>>
        %dma_start3A_74 = tpu.memref_squeeze %dma_start3A_73 : memref<1x125xi32, #tpu.memory_space<vmem>> -> memref<125xi32, #tpu.memory_space<vmem>>
        %dma_start3A_75 = arith.constant 0 : i32
        %dma_start3A_76 = arith.constant 0 : i32
        %dma_start3A_77 = tpu.memref_slice %arg11[%dma_start3A_75, %dma_start3A_76] : memref<10112x128xf32, #tpu.memory_space<vmem_shared>> -> memref<10112x128xf32, #tpu.memory_space<vmem_shared>>
        tpu.enqueue_indirect_dma source(%arg9 : memref<125x128xf32, #tpu.memory_space<vmem>>) target(%dma_start3A_77 : memref<10112x128xf32, #tpu.memory_space<vmem_shared>>) offsets(%dma_start3A_74 : memref<125xi32, #tpu.memory_space<vmem>>) semaphore(%run_scoped3A_71 : memref<!tpu.dma_semaphore, #tpu.memory_space<semaphore_mem>>) {add = true}
        %dma_wait3A_78 = arith.constant 0 : i32
        %dma_wait3A_79 = tpu.memref_slice %arg8[%mul3A_38, %dma_wait3A_78] : memref<40x125xi32, #tpu.memory_space<vmem>> -> memref<1x125xi32, #tpu.memory_space<vmem>>
        %dma_wait3A_80 = tpu.memref_squeeze %dma_wait3A_79 : memref<1x125xi32, #tpu.memory_space<vmem>> -> memref<125xi32, #tpu.memory_space<vmem>>
        %dma_wait3A_81 = arith.constant 0 : i32
        %dma_wait3A_82 = arith.constant 0 : i32
        %dma_wait3A_83 = tpu.memref_slice %arg11[%dma_wait3A_81, %dma_wait3A_82] : memref<10112x128xf32, #tpu.memory_space<vmem_shared>> -> memref<10112x128xf32, #tpu.memory_space<vmem_shared>>
        tpu.wait_indirect_dma semaphore(%run_scoped3A_71 : memref<!tpu.dma_semaphore, #tpu.memory_space<semaphore_mem>>) src(%arg9 : memref<125x128xf32, #tpu.memory_space<vmem>>) dst(%dma_wait3A_83 : memref<10112x128xf32, #tpu.memory_space<vmem_shared>>)
        tpu.yield
      }) : () -> ()
      %add3A_45 = arith.constant 2 : i32
      %add3A_46 = arith.addi %mul3A_38, %add3A_45 : i32
      %dma_start3A_47 = arith.constant 0 : i32
      %dma_start3A_48 = tpu.memref_slice %arg7[%add3A_46, %dma_start3A_47] : memref<40x125xi32, #tpu.memory_space<vmem>> -> memref<1x125xi32, #tpu.memory_space<vmem>>
      %dma_start3A_49 = tpu.memref_squeeze %dma_start3A_48 : memref<1x125xi32, #tpu.memory_space<vmem>> -> memref<125xi32, #tpu.memory_space<vmem>>
      %dma_start3A_50 = arith.constant 0 : i32
      %dma_start3A_51 = arith.constant 0 : i32
      %dma_start3A_52 = tpu.memref_slice %arg2[%dma_start3A_50, %dma_start3A_51] : memref<10000x128xf32, #tpu.memory_space<hbm>> -> memref<10000x128xf32, #tpu.memory_space<hbm>>
      tpu.enqueue_indirect_dma source(%dma_start3A_52 : memref<10000x128xf32, #tpu.memory_space<hbm>>) target(%arg9 : memref<125x128xf32, #tpu.memory_space<vmem>>) offsets(%dma_start3A_49 : memref<125xi32, #tpu.memory_space<vmem>>) semaphore(%arg12 : memref<!tpu.dma_semaphore, #tpu.memory_space<semaphore_mem>>)
      %add3A_53 = arith.constant 1 : i32
      %add3A_54 = arith.addi %mul3A_38, %add3A_53 : i32
      %dma_wait3A_55 = arith.constant 0 : i32
      %dma_wait3A_56 = tpu.memref_slice %arg7[%add3A_54, %dma_wait3A_55] : memref<40x125xi32, #tpu.memory_space<vmem>> -> memref<1x125xi32, #tpu.memory_space<vmem>>
      %dma_wait3A_57 = tpu.memref_squeeze %dma_wait3A_56 : memref<1x125xi32, #tpu.memory_space<vmem>> -> memref<125xi32, #tpu.memory_space<vmem>>
      %dma_wait3A_58 = arith.constant 0 : i32
      %dma_wait3A_59 = arith.constant 0 : i32
      %dma_wait3A_60 = tpu.memref_slice %arg2[%dma_wait3A_58, %dma_wait3A_59] : memref<10000x128xf32, #tpu.memory_space<hbm>> -> memref<10000x128xf32, #tpu.memory_space<hbm>>
      tpu.wait_indirect_dma semaphore(%arg13 : memref<!tpu.dma_semaphore, #tpu.memory_space<semaphore_mem>>) src(%dma_wait3A_60 : memref<10000x128xf32, #tpu.memory_space<hbm>>) dst(%arg10 : memref<125x128xf32, #tpu.memory_space<vmem>>)
      %add3A_61 = arith.constant 1 : i32
      %add3A_62 = arith.addi %mul3A_38, %add3A_61 : i32
      "tpu.region"() ({
        %run_scoped3A_71 = tpu.sem_alloc : memref<!tpu.dma_semaphore, #tpu.memory_space<semaphore_mem>>
        %dma_start3A_72 = arith.constant 0 : i32
        %dma_start3A_73 = tpu.memref_slice %arg8[%add3A_62, %dma_start3A_72] : memref<40x125xi32, #tpu.memory_space<vmem>> -> memref<1x125xi32, #tpu.memory_space<vmem>>
        %dma_start3A_74 = tpu.memref_squeeze %dma_start3A_73 : memref<1x125xi32, #tpu.memory_space<vmem>> -> memref<125xi32, #tpu.memory_space<vmem>>
        %dma_start3A_75 = arith.constant 0 : i32
        %dma_start3A_76 = arith.constant 0 : i32
        %dma_start3A_77 = tpu.memref_slice %arg11[%dma_start3A_75, %dma_start3A_76] : memref<10112x128xf32, #tpu.memory_space<vmem_shared>> -> memref<10112x128xf32, #tpu.memory_space<vmem_shared>>
        tpu.enqueue_indirect_dma source(%arg10 : memref<125x128xf32, #tpu.memory_space<vmem>>) target(%dma_start3A_77 : memref<10112x128xf32, #tpu.memory_space<vmem_shared>>) offsets(%dma_start3A_74 : memref<125xi32, #tpu.memory_space<vmem>>) semaphore(%run_scoped3A_71 : memref<!tpu.dma_semaphore, #tpu.memory_space<semaphore_mem>>) {add = true}
        %dma_wait3A_78 = arith.constant 0 : i32
        %dma_wait3A_79 = tpu.memref_slice %arg8[%add3A_62, %dma_wait3A_78] : memref<40x125xi32, #tpu.memory_space<vmem>> -> memref<1x125xi32, #tpu.memory_space<vmem>>
        %dma_wait3A_80 = tpu.memref_squeeze %dma_wait3A_79 : memref<1x125xi32, #tpu.memory_space<vmem>> -> memref<125xi32, #tpu.memory_space<vmem>>
        %dma_wait3A_81 = arith.constant 0 : i32
        %dma_wait3A_82 = arith.constant 0 : i32
        %dma_wait3A_83 = tpu.memref_slice %arg11[%dma_wait3A_81, %dma_wait3A_82] : memref<10112x128xf32, #tpu.memory_space<vmem_shared>> -> memref<10112x128xf32, #tpu.memory_space<vmem_shared>>
        tpu.wait_indirect_dma semaphore(%run_scoped3A_71 : memref<!tpu.dma_semaphore, #tpu.memory_space<semaphore_mem>>) src(%arg10 : memref<125x128xf32, #tpu.memory_space<vmem>>) dst(%dma_wait3A_83 : memref<10112x128xf32, #tpu.memory_space<vmem_shared>>)
        tpu.yield
      }) : () -> ()
      %add3A_63 = arith.constant 3 : i32
      %add3A_64 = arith.addi %mul3A_38, %add3A_63 : i32
      %dma_start3A_65 = arith.constant 0 : i32
      %dma_start3A_66 = tpu.memref_slice %arg7[%add3A_64, %dma_start3A_65] : memref<40x125xi32, #tpu.memory_space<vmem>> -> memref<1x125xi32, #tpu.memory_space<vmem>>
      %dma_start3A_67 = tpu.memref_squeeze %dma_start3A_66 : memref<1x125xi32, #tpu.memory_space<vmem>> -> memref<125xi32, #tpu.memory_space<vmem>>
      %dma_start3A_68 = arith.constant 0 : i32
      %dma_start3A_69 = arith.constant 0 : i32
      %dma_start3A_70 = tpu.memref_slice %arg2[%dma_start3A_68, %dma_start3A_69] : memref<10000x128xf32, #tpu.memory_space<hbm>> -> memref<10000x128xf32, #tpu.memory_space<hbm>>
      tpu.enqueue_indirect_dma source(%dma_start3A_70 : memref<10000x128xf32, #tpu.memory_space<hbm>>) target(%arg10 : memref<125x128xf32, #tpu.memory_space<vmem>>) offsets(%dma_start3A_67 : memref<125xi32, #tpu.memory_space<vmem>>) semaphore(%arg13 : memref<!tpu.dma_semaphore, #tpu.memory_space<semaphore_mem>>)
    }
    %scan3A_20 = arith.constant 19 : i32
    %dma_wait3A = arith.constant 38 : i32
    %dma_wait3A_21 = arith.constant 0 : i32
    %dma_wait3A_22 = tpu.memref_slice %arg7[%dma_wait3A, %dma_wait3A_21] : memref<40x125xi32, #tpu.memory_space<vmem>> -> memref<1x125xi32, #tpu.memory_space<vmem>>
    %dma_wait3A_23 = tpu.memref_squeeze %dma_wait3A_22 : memref<1x125xi32, #tpu.memory_space<vmem>> -> memref<125xi32, #tpu.memory_space<vmem>>
    %dma_wait3A_24 = arith.constant 0 : i32
    %dma_wait3A_25 = arith.constant 0 : i32
    %dma_wait3A_26 = tpu.memref_slice %arg2[%dma_wait3A_24, %dma_wait3A_25] : memref<10000x128xf32, #tpu.memory_space<hbm>> -> memref<10000x128xf32, #tpu.memory_space<hbm>>
    tpu.wait_indirect_dma semaphore(%arg12 : memref<!tpu.dma_semaphore, #tpu.memory_space<semaphore_mem>>) src(%dma_wait3A_26 : memref<10000x128xf32, #tpu.memory_space<hbm>>) dst(%arg9 : memref<125x128xf32, #tpu.memory_space<vmem>>)
    %run_scoped3A = arith.constant 38 : i32
    "tpu.region"() ({
      %run_scoped3A_36 = tpu.sem_alloc : memref<!tpu.dma_semaphore, #tpu.memory_space<semaphore_mem>>
      %dma_start3A_37 = arith.constant 0 : i32
      %dma_start3A_38 = tpu.memref_slice %arg8[%run_scoped3A, %dma_start3A_37] : memref<40x125xi32, #tpu.memory_space<vmem>> -> memref<1x125xi32, #tpu.memory_space<vmem>>
      %dma_start3A_39 = tpu.memref_squeeze %dma_start3A_38 : memref<1x125xi32, #tpu.memory_space<vmem>> -> memref<125xi32, #tpu.memory_space<vmem>>
      %dma_start3A_40 = arith.constant 0 : i32
      %dma_start3A_41 = arith.constant 0 : i32
      %dma_start3A_42 = tpu.memref_slice %arg11[%dma_start3A_40, %dma_start3A_41] : memref<10112x128xf32, #tpu.memory_space<vmem_shared>> -> memref<10112x128xf32, #tpu.memory_space<vmem_shared>>
      tpu.enqueue_indirect_dma source(%arg9 : memref<125x128xf32, #tpu.memory_space<vmem>>) target(%dma_start3A_42 : memref<10112x128xf32, #tpu.memory_space<vmem_shared>>) offsets(%dma_start3A_39 : memref<125xi32, #tpu.memory_space<vmem>>) semaphore(%run_scoped3A_36 : memref<!tpu.dma_semaphore, #tpu.memory_space<semaphore_mem>>) {add = true}
      %dma_wait3A_43 = arith.constant 0 : i32
      %dma_wait3A_44 = tpu.memref_slice %arg8[%run_scoped3A, %dma_wait3A_43] : memref<40x125xi32, #tpu.memory_space<vmem>> -> memref<1x125xi32, #tpu.memory_space<vmem>>
      %dma_wait3A_45 = tpu.memref_squeeze %dma_wait3A_44 : memref<1x125xi32, #tpu.memory_space<vmem>> -> memref<125xi32, #tpu.memory_space<vmem>>
      %dma_wait3A_46 = arith.constant 0 : i32
      %dma_wait3A_47 = arith.constant 0 : i32
      %dma_wait3A_48 = tpu.memref_slice %arg11[%dma_wait3A_46, %dma_wait3A_47] : memref<10112x128xf32, #tpu.memory_space<vmem_shared>> -> memref<10112x128xf32, #tpu.memory_space<vmem_shared>>
      tpu.wait_indirect_dma semaphore(%run_scoped3A_36 : memref<!tpu.dma_semaphore, #tpu.memory_space<semaphore_mem>>) src(%arg9 : memref<125x128xf32, #tpu.memory_space<vmem>>) dst(%dma_wait3A_48 : memref<10112x128xf32, #tpu.memory_space<vmem_shared>>)
      tpu.yield
    }) : () -> ()
    %dma_wait3A_27 = arith.constant 39 : i32
    %dma_wait3A_28 = arith.constant 0 : i32
    %dma_wait3A_29 = tpu.memref_slice %arg7[%dma_wait3A_27, %dma_wait3A_28] : memref<40x125xi32, #tpu.memory_space<vmem>> -> memref<1x125xi32, #tpu.memory_space<vmem>>
    %dma_wait3A_30 = tpu.memref_squeeze %dma_wait3A_29 : memref<1x125xi32, #tpu.memory_space<vmem>> -> memref<125xi32, #tpu.memory_space<vmem>>
    %dma_wait3A_31 = arith.constant 0 : i32
    %dma_wait3A_32 = arith.constant 0 : i32
    %dma_wait3A_33 = tpu.memref_slice %arg2[%dma_wait3A_31, %dma_wait3A_32] : memref<10000x128xf32, #tpu.memory_space<hbm>> -> memref<10000x128xf32, #tpu.memory_space<hbm>>
    tpu.wait_indirect_dma semaphore(%arg13 : memref<!tpu.dma_semaphore, #tpu.memory_space<semaphore_mem>>) src(%dma_wait3A_33 : memref<10000x128xf32, #tpu.memory_space<hbm>>) dst(%arg10 : memref<125x128xf32, #tpu.memory_space<vmem>>)
    %run_scoped3A_34 = arith.constant 39 : i32
    "tpu.region"() ({
      %run_scoped3A_36 = tpu.sem_alloc : memref<!tpu.dma_semaphore, #tpu.memory_space<semaphore_mem>>
      %dma_start3A_37 = arith.constant 0 : i32
      %dma_start3A_38 = tpu.memref_slice %arg8[%run_scoped3A_34, %dma_start3A_37] : memref<40x125xi32, #tpu.memory_space<vmem>> -> memref<1x125xi32, #tpu.memory_space<vmem>>
      %dma_start3A_39 = tpu.memref_squeeze %dma_start3A_38 : memref<1x125xi32, #tpu.memory_space<vmem>> -> memref<125xi32, #tpu.memory_space<vmem>>
      %dma_start3A_40 = arith.constant 0 : i32
      %dma_start3A_41 = arith.constant 0 : i32
      %dma_start3A_42 = tpu.memref_slice %arg11[%dma_start3A_40, %dma_start3A_41] : memref<10112x128xf32, #tpu.memory_space<vmem_shared>> -> memref<10112x128xf32, #tpu.memory_space<vmem_shared>>
      tpu.enqueue_indirect_dma source(%arg10 : memref<125x128xf32, #tpu.memory_space<vmem>>) target(%dma_start3A_42 : memref<10112x128xf32, #tpu.memory_space<vmem_shared>>) offsets(%dma_start3A_39 : memref<125xi32, #tpu.memory_space<vmem>>) semaphore(%run_scoped3A_36 : memref<!tpu.dma_semaphore, #tpu.memory_space<semaphore_mem>>) {add = true}
      %dma_wait3A_43 = arith.constant 0 : i32
      %dma_wait3A_44 = tpu.memref_slice %arg8[%run_scoped3A_34, %dma_wait3A_43] : memref<40x125xi32, #tpu.memory_space<vmem>> -> memref<1x125xi32, #tpu.memory_space<vmem>>
      %dma_wait3A_45 = tpu.memref_squeeze %dma_wait3A_44 : memref<1x125xi32, #tpu.memory_space<vmem>> -> memref<125xi32, #tpu.memory_space<vmem>>
      %dma_wait3A_46 = arith.constant 0 : i32
      %dma_wait3A_47 = arith.constant 0 : i32
      %dma_wait3A_48 = tpu.memref_slice %arg11[%dma_wait3A_46, %dma_wait3A_47] : memref<10112x128xf32, #tpu.memory_space<vmem_shared>> -> memref<10112x128xf32, #tpu.memory_space<vmem_shared>>
      tpu.wait_indirect_dma semaphore(%run_scoped3A_36 : memref<!tpu.dma_semaphore, #tpu.memory_space<semaphore_mem>>) src(%arg10 : memref<125x128xf32, #tpu.memory_space<vmem>>) dst(%dma_wait3A_48 : memref<10112x128xf32, #tpu.memory_space<vmem_shared>>)
      tpu.yield
    }) : () -> ()
    %barrier3A_35 = arith.constant 0 : index
    tpu.barrier barrier_id(%barrier3A_35)
    "tpu.region"() ({
      %run_scoped3A_36 = tpu.sem_alloc : memref<!tpu.dma_semaphore, #tpu.memory_space<semaphore_mem>>
      %dma_start3A_37 = arith.constant 0 : i32
      %dma_start3A_38 = tpu.memref_slice %arg6[%arg0, %mul3A_2, %dma_start3A_37] : memref<2x10112x128xf32, #tpu.memory_space<hbm>> -> memref<1x632x128xf32, #tpu.memory_space<hbm>>
      %dma_start3A_39 = tpu.memref_squeeze %dma_start3A_38 : memref<1x632x128xf32, #tpu.memory_space<hbm>> -> memref<632x128xf32, #tpu.memory_space<hbm>>
      %dma_start3A_40 = arith.constant 0 : i32
      %dma_start3A_41 = tpu.memref_slice %arg11[%mul3A_2, %dma_start3A_40] : memref<10112x128xf32, #tpu.memory_space<vmem_shared>> -> memref<632x128xf32, #tpu.memory_space<vmem_shared>>
      tpu.enqueue_dma source(%dma_start3A_41 : memref<632x128xf32, #tpu.memory_space<vmem_shared>>) target(%dma_start3A_39 : memref<632x128xf32, #tpu.memory_space<hbm>>) target_semaphore(%run_scoped3A_36 : memref<!tpu.dma_semaphore, #tpu.memory_space<semaphore_mem>>)
      %dma_wait3A_42 = arith.constant 0 : i32
      %dma_wait3A_43 = tpu.memref_slice %arg6[%arg0, %mul3A_2, %dma_wait3A_42] : memref<2x10112x128xf32, #tpu.memory_space<hbm>> -> memref<1x632x128xf32, #tpu.memory_space<hbm>>
      %dma_wait3A_44 = tpu.memref_squeeze %dma_wait3A_43 : memref<1x632x128xf32, #tpu.memory_space<hbm>> -> memref<632x128xf32, #tpu.memory_space<hbm>>
      %dma_wait3A_45 = arith.constant 0 : i32
      %dma_wait3A_46 = tpu.memref_slice %arg11[%mul3A_2, %dma_wait3A_45] : memref<10112x128xf32, #tpu.memory_space<vmem_shared>> -> memref<632x128xf32, #tpu.memory_space<vmem_shared>>
      tpu.wait_dma2 semaphore(%run_scoped3A_36 : memref<!tpu.dma_semaphore, #tpu.memory_space<semaphore_mem>>) src(%dma_wait3A_46 : memref<632x128xf32, #tpu.memory_space<vmem_shared>>) dst(%dma_wait3A_44 : memref<632x128xf32, #tpu.memory_space<hbm>>)
      tpu.yield
    }) : () -> ()
    return
  }
}

#map = affine_map<(d0, d1) -> (0, 0)>
#map1 = affine_map<(d0, d1) -> (0, 0, 0)>
module attributes {stable_mosaic.version = 14 : i64} {
  func.func @_prop_sc(%arg0: i32, %arg1: i32, %arg2: memref<10000x128xf32, #tpu.memory_space<hbm>>, %arg3: memref<32x40x125xi32, #tpu.memory_space<hbm>>, %arg4: memref<32x40x125xi32, #tpu.memory_space<hbm>>, %arg5: memref<10112x128xf32, #tpu.memory_space<hbm>>, %arg6: memref<2x10112x128xf32, #tpu.memory_space<hbm>>, %arg7: memref<40x125xi32, #tpu.memory_space<vmem>>, %arg8: memref<40x125xi32, #tpu.memory_space<vmem>>, %arg9: memref<125x128xf32, #tpu.memory_space<vmem>>, %arg10: memref<125x128xf32, #tpu.memory_space<vmem>>, %arg11: memref<10112x128xf32, #tpu.memory_space<vmem_shared>>, %arg12: memref<!tpu.dma_semaphore, #tpu.memory_space<semaphore_mem>>, %arg13: memref<!tpu.dma_semaphore, #tpu.memory_space<semaphore_mem>>) attributes {dimension_semantics = [#tpu.dimension_semantics<core_parallel>, #tpu.dimension_semantics<subcore_parallel>], iteration_bounds = array<i64: 2, 16>, scalar_prefetch = 0 : i64, scratch_operands = 7 : i64, tpu.core_type = #tpu.core_type<sc_vector_subcore>, window_params = [{transform_indices = #map}, {transform_indices = #map1}, {transform_indices = #map1}, {transform_indices = #map}, {transform_indices = #map1}]} {
    %mul3A = arith.constant 2 : i32
    %mul3A_0 = arith.muli %arg1, %mul3A : i32
    %add3A = arith.addi %mul3A_0, %arg0 : i32
    "tpu.region"() ({
      %run_scoped3A_36 = tpu.sem_alloc : memref<!tpu.dma_semaphore, #tpu.memory_space<semaphore_mem>>
      %dma_start3A_37 = arith.constant 0 : i32
      %dma_start3A_38 = arith.constant 0 : i32
      %dma_start3A_39 = tpu.memref_slice %arg3[%add3A, %dma_start3A_37, %dma_start3A_38] : memref<32x40x125xi32, #tpu.memory_space<hbm>> -> memref<1x40x125xi32, #tpu.memory_space<hbm>>
      %dma_start3A_40 = tpu.memref_squeeze %dma_start3A_39 : memref<1x40x125xi32, #tpu.memory_space<hbm>> -> memref<40x125xi32, #tpu.memory_space<hbm>>
      %dma_start3A_41 = arith.constant 0 : i32
      %dma_start3A_42 = arith.constant 0 : i32
      %dma_start3A_43 = tpu.memref_slice %arg3[%add3A, %dma_start3A_41, %dma_start3A_42] : memref<32x40x125xi32, #tpu.memory_space<hbm>> -> memref<1x40x125xi32, #tpu.memory_space<hbm>>
      %dma_start3A_44 = tpu.memref_squeeze %dma_start3A_43 : memref<1x40x125xi32, #tpu.memory_space<hbm>> -> memref<40x125xi32, #tpu.memory_space<hbm>>
      tpu.enqueue_dma source(%dma_start3A_44 : memref<40x125xi32, #tpu.memory_space<hbm>>) target(%arg7 : memref<40x125xi32, #tpu.memory_space<vmem>>) target_semaphore(%run_scoped3A_36 : memref<!tpu.dma_semaphore, #tpu.memory_space<semaphore_mem>>)
      %dma_wait3A_45 = arith.constant 0 : i32
      %dma_wait3A_46 = arith.constant 0 : i32
      %dma_wait3A_47 = tpu.memref_slice %arg3[%add3A, %dma_wait3A_45, %dma_wait3A_46] : memref<32x40x125xi32, #tpu.memory_space<hbm>> -> memref<1x40x125xi32, #tpu.memory_space<hbm>>
      %dma_wait3A_48 = tpu.memref_squeeze %dma_wait3A_47 : memref<1x40x125xi32, #tpu.memory_space<hbm>> -> memref<40x125xi32, #tpu.memory_space<hbm>>
      %dma_wait3A_49 = arith.constant 0 : i32
      %dma_wait3A_50 = arith.constant 0 : i32
      %dma_wait3A_51 = tpu.memref_slice %arg3[%add3A, %dma_wait3A_49, %dma_wait3A_50] : memref<32x40x125xi32, #tpu.memory_space<hbm>> -> memref<1x40x125xi32, #tpu.memory_space<hbm>>
      %dma_wait3A_52 = tpu.memref_squeeze %dma_wait3A_51 : memref<1x40x125xi32, #tpu.memory_space<hbm>> -> memref<40x125xi32, #tpu.memory_space<hbm>>
      tpu.wait_dma2 semaphore(%run_scoped3A_36 : memref<!tpu.dma_semaphore, #tpu.memory_space<semaphore_mem>>) src(%dma_wait3A_52 : memref<40x125xi32, #tpu.memory_space<hbm>>) dst(%arg7 : memref<40x125xi32, #tpu.memory_space<vmem>>)
      tpu.yield
    }) : () -> ()
    "tpu.region"() ({
      %run_scoped3A_36 = tpu.sem_alloc : memref<!tpu.dma_semaphore, #tpu.memory_space<semaphore_mem>>
      %dma_start3A_37 = arith.constant 0 : i32
      %dma_start3A_38 = arith.constant 0 : i32
      %dma_start3A_39 = tpu.memref_slice %arg4[%add3A, %dma_start3A_37, %dma_start3A_38] : memref<32x40x125xi32, #tpu.memory_space<hbm>> -> memref<1x40x125xi32, #tpu.memory_space<hbm>>
      %dma_start3A_40 = tpu.memref_squeeze %dma_start3A_39 : memref<1x40x125xi32, #tpu.memory_space<hbm>> -> memref<40x125xi32, #tpu.memory_space<hbm>>
      %dma_start3A_41 = arith.constant 0 : i32
      %dma_start3A_42 = arith.constant 0 : i32
      %dma_start3A_43 = tpu.memref_slice %arg4[%add3A, %dma_start3A_41, %dma_start3A_42] : memref<32x40x125xi32, #tpu.memory_space<hbm>> -> memref<1x40x125xi32, #tpu.memory_space<hbm>>
      %dma_start3A_44 = tpu.memref_squeeze %dma_start3A_43 : memref<1x40x125xi32, #tpu.memory_space<hbm>> -> memref<40x125xi32, #tpu.memory_space<hbm>>
      tpu.enqueue_dma source(%dma_start3A_44 : memref<40x125xi32, #tpu.memory_space<hbm>>) target(%arg8 : memref<40x125xi32, #tpu.memory_space<vmem>>) target_semaphore(%run_scoped3A_36 : memref<!tpu.dma_semaphore, #tpu.memory_space<semaphore_mem>>)
      %dma_wait3A_45 = arith.constant 0 : i32
      %dma_wait3A_46 = arith.constant 0 : i32
      %dma_wait3A_47 = tpu.memref_slice %arg4[%add3A, %dma_wait3A_45, %dma_wait3A_46] : memref<32x40x125xi32, #tpu.memory_space<hbm>> -> memref<1x40x125xi32, #tpu.memory_space<hbm>>
      %dma_wait3A_48 = tpu.memref_squeeze %dma_wait3A_47 : memref<1x40x125xi32, #tpu.memory_space<hbm>> -> memref<40x125xi32, #tpu.memory_space<hbm>>
      %dma_wait3A_49 = arith.constant 0 : i32
      %dma_wait3A_50 = arith.constant 0 : i32
      %dma_wait3A_51 = tpu.memref_slice %arg4[%add3A, %dma_wait3A_49, %dma_wait3A_50] : memref<32x40x125xi32, #tpu.memory_space<hbm>> -> memref<1x40x125xi32, #tpu.memory_space<hbm>>
      %dma_wait3A_52 = tpu.memref_squeeze %dma_wait3A_51 : memref<1x40x125xi32, #tpu.memory_space<hbm>> -> memref<40x125xi32, #tpu.memory_space<hbm>>
      tpu.wait_dma2 semaphore(%run_scoped3A_36 : memref<!tpu.dma_semaphore, #tpu.memory_space<semaphore_mem>>) src(%dma_wait3A_52 : memref<40x125xi32, #tpu.memory_space<hbm>>) dst(%arg8 : memref<40x125xi32, #tpu.memory_space<vmem>>)
      tpu.yield
    }) : () -> ()
    %mul3A_1 = arith.constant 632 : i32
    %mul3A_2 = arith.muli %arg1, %mul3A_1 : i32
    "tpu.region"() ({
      %run_scoped3A_36 = tpu.sem_alloc : memref<!tpu.dma_semaphore, #tpu.memory_space<semaphore_mem>>
      %dma_start3A_37 = arith.constant 0 : i32
      %dma_start3A_38 = tpu.memref_slice %arg11[%mul3A_2, %dma_start3A_37] : memref<10112x128xf32, #tpu.memory_space<vmem_shared>> -> memref<632x128xf32, #tpu.memory_space<vmem_shared>>
      %dma_start3A_39 = arith.constant 0 : i32
      %dma_start3A_40 = tpu.memref_slice %arg5[%mul3A_2, %dma_start3A_39] : memref<10112x128xf32, #tpu.memory_space<hbm>> -> memref<632x128xf32, #tpu.memory_space<hbm>>
      tpu.enqueue_dma source(%dma_start3A_40 : memref<632x128xf32, #tpu.memory_space<hbm>>) target(%dma_start3A_38 : memref<632x128xf32, #tpu.memory_space<vmem_shared>>) target_semaphore(%run_scoped3A_36 : memref<!tpu.dma_semaphore, #tpu.memory_space<semaphore_mem>>)
      %dma_wait3A_41 = arith.constant 0 : i32
      %dma_wait3A_42 = tpu.memref_slice %arg11[%mul3A_2, %dma_wait3A_41] : memref<10112x128xf32, #tpu.memory_space<vmem_shared>> -> memref<632x128xf32, #tpu.memory_space<vmem_shared>>
      %dma_wait3A_43 = arith.constant 0 : i32
      %dma_wait3A_44 = tpu.memref_slice %arg5[%mul3A_2, %dma_wait3A_43] : memref<10112x128xf32, #tpu.memory_space<hbm>> -> memref<632x128xf32, #tpu.memory_space<hbm>>
      tpu.wait_dma2 semaphore(%run_scoped3A_36 : memref<!tpu.dma_semaphore, #tpu.memory_space<semaphore_mem>>) src(%dma_wait3A_44 : memref<632x128xf32, #tpu.memory_space<hbm>>) dst(%dma_wait3A_42 : memref<632x128xf32, #tpu.memory_space<vmem_shared>>)
      tpu.yield
    }) : () -> ()
    %barrier3A = arith.constant 0 : index
    tpu.barrier barrier_id(%barrier3A)
    %dma_start3A = arith.constant 0 : i32
    %dma_start3A_3 = arith.constant 0 : i32
    %dma_start3A_4 = tpu.memref_slice %arg7[%dma_start3A, %dma_start3A_3] : memref<40x125xi32, #tpu.memory_space<vmem>> -> memref<1x125xi32, #tpu.memory_space<vmem>>
    %dma_start3A_5 = tpu.memref_squeeze %dma_start3A_4 : memref<1x125xi32, #tpu.memory_space<vmem>> -> memref<125xi32, #tpu.memory_space<vmem>>
    %dma_start3A_6 = arith.constant 0 : i32
    %dma_start3A_7 = arith.constant 0 : i32
    %dma_start3A_8 = tpu.memref_slice %arg2[%dma_start3A_6, %dma_start3A_7] : memref<10000x128xf32, #tpu.memory_space<hbm>> -> memref<10000x128xf32, #tpu.memory_space<hbm>>
    tpu.enqueue_indirect_dma source(%dma_start3A_8 : memref<10000x128xf32, #tpu.memory_space<hbm>>) target(%arg9 : memref<125x128xf32, #tpu.memory_space<vmem>>) offsets(%dma_start3A_5 : memref<125xi32, #tpu.memory_space<vmem>>) semaphore(%arg12 : memref<!tpu.dma_semaphore, #tpu.memory_space<semaphore_mem>>)
    %dma_start3A_9 = arith.constant 1 : i32
    %dma_start3A_10 = arith.constant 0 : i32
    %dma_start3A_11 = tpu.memref_slice %arg7[%dma_start3A_9, %dma_start3A_10] : memref<40x125xi32, #tpu.memory_space<vmem>> -> memref<1x125xi32, #tpu.memory_space<vmem>>
    %dma_start3A_12 = tpu.memref_squeeze %dma_start3A_11 : memref<1x125xi32, #tpu.memory_space<vmem>> -> memref<125xi32, #tpu.memory_space<vmem>>
    %dma_start3A_13 = arith.constant 0 : i32
    %dma_start3A_14 = arith.constant 0 : i32
    %dma_start3A_15 = tpu.memref_slice %arg2[%dma_start3A_13, %dma_start3A_14] : memref<10000x128xf32, #tpu.memory_space<hbm>> -> memref<10000x128xf32, #tpu.memory_space<hbm>>
    tpu.enqueue_indirect_dma source(%dma_start3A_15 : memref<10000x128xf32, #tpu.memory_space<hbm>>) target(%arg10 : memref<125x128xf32, #tpu.memory_space<vmem>>) offsets(%dma_start3A_12 : memref<125xi32, #tpu.memory_space<vmem>>) semaphore(%arg13 : memref<!tpu.dma_semaphore, #tpu.memory_space<semaphore_mem>>)
    %scan3A = arith.constant 0 : i32
    %scan3A_16 = arith.constant 0 : i32
    %scan3A_17 = arith.constant 19 : i32
    %scan3A_18 = arith.addi %scan3A_16, %scan3A_17 : i32
    %scan3A_19 = arith.constant 1 : i32
    scf.for %scan3A_36 = %scan3A_16 to %scan3A_18 step %scan3A_19  : i32 {
      %mul3A_37 = arith.constant 2 : i32
      %mul3A_38 = arith.muli %mul3A_37, %scan3A_36 : i32
      %dma_wait3A_39 = arith.constant 0 : i32
      %dma_wait3A_40 = tpu.memref_slice %arg7[%mul3A_38, %dma_wait3A_39] : memref<40x125xi32, #tpu.memory_space<vmem>> -> memref<1x125xi32, #tpu.memory_space<vmem>>
      %dma_wait3A_41 = tpu.memref_squeeze %dma_wait3A_40 : memref<1x125xi32, #tpu.memory_space<vmem>> -> memref<125xi32, #tpu.memory_space<vmem>>
      %dma_wait3A_42 = arith.constant 0 : i32
      %dma_wait3A_43 = arith.constant 0 : i32
      %dma_wait3A_44 = tpu.memref_slice %arg2[%dma_wait3A_42, %dma_wait3A_43] : memref<10000x128xf32, #tpu.memory_space<hbm>> -> memref<10000x128xf32, #tpu.memory_space<hbm>>
      tpu.wait_indirect_dma semaphore(%arg12 : memref<!tpu.dma_semaphore, #tpu.memory_space<semaphore_mem>>) src(%dma_wait3A_44 : memref<10000x128xf32, #tpu.memory_space<hbm>>) dst(%arg9 : memref<125x128xf32, #tpu.memory_space<vmem>>)
      "tpu.region"() ({
        %run_scoped3A_71 = tpu.sem_alloc : memref<!tpu.dma_semaphore, #tpu.memory_space<semaphore_mem>>
        %dma_start3A_72 = arith.constant 0 : i32
        %dma_start3A_73 = tpu.memref_slice %arg8[%mul3A_38, %dma_start3A_72] : memref<40x125xi32, #tpu.memory_space<vmem>> -> memref<1x125xi32, #tpu.memory_space<vmem>>
        %dma_start3A_74 = tpu.memref_squeeze %dma_start3A_73 : memref<1x125xi32, #tpu.memory_space<vmem>> -> memref<125xi32, #tpu.memory_space<vmem>>
        %dma_start3A_75 = arith.constant 0 : i32
        %dma_start3A_76 = arith.constant 0 : i32
        %dma_start3A_77 = tpu.memref_slice %arg11[%dma_start3A_75, %dma_start3A_76] : memref<10112x128xf32, #tpu.memory_space<vmem_shared>> -> memref<10112x128xf32, #tpu.memory_space<vmem_shared>>
        tpu.enqueue_indirect_dma source(%arg9 : memref<125x128xf32, #tpu.memory_space<vmem>>) target(%dma_start3A_77 : memref<10112x128xf32, #tpu.memory_space<vmem_shared>>) offsets(%dma_start3A_74 : memref<125xi32, #tpu.memory_space<vmem>>) semaphore(%run_scoped3A_71 : memref<!tpu.dma_semaphore, #tpu.memory_space<semaphore_mem>>) {add = true}
        %dma_wait3A_78 = arith.constant 0 : i32
        %dma_wait3A_79 = tpu.memref_slice %arg8[%mul3A_38, %dma_wait3A_78] : memref<40x125xi32, #tpu.memory_space<vmem>> -> memref<1x125xi32, #tpu.memory_space<vmem>>
        %dma_wait3A_80 = tpu.memref_squeeze %dma_wait3A_79 : memref<1x125xi32, #tpu.memory_space<vmem>> -> memref<125xi32, #tpu.memory_space<vmem>>
        %dma_wait3A_81 = arith.constant 0 : i32
        %dma_wait3A_82 = arith.constant 0 : i32
        %dma_wait3A_83 = tpu.memref_slice %arg11[%dma_wait3A_81, %dma_wait3A_82] : memref<10112x128xf32, #tpu.memory_space<vmem_shared>> -> memref<10112x128xf32, #tpu.memory_space<vmem_shared>>
        tpu.wait_indirect_dma semaphore(%run_scoped3A_71 : memref<!tpu.dma_semaphore, #tpu.memory_space<semaphore_mem>>) src(%arg9 : memref<125x128xf32, #tpu.memory_space<vmem>>) dst(%dma_wait3A_83 : memref<10112x128xf32, #tpu.memory_space<vmem_shared>>)
        tpu.yield
      }) : () -> ()
      %add3A_45 = arith.constant 2 : i32
      %add3A_46 = arith.addi %mul3A_38, %add3A_45 : i32
      %dma_start3A_47 = arith.constant 0 : i32
      %dma_start3A_48 = tpu.memref_slice %arg7[%add3A_46, %dma_start3A_47] : memref<40x125xi32, #tpu.memory_space<vmem>> -> memref<1x125xi32, #tpu.memory_space<vmem>>
      %dma_start3A_49 = tpu.memref_squeeze %dma_start3A_48 : memref<1x125xi32, #tpu.memory_space<vmem>> -> memref<125xi32, #tpu.memory_space<vmem>>
      %dma_start3A_50 = arith.constant 0 : i32
      %dma_start3A_51 = arith.constant 0 : i32
      %dma_start3A_52 = tpu.memref_slice %arg2[%dma_start3A_50, %dma_start3A_51] : memref<10000x128xf32, #tpu.memory_space<hbm>> -> memref<10000x128xf32, #tpu.memory_space<hbm>>
      tpu.enqueue_indirect_dma source(%dma_start3A_52 : memref<10000x128xf32, #tpu.memory_space<hbm>>) target(%arg9 : memref<125x128xf32, #tpu.memory_space<vmem>>) offsets(%dma_start3A_49 : memref<125xi32, #tpu.memory_space<vmem>>) semaphore(%arg12 : memref<!tpu.dma_semaphore, #tpu.memory_space<semaphore_mem>>)
      %add3A_53 = arith.constant 1 : i32
      %add3A_54 = arith.addi %mul3A_38, %add3A_53 : i32
      %dma_wait3A_55 = arith.constant 0 : i32
      %dma_wait3A_56 = tpu.memref_slice %arg7[%add3A_54, %dma_wait3A_55] : memref<40x125xi32, #tpu.memory_space<vmem>> -> memref<1x125xi32, #tpu.memory_space<vmem>>
      %dma_wait3A_57 = tpu.memref_squeeze %dma_wait3A_56 : memref<1x125xi32, #tpu.memory_space<vmem>> -> memref<125xi32, #tpu.memory_space<vmem>>
      %dma_wait3A_58 = arith.constant 0 : i32
      %dma_wait3A_59 = arith.constant 0 : i32
      %dma_wait3A_60 = tpu.memref_slice %arg2[%dma_wait3A_58, %dma_wait3A_59] : memref<10000x128xf32, #tpu.memory_space<hbm>> -> memref<10000x128xf32, #tpu.memory_space<hbm>>
      tpu.wait_indirect_dma semaphore(%arg13 : memref<!tpu.dma_semaphore, #tpu.memory_space<semaphore_mem>>) src(%dma_wait3A_60 : memref<10000x128xf32, #tpu.memory_space<hbm>>) dst(%arg10 : memref<125x128xf32, #tpu.memory_space<vmem>>)
      %add3A_61 = arith.constant 1 : i32
      %add3A_62 = arith.addi %mul3A_38, %add3A_61 : i32
      "tpu.region"() ({
        %run_scoped3A_71 = tpu.sem_alloc : memref<!tpu.dma_semaphore, #tpu.memory_space<semaphore_mem>>
        %dma_start3A_72 = arith.constant 0 : i32
        %dma_start3A_73 = tpu.memref_slice %arg8[%add3A_62, %dma_start3A_72] : memref<40x125xi32, #tpu.memory_space<vmem>> -> memref<1x125xi32, #tpu.memory_space<vmem>>
        %dma_start3A_74 = tpu.memref_squeeze %dma_start3A_73 : memref<1x125xi32, #tpu.memory_space<vmem>> -> memref<125xi32, #tpu.memory_space<vmem>>
        %dma_start3A_75 = arith.constant 0 : i32
        %dma_start3A_76 = arith.constant 0 : i32
        %dma_start3A_77 = tpu.memref_slice %arg11[%dma_start3A_75, %dma_start3A_76] : memref<10112x128xf32, #tpu.memory_space<vmem_shared>> -> memref<10112x128xf32, #tpu.memory_space<vmem_shared>>
        tpu.enqueue_indirect_dma source(%arg10 : memref<125x128xf32, #tpu.memory_space<vmem>>) target(%dma_start3A_77 : memref<10112x128xf32, #tpu.memory_space<vmem_shared>>) offsets(%dma_start3A_74 : memref<125xi32, #tpu.memory_space<vmem>>) semaphore(%run_scoped3A_71 : memref<!tpu.dma_semaphore, #tpu.memory_space<semaphore_mem>>) {add = true}
        %dma_wait3A_78 = arith.constant 0 : i32
        %dma_wait3A_79 = tpu.memref_slice %arg8[%add3A_62, %dma_wait3A_78] : memref<40x125xi32, #tpu.memory_space<vmem>> -> memref<1x125xi32, #tpu.memory_space<vmem>>
        %dma_wait3A_80 = tpu.memref_squeeze %dma_wait3A_79 : memref<1x125xi32, #tpu.memory_space<vmem>> -> memref<125xi32, #tpu.memory_space<vmem>>
        %dma_wait3A_81 = arith.constant 0 : i32
        %dma_wait3A_82 = arith.constant 0 : i32
        %dma_wait3A_83 = tpu.memref_slice %arg11[%dma_wait3A_81, %dma_wait3A_82] : memref<10112x128xf32, #tpu.memory_space<vmem_shared>> -> memref<10112x128xf32, #tpu.memory_space<vmem_shared>>
        tpu.wait_indirect_dma semaphore(%run_scoped3A_71 : memref<!tpu.dma_semaphore, #tpu.memory_space<semaphore_mem>>) src(%arg10 : memref<125x128xf32, #tpu.memory_space<vmem>>) dst(%dma_wait3A_83 : memref<10112x128xf32, #tpu.memory_space<vmem_shared>>)
        tpu.yield
      }) : () -> ()
      %add3A_63 = arith.constant 3 : i32
      %add3A_64 = arith.addi %mul3A_38, %add3A_63 : i32
      %dma_start3A_65 = arith.constant 0 : i32
      %dma_start3A_66 = tpu.memref_slice %arg7[%add3A_64, %dma_start3A_65] : memref<40x125xi32, #tpu.memory_space<vmem>> -> memref<1x125xi32, #tpu.memory_space<vmem>>
      %dma_start3A_67 = tpu.memref_squeeze %dma_start3A_66 : memref<1x125xi32, #tpu.memory_space<vmem>> -> memref<125xi32, #tpu.memory_space<vmem>>
      %dma_start3A_68 = arith.constant 0 : i32
      %dma_start3A_69 = arith.constant 0 : i32
      %dma_start3A_70 = tpu.memref_slice %arg2[%dma_start3A_68, %dma_start3A_69] : memref<10000x128xf32, #tpu.memory_space<hbm>> -> memref<10000x128xf32, #tpu.memory_space<hbm>>
      tpu.enqueue_indirect_dma source(%dma_start3A_70 : memref<10000x128xf32, #tpu.memory_space<hbm>>) target(%arg10 : memref<125x128xf32, #tpu.memory_space<vmem>>) offsets(%dma_start3A_67 : memref<125xi32, #tpu.memory_space<vmem>>) semaphore(%arg13 : memref<!tpu.dma_semaphore, #tpu.memory_space<semaphore_mem>>)
    }
    %scan3A_20 = arith.constant 19 : i32
    %dma_wait3A = arith.constant 38 : i32
    %dma_wait3A_21 = arith.constant 0 : i32
    %dma_wait3A_22 = tpu.memref_slice %arg7[%dma_wait3A, %dma_wait3A_21] : memref<40x125xi32, #tpu.memory_space<vmem>> -> memref<1x125xi32, #tpu.memory_space<vmem>>
    %dma_wait3A_23 = tpu.memref_squeeze %dma_wait3A_22 : memref<1x125xi32, #tpu.memory_space<vmem>> -> memref<125xi32, #tpu.memory_space<vmem>>
    %dma_wait3A_24 = arith.constant 0 : i32
    %dma_wait3A_25 = arith.constant 0 : i32
    %dma_wait3A_26 = tpu.memref_slice %arg2[%dma_wait3A_24, %dma_wait3A_25] : memref<10000x128xf32, #tpu.memory_space<hbm>> -> memref<10000x128xf32, #tpu.memory_space<hbm>>
    tpu.wait_indirect_dma semaphore(%arg12 : memref<!tpu.dma_semaphore, #tpu.memory_space<semaphore_mem>>) src(%dma_wait3A_26 : memref<10000x128xf32, #tpu.memory_space<hbm>>) dst(%arg9 : memref<125x128xf32, #tpu.memory_space<vmem>>)
    %run_scoped3A = arith.constant 38 : i32
    "tpu.region"() ({
      %run_scoped3A_36 = tpu.sem_alloc : memref<!tpu.dma_semaphore, #tpu.memory_space<semaphore_mem>>
      %dma_start3A_37 = arith.constant 0 : i32
      %dma_start3A_38 = tpu.memref_slice %arg8[%run_scoped3A, %dma_start3A_37] : memref<40x125xi32, #tpu.memory_space<vmem>> -> memref<1x125xi32, #tpu.memory_space<vmem>>
      %dma_start3A_39 = tpu.memref_squeeze %dma_start3A_38 : memref<1x125xi32, #tpu.memory_space<vmem>> -> memref<125xi32, #tpu.memory_space<vmem>>
      %dma_start3A_40 = arith.constant 0 : i32
      %dma_start3A_41 = arith.constant 0 : i32
      %dma_start3A_42 = tpu.memref_slice %arg11[%dma_start3A_40, %dma_start3A_41] : memref<10112x128xf32, #tpu.memory_space<vmem_shared>> -> memref<10112x128xf32, #tpu.memory_space<vmem_shared>>
      tpu.enqueue_indirect_dma source(%arg9 : memref<125x128xf32, #tpu.memory_space<vmem>>) target(%dma_start3A_42 : memref<10112x128xf32, #tpu.memory_space<vmem_shared>>) offsets(%dma_start3A_39 : memref<125xi32, #tpu.memory_space<vmem>>) semaphore(%run_scoped3A_36 : memref<!tpu.dma_semaphore, #tpu.memory_space<semaphore_mem>>) {add = true}
      %dma_wait3A_43 = arith.constant 0 : i32
      %dma_wait3A_44 = tpu.memref_slice %arg8[%run_scoped3A, %dma_wait3A_43] : memref<40x125xi32, #tpu.memory_space<vmem>> -> memref<1x125xi32, #tpu.memory_space<vmem>>
      %dma_wait3A_45 = tpu.memref_squeeze %dma_wait3A_44 : memref<1x125xi32, #tpu.memory_space<vmem>> -> memref<125xi32, #tpu.memory_space<vmem>>
      %dma_wait3A_46 = arith.constant 0 : i32
      %dma_wait3A_47 = arith.constant 0 : i32
      %dma_wait3A_48 = tpu.memref_slice %arg11[%dma_wait3A_46, %dma_wait3A_47] : memref<10112x128xf32, #tpu.memory_space<vmem_shared>> -> memref<10112x128xf32, #tpu.memory_space<vmem_shared>>
      tpu.wait_indirect_dma semaphore(%run_scoped3A_36 : memref<!tpu.dma_semaphore, #tpu.memory_space<semaphore_mem>>) src(%arg9 : memref<125x128xf32, #tpu.memory_space<vmem>>) dst(%dma_wait3A_48 : memref<10112x128xf32, #tpu.memory_space<vmem_shared>>)
      tpu.yield
    }) : () -> ()
    %dma_wait3A_27 = arith.constant 39 : i32
    %dma_wait3A_28 = arith.constant 0 : i32
    %dma_wait3A_29 = tpu.memref_slice %arg7[%dma_wait3A_27, %dma_wait3A_28] : memref<40x125xi32, #tpu.memory_space<vmem>> -> memref<1x125xi32, #tpu.memory_space<vmem>>
    %dma_wait3A_30 = tpu.memref_squeeze %dma_wait3A_29 : memref<1x125xi32, #tpu.memory_space<vmem>> -> memref<125xi32, #tpu.memory_space<vmem>>
    %dma_wait3A_31 = arith.constant 0 : i32
    %dma_wait3A_32 = arith.constant 0 : i32
    %dma_wait3A_33 = tpu.memref_slice %arg2[%dma_wait3A_31, %dma_wait3A_32] : memref<10000x128xf32, #tpu.memory_space<hbm>> -> memref<10000x128xf32, #tpu.memory_space<hbm>>
    tpu.wait_indirect_dma semaphore(%arg13 : memref<!tpu.dma_semaphore, #tpu.memory_space<semaphore_mem>>) src(%dma_wait3A_33 : memref<10000x128xf32, #tpu.memory_space<hbm>>) dst(%arg10 : memref<125x128xf32, #tpu.memory_space<vmem>>)
    %run_scoped3A_34 = arith.constant 39 : i32
    "tpu.region"() ({
      %run_scoped3A_36 = tpu.sem_alloc : memref<!tpu.dma_semaphore, #tpu.memory_space<semaphore_mem>>
      %dma_start3A_37 = arith.constant 0 : i32
      %dma_start3A_38 = tpu.memref_slice %arg8[%run_scoped3A_34, %dma_start3A_37] : memref<40x125xi32, #tpu.memory_space<vmem>> -> memref<1x125xi32, #tpu.memory_space<vmem>>
      %dma_start3A_39 = tpu.memref_squeeze %dma_start3A_38 : memref<1x125xi32, #tpu.memory_space<vmem>> -> memref<125xi32, #tpu.memory_space<vmem>>
      %dma_start3A_40 = arith.constant 0 : i32
      %dma_start3A_41 = arith.constant 0 : i32
      %dma_start3A_42 = tpu.memref_slice %arg11[%dma_start3A_40, %dma_start3A_41] : memref<10112x128xf32, #tpu.memory_space<vmem_shared>> -> memref<10112x128xf32, #tpu.memory_space<vmem_shared>>
      tpu.enqueue_indirect_dma source(%arg10 : memref<125x128xf32, #tpu.memory_space<vmem>>) target(%dma_start3A_42 : memref<10112x128xf32, #tpu.memory_space<vmem_shared>>) offsets(%dma_start3A_39 : memref<125xi32, #tpu.memory_space<vmem>>) semaphore(%run_scoped3A_36 : memref<!tpu.dma_semaphore, #tpu.memory_space<semaphore_mem>>) {add = true}
      %dma_wait3A_43 = arith.constant 0 : i32
      %dma_wait3A_44 = tpu.memref_slice %arg8[%run_scoped3A_34, %dma_wait3A_43] : memref<40x125xi32, #tpu.memory_space<vmem>> -> memref<1x125xi32, #tpu.memory_space<vmem>>
      %dma_wait3A_45 = tpu.memref_squeeze %dma_wait3A_44 : memref<1x125xi32, #tpu.memory_space<vmem>> -> memref<125xi32, #tpu.memory_space<vmem>>
      %dma_wait3A_46 = arith.constant 0 : i32
      %dma_wait3A_47 = arith.constant 0 : i32
      %dma_wait3A_48 = tpu.memref_slice %arg11[%dma_wait3A_46, %dma_wait3A_47] : memref<10112x128xf32, #tpu.memory_space<vmem_shared>> -> memref<10112x128xf32, #tpu.memory_space<vmem_shared>>
      tpu.wait_indirect_dma semaphore(%run_scoped3A_36 : memref<!tpu.dma_semaphore, #tpu.memory_space<semaphore_mem>>) src(%arg10 : memref<125x128xf32, #tpu.memory_space<vmem>>) dst(%dma_wait3A_48 : memref<10112x128xf32, #tpu.memory_space<vmem_shared>>)
      tpu.yield
    }) : () -> ()
    %barrier3A_35 = arith.constant 0 : index
    tpu.barrier barrier_id(%barrier3A_35)
    "tpu.region"() ({
      %run_scoped3A_36 = tpu.sem_alloc : memref<!tpu.dma_semaphore, #tpu.memory_space<semaphore_mem>>
      %dma_start3A_37 = arith.constant 0 : i32
      %dma_start3A_38 = tpu.memref_slice %arg6[%arg0, %mul3A_2, %dma_start3A_37] : memref<2x10112x128xf32, #tpu.memory_space<hbm>> -> memref<1x632x128xf32, #tpu.memory_space<hbm>>
      %dma_start3A_39 = tpu.memref_squeeze %dma_start3A_38 : memref<1x632x128xf32, #tpu.memory_space<hbm>> -> memref<632x128xf32, #tpu.memory_space<hbm>>
      %dma_start3A_40 = arith.constant 0 : i32
      %dma_start3A_41 = tpu.memref_slice %arg11[%mul3A_2, %dma_start3A_40] : memref<10112x128xf32, #tpu.memory_space<vmem_shared>> -> memref<632x128xf32, #tpu.memory_space<vmem_shared>>
      tpu.enqueue_dma source(%dma_start3A_41 : memref<632x128xf32, #tpu.memory_space<vmem_shared>>) target(%dma_start3A_39 : memref<632x128xf32, #tpu.memory_space<hbm>>) target_semaphore(%run_scoped3A_36 : memref<!tpu.dma_semaphore, #tpu.memory_space<semaphore_mem>>)
      %dma_wait3A_42 = arith.constant 0 : i32
      %dma_wait3A_43 = tpu.memref_slice %arg6[%arg0, %mul3A_2, %dma_wait3A_42] : memref<2x10112x128xf32, #tpu.memory_space<hbm>> -> memref<1x632x128xf32, #tpu.memory_space<hbm>>
      %dma_wait3A_44 = tpu.memref_squeeze %dma_wait3A_43 : memref<1x632x128xf32, #tpu.memory_space<hbm>> -> memref<632x128xf32, #tpu.memory_space<hbm>>
      %dma_wait3A_45 = arith.constant 0 : i32
      %dma_wait3A_46 = tpu.memref_slice %arg11[%mul3A_2, %dma_wait3A_45] : memref<10112x128xf32, #tpu.memory_space<vmem_shared>> -> memref<632x128xf32, #tpu.memory_space<vmem_shared>>
      tpu.wait_dma2 semaphore(%run_scoped3A_36 : memref<!tpu.dma_semaphore, #tpu.memory_space<semaphore_mem>>) src(%dma_wait3A_46 : memref<632x128xf32, #tpu.memory_space<vmem_shared>>) dst(%dma_wait3A_44 : memref<632x128xf32, #tpu.memory_space<hbm>>)
      tpu.yield
    }) : () -> ()
    return
  }
}

#map = affine_map<(d0, d1) -> (0, 0, 0)>
#map1 = affine_map<(d0, d1) -> (0, 0)>
module attributes {stable_mosaic.version = 14 : i64} {
  func.func @_deg_sc(%arg0: i32, %arg1: i32, %arg2: memref<32x40x125xi32, #tpu.memory_space<hbm>>, %arg3: memref<125x128xf32, #tpu.memory_space<hbm>>, %arg4: memref<10112x128xf32, #tpu.memory_space<hbm>>, %arg5: memref<2x10112x128xf32, #tpu.memory_space<hbm>>, %arg6: memref<40x125xi32, #tpu.memory_space<vmem>>, %arg7: memref<125x128xf32, #tpu.memory_space<vmem>>, %arg8: memref<10112x128xf32, #tpu.memory_space<vmem_shared>>) attributes {dimension_semantics = [#tpu.dimension_semantics<core_parallel>, #tpu.dimension_semantics<subcore_parallel>], iteration_bounds = array<i64: 2, 16>, scalar_prefetch = 0 : i64, scratch_operands = 3 : i64, tpu.core_type = #tpu.core_type<sc_vector_subcore>, window_params = [{transform_indices = #map}, {transform_indices = #map1}, {transform_indices = #map1}, {transform_indices = #map}]} {
    %mul3A = arith.constant 2 : i32
    %mul3A_0 = arith.muli %arg1, %mul3A : i32
    %add3A = arith.addi %mul3A_0, %arg0 : i32
    %mul3A_1 = arith.constant 632 : i32
    %mul3A_2 = arith.muli %arg1, %mul3A_1 : i32
    "tpu.region"() ({
      %run_scoped3A = tpu.sem_alloc : memref<!tpu.dma_semaphore, #tpu.memory_space<semaphore_mem>>
      tpu.enqueue_dma source(%arg3 : memref<125x128xf32, #tpu.memory_space<hbm>>) target(%arg7 : memref<125x128xf32, #tpu.memory_space<vmem>>) target_semaphore(%run_scoped3A : memref<!tpu.dma_semaphore, #tpu.memory_space<semaphore_mem>>)
      tpu.wait_dma2 semaphore(%run_scoped3A : memref<!tpu.dma_semaphore, #tpu.memory_space<semaphore_mem>>) src(%arg3 : memref<125x128xf32, #tpu.memory_space<hbm>>) dst(%arg7 : memref<125x128xf32, #tpu.memory_space<vmem>>)
      tpu.yield
    }) : () -> ()
    "tpu.region"() ({
      %run_scoped3A = tpu.sem_alloc : memref<!tpu.dma_semaphore, #tpu.memory_space<semaphore_mem>>
      %dma_start3A = arith.constant 0 : i32
      %dma_start3A_9 = tpu.memref_slice %arg8[%mul3A_2, %dma_start3A] : memref<10112x128xf32, #tpu.memory_space<vmem_shared>> -> memref<632x128xf32, #tpu.memory_space<vmem_shared>>
      %dma_start3A_10 = arith.constant 0 : i32
      %dma_start3A_11 = tpu.memref_slice %arg4[%mul3A_2, %dma_start3A_10] : memref<10112x128xf32, #tpu.memory_space<hbm>> -> memref<632x128xf32, #tpu.memory_space<hbm>>
      tpu.enqueue_dma source(%dma_start3A_11 : memref<632x128xf32, #tpu.memory_space<hbm>>) target(%dma_start3A_9 : memref<632x128xf32, #tpu.memory_space<vmem_shared>>) target_semaphore(%run_scoped3A : memref<!tpu.dma_semaphore, #tpu.memory_space<semaphore_mem>>)
      %dma_wait3A = arith.constant 0 : i32
      %dma_wait3A_12 = tpu.memref_slice %arg8[%mul3A_2, %dma_wait3A] : memref<10112x128xf32, #tpu.memory_space<vmem_shared>> -> memref<632x128xf32, #tpu.memory_space<vmem_shared>>
      %dma_wait3A_13 = arith.constant 0 : i32
      %dma_wait3A_14 = tpu.memref_slice %arg4[%mul3A_2, %dma_wait3A_13] : memref<10112x128xf32, #tpu.memory_space<hbm>> -> memref<632x128xf32, #tpu.memory_space<hbm>>
      tpu.wait_dma2 semaphore(%run_scoped3A : memref<!tpu.dma_semaphore, #tpu.memory_space<semaphore_mem>>) src(%dma_wait3A_14 : memref<632x128xf32, #tpu.memory_space<hbm>>) dst(%dma_wait3A_12 : memref<632x128xf32, #tpu.memory_space<vmem_shared>>)
      tpu.yield
    }) : () -> ()
    %barrier3A = arith.constant 0 : index
    tpu.barrier barrier_id(%barrier3A)
    "tpu.region"() ({
      %run_scoped3A = tpu.sem_alloc : memref<!tpu.dma_semaphore, #tpu.memory_space<semaphore_mem>>
      %dma_start3A = arith.constant 0 : i32
      %dma_start3A_9 = arith.constant 0 : i32
      %dma_start3A_10 = tpu.memref_slice %arg2[%add3A, %dma_start3A, %dma_start3A_9] : memref<32x40x125xi32, #tpu.memory_space<hbm>> -> memref<1x40x125xi32, #tpu.memory_space<hbm>>
      %dma_start3A_11 = tpu.memref_squeeze %dma_start3A_10 : memref<1x40x125xi32, #tpu.memory_space<hbm>> -> memref<40x125xi32, #tpu.memory_space<hbm>>
      %dma_start3A_12 = arith.constant 0 : i32
      %dma_start3A_13 = arith.constant 0 : i32
      %dma_start3A_14 = tpu.memref_slice %arg2[%add3A, %dma_start3A_12, %dma_start3A_13] : memref<32x40x125xi32, #tpu.memory_space<hbm>> -> memref<1x40x125xi32, #tpu.memory_space<hbm>>
      %dma_start3A_15 = tpu.memref_squeeze %dma_start3A_14 : memref<1x40x125xi32, #tpu.memory_space<hbm>> -> memref<40x125xi32, #tpu.memory_space<hbm>>
      tpu.enqueue_dma source(%dma_start3A_15 : memref<40x125xi32, #tpu.memory_space<hbm>>) target(%arg6 : memref<40x125xi32, #tpu.memory_space<vmem>>) target_semaphore(%run_scoped3A : memref<!tpu.dma_semaphore, #tpu.memory_space<semaphore_mem>>)
      %dma_wait3A = arith.constant 0 : i32
      %dma_wait3A_16 = arith.constant 0 : i32
      %dma_wait3A_17 = tpu.memref_slice %arg2[%add3A, %dma_wait3A, %dma_wait3A_16] : memref<32x40x125xi32, #tpu.memory_space<hbm>> -> memref<1x40x125xi32, #tpu.memory_space<hbm>>
      %dma_wait3A_18 = tpu.memref_squeeze %dma_wait3A_17 : memref<1x40x125xi32, #tpu.memory_space<hbm>> -> memref<40x125xi32, #tpu.memory_space<hbm>>
      %dma_wait3A_19 = arith.constant 0 : i32
      %dma_wait3A_20 = arith.constant 0 : i32
      %dma_wait3A_21 = tpu.memref_slice %arg2[%add3A, %dma_wait3A_19, %dma_wait3A_20] : memref<32x40x125xi32, #tpu.memory_space<hbm>> -> memref<1x40x125xi32, #tpu.memory_space<hbm>>
      %dma_wait3A_22 = tpu.memref_squeeze %dma_wait3A_21 : memref<1x40x125xi32, #tpu.memory_space<hbm>> -> memref<40x125xi32, #tpu.memory_space<hbm>>
      tpu.wait_dma2 semaphore(%run_scoped3A : memref<!tpu.dma_semaphore, #tpu.memory_space<semaphore_mem>>) src(%dma_wait3A_22 : memref<40x125xi32, #tpu.memory_space<hbm>>) dst(%arg6 : memref<40x125xi32, #tpu.memory_space<vmem>>)
      tpu.yield
    }) : () -> ()
    %scan3A = arith.constant 0 : i32
    %scan3A_3 = arith.constant 0 : i32
    %scan3A_4 = arith.constant 40 : i32
    %scan3A_5 = arith.addi %scan3A_3, %scan3A_4 : i32
    %scan3A_6 = arith.constant 1 : i32
    scf.for %scan3A_9 = %scan3A_3 to %scan3A_5 step %scan3A_6  : i32 {
      "tpu.region"() ({
        %run_scoped3A = tpu.sem_alloc : memref<!tpu.dma_semaphore, #tpu.memory_space<semaphore_mem>>
        %dma_start3A = arith.constant 0 : i32
        %dma_start3A_10 = tpu.memref_slice %arg6[%scan3A_9, %dma_start3A] : memref<40x125xi32, #tpu.memory_space<vmem>> -> memref<1x125xi32, #tpu.memory_space<vmem>>
        %dma_start3A_11 = tpu.memref_squeeze %dma_start3A_10 : memref<1x125xi32, #tpu.memory_space<vmem>> -> memref<125xi32, #tpu.memory_space<vmem>>
        %dma_start3A_12 = arith.constant 0 : i32
        %dma_start3A_13 = arith.constant 0 : i32
        %dma_start3A_14 = tpu.memref_slice %arg8[%dma_start3A_12, %dma_start3A_13] : memref<10112x128xf32, #tpu.memory_space<vmem_shared>> -> memref<10112x128xf32, #tpu.memory_space<vmem_shared>>
        tpu.enqueue_indirect_dma source(%arg7 : memref<125x128xf32, #tpu.memory_space<vmem>>) target(%dma_start3A_14 : memref<10112x128xf32, #tpu.memory_space<vmem_shared>>) offsets(%dma_start3A_11 : memref<125xi32, #tpu.memory_space<vmem>>) semaphore(%run_scoped3A : memref<!tpu.dma_semaphore, #tpu.memory_space<semaphore_mem>>) {add = true}
        %dma_wait3A = arith.constant 0 : i32
        %dma_wait3A_15 = tpu.memref_slice %arg6[%scan3A_9, %dma_wait3A] : memref<40x125xi32, #tpu.memory_space<vmem>> -> memref<1x125xi32, #tpu.memory_space<vmem>>
        %dma_wait3A_16 = tpu.memref_squeeze %dma_wait3A_15 : memref<1x125xi32, #tpu.memory_space<vmem>> -> memref<125xi32, #tpu.memory_space<vmem>>
        %dma_wait3A_17 = arith.constant 0 : i32
        %dma_wait3A_18 = arith.constant 0 : i32
        %dma_wait3A_19 = tpu.memref_slice %arg8[%dma_wait3A_17, %dma_wait3A_18] : memref<10112x128xf32, #tpu.memory_space<vmem_shared>> -> memref<10112x128xf32, #tpu.memory_space<vmem_shared>>
        tpu.wait_indirect_dma semaphore(%run_scoped3A : memref<!tpu.dma_semaphore, #tpu.memory_space<semaphore_mem>>) src(%arg7 : memref<125x128xf32, #tpu.memory_space<vmem>>) dst(%dma_wait3A_19 : memref<10112x128xf32, #tpu.memory_space<vmem_shared>>)
        tpu.yield
      }) : () -> ()
    }
    %scan3A_7 = arith.constant 40 : i32
    %barrier3A_8 = arith.constant 0 : index
    tpu.barrier barrier_id(%barrier3A_8)
    "tpu.region"() ({
      %run_scoped3A = tpu.sem_alloc : memref<!tpu.dma_semaphore, #tpu.memory_space<semaphore_mem>>
      %dma_start3A = arith.constant 0 : i32
      %dma_start3A_9 = tpu.memref_slice %arg5[%arg0, %mul3A_2, %dma_start3A] : memref<2x10112x128xf32, #tpu.memory_space<hbm>> -> memref<1x632x128xf32, #tpu.memory_space<hbm>>
      %dma_start3A_10 = tpu.memref_squeeze %dma_start3A_9 : memref<1x632x128xf32, #tpu.memory_space<hbm>> -> memref<632x128xf32, #tpu.memory_space<hbm>>
      %dma_start3A_11 = arith.constant 0 : i32
      %dma_start3A_12 = tpu.memref_slice %arg8[%mul3A_2, %dma_start3A_11] : memref<10112x128xf32, #tpu.memory_space<vmem_shared>> -> memref<632x128xf32, #tpu.memory_space<vmem_shared>>
      tpu.enqueue_dma source(%dma_start3A_12 : memref<632x128xf32, #tpu.memory_space<vmem_shared>>) target(%dma_start3A_10 : memref<632x128xf32, #tpu.memory_space<hbm>>) target_semaphore(%run_scoped3A : memref<!tpu.dma_semaphore, #tpu.memory_space<semaphore_mem>>)
      %dma_wait3A = arith.constant 0 : i32
      %dma_wait3A_13 = tpu.memref_slice %arg5[%arg0, %mul3A_2, %dma_wait3A] : memref<2x10112x128xf32, #tpu.memory_space<hbm>> -> memref<1x632x128xf32, #tpu.memory_space<hbm>>
      %dma_wait3A_14 = tpu.memref_squeeze %dma_wait3A_13 : memref<1x632x128xf32, #tpu.memory_space<hbm>> -> memref<632x128xf32, #tpu.memory_space<hbm>>
      %dma_wait3A_15 = arith.constant 0 : i32
      %dma_wait3A_16 = tpu.memref_slice %arg8[%mul3A_2, %dma_wait3A_15] : memref<10112x128xf32, #tpu.memory_space<vmem_shared>> -> memref<632x128xf32, #tpu.memory_space<vmem_shared>>
      tpu.wait_dma2 semaphore(%run_scoped3A : memref<!tpu.dma_semaphore, #tpu.memory_space<semaphore_mem>>) src(%dma_wait3A_16 : memref<632x128xf32, #tpu.memory_space<vmem_shared>>) dst(%dma_wait3A_14 : memref<632x128xf32, #tpu.memory_space<hbm>>)
      tpu.yield
    }) : () -> ()
    return
  }
}

#map = affine_map<(d0, d1) -> (0, 0, 0)>
#map1 = affine_map<(d0, d1) -> (0, 0)>
module attributes {stable_mosaic.version = 14 : i64} {
  func.func @_deg_sc(%arg0: i32, %arg1: i32, %arg2: memref<32x40x125xi32, #tpu.memory_space<hbm>>, %arg3: memref<125x128xf32, #tpu.memory_space<hbm>>, %arg4: memref<10112x128xf32, #tpu.memory_space<hbm>>, %arg5: memref<2x10112x128xf32, #tpu.memory_space<hbm>>, %arg6: memref<40x125xi32, #tpu.memory_space<vmem>>, %arg7: memref<125x128xf32, #tpu.memory_space<vmem>>, %arg8: memref<10112x128xf32, #tpu.memory_space<vmem_shared>>) attributes {dimension_semantics = [#tpu.dimension_semantics<core_parallel>, #tpu.dimension_semantics<subcore_parallel>], iteration_bounds = array<i64: 2, 16>, scalar_prefetch = 0 : i64, scratch_operands = 3 : i64, tpu.core_type = #tpu.core_type<sc_vector_subcore>, window_params = [{transform_indices = #map}, {transform_indices = #map1}, {transform_indices = #map1}, {transform_indices = #map}]} {
    %mul3A = arith.constant 2 : i32
    %mul3A_0 = arith.muli %arg1, %mul3A : i32
    %add3A = arith.addi %mul3A_0, %arg0 : i32
    %mul3A_1 = arith.constant 632 : i32
    %mul3A_2 = arith.muli %arg1, %mul3A_1 : i32
    "tpu.region"() ({
      %run_scoped3A = tpu.sem_alloc : memref<!tpu.dma_semaphore, #tpu.memory_space<semaphore_mem>>
      tpu.enqueue_dma source(%arg3 : memref<125x128xf32, #tpu.memory_space<hbm>>) target(%arg7 : memref<125x128xf32, #tpu.memory_space<vmem>>) target_semaphore(%run_scoped3A : memref<!tpu.dma_semaphore, #tpu.memory_space<semaphore_mem>>)
      tpu.wait_dma2 semaphore(%run_scoped3A : memref<!tpu.dma_semaphore, #tpu.memory_space<semaphore_mem>>) src(%arg3 : memref<125x128xf32, #tpu.memory_space<hbm>>) dst(%arg7 : memref<125x128xf32, #tpu.memory_space<vmem>>)
      tpu.yield
    }) : () -> ()
    "tpu.region"() ({
      %run_scoped3A = tpu.sem_alloc : memref<!tpu.dma_semaphore, #tpu.memory_space<semaphore_mem>>
      %dma_start3A = arith.constant 0 : i32
      %dma_start3A_9 = tpu.memref_slice %arg8[%mul3A_2, %dma_start3A] : memref<10112x128xf32, #tpu.memory_space<vmem_shared>> -> memref<632x128xf32, #tpu.memory_space<vmem_shared>>
      %dma_start3A_10 = arith.constant 0 : i32
      %dma_start3A_11 = tpu.memref_slice %arg4[%mul3A_2, %dma_start3A_10] : memref<10112x128xf32, #tpu.memory_space<hbm>> -> memref<632x128xf32, #tpu.memory_space<hbm>>
      tpu.enqueue_dma source(%dma_start3A_11 : memref<632x128xf32, #tpu.memory_space<hbm>>) target(%dma_start3A_9 : memref<632x128xf32, #tpu.memory_space<vmem_shared>>) target_semaphore(%run_scoped3A : memref<!tpu.dma_semaphore, #tpu.memory_space<semaphore_mem>>)
      %dma_wait3A = arith.constant 0 : i32
      %dma_wait3A_12 = tpu.memref_slice %arg8[%mul3A_2, %dma_wait3A] : memref<10112x128xf32, #tpu.memory_space<vmem_shared>> -> memref<632x128xf32, #tpu.memory_space<vmem_shared>>
      %dma_wait3A_13 = arith.constant 0 : i32
      %dma_wait3A_14 = tpu.memref_slice %arg4[%mul3A_2, %dma_wait3A_13] : memref<10112x128xf32, #tpu.memory_space<hbm>> -> memref<632x128xf32, #tpu.memory_space<hbm>>
      tpu.wait_dma2 semaphore(%run_scoped3A : memref<!tpu.dma_semaphore, #tpu.memory_space<semaphore_mem>>) src(%dma_wait3A_14 : memref<632x128xf32, #tpu.memory_space<hbm>>) dst(%dma_wait3A_12 : memref<632x128xf32, #tpu.memory_space<vmem_shared>>)
      tpu.yield
    }) : () -> ()
    %barrier3A = arith.constant 0 : index
    tpu.barrier barrier_id(%barrier3A)
    "tpu.region"() ({
      %run_scoped3A = tpu.sem_alloc : memref<!tpu.dma_semaphore, #tpu.memory_space<semaphore_mem>>
      %dma_start3A = arith.constant 0 : i32
      %dma_start3A_9 = arith.constant 0 : i32
      %dma_start3A_10 = tpu.memref_slice %arg2[%add3A, %dma_start3A, %dma_start3A_9] : memref<32x40x125xi32, #tpu.memory_space<hbm>> -> memref<1x40x125xi32, #tpu.memory_space<hbm>>
      %dma_start3A_11 = tpu.memref_squeeze %dma_start3A_10 : memref<1x40x125xi32, #tpu.memory_space<hbm>> -> memref<40x125xi32, #tpu.memory_space<hbm>>
      %dma_start3A_12 = arith.constant 0 : i32
      %dma_start3A_13 = arith.constant 0 : i32
      %dma_start3A_14 = tpu.memref_slice %arg2[%add3A, %dma_start3A_12, %dma_start3A_13] : memref<32x40x125xi32, #tpu.memory_space<hbm>> -> memref<1x40x125xi32, #tpu.memory_space<hbm>>
      %dma_start3A_15 = tpu.memref_squeeze %dma_start3A_14 : memref<1x40x125xi32, #tpu.memory_space<hbm>> -> memref<40x125xi32, #tpu.memory_space<hbm>>
      tpu.enqueue_dma source(%dma_start3A_15 : memref<40x125xi32, #tpu.memory_space<hbm>>) target(%arg6 : memref<40x125xi32, #tpu.memory_space<vmem>>) target_semaphore(%run_scoped3A : memref<!tpu.dma_semaphore, #tpu.memory_space<semaphore_mem>>)
      %dma_wait3A = arith.constant 0 : i32
      %dma_wait3A_16 = arith.constant 0 : i32
      %dma_wait3A_17 = tpu.memref_slice %arg2[%add3A, %dma_wait3A, %dma_wait3A_16] : memref<32x40x125xi32, #tpu.memory_space<hbm>> -> memref<1x40x125xi32, #tpu.memory_space<hbm>>
      %dma_wait3A_18 = tpu.memref_squeeze %dma_wait3A_17 : memref<1x40x125xi32, #tpu.memory_space<hbm>> -> memref<40x125xi32, #tpu.memory_space<hbm>>
      %dma_wait3A_19 = arith.constant 0 : i32
      %dma_wait3A_20 = arith.constant 0 : i32
      %dma_wait3A_21 = tpu.memref_slice %arg2[%add3A, %dma_wait3A_19, %dma_wait3A_20] : memref<32x40x125xi32, #tpu.memory_space<hbm>> -> memref<1x40x125xi32, #tpu.memory_space<hbm>>
      %dma_wait3A_22 = tpu.memref_squeeze %dma_wait3A_21 : memref<1x40x125xi32, #tpu.memory_space<hbm>> -> memref<40x125xi32, #tpu.memory_space<hbm>>
      tpu.wait_dma2 semaphore(%run_scoped3A : memref<!tpu.dma_semaphore, #tpu.memory_space<semaphore_mem>>) src(%dma_wait3A_22 : memref<40x125xi32, #tpu.memory_space<hbm>>) dst(%arg6 : memref<40x125xi32, #tpu.memory_space<vmem>>)
      tpu.yield
    }) : () -> ()
    %scan3A = arith.constant 0 : i32
    %scan3A_3 = arith.constant 0 : i32
    %scan3A_4 = arith.constant 40 : i32
    %scan3A_5 = arith.addi %scan3A_3, %scan3A_4 : i32
    %scan3A_6 = arith.constant 1 : i32
    scf.for %scan3A_9 = %scan3A_3 to %scan3A_5 step %scan3A_6  : i32 {
      "tpu.region"() ({
        %run_scoped3A = tpu.sem_alloc : memref<!tpu.dma_semaphore, #tpu.memory_space<semaphore_mem>>
        %dma_start3A = arith.constant 0 : i32
        %dma_start3A_10 = tpu.memref_slice %arg6[%scan3A_9, %dma_start3A] : memref<40x125xi32, #tpu.memory_space<vmem>> -> memref<1x125xi32, #tpu.memory_space<vmem>>
        %dma_start3A_11 = tpu.memref_squeeze %dma_start3A_10 : memref<1x125xi32, #tpu.memory_space<vmem>> -> memref<125xi32, #tpu.memory_space<vmem>>
        %dma_start3A_12 = arith.constant 0 : i32
        %dma_start3A_13 = arith.constant 0 : i32
        %dma_start3A_14 = tpu.memref_slice %arg8[%dma_start3A_12, %dma_start3A_13] : memref<10112x128xf32, #tpu.memory_space<vmem_shared>> -> memref<10112x128xf32, #tpu.memory_space<vmem_shared>>
        tpu.enqueue_indirect_dma source(%arg7 : memref<125x128xf32, #tpu.memory_space<vmem>>) target(%dma_start3A_14 : memref<10112x128xf32, #tpu.memory_space<vmem_shared>>) offsets(%dma_start3A_11 : memref<125xi32, #tpu.memory_space<vmem>>) semaphore(%run_scoped3A : memref<!tpu.dma_semaphore, #tpu.memory_space<semaphore_mem>>) {add = true}
        %dma_wait3A = arith.constant 0 : i32
        %dma_wait3A_15 = tpu.memref_slice %arg6[%scan3A_9, %dma_wait3A] : memref<40x125xi32, #tpu.memory_space<vmem>> -> memref<1x125xi32, #tpu.memory_space<vmem>>
        %dma_wait3A_16 = tpu.memref_squeeze %dma_wait3A_15 : memref<1x125xi32, #tpu.memory_space<vmem>> -> memref<125xi32, #tpu.memory_space<vmem>>
        %dma_wait3A_17 = arith.constant 0 : i32
        %dma_wait3A_18 = arith.constant 0 : i32
        %dma_wait3A_19 = tpu.memref_slice %arg8[%dma_wait3A_17, %dma_wait3A_18] : memref<10112x128xf32, #tpu.memory_space<vmem_shared>> -> memref<10112x128xf32, #tpu.memory_space<vmem_shared>>
        tpu.wait_indirect_dma semaphore(%run_scoped3A : memref<!tpu.dma_semaphore, #tpu.memory_space<semaphore_mem>>) src(%arg7 : memref<125x128xf32, #tpu.memory_space<vmem>>) dst(%dma_wait3A_19 : memref<10112x128xf32, #tpu.memory_space<vmem_shared>>)
        tpu.yield
      }) : () -> ()
    }
    %scan3A_7 = arith.constant 40 : i32
    %barrier3A_8 = arith.constant 0 : index
    tpu.barrier barrier_id(%barrier3A_8)
    "tpu.region"() ({
      %run_scoped3A = tpu.sem_alloc : memref<!tpu.dma_semaphore, #tpu.memory_space<semaphore_mem>>
      %dma_start3A = arith.constant 0 : i32
      %dma_start3A_9 = tpu.memref_slice %arg5[%arg0, %mul3A_2, %dma_start3A] : memref<2x10112x128xf32, #tpu.memory_space<hbm>> -> memref<1x632x128xf32, #tpu.memory_space<hbm>>
      %dma_start3A_10 = tpu.memref_squeeze %dma_start3A_9 : memref<1x632x128xf32, #tpu.memory_space<hbm>> -> memref<632x128xf32, #tpu.memory_space<hbm>>
      %dma_start3A_11 = arith.constant 0 : i32
      %dma_start3A_12 = tpu.memref_slice %arg8[%mul3A_2, %dma_start3A_11] : memref<10112x128xf32, #tpu.memory_space<vmem_shared>> -> memref<632x128xf32, #tpu.memory_space<vmem_shared>>
      tpu.enqueue_dma source(%dma_start3A_12 : memref<632x128xf32, #tpu.memory_space<vmem_shared>>) target(%dma_start3A_10 : memref<632x128xf32, #tpu.memory_space<hbm>>) target_semaphore(%run_scoped3A : memref<!tpu.dma_semaphore, #tpu.memory_space<semaphore_mem>>)
      %dma_wait3A = arith.constant 0 : i32
      %dma_wait3A_13 = tpu.memref_slice %arg5[%arg0, %mul3A_2, %dma_wait3A] : memref<2x10112x128xf32, #tpu.memory_space<hbm>> -> memref<1x632x128xf32, #tpu.memory_space<hbm>>
      %dma_wait3A_14 = tpu.memref_squeeze %dma_wait3A_13 : memref<1x632x128xf32, #tpu.memory_space<hbm>> -> memref<632x128xf32, #tpu.memory_space<hbm>>
      %dma_wait3A_15 = arith.constant 0 : i32
      %dma_wait3A_16 = tpu.memref_slice %arg8[%mul3A_2, %dma_wait3A_15] : memref<10112x128xf32, #tpu.memory_space<vmem_shared>> -> memref<632x128xf32, #tpu.memory_space<vmem_shared>>
      tpu.wait_dma2 semaphore(%run_scoped3A : memref<!tpu.dma_semaphore, #tpu.memory_space<semaphore_mem>>) src(%dma_wait3A_16 : memref<632x128xf32, #tpu.memory_space<vmem_shared>>) dst(%dma_wait3A_14 : memref<632x128xf32, #tpu.memory_space<hbm>>)
      tpu.yield
    }) : () -> ()
    return
  }
}

#map = affine_map<(d0, d1) -> (0, 0)>
#map1 = affine_map<(d0, d1) -> (0, 0, 0)>
module attributes {stable_mosaic.version = 14 : i64} {
  func.func @_prop_sc(%arg0: i32, %arg1: i32, %arg2: memref<10000x128xf32, #tpu.memory_space<hbm>>, %arg3: memref<32x40x125xi32, #tpu.memory_space<hbm>>, %arg4: memref<32x40x125xi32, #tpu.memory_space<hbm>>, %arg5: memref<10112x128xf32, #tpu.memory_space<hbm>>, %arg6: memref<2x10112x128xf32, #tpu.memory_space<hbm>>, %arg7: memref<40x125xi32, #tpu.memory_space<vmem>>, %arg8: memref<40x125xi32, #tpu.memory_space<vmem>>, %arg9: memref<125x128xf32, #tpu.memory_space<vmem>>, %arg10: memref<125x128xf32, #tpu.memory_space<vmem>>, %arg11: memref<10112x128xf32, #tpu.memory_space<vmem_shared>>, %arg12: memref<!tpu.dma_semaphore, #tpu.memory_space<semaphore_mem>>, %arg13: memref<!tpu.dma_semaphore, #tpu.memory_space<semaphore_mem>>) attributes {dimension_semantics = [#tpu.dimension_semantics<core_parallel>, #tpu.dimension_semantics<subcore_parallel>], iteration_bounds = array<i64: 2, 16>, scalar_prefetch = 0 : i64, scratch_operands = 7 : i64, tpu.core_type = #tpu.core_type<sc_vector_subcore>, window_params = [{transform_indices = #map}, {transform_indices = #map1}, {transform_indices = #map1}, {transform_indices = #map}, {transform_indices = #map1}]} {
    %mul3A = arith.constant 2 : i32
    %mul3A_0 = arith.muli %arg1, %mul3A : i32
    %add3A = arith.addi %mul3A_0, %arg0 : i32
    "tpu.region"() ({
      %run_scoped3A_36 = tpu.sem_alloc : memref<!tpu.dma_semaphore, #tpu.memory_space<semaphore_mem>>
      %dma_start3A_37 = arith.constant 0 : i32
      %dma_start3A_38 = arith.constant 0 : i32
      %dma_start3A_39 = tpu.memref_slice %arg3[%add3A, %dma_start3A_37, %dma_start3A_38] : memref<32x40x125xi32, #tpu.memory_space<hbm>> -> memref<1x40x125xi32, #tpu.memory_space<hbm>>
      %dma_start3A_40 = tpu.memref_squeeze %dma_start3A_39 : memref<1x40x125xi32, #tpu.memory_space<hbm>> -> memref<40x125xi32, #tpu.memory_space<hbm>>
      %dma_start3A_41 = arith.constant 0 : i32
      %dma_start3A_42 = arith.constant 0 : i32
      %dma_start3A_43 = tpu.memref_slice %arg3[%add3A, %dma_start3A_41, %dma_start3A_42] : memref<32x40x125xi32, #tpu.memory_space<hbm>> -> memref<1x40x125xi32, #tpu.memory_space<hbm>>
      %dma_start3A_44 = tpu.memref_squeeze %dma_start3A_43 : memref<1x40x125xi32, #tpu.memory_space<hbm>> -> memref<40x125xi32, #tpu.memory_space<hbm>>
      tpu.enqueue_dma source(%dma_start3A_44 : memref<40x125xi32, #tpu.memory_space<hbm>>) target(%arg7 : memref<40x125xi32, #tpu.memory_space<vmem>>) target_semaphore(%run_scoped3A_36 : memref<!tpu.dma_semaphore, #tpu.memory_space<semaphore_mem>>)
      %dma_wait3A_45 = arith.constant 0 : i32
      %dma_wait3A_46 = arith.constant 0 : i32
      %dma_wait3A_47 = tpu.memref_slice %arg3[%add3A, %dma_wait3A_45, %dma_wait3A_46] : memref<32x40x125xi32, #tpu.memory_space<hbm>> -> memref<1x40x125xi32, #tpu.memory_space<hbm>>
      %dma_wait3A_48 = tpu.memref_squeeze %dma_wait3A_47 : memref<1x40x125xi32, #tpu.memory_space<hbm>> -> memref<40x125xi32, #tpu.memory_space<hbm>>
      %dma_wait3A_49 = arith.constant 0 : i32
      %dma_wait3A_50 = arith.constant 0 : i32
      %dma_wait3A_51 = tpu.memref_slice %arg3[%add3A, %dma_wait3A_49, %dma_wait3A_50] : memref<32x40x125xi32, #tpu.memory_space<hbm>> -> memref<1x40x125xi32, #tpu.memory_space<hbm>>
      %dma_wait3A_52 = tpu.memref_squeeze %dma_wait3A_51 : memref<1x40x125xi32, #tpu.memory_space<hbm>> -> memref<40x125xi32, #tpu.memory_space<hbm>>
      tpu.wait_dma2 semaphore(%run_scoped3A_36 : memref<!tpu.dma_semaphore, #tpu.memory_space<semaphore_mem>>) src(%dma_wait3A_52 : memref<40x125xi32, #tpu.memory_space<hbm>>) dst(%arg7 : memref<40x125xi32, #tpu.memory_space<vmem>>)
      tpu.yield
    }) : () -> ()
    "tpu.region"() ({
      %run_scoped3A_36 = tpu.sem_alloc : memref<!tpu.dma_semaphore, #tpu.memory_space<semaphore_mem>>
      %dma_start3A_37 = arith.constant 0 : i32
      %dma_start3A_38 = arith.constant 0 : i32
      %dma_start3A_39 = tpu.memref_slice %arg4[%add3A, %dma_start3A_37, %dma_start3A_38] : memref<32x40x125xi32, #tpu.memory_space<hbm>> -> memref<1x40x125xi32, #tpu.memory_space<hbm>>
      %dma_start3A_40 = tpu.memref_squeeze %dma_start3A_39 : memref<1x40x125xi32, #tpu.memory_space<hbm>> -> memref<40x125xi32, #tpu.memory_space<hbm>>
      %dma_start3A_41 = arith.constant 0 : i32
      %dma_start3A_42 = arith.constant 0 : i32
      %dma_start3A_43 = tpu.memref_slice %arg4[%add3A, %dma_start3A_41, %dma_start3A_42] : memref<32x40x125xi32, #tpu.memory_space<hbm>> -> memref<1x40x125xi32, #tpu.memory_space<hbm>>
      %dma_start3A_44 = tpu.memref_squeeze %dma_start3A_43 : memref<1x40x125xi32, #tpu.memory_space<hbm>> -> memref<40x125xi32, #tpu.memory_space<hbm>>
      tpu.enqueue_dma source(%dma_start3A_44 : memref<40x125xi32, #tpu.memory_space<hbm>>) target(%arg8 : memref<40x125xi32, #tpu.memory_space<vmem>>) target_semaphore(%run_scoped3A_36 : memref<!tpu.dma_semaphore, #tpu.memory_space<semaphore_mem>>)
      %dma_wait3A_45 = arith.constant 0 : i32
      %dma_wait3A_46 = arith.constant 0 : i32
      %dma_wait3A_47 = tpu.memref_slice %arg4[%add3A, %dma_wait3A_45, %dma_wait3A_46] : memref<32x40x125xi32, #tpu.memory_space<hbm>> -> memref<1x40x125xi32, #tpu.memory_space<hbm>>
      %dma_wait3A_48 = tpu.memref_squeeze %dma_wait3A_47 : memref<1x40x125xi32, #tpu.memory_space<hbm>> -> memref<40x125xi32, #tpu.memory_space<hbm>>
      %dma_wait3A_49 = arith.constant 0 : i32
      %dma_wait3A_50 = arith.constant 0 : i32
      %dma_wait3A_51 = tpu.memref_slice %arg4[%add3A, %dma_wait3A_49, %dma_wait3A_50] : memref<32x40x125xi32, #tpu.memory_space<hbm>> -> memref<1x40x125xi32, #tpu.memory_space<hbm>>
      %dma_wait3A_52 = tpu.memref_squeeze %dma_wait3A_51 : memref<1x40x125xi32, #tpu.memory_space<hbm>> -> memref<40x125xi32, #tpu.memory_space<hbm>>
      tpu.wait_dma2 semaphore(%run_scoped3A_36 : memref<!tpu.dma_semaphore, #tpu.memory_space<semaphore_mem>>) src(%dma_wait3A_52 : memref<40x125xi32, #tpu.memory_space<hbm>>) dst(%arg8 : memref<40x125xi32, #tpu.memory_space<vmem>>)
      tpu.yield
    }) : () -> ()
    %mul3A_1 = arith.constant 632 : i32
    %mul3A_2 = arith.muli %arg1, %mul3A_1 : i32
    "tpu.region"() ({
      %run_scoped3A_36 = tpu.sem_alloc : memref<!tpu.dma_semaphore, #tpu.memory_space<semaphore_mem>>
      %dma_start3A_37 = arith.constant 0 : i32
      %dma_start3A_38 = tpu.memref_slice %arg11[%mul3A_2, %dma_start3A_37] : memref<10112x128xf32, #tpu.memory_space<vmem_shared>> -> memref<632x128xf32, #tpu.memory_space<vmem_shared>>
      %dma_start3A_39 = arith.constant 0 : i32
      %dma_start3A_40 = tpu.memref_slice %arg5[%mul3A_2, %dma_start3A_39] : memref<10112x128xf32, #tpu.memory_space<hbm>> -> memref<632x128xf32, #tpu.memory_space<hbm>>
      tpu.enqueue_dma source(%dma_start3A_40 : memref<632x128xf32, #tpu.memory_space<hbm>>) target(%dma_start3A_38 : memref<632x128xf32, #tpu.memory_space<vmem_shared>>) target_semaphore(%run_scoped3A_36 : memref<!tpu.dma_semaphore, #tpu.memory_space<semaphore_mem>>)
      %dma_wait3A_41 = arith.constant 0 : i32
      %dma_wait3A_42 = tpu.memref_slice %arg11[%mul3A_2, %dma_wait3A_41] : memref<10112x128xf32, #tpu.memory_space<vmem_shared>> -> memref<632x128xf32, #tpu.memory_space<vmem_shared>>
      %dma_wait3A_43 = arith.constant 0 : i32
      %dma_wait3A_44 = tpu.memref_slice %arg5[%mul3A_2, %dma_wait3A_43] : memref<10112x128xf32, #tpu.memory_space<hbm>> -> memref<632x128xf32, #tpu.memory_space<hbm>>
      tpu.wait_dma2 semaphore(%run_scoped3A_36 : memref<!tpu.dma_semaphore, #tpu.memory_space<semaphore_mem>>) src(%dma_wait3A_44 : memref<632x128xf32, #tpu.memory_space<hbm>>) dst(%dma_wait3A_42 : memref<632x128xf32, #tpu.memory_space<vmem_shared>>)
      tpu.yield
    }) : () -> ()
    %barrier3A = arith.constant 0 : index
    tpu.barrier barrier_id(%barrier3A)
    %dma_start3A = arith.constant 0 : i32
    %dma_start3A_3 = arith.constant 0 : i32
    %dma_start3A_4 = tpu.memref_slice %arg7[%dma_start3A, %dma_start3A_3] : memref<40x125xi32, #tpu.memory_space<vmem>> -> memref<1x125xi32, #tpu.memory_space<vmem>>
    %dma_start3A_5 = tpu.memref_squeeze %dma_start3A_4 : memref<1x125xi32, #tpu.memory_space<vmem>> -> memref<125xi32, #tpu.memory_space<vmem>>
    %dma_start3A_6 = arith.constant 0 : i32
    %dma_start3A_7 = arith.constant 0 : i32
    %dma_start3A_8 = tpu.memref_slice %arg2[%dma_start3A_6, %dma_start3A_7] : memref<10000x128xf32, #tpu.memory_space<hbm>> -> memref<10000x128xf32, #tpu.memory_space<hbm>>
    tpu.enqueue_indirect_dma source(%dma_start3A_8 : memref<10000x128xf32, #tpu.memory_space<hbm>>) target(%arg9 : memref<125x128xf32, #tpu.memory_space<vmem>>) offsets(%dma_start3A_5 : memref<125xi32, #tpu.memory_space<vmem>>) semaphore(%arg12 : memref<!tpu.dma_semaphore, #tpu.memory_space<semaphore_mem>>)
    %dma_start3A_9 = arith.constant 1 : i32
    %dma_start3A_10 = arith.constant 0 : i32
    %dma_start3A_11 = tpu.memref_slice %arg7[%dma_start3A_9, %dma_start3A_10] : memref<40x125xi32, #tpu.memory_space<vmem>> -> memref<1x125xi32, #tpu.memory_space<vmem>>
    %dma_start3A_12 = tpu.memref_squeeze %dma_start3A_11 : memref<1x125xi32, #tpu.memory_space<vmem>> -> memref<125xi32, #tpu.memory_space<vmem>>
    %dma_start3A_13 = arith.constant 0 : i32
    %dma_start3A_14 = arith.constant 0 : i32
    %dma_start3A_15 = tpu.memref_slice %arg2[%dma_start3A_13, %dma_start3A_14] : memref<10000x128xf32, #tpu.memory_space<hbm>> -> memref<10000x128xf32, #tpu.memory_space<hbm>>
    tpu.enqueue_indirect_dma source(%dma_start3A_15 : memref<10000x128xf32, #tpu.memory_space<hbm>>) target(%arg10 : memref<125x128xf32, #tpu.memory_space<vmem>>) offsets(%dma_start3A_12 : memref<125xi32, #tpu.memory_space<vmem>>) semaphore(%arg13 : memref<!tpu.dma_semaphore, #tpu.memory_space<semaphore_mem>>)
    %scan3A = arith.constant 0 : i32
    %scan3A_16 = arith.constant 0 : i32
    %scan3A_17 = arith.constant 19 : i32
    %scan3A_18 = arith.addi %scan3A_16, %scan3A_17 : i32
    %scan3A_19 = arith.constant 1 : i32
    scf.for %scan3A_36 = %scan3A_16 to %scan3A_18 step %scan3A_19  : i32 {
      %mul3A_37 = arith.constant 2 : i32
      %mul3A_38 = arith.muli %mul3A_37, %scan3A_36 : i32
      %dma_wait3A_39 = arith.constant 0 : i32
      %dma_wait3A_40 = tpu.memref_slice %arg7[%mul3A_38, %dma_wait3A_39] : memref<40x125xi32, #tpu.memory_space<vmem>> -> memref<1x125xi32, #tpu.memory_space<vmem>>
      %dma_wait3A_41 = tpu.memref_squeeze %dma_wait3A_40 : memref<1x125xi32, #tpu.memory_space<vmem>> -> memref<125xi32, #tpu.memory_space<vmem>>
      %dma_wait3A_42 = arith.constant 0 : i32
      %dma_wait3A_43 = arith.constant 0 : i32
      %dma_wait3A_44 = tpu.memref_slice %arg2[%dma_wait3A_42, %dma_wait3A_43] : memref<10000x128xf32, #tpu.memory_space<hbm>> -> memref<10000x128xf32, #tpu.memory_space<hbm>>
      tpu.wait_indirect_dma semaphore(%arg12 : memref<!tpu.dma_semaphore, #tpu.memory_space<semaphore_mem>>) src(%dma_wait3A_44 : memref<10000x128xf32, #tpu.memory_space<hbm>>) dst(%arg9 : memref<125x128xf32, #tpu.memory_space<vmem>>)
      "tpu.region"() ({
        %run_scoped3A_71 = tpu.sem_alloc : memref<!tpu.dma_semaphore, #tpu.memory_space<semaphore_mem>>
        %dma_start3A_72 = arith.constant 0 : i32
        %dma_start3A_73 = tpu.memref_slice %arg8[%mul3A_38, %dma_start3A_72] : memref<40x125xi32, #tpu.memory_space<vmem>> -> memref<1x125xi32, #tpu.memory_space<vmem>>
        %dma_start3A_74 = tpu.memref_squeeze %dma_start3A_73 : memref<1x125xi32, #tpu.memory_space<vmem>> -> memref<125xi32, #tpu.memory_space<vmem>>
        %dma_start3A_75 = arith.constant 0 : i32
        %dma_start3A_76 = arith.constant 0 : i32
        %dma_start3A_77 = tpu.memref_slice %arg11[%dma_start3A_75, %dma_start3A_76] : memref<10112x128xf32, #tpu.memory_space<vmem_shared>> -> memref<10112x128xf32, #tpu.memory_space<vmem_shared>>
        tpu.enqueue_indirect_dma source(%arg9 : memref<125x128xf32, #tpu.memory_space<vmem>>) target(%dma_start3A_77 : memref<10112x128xf32, #tpu.memory_space<vmem_shared>>) offsets(%dma_start3A_74 : memref<125xi32, #tpu.memory_space<vmem>>) semaphore(%run_scoped3A_71 : memref<!tpu.dma_semaphore, #tpu.memory_space<semaphore_mem>>) {add = true}
        %dma_wait3A_78 = arith.constant 0 : i32
        %dma_wait3A_79 = tpu.memref_slice %arg8[%mul3A_38, %dma_wait3A_78] : memref<40x125xi32, #tpu.memory_space<vmem>> -> memref<1x125xi32, #tpu.memory_space<vmem>>
        %dma_wait3A_80 = tpu.memref_squeeze %dma_wait3A_79 : memref<1x125xi32, #tpu.memory_space<vmem>> -> memref<125xi32, #tpu.memory_space<vmem>>
        %dma_wait3A_81 = arith.constant 0 : i32
        %dma_wait3A_82 = arith.constant 0 : i32
        %dma_wait3A_83 = tpu.memref_slice %arg11[%dma_wait3A_81, %dma_wait3A_82] : memref<10112x128xf32, #tpu.memory_space<vmem_shared>> -> memref<10112x128xf32, #tpu.memory_space<vmem_shared>>
        tpu.wait_indirect_dma semaphore(%run_scoped3A_71 : memref<!tpu.dma_semaphore, #tpu.memory_space<semaphore_mem>>) src(%arg9 : memref<125x128xf32, #tpu.memory_space<vmem>>) dst(%dma_wait3A_83 : memref<10112x128xf32, #tpu.memory_space<vmem_shared>>)
        tpu.yield
      }) : () -> ()
      %add3A_45 = arith.constant 2 : i32
      %add3A_46 = arith.addi %mul3A_38, %add3A_45 : i32
      %dma_start3A_47 = arith.constant 0 : i32
      %dma_start3A_48 = tpu.memref_slice %arg7[%add3A_46, %dma_start3A_47] : memref<40x125xi32, #tpu.memory_space<vmem>> -> memref<1x125xi32, #tpu.memory_space<vmem>>
      %dma_start3A_49 = tpu.memref_squeeze %dma_start3A_48 : memref<1x125xi32, #tpu.memory_space<vmem>> -> memref<125xi32, #tpu.memory_space<vmem>>
      %dma_start3A_50 = arith.constant 0 : i32
      %dma_start3A_51 = arith.constant 0 : i32
      %dma_start3A_52 = tpu.memref_slice %arg2[%dma_start3A_50, %dma_start3A_51] : memref<10000x128xf32, #tpu.memory_space<hbm>> -> memref<10000x128xf32, #tpu.memory_space<hbm>>
      tpu.enqueue_indirect_dma source(%dma_start3A_52 : memref<10000x128xf32, #tpu.memory_space<hbm>>) target(%arg9 : memref<125x128xf32, #tpu.memory_space<vmem>>) offsets(%dma_start3A_49 : memref<125xi32, #tpu.memory_space<vmem>>) semaphore(%arg12 : memref<!tpu.dma_semaphore, #tpu.memory_space<semaphore_mem>>)
      %add3A_53 = arith.constant 1 : i32
      %add3A_54 = arith.addi %mul3A_38, %add3A_53 : i32
      %dma_wait3A_55 = arith.constant 0 : i32
      %dma_wait3A_56 = tpu.memref_slice %arg7[%add3A_54, %dma_wait3A_55] : memref<40x125xi32, #tpu.memory_space<vmem>> -> memref<1x125xi32, #tpu.memory_space<vmem>>
      %dma_wait3A_57 = tpu.memref_squeeze %dma_wait3A_56 : memref<1x125xi32, #tpu.memory_space<vmem>> -> memref<125xi32, #tpu.memory_space<vmem>>
      %dma_wait3A_58 = arith.constant 0 : i32
      %dma_wait3A_59 = arith.constant 0 : i32
      %dma_wait3A_60 = tpu.memref_slice %arg2[%dma_wait3A_58, %dma_wait3A_59] : memref<10000x128xf32, #tpu.memory_space<hbm>> -> memref<10000x128xf32, #tpu.memory_space<hbm>>
      tpu.wait_indirect_dma semaphore(%arg13 : memref<!tpu.dma_semaphore, #tpu.memory_space<semaphore_mem>>) src(%dma_wait3A_60 : memref<10000x128xf32, #tpu.memory_space<hbm>>) dst(%arg10 : memref<125x128xf32, #tpu.memory_space<vmem>>)
      %add3A_61 = arith.constant 1 : i32
      %add3A_62 = arith.addi %mul3A_38, %add3A_61 : i32
      "tpu.region"() ({
        %run_scoped3A_71 = tpu.sem_alloc : memref<!tpu.dma_semaphore, #tpu.memory_space<semaphore_mem>>
        %dma_start3A_72 = arith.constant 0 : i32
        %dma_start3A_73 = tpu.memref_slice %arg8[%add3A_62, %dma_start3A_72] : memref<40x125xi32, #tpu.memory_space<vmem>> -> memref<1x125xi32, #tpu.memory_space<vmem>>
        %dma_start3A_74 = tpu.memref_squeeze %dma_start3A_73 : memref<1x125xi32, #tpu.memory_space<vmem>> -> memref<125xi32, #tpu.memory_space<vmem>>
        %dma_start3A_75 = arith.constant 0 : i32
        %dma_start3A_76 = arith.constant 0 : i32
        %dma_start3A_77 = tpu.memref_slice %arg11[%dma_start3A_75, %dma_start3A_76] : memref<10112x128xf32, #tpu.memory_space<vmem_shared>> -> memref<10112x128xf32, #tpu.memory_space<vmem_shared>>
        tpu.enqueue_indirect_dma source(%arg10 : memref<125x128xf32, #tpu.memory_space<vmem>>) target(%dma_start3A_77 : memref<10112x128xf32, #tpu.memory_space<vmem_shared>>) offsets(%dma_start3A_74 : memref<125xi32, #tpu.memory_space<vmem>>) semaphore(%run_scoped3A_71 : memref<!tpu.dma_semaphore, #tpu.memory_space<semaphore_mem>>) {add = true}
        %dma_wait3A_78 = arith.constant 0 : i32
        %dma_wait3A_79 = tpu.memref_slice %arg8[%add3A_62, %dma_wait3A_78] : memref<40x125xi32, #tpu.memory_space<vmem>> -> memref<1x125xi32, #tpu.memory_space<vmem>>
        %dma_wait3A_80 = tpu.memref_squeeze %dma_wait3A_79 : memref<1x125xi32, #tpu.memory_space<vmem>> -> memref<125xi32, #tpu.memory_space<vmem>>
        %dma_wait3A_81 = arith.constant 0 : i32
        %dma_wait3A_82 = arith.constant 0 : i32
        %dma_wait3A_83 = tpu.memref_slice %arg11[%dma_wait3A_81, %dma_wait3A_82] : memref<10112x128xf32, #tpu.memory_space<vmem_shared>> -> memref<10112x128xf32, #tpu.memory_space<vmem_shared>>
        tpu.wait_indirect_dma semaphore(%run_scoped3A_71 : memref<!tpu.dma_semaphore, #tpu.memory_space<semaphore_mem>>) src(%arg10 : memref<125x128xf32, #tpu.memory_space<vmem>>) dst(%dma_wait3A_83 : memref<10112x128xf32, #tpu.memory_space<vmem_shared>>)
        tpu.yield
      }) : () -> ()
      %add3A_63 = arith.constant 3 : i32
      %add3A_64 = arith.addi %mul3A_38, %add3A_63 : i32
      %dma_start3A_65 = arith.constant 0 : i32
      %dma_start3A_66 = tpu.memref_slice %arg7[%add3A_64, %dma_start3A_65] : memref<40x125xi32, #tpu.memory_space<vmem>> -> memref<1x125xi32, #tpu.memory_space<vmem>>
      %dma_start3A_67 = tpu.memref_squeeze %dma_start3A_66 : memref<1x125xi32, #tpu.memory_space<vmem>> -> memref<125xi32, #tpu.memory_space<vmem>>
      %dma_start3A_68 = arith.constant 0 : i32
      %dma_start3A_69 = arith.constant 0 : i32
      %dma_start3A_70 = tpu.memref_slice %arg2[%dma_start3A_68, %dma_start3A_69] : memref<10000x128xf32, #tpu.memory_space<hbm>> -> memref<10000x128xf32, #tpu.memory_space<hbm>>
      tpu.enqueue_indirect_dma source(%dma_start3A_70 : memref<10000x128xf32, #tpu.memory_space<hbm>>) target(%arg10 : memref<125x128xf32, #tpu.memory_space<vmem>>) offsets(%dma_start3A_67 : memref<125xi32, #tpu.memory_space<vmem>>) semaphore(%arg13 : memref<!tpu.dma_semaphore, #tpu.memory_space<semaphore_mem>>)
    }
    %scan3A_20 = arith.constant 19 : i32
    %dma_wait3A = arith.constant 38 : i32
    %dma_wait3A_21 = arith.constant 0 : i32
    %dma_wait3A_22 = tpu.memref_slice %arg7[%dma_wait3A, %dma_wait3A_21] : memref<40x125xi32, #tpu.memory_space<vmem>> -> memref<1x125xi32, #tpu.memory_space<vmem>>
    %dma_wait3A_23 = tpu.memref_squeeze %dma_wait3A_22 : memref<1x125xi32, #tpu.memory_space<vmem>> -> memref<125xi32, #tpu.memory_space<vmem>>
    %dma_wait3A_24 = arith.constant 0 : i32
    %dma_wait3A_25 = arith.constant 0 : i32
    %dma_wait3A_26 = tpu.memref_slice %arg2[%dma_wait3A_24, %dma_wait3A_25] : memref<10000x128xf32, #tpu.memory_space<hbm>> -> memref<10000x128xf32, #tpu.memory_space<hbm>>
    tpu.wait_indirect_dma semaphore(%arg12 : memref<!tpu.dma_semaphore, #tpu.memory_space<semaphore_mem>>) src(%dma_wait3A_26 : memref<10000x128xf32, #tpu.memory_space<hbm>>) dst(%arg9 : memref<125x128xf32, #tpu.memory_space<vmem>>)
    %run_scoped3A = arith.constant 38 : i32
    "tpu.region"() ({
      %run_scoped3A_36 = tpu.sem_alloc : memref<!tpu.dma_semaphore, #tpu.memory_space<semaphore_mem>>
      %dma_start3A_37 = arith.constant 0 : i32
      %dma_start3A_38 = tpu.memref_slice %arg8[%run_scoped3A, %dma_start3A_37] : memref<40x125xi32, #tpu.memory_space<vmem>> -> memref<1x125xi32, #tpu.memory_space<vmem>>
      %dma_start3A_39 = tpu.memref_squeeze %dma_start3A_38 : memref<1x125xi32, #tpu.memory_space<vmem>> -> memref<125xi32, #tpu.memory_space<vmem>>
      %dma_start3A_40 = arith.constant 0 : i32
      %dma_start3A_41 = arith.constant 0 : i32
      %dma_start3A_42 = tpu.memref_slice %arg11[%dma_start3A_40, %dma_start3A_41] : memref<10112x128xf32, #tpu.memory_space<vmem_shared>> -> memref<10112x128xf32, #tpu.memory_space<vmem_shared>>
      tpu.enqueue_indirect_dma source(%arg9 : memref<125x128xf32, #tpu.memory_space<vmem>>) target(%dma_start3A_42 : memref<10112x128xf32, #tpu.memory_space<vmem_shared>>) offsets(%dma_start3A_39 : memref<125xi32, #tpu.memory_space<vmem>>) semaphore(%run_scoped3A_36 : memref<!tpu.dma_semaphore, #tpu.memory_space<semaphore_mem>>) {add = true}
      %dma_wait3A_43 = arith.constant 0 : i32
      %dma_wait3A_44 = tpu.memref_slice %arg8[%run_scoped3A, %dma_wait3A_43] : memref<40x125xi32, #tpu.memory_space<vmem>> -> memref<1x125xi32, #tpu.memory_space<vmem>>
      %dma_wait3A_45 = tpu.memref_squeeze %dma_wait3A_44 : memref<1x125xi32, #tpu.memory_space<vmem>> -> memref<125xi32, #tpu.memory_space<vmem>>
      %dma_wait3A_46 = arith.constant 0 : i32
      %dma_wait3A_47 = arith.constant 0 : i32
      %dma_wait3A_48 = tpu.memref_slice %arg11[%dma_wait3A_46, %dma_wait3A_47] : memref<10112x128xf32, #tpu.memory_space<vmem_shared>> -> memref<10112x128xf32, #tpu.memory_space<vmem_shared>>
      tpu.wait_indirect_dma semaphore(%run_scoped3A_36 : memref<!tpu.dma_semaphore, #tpu.memory_space<semaphore_mem>>) src(%arg9 : memref<125x128xf32, #tpu.memory_space<vmem>>) dst(%dma_wait3A_48 : memref<10112x128xf32, #tpu.memory_space<vmem_shared>>)
      tpu.yield
    }) : () -> ()
    %dma_wait3A_27 = arith.constant 39 : i32
    %dma_wait3A_28 = arith.constant 0 : i32
    %dma_wait3A_29 = tpu.memref_slice %arg7[%dma_wait3A_27, %dma_wait3A_28] : memref<40x125xi32, #tpu.memory_space<vmem>> -> memref<1x125xi32, #tpu.memory_space<vmem>>
    %dma_wait3A_30 = tpu.memref_squeeze %dma_wait3A_29 : memref<1x125xi32, #tpu.memory_space<vmem>> -> memref<125xi32, #tpu.memory_space<vmem>>
    %dma_wait3A_31 = arith.constant 0 : i32
    %dma_wait3A_32 = arith.constant 0 : i32
    %dma_wait3A_33 = tpu.memref_slice %arg2[%dma_wait3A_31, %dma_wait3A_32] : memref<10000x128xf32, #tpu.memory_space<hbm>> -> memref<10000x128xf32, #tpu.memory_space<hbm>>
    tpu.wait_indirect_dma semaphore(%arg13 : memref<!tpu.dma_semaphore, #tpu.memory_space<semaphore_mem>>) src(%dma_wait3A_33 : memref<10000x128xf32, #tpu.memory_space<hbm>>) dst(%arg10 : memref<125x128xf32, #tpu.memory_space<vmem>>)
    %run_scoped3A_34 = arith.constant 39 : i32
    "tpu.region"() ({
      %run_scoped3A_36 = tpu.sem_alloc : memref<!tpu.dma_semaphore, #tpu.memory_space<semaphore_mem>>
      %dma_start3A_37 = arith.constant 0 : i32
      %dma_start3A_38 = tpu.memref_slice %arg8[%run_scoped3A_34, %dma_start3A_37] : memref<40x125xi32, #tpu.memory_space<vmem>> -> memref<1x125xi32, #tpu.memory_space<vmem>>
      %dma_start3A_39 = tpu.memref_squeeze %dma_start3A_38 : memref<1x125xi32, #tpu.memory_space<vmem>> -> memref<125xi32, #tpu.memory_space<vmem>>
      %dma_start3A_40 = arith.constant 0 : i32
      %dma_start3A_41 = arith.constant 0 : i32
      %dma_start3A_42 = tpu.memref_slice %arg11[%dma_start3A_40, %dma_start3A_41] : memref<10112x128xf32, #tpu.memory_space<vmem_shared>> -> memref<10112x128xf32, #tpu.memory_space<vmem_shared>>
      tpu.enqueue_indirect_dma source(%arg10 : memref<125x128xf32, #tpu.memory_space<vmem>>) target(%dma_start3A_42 : memref<10112x128xf32, #tpu.memory_space<vmem_shared>>) offsets(%dma_start3A_39 : memref<125xi32, #tpu.memory_space<vmem>>) semaphore(%run_scoped3A_36 : memref<!tpu.dma_semaphore, #tpu.memory_space<semaphore_mem>>) {add = true}
      %dma_wait3A_43 = arith.constant 0 : i32
      %dma_wait3A_44 = tpu.memref_slice %arg8[%run_scoped3A_34, %dma_wait3A_43] : memref<40x125xi32, #tpu.memory_space<vmem>> -> memref<1x125xi32, #tpu.memory_space<vmem>>
      %dma_wait3A_45 = tpu.memref_squeeze %dma_wait3A_44 : memref<1x125xi32, #tpu.memory_space<vmem>> -> memref<125xi32, #tpu.memory_space<vmem>>
      %dma_wait3A_46 = arith.constant 0 : i32
      %dma_wait3A_47 = arith.constant 0 : i32
      %dma_wait3A_48 = tpu.memref_slice %arg11[%dma_wait3A_46, %dma_wait3A_47] : memref<10112x128xf32, #tpu.memory_space<vmem_shared>> -> memref<10112x128xf32, #tpu.memory_space<vmem_shared>>
      tpu.wait_indirect_dma semaphore(%run_scoped3A_36 : memref<!tpu.dma_semaphore, #tpu.memory_space<semaphore_mem>>) src(%arg10 : memref<125x128xf32, #tpu.memory_space<vmem>>) dst(%dma_wait3A_48 : memref<10112x128xf32, #tpu.memory_space<vmem_shared>>)
      tpu.yield
    }) : () -> ()
    %barrier3A_35 = arith.constant 0 : index
    tpu.barrier barrier_id(%barrier3A_35)
    "tpu.region"() ({
      %run_scoped3A_36 = tpu.sem_alloc : memref<!tpu.dma_semaphore, #tpu.memory_space<semaphore_mem>>
      %dma_start3A_37 = arith.constant 0 : i32
      %dma_start3A_38 = tpu.memref_slice %arg6[%arg0, %mul3A_2, %dma_start3A_37] : memref<2x10112x128xf32, #tpu.memory_space<hbm>> -> memref<1x632x128xf32, #tpu.memory_space<hbm>>
      %dma_start3A_39 = tpu.memref_squeeze %dma_start3A_38 : memref<1x632x128xf32, #tpu.memory_space<hbm>> -> memref<632x128xf32, #tpu.memory_space<hbm>>
      %dma_start3A_40 = arith.constant 0 : i32
      %dma_start3A_41 = tpu.memref_slice %arg11[%mul3A_2, %dma_start3A_40] : memref<10112x128xf32, #tpu.memory_space<vmem_shared>> -> memref<632x128xf32, #tpu.memory_space<vmem_shared>>
      tpu.enqueue_dma source(%dma_start3A_41 : memref<632x128xf32, #tpu.memory_space<vmem_shared>>) target(%dma_start3A_39 : memref<632x128xf32, #tpu.memory_space<hbm>>) target_semaphore(%run_scoped3A_36 : memref<!tpu.dma_semaphore, #tpu.memory_space<semaphore_mem>>)
      %dma_wait3A_42 = arith.constant 0 : i32
      %dma_wait3A_43 = tpu.memref_slice %arg6[%arg0, %mul3A_2, %dma_wait3A_42] : memref<2x10112x128xf32, #tpu.memory_space<hbm>> -> memref<1x632x128xf32, #tpu.memory_space<hbm>>
      %dma_wait3A_44 = tpu.memref_squeeze %dma_wait3A_43 : memref<1x632x128xf32, #tpu.memory_space<hbm>> -> memref<632x128xf32, #tpu.memory_space<hbm>>
      %dma_wait3A_45 = arith.constant 0 : i32
      %dma_wait3A_46 = tpu.memref_slice %arg11[%mul3A_2, %dma_wait3A_45] : memref<10112x128xf32, #tpu.memory_space<vmem_shared>> -> memref<632x128xf32, #tpu.memory_space<vmem_shared>>
      tpu.wait_dma2 semaphore(%run_scoped3A_36 : memref<!tpu.dma_semaphore, #tpu.memory_space<semaphore_mem>>) src(%dma_wait3A_46 : memref<632x128xf32, #tpu.memory_space<vmem_shared>>) dst(%dma_wait3A_44 : memref<632x128xf32, #tpu.memory_space<hbm>>)
      tpu.yield
    }) : () -> ()
    return
  }
}

#map = affine_map<(d0, d1) -> (0, 0)>
#map1 = affine_map<(d0, d1) -> (0, 0, 0)>
module attributes {stable_mosaic.version = 14 : i64} {
  func.func @_prop_sc(%arg0: i32, %arg1: i32, %arg2: memref<10000x128xf32, #tpu.memory_space<hbm>>, %arg3: memref<32x40x125xi32, #tpu.memory_space<hbm>>, %arg4: memref<32x40x125xi32, #tpu.memory_space<hbm>>, %arg5: memref<10112x128xf32, #tpu.memory_space<hbm>>, %arg6: memref<2x10112x128xf32, #tpu.memory_space<hbm>>, %arg7: memref<40x125xi32, #tpu.memory_space<vmem>>, %arg8: memref<40x125xi32, #tpu.memory_space<vmem>>, %arg9: memref<125x128xf32, #tpu.memory_space<vmem>>, %arg10: memref<125x128xf32, #tpu.memory_space<vmem>>, %arg11: memref<10112x128xf32, #tpu.memory_space<vmem_shared>>, %arg12: memref<!tpu.dma_semaphore, #tpu.memory_space<semaphore_mem>>, %arg13: memref<!tpu.dma_semaphore, #tpu.memory_space<semaphore_mem>>) attributes {dimension_semantics = [#tpu.dimension_semantics<core_parallel>, #tpu.dimension_semantics<subcore_parallel>], iteration_bounds = array<i64: 2, 16>, scalar_prefetch = 0 : i64, scratch_operands = 7 : i64, tpu.core_type = #tpu.core_type<sc_vector_subcore>, window_params = [{transform_indices = #map}, {transform_indices = #map1}, {transform_indices = #map1}, {transform_indices = #map}, {transform_indices = #map1}]} {
    %mul3A = arith.constant 2 : i32
    %mul3A_0 = arith.muli %arg1, %mul3A : i32
    %add3A = arith.addi %mul3A_0, %arg0 : i32
    "tpu.region"() ({
      %run_scoped3A_36 = tpu.sem_alloc : memref<!tpu.dma_semaphore, #tpu.memory_space<semaphore_mem>>
      %dma_start3A_37 = arith.constant 0 : i32
      %dma_start3A_38 = arith.constant 0 : i32
      %dma_start3A_39 = tpu.memref_slice %arg3[%add3A, %dma_start3A_37, %dma_start3A_38] : memref<32x40x125xi32, #tpu.memory_space<hbm>> -> memref<1x40x125xi32, #tpu.memory_space<hbm>>
      %dma_start3A_40 = tpu.memref_squeeze %dma_start3A_39 : memref<1x40x125xi32, #tpu.memory_space<hbm>> -> memref<40x125xi32, #tpu.memory_space<hbm>>
      %dma_start3A_41 = arith.constant 0 : i32
      %dma_start3A_42 = arith.constant 0 : i32
      %dma_start3A_43 = tpu.memref_slice %arg3[%add3A, %dma_start3A_41, %dma_start3A_42] : memref<32x40x125xi32, #tpu.memory_space<hbm>> -> memref<1x40x125xi32, #tpu.memory_space<hbm>>
      %dma_start3A_44 = tpu.memref_squeeze %dma_start3A_43 : memref<1x40x125xi32, #tpu.memory_space<hbm>> -> memref<40x125xi32, #tpu.memory_space<hbm>>
      tpu.enqueue_dma source(%dma_start3A_44 : memref<40x125xi32, #tpu.memory_space<hbm>>) target(%arg7 : memref<40x125xi32, #tpu.memory_space<vmem>>) target_semaphore(%run_scoped3A_36 : memref<!tpu.dma_semaphore, #tpu.memory_space<semaphore_mem>>)
      %dma_wait3A_45 = arith.constant 0 : i32
      %dma_wait3A_46 = arith.constant 0 : i32
      %dma_wait3A_47 = tpu.memref_slice %arg3[%add3A, %dma_wait3A_45, %dma_wait3A_46] : memref<32x40x125xi32, #tpu.memory_space<hbm>> -> memref<1x40x125xi32, #tpu.memory_space<hbm>>
      %dma_wait3A_48 = tpu.memref_squeeze %dma_wait3A_47 : memref<1x40x125xi32, #tpu.memory_space<hbm>> -> memref<40x125xi32, #tpu.memory_space<hbm>>
      %dma_wait3A_49 = arith.constant 0 : i32
      %dma_wait3A_50 = arith.constant 0 : i32
      %dma_wait3A_51 = tpu.memref_slice %arg3[%add3A, %dma_wait3A_49, %dma_wait3A_50] : memref<32x40x125xi32, #tpu.memory_space<hbm>> -> memref<1x40x125xi32, #tpu.memory_space<hbm>>
      %dma_wait3A_52 = tpu.memref_squeeze %dma_wait3A_51 : memref<1x40x125xi32, #tpu.memory_space<hbm>> -> memref<40x125xi32, #tpu.memory_space<hbm>>
      tpu.wait_dma2 semaphore(%run_scoped3A_36 : memref<!tpu.dma_semaphore, #tpu.memory_space<semaphore_mem>>) src(%dma_wait3A_52 : memref<40x125xi32, #tpu.memory_space<hbm>>) dst(%arg7 : memref<40x125xi32, #tpu.memory_space<vmem>>)
      tpu.yield
    }) : () -> ()
    "tpu.region"() ({
      %run_scoped3A_36 = tpu.sem_alloc : memref<!tpu.dma_semaphore, #tpu.memory_space<semaphore_mem>>
      %dma_start3A_37 = arith.constant 0 : i32
      %dma_start3A_38 = arith.constant 0 : i32
      %dma_start3A_39 = tpu.memref_slice %arg4[%add3A, %dma_start3A_37, %dma_start3A_38] : memref<32x40x125xi32, #tpu.memory_space<hbm>> -> memref<1x40x125xi32, #tpu.memory_space<hbm>>
      %dma_start3A_40 = tpu.memref_squeeze %dma_start3A_39 : memref<1x40x125xi32, #tpu.memory_space<hbm>> -> memref<40x125xi32, #tpu.memory_space<hbm>>
      %dma_start3A_41 = arith.constant 0 : i32
      %dma_start3A_42 = arith.constant 0 : i32
      %dma_start3A_43 = tpu.memref_slice %arg4[%add3A, %dma_start3A_41, %dma_start3A_42] : memref<32x40x125xi32, #tpu.memory_space<hbm>> -> memref<1x40x125xi32, #tpu.memory_space<hbm>>
      %dma_start3A_44 = tpu.memref_squeeze %dma_start3A_43 : memref<1x40x125xi32, #tpu.memory_space<hbm>> -> memref<40x125xi32, #tpu.memory_space<hbm>>
      tpu.enqueue_dma source(%dma_start3A_44 : memref<40x125xi32, #tpu.memory_space<hbm>>) target(%arg8 : memref<40x125xi32, #tpu.memory_space<vmem>>) target_semaphore(%run_scoped3A_36 : memref<!tpu.dma_semaphore, #tpu.memory_space<semaphore_mem>>)
      %dma_wait3A_45 = arith.constant 0 : i32
      %dma_wait3A_46 = arith.constant 0 : i32
      %dma_wait3A_47 = tpu.memref_slice %arg4[%add3A, %dma_wait3A_45, %dma_wait3A_46] : memref<32x40x125xi32, #tpu.memory_space<hbm>> -> memref<1x40x125xi32, #tpu.memory_space<hbm>>
      %dma_wait3A_48 = tpu.memref_squeeze %dma_wait3A_47 : memref<1x40x125xi32, #tpu.memory_space<hbm>> -> memref<40x125xi32, #tpu.memory_space<hbm>>
      %dma_wait3A_49 = arith.constant 0 : i32
      %dma_wait3A_50 = arith.constant 0 : i32
      %dma_wait3A_51 = tpu.memref_slice %arg4[%add3A, %dma_wait3A_49, %dma_wait3A_50] : memref<32x40x125xi32, #tpu.memory_space<hbm>> -> memref<1x40x125xi32, #tpu.memory_space<hbm>>
      %dma_wait3A_52 = tpu.memref_squeeze %dma_wait3A_51 : memref<1x40x125xi32, #tpu.memory_space<hbm>> -> memref<40x125xi32, #tpu.memory_space<hbm>>
      tpu.wait_dma2 semaphore(%run_scoped3A_36 : memref<!tpu.dma_semaphore, #tpu.memory_space<semaphore_mem>>) src(%dma_wait3A_52 : memref<40x125xi32, #tpu.memory_space<hbm>>) dst(%arg8 : memref<40x125xi32, #tpu.memory_space<vmem>>)
      tpu.yield
    }) : () -> ()
    %mul3A_1 = arith.constant 632 : i32
    %mul3A_2 = arith.muli %arg1, %mul3A_1 : i32
    "tpu.region"() ({
      %run_scoped3A_36 = tpu.sem_alloc : memref<!tpu.dma_semaphore, #tpu.memory_space<semaphore_mem>>
      %dma_start3A_37 = arith.constant 0 : i32
      %dma_start3A_38 = tpu.memref_slice %arg11[%mul3A_2, %dma_start3A_37] : memref<10112x128xf32, #tpu.memory_space<vmem_shared>> -> memref<632x128xf32, #tpu.memory_space<vmem_shared>>
      %dma_start3A_39 = arith.constant 0 : i32
      %dma_start3A_40 = tpu.memref_slice %arg5[%mul3A_2, %dma_start3A_39] : memref<10112x128xf32, #tpu.memory_space<hbm>> -> memref<632x128xf32, #tpu.memory_space<hbm>>
      tpu.enqueue_dma source(%dma_start3A_40 : memref<632x128xf32, #tpu.memory_space<hbm>>) target(%dma_start3A_38 : memref<632x128xf32, #tpu.memory_space<vmem_shared>>) target_semaphore(%run_scoped3A_36 : memref<!tpu.dma_semaphore, #tpu.memory_space<semaphore_mem>>)
      %dma_wait3A_41 = arith.constant 0 : i32
      %dma_wait3A_42 = tpu.memref_slice %arg11[%mul3A_2, %dma_wait3A_41] : memref<10112x128xf32, #tpu.memory_space<vmem_shared>> -> memref<632x128xf32, #tpu.memory_space<vmem_shared>>
      %dma_wait3A_43 = arith.constant 0 : i32
      %dma_wait3A_44 = tpu.memref_slice %arg5[%mul3A_2, %dma_wait3A_43] : memref<10112x128xf32, #tpu.memory_space<hbm>> -> memref<632x128xf32, #tpu.memory_space<hbm>>
      tpu.wait_dma2 semaphore(%run_scoped3A_36 : memref<!tpu.dma_semaphore, #tpu.memory_space<semaphore_mem>>) src(%dma_wait3A_44 : memref<632x128xf32, #tpu.memory_space<hbm>>) dst(%dma_wait3A_42 : memref<632x128xf32, #tpu.memory_space<vmem_shared>>)
      tpu.yield
    }) : () -> ()
    %barrier3A = arith.constant 0 : index
    tpu.barrier barrier_id(%barrier3A)
    %dma_start3A = arith.constant 0 : i32
    %dma_start3A_3 = arith.constant 0 : i32
    %dma_start3A_4 = tpu.memref_slice %arg7[%dma_start3A, %dma_start3A_3] : memref<40x125xi32, #tpu.memory_space<vmem>> -> memref<1x125xi32, #tpu.memory_space<vmem>>
    %dma_start3A_5 = tpu.memref_squeeze %dma_start3A_4 : memref<1x125xi32, #tpu.memory_space<vmem>> -> memref<125xi32, #tpu.memory_space<vmem>>
    %dma_start3A_6 = arith.constant 0 : i32
    %dma_start3A_7 = arith.constant 0 : i32
    %dma_start3A_8 = tpu.memref_slice %arg2[%dma_start3A_6, %dma_start3A_7] : memref<10000x128xf32, #tpu.memory_space<hbm>> -> memref<10000x128xf32, #tpu.memory_space<hbm>>
    tpu.enqueue_indirect_dma source(%dma_start3A_8 : memref<10000x128xf32, #tpu.memory_space<hbm>>) target(%arg9 : memref<125x128xf32, #tpu.memory_space<vmem>>) offsets(%dma_start3A_5 : memref<125xi32, #tpu.memory_space<vmem>>) semaphore(%arg12 : memref<!tpu.dma_semaphore, #tpu.memory_space<semaphore_mem>>)
    %dma_start3A_9 = arith.constant 1 : i32
    %dma_start3A_10 = arith.constant 0 : i32
    %dma_start3A_11 = tpu.memref_slice %arg7[%dma_start3A_9, %dma_start3A_10] : memref<40x125xi32, #tpu.memory_space<vmem>> -> memref<1x125xi32, #tpu.memory_space<vmem>>
    %dma_start3A_12 = tpu.memref_squeeze %dma_start3A_11 : memref<1x125xi32, #tpu.memory_space<vmem>> -> memref<125xi32, #tpu.memory_space<vmem>>
    %dma_start3A_13 = arith.constant 0 : i32
    %dma_start3A_14 = arith.constant 0 : i32
    %dma_start3A_15 = tpu.memref_slice %arg2[%dma_start3A_13, %dma_start3A_14] : memref<10000x128xf32, #tpu.memory_space<hbm>> -> memref<10000x128xf32, #tpu.memory_space<hbm>>
    tpu.enqueue_indirect_dma source(%dma_start3A_15 : memref<10000x128xf32, #tpu.memory_space<hbm>>) target(%arg10 : memref<125x128xf32, #tpu.memory_space<vmem>>) offsets(%dma_start3A_12 : memref<125xi32, #tpu.memory_space<vmem>>) semaphore(%arg13 : memref<!tpu.dma_semaphore, #tpu.memory_space<semaphore_mem>>)
    %scan3A = arith.constant 0 : i32
    %scan3A_16 = arith.constant 0 : i32
    %scan3A_17 = arith.constant 19 : i32
    %scan3A_18 = arith.addi %scan3A_16, %scan3A_17 : i32
    %scan3A_19 = arith.constant 1 : i32
    scf.for %scan3A_36 = %scan3A_16 to %scan3A_18 step %scan3A_19  : i32 {
      %mul3A_37 = arith.constant 2 : i32
      %mul3A_38 = arith.muli %mul3A_37, %scan3A_36 : i32
      %dma_wait3A_39 = arith.constant 0 : i32
      %dma_wait3A_40 = tpu.memref_slice %arg7[%mul3A_38, %dma_wait3A_39] : memref<40x125xi32, #tpu.memory_space<vmem>> -> memref<1x125xi32, #tpu.memory_space<vmem>>
      %dma_wait3A_41 = tpu.memref_squeeze %dma_wait3A_40 : memref<1x125xi32, #tpu.memory_space<vmem>> -> memref<125xi32, #tpu.memory_space<vmem>>
      %dma_wait3A_42 = arith.constant 0 : i32
      %dma_wait3A_43 = arith.constant 0 : i32
      %dma_wait3A_44 = tpu.memref_slice %arg2[%dma_wait3A_42, %dma_wait3A_43] : memref<10000x128xf32, #tpu.memory_space<hbm>> -> memref<10000x128xf32, #tpu.memory_space<hbm>>
      tpu.wait_indirect_dma semaphore(%arg12 : memref<!tpu.dma_semaphore, #tpu.memory_space<semaphore_mem>>) src(%dma_wait3A_44 : memref<10000x128xf32, #tpu.memory_space<hbm>>) dst(%arg9 : memref<125x128xf32, #tpu.memory_space<vmem>>)
      "tpu.region"() ({
        %run_scoped3A_71 = tpu.sem_alloc : memref<!tpu.dma_semaphore, #tpu.memory_space<semaphore_mem>>
        %dma_start3A_72 = arith.constant 0 : i32
        %dma_start3A_73 = tpu.memref_slice %arg8[%mul3A_38, %dma_start3A_72] : memref<40x125xi32, #tpu.memory_space<vmem>> -> memref<1x125xi32, #tpu.memory_space<vmem>>
        %dma_start3A_74 = tpu.memref_squeeze %dma_start3A_73 : memref<1x125xi32, #tpu.memory_space<vmem>> -> memref<125xi32, #tpu.memory_space<vmem>>
        %dma_start3A_75 = arith.constant 0 : i32
        %dma_start3A_76 = arith.constant 0 : i32
        %dma_start3A_77 = tpu.memref_slice %arg11[%dma_start3A_75, %dma_start3A_76] : memref<10112x128xf32, #tpu.memory_space<vmem_shared>> -> memref<10112x128xf32, #tpu.memory_space<vmem_shared>>
        tpu.enqueue_indirect_dma source(%arg9 : memref<125x128xf32, #tpu.memory_space<vmem>>) target(%dma_start3A_77 : memref<10112x128xf32, #tpu.memory_space<vmem_shared>>) offsets(%dma_start3A_74 : memref<125xi32, #tpu.memory_space<vmem>>) semaphore(%run_scoped3A_71 : memref<!tpu.dma_semaphore, #tpu.memory_space<semaphore_mem>>) {add = true}
        %dma_wait3A_78 = arith.constant 0 : i32
        %dma_wait3A_79 = tpu.memref_slice %arg8[%mul3A_38, %dma_wait3A_78] : memref<40x125xi32, #tpu.memory_space<vmem>> -> memref<1x125xi32, #tpu.memory_space<vmem>>
        %dma_wait3A_80 = tpu.memref_squeeze %dma_wait3A_79 : memref<1x125xi32, #tpu.memory_space<vmem>> -> memref<125xi32, #tpu.memory_space<vmem>>
        %dma_wait3A_81 = arith.constant 0 : i32
        %dma_wait3A_82 = arith.constant 0 : i32
        %dma_wait3A_83 = tpu.memref_slice %arg11[%dma_wait3A_81, %dma_wait3A_82] : memref<10112x128xf32, #tpu.memory_space<vmem_shared>> -> memref<10112x128xf32, #tpu.memory_space<vmem_shared>>
        tpu.wait_indirect_dma semaphore(%run_scoped3A_71 : memref<!tpu.dma_semaphore, #tpu.memory_space<semaphore_mem>>) src(%arg9 : memref<125x128xf32, #tpu.memory_space<vmem>>) dst(%dma_wait3A_83 : memref<10112x128xf32, #tpu.memory_space<vmem_shared>>)
        tpu.yield
      }) : () -> ()
      %add3A_45 = arith.constant 2 : i32
      %add3A_46 = arith.addi %mul3A_38, %add3A_45 : i32
      %dma_start3A_47 = arith.constant 0 : i32
      %dma_start3A_48 = tpu.memref_slice %arg7[%add3A_46, %dma_start3A_47] : memref<40x125xi32, #tpu.memory_space<vmem>> -> memref<1x125xi32, #tpu.memory_space<vmem>>
      %dma_start3A_49 = tpu.memref_squeeze %dma_start3A_48 : memref<1x125xi32, #tpu.memory_space<vmem>> -> memref<125xi32, #tpu.memory_space<vmem>>
      %dma_start3A_50 = arith.constant 0 : i32
      %dma_start3A_51 = arith.constant 0 : i32
      %dma_start3A_52 = tpu.memref_slice %arg2[%dma_start3A_50, %dma_start3A_51] : memref<10000x128xf32, #tpu.memory_space<hbm>> -> memref<10000x128xf32, #tpu.memory_space<hbm>>
      tpu.enqueue_indirect_dma source(%dma_start3A_52 : memref<10000x128xf32, #tpu.memory_space<hbm>>) target(%arg9 : memref<125x128xf32, #tpu.memory_space<vmem>>) offsets(%dma_start3A_49 : memref<125xi32, #tpu.memory_space<vmem>>) semaphore(%arg12 : memref<!tpu.dma_semaphore, #tpu.memory_space<semaphore_mem>>)
      %add3A_53 = arith.constant 1 : i32
      %add3A_54 = arith.addi %mul3A_38, %add3A_53 : i32
      %dma_wait3A_55 = arith.constant 0 : i32
      %dma_wait3A_56 = tpu.memref_slice %arg7[%add3A_54, %dma_wait3A_55] : memref<40x125xi32, #tpu.memory_space<vmem>> -> memref<1x125xi32, #tpu.memory_space<vmem>>
      %dma_wait3A_57 = tpu.memref_squeeze %dma_wait3A_56 : memref<1x125xi32, #tpu.memory_space<vmem>> -> memref<125xi32, #tpu.memory_space<vmem>>
      %dma_wait3A_58 = arith.constant 0 : i32
      %dma_wait3A_59 = arith.constant 0 : i32
      %dma_wait3A_60 = tpu.memref_slice %arg2[%dma_wait3A_58, %dma_wait3A_59] : memref<10000x128xf32, #tpu.memory_space<hbm>> -> memref<10000x128xf32, #tpu.memory_space<hbm>>
      tpu.wait_indirect_dma semaphore(%arg13 : memref<!tpu.dma_semaphore, #tpu.memory_space<semaphore_mem>>) src(%dma_wait3A_60 : memref<10000x128xf32, #tpu.memory_space<hbm>>) dst(%arg10 : memref<125x128xf32, #tpu.memory_space<vmem>>)
      %add3A_61 = arith.constant 1 : i32
      %add3A_62 = arith.addi %mul3A_38, %add3A_61 : i32
      "tpu.region"() ({
        %run_scoped3A_71 = tpu.sem_alloc : memref<!tpu.dma_semaphore, #tpu.memory_space<semaphore_mem>>
        %dma_start3A_72 = arith.constant 0 : i32
        %dma_start3A_73 = tpu.memref_slice %arg8[%add3A_62, %dma_start3A_72] : memref<40x125xi32, #tpu.memory_space<vmem>> -> memref<1x125xi32, #tpu.memory_space<vmem>>
        %dma_start3A_74 = tpu.memref_squeeze %dma_start3A_73 : memref<1x125xi32, #tpu.memory_space<vmem>> -> memref<125xi32, #tpu.memory_space<vmem>>
        %dma_start3A_75 = arith.constant 0 : i32
        %dma_start3A_76 = arith.constant 0 : i32
        %dma_start3A_77 = tpu.memref_slice %arg11[%dma_start3A_75, %dma_start3A_76] : memref<10112x128xf32, #tpu.memory_space<vmem_shared>> -> memref<10112x128xf32, #tpu.memory_space<vmem_shared>>
        tpu.enqueue_indirect_dma source(%arg10 : memref<125x128xf32, #tpu.memory_space<vmem>>) target(%dma_start3A_77 : memref<10112x128xf32, #tpu.memory_space<vmem_shared>>) offsets(%dma_start3A_74 : memref<125xi32, #tpu.memory_space<vmem>>) semaphore(%run_scoped3A_71 : memref<!tpu.dma_semaphore, #tpu.memory_space<semaphore_mem>>) {add = true}
        %dma_wait3A_78 = arith.constant 0 : i32
        %dma_wait3A_79 = tpu.memref_slice %arg8[%add3A_62, %dma_wait3A_78] : memref<40x125xi32, #tpu.memory_space<vmem>> -> memref<1x125xi32, #tpu.memory_space<vmem>>
        %dma_wait3A_80 = tpu.memref_squeeze %dma_wait3A_79 : memref<1x125xi32, #tpu.memory_space<vmem>> -> memref<125xi32, #tpu.memory_space<vmem>>
        %dma_wait3A_81 = arith.constant 0 : i32
        %dma_wait3A_82 = arith.constant 0 : i32
        %dma_wait3A_83 = tpu.memref_slice %arg11[%dma_wait3A_81, %dma_wait3A_82] : memref<10112x128xf32, #tpu.memory_space<vmem_shared>> -> memref<10112x128xf32, #tpu.memory_space<vmem_shared>>
        tpu.wait_indirect_dma semaphore(%run_scoped3A_71 : memref<!tpu.dma_semaphore, #tpu.memory_space<semaphore_mem>>) src(%arg10 : memref<125x128xf32, #tpu.memory_space<vmem>>) dst(%dma_wait3A_83 : memref<10112x128xf32, #tpu.memory_space<vmem_shared>>)
        tpu.yield
      }) : () -> ()
      %add3A_63 = arith.constant 3 : i32
      %add3A_64 = arith.addi %mul3A_38, %add3A_63 : i32
      %dma_start3A_65 = arith.constant 0 : i32
      %dma_start3A_66 = tpu.memref_slice %arg7[%add3A_64, %dma_start3A_65] : memref<40x125xi32, #tpu.memory_space<vmem>> -> memref<1x125xi32, #tpu.memory_space<vmem>>
      %dma_start3A_67 = tpu.memref_squeeze %dma_start3A_66 : memref<1x125xi32, #tpu.memory_space<vmem>> -> memref<125xi32, #tpu.memory_space<vmem>>
      %dma_start3A_68 = arith.constant 0 : i32
      %dma_start3A_69 = arith.constant 0 : i32
      %dma_start3A_70 = tpu.memref_slice %arg2[%dma_start3A_68, %dma_start3A_69] : memref<10000x128xf32, #tpu.memory_space<hbm>> -> memref<10000x128xf32, #tpu.memory_space<hbm>>
      tpu.enqueue_indirect_dma source(%dma_start3A_70 : memref<10000x128xf32, #tpu.memory_space<hbm>>) target(%arg10 : memref<125x128xf32, #tpu.memory_space<vmem>>) offsets(%dma_start3A_67 : memref<125xi32, #tpu.memory_space<vmem>>) semaphore(%arg13 : memref<!tpu.dma_semaphore, #tpu.memory_space<semaphore_mem>>)
    }
    %scan3A_20 = arith.constant 19 : i32
    %dma_wait3A = arith.constant 38 : i32
    %dma_wait3A_21 = arith.constant 0 : i32
    %dma_wait3A_22 = tpu.memref_slice %arg7[%dma_wait3A, %dma_wait3A_21] : memref<40x125xi32, #tpu.memory_space<vmem>> -> memref<1x125xi32, #tpu.memory_space<vmem>>
    %dma_wait3A_23 = tpu.memref_squeeze %dma_wait3A_22 : memref<1x125xi32, #tpu.memory_space<vmem>> -> memref<125xi32, #tpu.memory_space<vmem>>
    %dma_wait3A_24 = arith.constant 0 : i32
    %dma_wait3A_25 = arith.constant 0 : i32
    %dma_wait3A_26 = tpu.memref_slice %arg2[%dma_wait3A_24, %dma_wait3A_25] : memref<10000x128xf32, #tpu.memory_space<hbm>> -> memref<10000x128xf32, #tpu.memory_space<hbm>>
    tpu.wait_indirect_dma semaphore(%arg12 : memref<!tpu.dma_semaphore, #tpu.memory_space<semaphore_mem>>) src(%dma_wait3A_26 : memref<10000x128xf32, #tpu.memory_space<hbm>>) dst(%arg9 : memref<125x128xf32, #tpu.memory_space<vmem>>)
    %run_scoped3A = arith.constant 38 : i32
    "tpu.region"() ({
      %run_scoped3A_36 = tpu.sem_alloc : memref<!tpu.dma_semaphore, #tpu.memory_space<semaphore_mem>>
      %dma_start3A_37 = arith.constant 0 : i32
      %dma_start3A_38 = tpu.memref_slice %arg8[%run_scoped3A, %dma_start3A_37] : memref<40x125xi32, #tpu.memory_space<vmem>> -> memref<1x125xi32, #tpu.memory_space<vmem>>
      %dma_start3A_39 = tpu.memref_squeeze %dma_start3A_38 : memref<1x125xi32, #tpu.memory_space<vmem>> -> memref<125xi32, #tpu.memory_space<vmem>>
      %dma_start3A_40 = arith.constant 0 : i32
      %dma_start3A_41 = arith.constant 0 : i32
      %dma_start3A_42 = tpu.memref_slice %arg11[%dma_start3A_40, %dma_start3A_41] : memref<10112x128xf32, #tpu.memory_space<vmem_shared>> -> memref<10112x128xf32, #tpu.memory_space<vmem_shared>>
      tpu.enqueue_indirect_dma source(%arg9 : memref<125x128xf32, #tpu.memory_space<vmem>>) target(%dma_start3A_42 : memref<10112x128xf32, #tpu.memory_space<vmem_shared>>) offsets(%dma_start3A_39 : memref<125xi32, #tpu.memory_space<vmem>>) semaphore(%run_scoped3A_36 : memref<!tpu.dma_semaphore, #tpu.memory_space<semaphore_mem>>) {add = true}
      %dma_wait3A_43 = arith.constant 0 : i32
      %dma_wait3A_44 = tpu.memref_slice %arg8[%run_scoped3A, %dma_wait3A_43] : memref<40x125xi32, #tpu.memory_space<vmem>> -> memref<1x125xi32, #tpu.memory_space<vmem>>
      %dma_wait3A_45 = tpu.memref_squeeze %dma_wait3A_44 : memref<1x125xi32, #tpu.memory_space<vmem>> -> memref<125xi32, #tpu.memory_space<vmem>>
      %dma_wait3A_46 = arith.constant 0 : i32
      %dma_wait3A_47 = arith.constant 0 : i32
      %dma_wait3A_48 = tpu.memref_slice %arg11[%dma_wait3A_46, %dma_wait3A_47] : memref<10112x128xf32, #tpu.memory_space<vmem_shared>> -> memref<10112x128xf32, #tpu.memory_space<vmem_shared>>
      tpu.wait_indirect_dma semaphore(%run_scoped3A_36 : memref<!tpu.dma_semaphore, #tpu.memory_space<semaphore_mem>>) src(%arg9 : memref<125x128xf32, #tpu.memory_space<vmem>>) dst(%dma_wait3A_48 : memref<10112x128xf32, #tpu.memory_space<vmem_shared>>)
      tpu.yield
    }) : () -> ()
    %dma_wait3A_27 = arith.constant 39 : i32
    %dma_wait3A_28 = arith.constant 0 : i32
    %dma_wait3A_29 = tpu.memref_slice %arg7[%dma_wait3A_27, %dma_wait3A_28] : memref<40x125xi32, #tpu.memory_space<vmem>> -> memref<1x125xi32, #tpu.memory_space<vmem>>
    %dma_wait3A_30 = tpu.memref_squeeze %dma_wait3A_29 : memref<1x125xi32, #tpu.memory_space<vmem>> -> memref<125xi32, #tpu.memory_space<vmem>>
    %dma_wait3A_31 = arith.constant 0 : i32
    %dma_wait3A_32 = arith.constant 0 : i32
    %dma_wait3A_33 = tpu.memref_slice %arg2[%dma_wait3A_31, %dma_wait3A_32] : memref<10000x128xf32, #tpu.memory_space<hbm>> -> memref<10000x128xf32, #tpu.memory_space<hbm>>
    tpu.wait_indirect_dma semaphore(%arg13 : memref<!tpu.dma_semaphore, #tpu.memory_space<semaphore_mem>>) src(%dma_wait3A_33 : memref<10000x128xf32, #tpu.memory_space<hbm>>) dst(%arg10 : memref<125x128xf32, #tpu.memory_space<vmem>>)
    %run_scoped3A_34 = arith.constant 39 : i32
    "tpu.region"() ({
      %run_scoped3A_36 = tpu.sem_alloc : memref<!tpu.dma_semaphore, #tpu.memory_space<semaphore_mem>>
      %dma_start3A_37 = arith.constant 0 : i32
      %dma_start3A_38 = tpu.memref_slice %arg8[%run_scoped3A_34, %dma_start3A_37] : memref<40x125xi32, #tpu.memory_space<vmem>> -> memref<1x125xi32, #tpu.memory_space<vmem>>
      %dma_start3A_39 = tpu.memref_squeeze %dma_start3A_38 : memref<1x125xi32, #tpu.memory_space<vmem>> -> memref<125xi32, #tpu.memory_space<vmem>>
      %dma_start3A_40 = arith.constant 0 : i32
      %dma_start3A_41 = arith.constant 0 : i32
      %dma_start3A_42 = tpu.memref_slice %arg11[%dma_start3A_40, %dma_start3A_41] : memref<10112x128xf32, #tpu.memory_space<vmem_shared>> -> memref<10112x128xf32, #tpu.memory_space<vmem_shared>>
      tpu.enqueue_indirect_dma source(%arg10 : memref<125x128xf32, #tpu.memory_space<vmem>>) target(%dma_start3A_42 : memref<10112x128xf32, #tpu.memory_space<vmem_shared>>) offsets(%dma_start3A_39 : memref<125xi32, #tpu.memory_space<vmem>>) semaphore(%run_scoped3A_36 : memref<!tpu.dma_semaphore, #tpu.memory_space<semaphore_mem>>) {add = true}
      %dma_wait3A_43 = arith.constant 0 : i32
      %dma_wait3A_44 = tpu.memref_slice %arg8[%run_scoped3A_34, %dma_wait3A_43] : memref<40x125xi32, #tpu.memory_space<vmem>> -> memref<1x125xi32, #tpu.memory_space<vmem>>
      %dma_wait3A_45 = tpu.memref_squeeze %dma_wait3A_44 : memref<1x125xi32, #tpu.memory_space<vmem>> -> memref<125xi32, #tpu.memory_space<vmem>>
      %dma_wait3A_46 = arith.constant 0 : i32
      %dma_wait3A_47 = arith.constant 0 : i32
      %dma_wait3A_48 = tpu.memref_slice %arg11[%dma_wait3A_46, %dma_wait3A_47] : memref<10112x128xf32, #tpu.memory_space<vmem_shared>> -> memref<10112x128xf32, #tpu.memory_space<vmem_shared>>
      tpu.wait_indirect_dma semaphore(%run_scoped3A_36 : memref<!tpu.dma_semaphore, #tpu.memory_space<semaphore_mem>>) src(%arg10 : memref<125x128xf32, #tpu.memory_space<vmem>>) dst(%dma_wait3A_48 : memref<10112x128xf32, #tpu.memory_space<vmem_shared>>)
      tpu.yield
    }) : () -> ()
    %barrier3A_35 = arith.constant 0 : index
    tpu.barrier barrier_id(%barrier3A_35)
    "tpu.region"() ({
      %run_scoped3A_36 = tpu.sem_alloc : memref<!tpu.dma_semaphore, #tpu.memory_space<semaphore_mem>>
      %dma_start3A_37 = arith.constant 0 : i32
      %dma_start3A_38 = tpu.memref_slice %arg6[%arg0, %mul3A_2, %dma_start3A_37] : memref<2x10112x128xf32, #tpu.memory_space<hbm>> -> memref<1x632x128xf32, #tpu.memory_space<hbm>>
      %dma_start3A_39 = tpu.memref_squeeze %dma_start3A_38 : memref<1x632x128xf32, #tpu.memory_space<hbm>> -> memref<632x128xf32, #tpu.memory_space<hbm>>
      %dma_start3A_40 = arith.constant 0 : i32
      %dma_start3A_41 = tpu.memref_slice %arg11[%mul3A_2, %dma_start3A_40] : memref<10112x128xf32, #tpu.memory_space<vmem_shared>> -> memref<632x128xf32, #tpu.memory_space<vmem_shared>>
      tpu.enqueue_dma source(%dma_start3A_41 : memref<632x128xf32, #tpu.memory_space<vmem_shared>>) target(%dma_start3A_39 : memref<632x128xf32, #tpu.memory_space<hbm>>) target_semaphore(%run_scoped3A_36 : memref<!tpu.dma_semaphore, #tpu.memory_space<semaphore_mem>>)
      %dma_wait3A_42 = arith.constant 0 : i32
      %dma_wait3A_43 = tpu.memref_slice %arg6[%arg0, %mul3A_2, %dma_wait3A_42] : memref<2x10112x128xf32, #tpu.memory_space<hbm>> -> memref<1x632x128xf32, #tpu.memory_space<hbm>>
      %dma_wait3A_44 = tpu.memref_squeeze %dma_wait3A_43 : memref<1x632x128xf32, #tpu.memory_space<hbm>> -> memref<632x128xf32, #tpu.memory_space<hbm>>
      %dma_wait3A_45 = arith.constant 0 : i32
      %dma_wait3A_46 = tpu.memref_slice %arg11[%mul3A_2, %dma_wait3A_45] : memref<10112x128xf32, #tpu.memory_space<vmem_shared>> -> memref<632x128xf32, #tpu.memory_space<vmem_shared>>
      tpu.wait_dma2 semaphore(%run_scoped3A_36 : memref<!tpu.dma_semaphore, #tpu.memory_space<semaphore_mem>>) src(%dma_wait3A_46 : memref<632x128xf32, #tpu.memory_space<vmem_shared>>) dst(%dma_wait3A_44 : memref<632x128xf32, #tpu.memory_space<hbm>>)
      tpu.yield
    }) : () -> ()
    return
  }
}

#map = affine_map<(d0, d1) -> (0, 0)>
#map1 = affine_map<(d0, d1) -> (0, 0, 0)>
module attributes {stable_mosaic.version = 14 : i64} {
  func.func @_prop_sc(%arg0: i32, %arg1: i32, %arg2: memref<10000x128xf32, #tpu.memory_space<hbm>>, %arg3: memref<32x40x125xi32, #tpu.memory_space<hbm>>, %arg4: memref<32x40x125xi32, #tpu.memory_space<hbm>>, %arg5: memref<10112x128xf32, #tpu.memory_space<hbm>>, %arg6: memref<2x10112x128xf32, #tpu.memory_space<hbm>>, %arg7: memref<40x125xi32, #tpu.memory_space<vmem>>, %arg8: memref<40x125xi32, #tpu.memory_space<vmem>>, %arg9: memref<125x128xf32, #tpu.memory_space<vmem>>, %arg10: memref<125x128xf32, #tpu.memory_space<vmem>>, %arg11: memref<10112x128xf32, #tpu.memory_space<vmem_shared>>, %arg12: memref<!tpu.dma_semaphore, #tpu.memory_space<semaphore_mem>>, %arg13: memref<!tpu.dma_semaphore, #tpu.memory_space<semaphore_mem>>) attributes {dimension_semantics = [#tpu.dimension_semantics<core_parallel>, #tpu.dimension_semantics<subcore_parallel>], iteration_bounds = array<i64: 2, 16>, scalar_prefetch = 0 : i64, scratch_operands = 7 : i64, tpu.core_type = #tpu.core_type<sc_vector_subcore>, window_params = [{transform_indices = #map}, {transform_indices = #map1}, {transform_indices = #map1}, {transform_indices = #map}, {transform_indices = #map1}]} {
    %mul3A = arith.constant 2 : i32
    %mul3A_0 = arith.muli %arg1, %mul3A : i32
    %add3A = arith.addi %mul3A_0, %arg0 : i32
    "tpu.region"() ({
      %run_scoped3A_36 = tpu.sem_alloc : memref<!tpu.dma_semaphore, #tpu.memory_space<semaphore_mem>>
      %dma_start3A_37 = arith.constant 0 : i32
      %dma_start3A_38 = arith.constant 0 : i32
      %dma_start3A_39 = tpu.memref_slice %arg3[%add3A, %dma_start3A_37, %dma_start3A_38] : memref<32x40x125xi32, #tpu.memory_space<hbm>> -> memref<1x40x125xi32, #tpu.memory_space<hbm>>
      %dma_start3A_40 = tpu.memref_squeeze %dma_start3A_39 : memref<1x40x125xi32, #tpu.memory_space<hbm>> -> memref<40x125xi32, #tpu.memory_space<hbm>>
      %dma_start3A_41 = arith.constant 0 : i32
      %dma_start3A_42 = arith.constant 0 : i32
      %dma_start3A_43 = tpu.memref_slice %arg3[%add3A, %dma_start3A_41, %dma_start3A_42] : memref<32x40x125xi32, #tpu.memory_space<hbm>> -> memref<1x40x125xi32, #tpu.memory_space<hbm>>
      %dma_start3A_44 = tpu.memref_squeeze %dma_start3A_43 : memref<1x40x125xi32, #tpu.memory_space<hbm>> -> memref<40x125xi32, #tpu.memory_space<hbm>>
      tpu.enqueue_dma source(%dma_start3A_44 : memref<40x125xi32, #tpu.memory_space<hbm>>) target(%arg7 : memref<40x125xi32, #tpu.memory_space<vmem>>) target_semaphore(%run_scoped3A_36 : memref<!tpu.dma_semaphore, #tpu.memory_space<semaphore_mem>>)
      %dma_wait3A_45 = arith.constant 0 : i32
      %dma_wait3A_46 = arith.constant 0 : i32
      %dma_wait3A_47 = tpu.memref_slice %arg3[%add3A, %dma_wait3A_45, %dma_wait3A_46] : memref<32x40x125xi32, #tpu.memory_space<hbm>> -> memref<1x40x125xi32, #tpu.memory_space<hbm>>
      %dma_wait3A_48 = tpu.memref_squeeze %dma_wait3A_47 : memref<1x40x125xi32, #tpu.memory_space<hbm>> -> memref<40x125xi32, #tpu.memory_space<hbm>>
      %dma_wait3A_49 = arith.constant 0 : i32
      %dma_wait3A_50 = arith.constant 0 : i32
      %dma_wait3A_51 = tpu.memref_slice %arg3[%add3A, %dma_wait3A_49, %dma_wait3A_50] : memref<32x40x125xi32, #tpu.memory_space<hbm>> -> memref<1x40x125xi32, #tpu.memory_space<hbm>>
      %dma_wait3A_52 = tpu.memref_squeeze %dma_wait3A_51 : memref<1x40x125xi32, #tpu.memory_space<hbm>> -> memref<40x125xi32, #tpu.memory_space<hbm>>
      tpu.wait_dma2 semaphore(%run_scoped3A_36 : memref<!tpu.dma_semaphore, #tpu.memory_space<semaphore_mem>>) src(%dma_wait3A_52 : memref<40x125xi32, #tpu.memory_space<hbm>>) dst(%arg7 : memref<40x125xi32, #tpu.memory_space<vmem>>)
      tpu.yield
    }) : () -> ()
    "tpu.region"() ({
      %run_scoped3A_36 = tpu.sem_alloc : memref<!tpu.dma_semaphore, #tpu.memory_space<semaphore_mem>>
      %dma_start3A_37 = arith.constant 0 : i32
      %dma_start3A_38 = arith.constant 0 : i32
      %dma_start3A_39 = tpu.memref_slice %arg4[%add3A, %dma_start3A_37, %dma_start3A_38] : memref<32x40x125xi32, #tpu.memory_space<hbm>> -> memref<1x40x125xi32, #tpu.memory_space<hbm>>
      %dma_start3A_40 = tpu.memref_squeeze %dma_start3A_39 : memref<1x40x125xi32, #tpu.memory_space<hbm>> -> memref<40x125xi32, #tpu.memory_space<hbm>>
      %dma_start3A_41 = arith.constant 0 : i32
      %dma_start3A_42 = arith.constant 0 : i32
      %dma_start3A_43 = tpu.memref_slice %arg4[%add3A, %dma_start3A_41, %dma_start3A_42] : memref<32x40x125xi32, #tpu.memory_space<hbm>> -> memref<1x40x125xi32, #tpu.memory_space<hbm>>
      %dma_start3A_44 = tpu.memref_squeeze %dma_start3A_43 : memref<1x40x125xi32, #tpu.memory_space<hbm>> -> memref<40x125xi32, #tpu.memory_space<hbm>>
      tpu.enqueue_dma source(%dma_start3A_44 : memref<40x125xi32, #tpu.memory_space<hbm>>) target(%arg8 : memref<40x125xi32, #tpu.memory_space<vmem>>) target_semaphore(%run_scoped3A_36 : memref<!tpu.dma_semaphore, #tpu.memory_space<semaphore_mem>>)
      %dma_wait3A_45 = arith.constant 0 : i32
      %dma_wait3A_46 = arith.constant 0 : i32
      %dma_wait3A_47 = tpu.memref_slice %arg4[%add3A, %dma_wait3A_45, %dma_wait3A_46] : memref<32x40x125xi32, #tpu.memory_space<hbm>> -> memref<1x40x125xi32, #tpu.memory_space<hbm>>
      %dma_wait3A_48 = tpu.memref_squeeze %dma_wait3A_47 : memref<1x40x125xi32, #tpu.memory_space<hbm>> -> memref<40x125xi32, #tpu.memory_space<hbm>>
      %dma_wait3A_49 = arith.constant 0 : i32
      %dma_wait3A_50 = arith.constant 0 : i32
      %dma_wait3A_51 = tpu.memref_slice %arg4[%add3A, %dma_wait3A_49, %dma_wait3A_50] : memref<32x40x125xi32, #tpu.memory_space<hbm>> -> memref<1x40x125xi32, #tpu.memory_space<hbm>>
      %dma_wait3A_52 = tpu.memref_squeeze %dma_wait3A_51 : memref<1x40x125xi32, #tpu.memory_space<hbm>> -> memref<40x125xi32, #tpu.memory_space<hbm>>
      tpu.wait_dma2 semaphore(%run_scoped3A_36 : memref<!tpu.dma_semaphore, #tpu.memory_space<semaphore_mem>>) src(%dma_wait3A_52 : memref<40x125xi32, #tpu.memory_space<hbm>>) dst(%arg8 : memref<40x125xi32, #tpu.memory_space<vmem>>)
      tpu.yield
    }) : () -> ()
    %mul3A_1 = arith.constant 632 : i32
    %mul3A_2 = arith.muli %arg1, %mul3A_1 : i32
    "tpu.region"() ({
      %run_scoped3A_36 = tpu.sem_alloc : memref<!tpu.dma_semaphore, #tpu.memory_space<semaphore_mem>>
      %dma_start3A_37 = arith.constant 0 : i32
      %dma_start3A_38 = tpu.memref_slice %arg11[%mul3A_2, %dma_start3A_37] : memref<10112x128xf32, #tpu.memory_space<vmem_shared>> -> memref<632x128xf32, #tpu.memory_space<vmem_shared>>
      %dma_start3A_39 = arith.constant 0 : i32
      %dma_start3A_40 = tpu.memref_slice %arg5[%mul3A_2, %dma_start3A_39] : memref<10112x128xf32, #tpu.memory_space<hbm>> -> memref<632x128xf32, #tpu.memory_space<hbm>>
      tpu.enqueue_dma source(%dma_start3A_40 : memref<632x128xf32, #tpu.memory_space<hbm>>) target(%dma_start3A_38 : memref<632x128xf32, #tpu.memory_space<vmem_shared>>) target_semaphore(%run_scoped3A_36 : memref<!tpu.dma_semaphore, #tpu.memory_space<semaphore_mem>>)
      %dma_wait3A_41 = arith.constant 0 : i32
      %dma_wait3A_42 = tpu.memref_slice %arg11[%mul3A_2, %dma_wait3A_41] : memref<10112x128xf32, #tpu.memory_space<vmem_shared>> -> memref<632x128xf32, #tpu.memory_space<vmem_shared>>
      %dma_wait3A_43 = arith.constant 0 : i32
      %dma_wait3A_44 = tpu.memref_slice %arg5[%mul3A_2, %dma_wait3A_43] : memref<10112x128xf32, #tpu.memory_space<hbm>> -> memref<632x128xf32, #tpu.memory_space<hbm>>
      tpu.wait_dma2 semaphore(%run_scoped3A_36 : memref<!tpu.dma_semaphore, #tpu.memory_space<semaphore_mem>>) src(%dma_wait3A_44 : memref<632x128xf32, #tpu.memory_space<hbm>>) dst(%dma_wait3A_42 : memref<632x128xf32, #tpu.memory_space<vmem_shared>>)
      tpu.yield
    }) : () -> ()
    %barrier3A = arith.constant 0 : index
    tpu.barrier barrier_id(%barrier3A)
    %dma_start3A = arith.constant 0 : i32
    %dma_start3A_3 = arith.constant 0 : i32
    %dma_start3A_4 = tpu.memref_slice %arg7[%dma_start3A, %dma_start3A_3] : memref<40x125xi32, #tpu.memory_space<vmem>> -> memref<1x125xi32, #tpu.memory_space<vmem>>
    %dma_start3A_5 = tpu.memref_squeeze %dma_start3A_4 : memref<1x125xi32, #tpu.memory_space<vmem>> -> memref<125xi32, #tpu.memory_space<vmem>>
    %dma_start3A_6 = arith.constant 0 : i32
    %dma_start3A_7 = arith.constant 0 : i32
    %dma_start3A_8 = tpu.memref_slice %arg2[%dma_start3A_6, %dma_start3A_7] : memref<10000x128xf32, #tpu.memory_space<hbm>> -> memref<10000x128xf32, #tpu.memory_space<hbm>>
    tpu.enqueue_indirect_dma source(%dma_start3A_8 : memref<10000x128xf32, #tpu.memory_space<hbm>>) target(%arg9 : memref<125x128xf32, #tpu.memory_space<vmem>>) offsets(%dma_start3A_5 : memref<125xi32, #tpu.memory_space<vmem>>) semaphore(%arg12 : memref<!tpu.dma_semaphore, #tpu.memory_space<semaphore_mem>>)
    %dma_start3A_9 = arith.constant 1 : i32
    %dma_start3A_10 = arith.constant 0 : i32
    %dma_start3A_11 = tpu.memref_slice %arg7[%dma_start3A_9, %dma_start3A_10] : memref<40x125xi32, #tpu.memory_space<vmem>> -> memref<1x125xi32, #tpu.memory_space<vmem>>
    %dma_start3A_12 = tpu.memref_squeeze %dma_start3A_11 : memref<1x125xi32, #tpu.memory_space<vmem>> -> memref<125xi32, #tpu.memory_space<vmem>>
    %dma_start3A_13 = arith.constant 0 : i32
    %dma_start3A_14 = arith.constant 0 : i32
    %dma_start3A_15 = tpu.memref_slice %arg2[%dma_start3A_13, %dma_start3A_14] : memref<10000x128xf32, #tpu.memory_space<hbm>> -> memref<10000x128xf32, #tpu.memory_space<hbm>>
    tpu.enqueue_indirect_dma source(%dma_start3A_15 : memref<10000x128xf32, #tpu.memory_space<hbm>>) target(%arg10 : memref<125x128xf32, #tpu.memory_space<vmem>>) offsets(%dma_start3A_12 : memref<125xi32, #tpu.memory_space<vmem>>) semaphore(%arg13 : memref<!tpu.dma_semaphore, #tpu.memory_space<semaphore_mem>>)
    %scan3A = arith.constant 0 : i32
    %scan3A_16 = arith.constant 0 : i32
    %scan3A_17 = arith.constant 19 : i32
    %scan3A_18 = arith.addi %scan3A_16, %scan3A_17 : i32
    %scan3A_19 = arith.constant 1 : i32
    scf.for %scan3A_36 = %scan3A_16 to %scan3A_18 step %scan3A_19  : i32 {
      %mul3A_37 = arith.constant 2 : i32
      %mul3A_38 = arith.muli %mul3A_37, %scan3A_36 : i32
      %dma_wait3A_39 = arith.constant 0 : i32
      %dma_wait3A_40 = tpu.memref_slice %arg7[%mul3A_38, %dma_wait3A_39] : memref<40x125xi32, #tpu.memory_space<vmem>> -> memref<1x125xi32, #tpu.memory_space<vmem>>
      %dma_wait3A_41 = tpu.memref_squeeze %dma_wait3A_40 : memref<1x125xi32, #tpu.memory_space<vmem>> -> memref<125xi32, #tpu.memory_space<vmem>>
      %dma_wait3A_42 = arith.constant 0 : i32
      %dma_wait3A_43 = arith.constant 0 : i32
      %dma_wait3A_44 = tpu.memref_slice %arg2[%dma_wait3A_42, %dma_wait3A_43] : memref<10000x128xf32, #tpu.memory_space<hbm>> -> memref<10000x128xf32, #tpu.memory_space<hbm>>
      tpu.wait_indirect_dma semaphore(%arg12 : memref<!tpu.dma_semaphore, #tpu.memory_space<semaphore_mem>>) src(%dma_wait3A_44 : memref<10000x128xf32, #tpu.memory_space<hbm>>) dst(%arg9 : memref<125x128xf32, #tpu.memory_space<vmem>>)
      "tpu.region"() ({
        %run_scoped3A_71 = tpu.sem_alloc : memref<!tpu.dma_semaphore, #tpu.memory_space<semaphore_mem>>
        %dma_start3A_72 = arith.constant 0 : i32
        %dma_start3A_73 = tpu.memref_slice %arg8[%mul3A_38, %dma_start3A_72] : memref<40x125xi32, #tpu.memory_space<vmem>> -> memref<1x125xi32, #tpu.memory_space<vmem>>
        %dma_start3A_74 = tpu.memref_squeeze %dma_start3A_73 : memref<1x125xi32, #tpu.memory_space<vmem>> -> memref<125xi32, #tpu.memory_space<vmem>>
        %dma_start3A_75 = arith.constant 0 : i32
        %dma_start3A_76 = arith.constant 0 : i32
        %dma_start3A_77 = tpu.memref_slice %arg11[%dma_start3A_75, %dma_start3A_76] : memref<10112x128xf32, #tpu.memory_space<vmem_shared>> -> memref<10112x128xf32, #tpu.memory_space<vmem_shared>>
        tpu.enqueue_indirect_dma source(%arg9 : memref<125x128xf32, #tpu.memory_space<vmem>>) target(%dma_start3A_77 : memref<10112x128xf32, #tpu.memory_space<vmem_shared>>) offsets(%dma_start3A_74 : memref<125xi32, #tpu.memory_space<vmem>>) semaphore(%run_scoped3A_71 : memref<!tpu.dma_semaphore, #tpu.memory_space<semaphore_mem>>) {add = true}
        %dma_wait3A_78 = arith.constant 0 : i32
        %dma_wait3A_79 = tpu.memref_slice %arg8[%mul3A_38, %dma_wait3A_78] : memref<40x125xi32, #tpu.memory_space<vmem>> -> memref<1x125xi32, #tpu.memory_space<vmem>>
        %dma_wait3A_80 = tpu.memref_squeeze %dma_wait3A_79 : memref<1x125xi32, #tpu.memory_space<vmem>> -> memref<125xi32, #tpu.memory_space<vmem>>
        %dma_wait3A_81 = arith.constant 0 : i32
        %dma_wait3A_82 = arith.constant 0 : i32
        %dma_wait3A_83 = tpu.memref_slice %arg11[%dma_wait3A_81, %dma_wait3A_82] : memref<10112x128xf32, #tpu.memory_space<vmem_shared>> -> memref<10112x128xf32, #tpu.memory_space<vmem_shared>>
        tpu.wait_indirect_dma semaphore(%run_scoped3A_71 : memref<!tpu.dma_semaphore, #tpu.memory_space<semaphore_mem>>) src(%arg9 : memref<125x128xf32, #tpu.memory_space<vmem>>) dst(%dma_wait3A_83 : memref<10112x128xf32, #tpu.memory_space<vmem_shared>>)
        tpu.yield
      }) : () -> ()
      %add3A_45 = arith.constant 2 : i32
      %add3A_46 = arith.addi %mul3A_38, %add3A_45 : i32
      %dma_start3A_47 = arith.constant 0 : i32
      %dma_start3A_48 = tpu.memref_slice %arg7[%add3A_46, %dma_start3A_47] : memref<40x125xi32, #tpu.memory_space<vmem>> -> memref<1x125xi32, #tpu.memory_space<vmem>>
      %dma_start3A_49 = tpu.memref_squeeze %dma_start3A_48 : memref<1x125xi32, #tpu.memory_space<vmem>> -> memref<125xi32, #tpu.memory_space<vmem>>
      %dma_start3A_50 = arith.constant 0 : i32
      %dma_start3A_51 = arith.constant 0 : i32
      %dma_start3A_52 = tpu.memref_slice %arg2[%dma_start3A_50, %dma_start3A_51] : memref<10000x128xf32, #tpu.memory_space<hbm>> -> memref<10000x128xf32, #tpu.memory_space<hbm>>
      tpu.enqueue_indirect_dma source(%dma_start3A_52 : memref<10000x128xf32, #tpu.memory_space<hbm>>) target(%arg9 : memref<125x128xf32, #tpu.memory_space<vmem>>) offsets(%dma_start3A_49 : memref<125xi32, #tpu.memory_space<vmem>>) semaphore(%arg12 : memref<!tpu.dma_semaphore, #tpu.memory_space<semaphore_mem>>)
      %add3A_53 = arith.constant 1 : i32
      %add3A_54 = arith.addi %mul3A_38, %add3A_53 : i32
      %dma_wait3A_55 = arith.constant 0 : i32
      %dma_wait3A_56 = tpu.memref_slice %arg7[%add3A_54, %dma_wait3A_55] : memref<40x125xi32, #tpu.memory_space<vmem>> -> memref<1x125xi32, #tpu.memory_space<vmem>>
      %dma_wait3A_57 = tpu.memref_squeeze %dma_wait3A_56 : memref<1x125xi32, #tpu.memory_space<vmem>> -> memref<125xi32, #tpu.memory_space<vmem>>
      %dma_wait3A_58 = arith.constant 0 : i32
      %dma_wait3A_59 = arith.constant 0 : i32
      %dma_wait3A_60 = tpu.memref_slice %arg2[%dma_wait3A_58, %dma_wait3A_59] : memref<10000x128xf32, #tpu.memory_space<hbm>> -> memref<10000x128xf32, #tpu.memory_space<hbm>>
      tpu.wait_indirect_dma semaphore(%arg13 : memref<!tpu.dma_semaphore, #tpu.memory_space<semaphore_mem>>) src(%dma_wait3A_60 : memref<10000x128xf32, #tpu.memory_space<hbm>>) dst(%arg10 : memref<125x128xf32, #tpu.memory_space<vmem>>)
      %add3A_61 = arith.constant 1 : i32
      %add3A_62 = arith.addi %mul3A_38, %add3A_61 : i32
      "tpu.region"() ({
        %run_scoped3A_71 = tpu.sem_alloc : memref<!tpu.dma_semaphore, #tpu.memory_space<semaphore_mem>>
        %dma_start3A_72 = arith.constant 0 : i32
        %dma_start3A_73 = tpu.memref_slice %arg8[%add3A_62, %dma_start3A_72] : memref<40x125xi32, #tpu.memory_space<vmem>> -> memref<1x125xi32, #tpu.memory_space<vmem>>
        %dma_start3A_74 = tpu.memref_squeeze %dma_start3A_73 : memref<1x125xi32, #tpu.memory_space<vmem>> -> memref<125xi32, #tpu.memory_space<vmem>>
        %dma_start3A_75 = arith.constant 0 : i32
        %dma_start3A_76 = arith.constant 0 : i32
        %dma_start3A_77 = tpu.memref_slice %arg11[%dma_start3A_75, %dma_start3A_76] : memref<10112x128xf32, #tpu.memory_space<vmem_shared>> -> memref<10112x128xf32, #tpu.memory_space<vmem_shared>>
        tpu.enqueue_indirect_dma source(%arg10 : memref<125x128xf32, #tpu.memory_space<vmem>>) target(%dma_start3A_77 : memref<10112x128xf32, #tpu.memory_space<vmem_shared>>) offsets(%dma_start3A_74 : memref<125xi32, #tpu.memory_space<vmem>>) semaphore(%run_scoped3A_71 : memref<!tpu.dma_semaphore, #tpu.memory_space<semaphore_mem>>) {add = true}
        %dma_wait3A_78 = arith.constant 0 : i32
        %dma_wait3A_79 = tpu.memref_slice %arg8[%add3A_62, %dma_wait3A_78] : memref<40x125xi32, #tpu.memory_space<vmem>> -> memref<1x125xi32, #tpu.memory_space<vmem>>
        %dma_wait3A_80 = tpu.memref_squeeze %dma_wait3A_79 : memref<1x125xi32, #tpu.memory_space<vmem>> -> memref<125xi32, #tpu.memory_space<vmem>>
        %dma_wait3A_81 = arith.constant 0 : i32
        %dma_wait3A_82 = arith.constant 0 : i32
        %dma_wait3A_83 = tpu.memref_slice %arg11[%dma_wait3A_81, %dma_wait3A_82] : memref<10112x128xf32, #tpu.memory_space<vmem_shared>> -> memref<10112x128xf32, #tpu.memory_space<vmem_shared>>
        tpu.wait_indirect_dma semaphore(%run_scoped3A_71 : memref<!tpu.dma_semaphore, #tpu.memory_space<semaphore_mem>>) src(%arg10 : memref<125x128xf32, #tpu.memory_space<vmem>>) dst(%dma_wait3A_83 : memref<10112x128xf32, #tpu.memory_space<vmem_shared>>)
        tpu.yield
      }) : () -> ()
      %add3A_63 = arith.constant 3 : i32
      %add3A_64 = arith.addi %mul3A_38, %add3A_63 : i32
      %dma_start3A_65 = arith.constant 0 : i32
      %dma_start3A_66 = tpu.memref_slice %arg7[%add3A_64, %dma_start3A_65] : memref<40x125xi32, #tpu.memory_space<vmem>> -> memref<1x125xi32, #tpu.memory_space<vmem>>
      %dma_start3A_67 = tpu.memref_squeeze %dma_start3A_66 : memref<1x125xi32, #tpu.memory_space<vmem>> -> memref<125xi32, #tpu.memory_space<vmem>>
      %dma_start3A_68 = arith.constant 0 : i32
      %dma_start3A_69 = arith.constant 0 : i32
      %dma_start3A_70 = tpu.memref_slice %arg2[%dma_start3A_68, %dma_start3A_69] : memref<10000x128xf32, #tpu.memory_space<hbm>> -> memref<10000x128xf32, #tpu.memory_space<hbm>>
      tpu.enqueue_indirect_dma source(%dma_start3A_70 : memref<10000x128xf32, #tpu.memory_space<hbm>>) target(%arg10 : memref<125x128xf32, #tpu.memory_space<vmem>>) offsets(%dma_start3A_67 : memref<125xi32, #tpu.memory_space<vmem>>) semaphore(%arg13 : memref<!tpu.dma_semaphore, #tpu.memory_space<semaphore_mem>>)
    }
    %scan3A_20 = arith.constant 19 : i32
    %dma_wait3A = arith.constant 38 : i32
    %dma_wait3A_21 = arith.constant 0 : i32
    %dma_wait3A_22 = tpu.memref_slice %arg7[%dma_wait3A, %dma_wait3A_21] : memref<40x125xi32, #tpu.memory_space<vmem>> -> memref<1x125xi32, #tpu.memory_space<vmem>>
    %dma_wait3A_23 = tpu.memref_squeeze %dma_wait3A_22 : memref<1x125xi32, #tpu.memory_space<vmem>> -> memref<125xi32, #tpu.memory_space<vmem>>
    %dma_wait3A_24 = arith.constant 0 : i32
    %dma_wait3A_25 = arith.constant 0 : i32
    %dma_wait3A_26 = tpu.memref_slice %arg2[%dma_wait3A_24, %dma_wait3A_25] : memref<10000x128xf32, #tpu.memory_space<hbm>> -> memref<10000x128xf32, #tpu.memory_space<hbm>>
    tpu.wait_indirect_dma semaphore(%arg12 : memref<!tpu.dma_semaphore, #tpu.memory_space<semaphore_mem>>) src(%dma_wait3A_26 : memref<10000x128xf32, #tpu.memory_space<hbm>>) dst(%arg9 : memref<125x128xf32, #tpu.memory_space<vmem>>)
    %run_scoped3A = arith.constant 38 : i32
    "tpu.region"() ({
      %run_scoped3A_36 = tpu.sem_alloc : memref<!tpu.dma_semaphore, #tpu.memory_space<semaphore_mem>>
      %dma_start3A_37 = arith.constant 0 : i32
      %dma_start3A_38 = tpu.memref_slice %arg8[%run_scoped3A, %dma_start3A_37] : memref<40x125xi32, #tpu.memory_space<vmem>> -> memref<1x125xi32, #tpu.memory_space<vmem>>
      %dma_start3A_39 = tpu.memref_squeeze %dma_start3A_38 : memref<1x125xi32, #tpu.memory_space<vmem>> -> memref<125xi32, #tpu.memory_space<vmem>>
      %dma_start3A_40 = arith.constant 0 : i32
      %dma_start3A_41 = arith.constant 0 : i32
      %dma_start3A_42 = tpu.memref_slice %arg11[%dma_start3A_40, %dma_start3A_41] : memref<10112x128xf32, #tpu.memory_space<vmem_shared>> -> memref<10112x128xf32, #tpu.memory_space<vmem_shared>>
      tpu.enqueue_indirect_dma source(%arg9 : memref<125x128xf32, #tpu.memory_space<vmem>>) target(%dma_start3A_42 : memref<10112x128xf32, #tpu.memory_space<vmem_shared>>) offsets(%dma_start3A_39 : memref<125xi32, #tpu.memory_space<vmem>>) semaphore(%run_scoped3A_36 : memref<!tpu.dma_semaphore, #tpu.memory_space<semaphore_mem>>) {add = true}
      %dma_wait3A_43 = arith.constant 0 : i32
      %dma_wait3A_44 = tpu.memref_slice %arg8[%run_scoped3A, %dma_wait3A_43] : memref<40x125xi32, #tpu.memory_space<vmem>> -> memref<1x125xi32, #tpu.memory_space<vmem>>
      %dma_wait3A_45 = tpu.memref_squeeze %dma_wait3A_44 : memref<1x125xi32, #tpu.memory_space<vmem>> -> memref<125xi32, #tpu.memory_space<vmem>>
      %dma_wait3A_46 = arith.constant 0 : i32
      %dma_wait3A_47 = arith.constant 0 : i32
      %dma_wait3A_48 = tpu.memref_slice %arg11[%dma_wait3A_46, %dma_wait3A_47] : memref<10112x128xf32, #tpu.memory_space<vmem_shared>> -> memref<10112x128xf32, #tpu.memory_space<vmem_shared>>
      tpu.wait_indirect_dma semaphore(%run_scoped3A_36 : memref<!tpu.dma_semaphore, #tpu.memory_space<semaphore_mem>>) src(%arg9 : memref<125x128xf32, #tpu.memory_space<vmem>>) dst(%dma_wait3A_48 : memref<10112x128xf32, #tpu.memory_space<vmem_shared>>)
      tpu.yield
    }) : () -> ()
    %dma_wait3A_27 = arith.constant 39 : i32
    %dma_wait3A_28 = arith.constant 0 : i32
    %dma_wait3A_29 = tpu.memref_slice %arg7[%dma_wait3A_27, %dma_wait3A_28] : memref<40x125xi32, #tpu.memory_space<vmem>> -> memref<1x125xi32, #tpu.memory_space<vmem>>
    %dma_wait3A_30 = tpu.memref_squeeze %dma_wait3A_29 : memref<1x125xi32, #tpu.memory_space<vmem>> -> memref<125xi32, #tpu.memory_space<vmem>>
    %dma_wait3A_31 = arith.constant 0 : i32
    %dma_wait3A_32 = arith.constant 0 : i32
    %dma_wait3A_33 = tpu.memref_slice %arg2[%dma_wait3A_31, %dma_wait3A_32] : memref<10000x128xf32, #tpu.memory_space<hbm>> -> memref<10000x128xf32, #tpu.memory_space<hbm>>
    tpu.wait_indirect_dma semaphore(%arg13 : memref<!tpu.dma_semaphore, #tpu.memory_space<semaphore_mem>>) src(%dma_wait3A_33 : memref<10000x128xf32, #tpu.memory_space<hbm>>) dst(%arg10 : memref<125x128xf32, #tpu.memory_space<vmem>>)
    %run_scoped3A_34 = arith.constant 39 : i32
    "tpu.region"() ({
      %run_scoped3A_36 = tpu.sem_alloc : memref<!tpu.dma_semaphore, #tpu.memory_space<semaphore_mem>>
      %dma_start3A_37 = arith.constant 0 : i32
      %dma_start3A_38 = tpu.memref_slice %arg8[%run_scoped3A_34, %dma_start3A_37] : memref<40x125xi32, #tpu.memory_space<vmem>> -> memref<1x125xi32, #tpu.memory_space<vmem>>
      %dma_start3A_39 = tpu.memref_squeeze %dma_start3A_38 : memref<1x125xi32, #tpu.memory_space<vmem>> -> memref<125xi32, #tpu.memory_space<vmem>>
      %dma_start3A_40 = arith.constant 0 : i32
      %dma_start3A_41 = arith.constant 0 : i32
      %dma_start3A_42 = tpu.memref_slice %arg11[%dma_start3A_40, %dma_start3A_41] : memref<10112x128xf32, #tpu.memory_space<vmem_shared>> -> memref<10112x128xf32, #tpu.memory_space<vmem_shared>>
      tpu.enqueue_indirect_dma source(%arg10 : memref<125x128xf32, #tpu.memory_space<vmem>>) target(%dma_start3A_42 : memref<10112x128xf32, #tpu.memory_space<vmem_shared>>) offsets(%dma_start3A_39 : memref<125xi32, #tpu.memory_space<vmem>>) semaphore(%run_scoped3A_36 : memref<!tpu.dma_semaphore, #tpu.memory_space<semaphore_mem>>) {add = true}
      %dma_wait3A_43 = arith.constant 0 : i32
      %dma_wait3A_44 = tpu.memref_slice %arg8[%run_scoped3A_34, %dma_wait3A_43] : memref<40x125xi32, #tpu.memory_space<vmem>> -> memref<1x125xi32, #tpu.memory_space<vmem>>
      %dma_wait3A_45 = tpu.memref_squeeze %dma_wait3A_44 : memref<1x125xi32, #tpu.memory_space<vmem>> -> memref<125xi32, #tpu.memory_space<vmem>>
      %dma_wait3A_46 = arith.constant 0 : i32
      %dma_wait3A_47 = arith.constant 0 : i32
      %dma_wait3A_48 = tpu.memref_slice %arg11[%dma_wait3A_46, %dma_wait3A_47] : memref<10112x128xf32, #tpu.memory_space<vmem_shared>> -> memref<10112x128xf32, #tpu.memory_space<vmem_shared>>
      tpu.wait_indirect_dma semaphore(%run_scoped3A_36 : memref<!tpu.dma_semaphore, #tpu.memory_space<semaphore_mem>>) src(%arg10 : memref<125x128xf32, #tpu.memory_space<vmem>>) dst(%dma_wait3A_48 : memref<10112x128xf32, #tpu.memory_space<vmem_shared>>)
      tpu.yield
    }) : () -> ()
    %barrier3A_35 = arith.constant 0 : index
    tpu.barrier barrier_id(%barrier3A_35)
    "tpu.region"() ({
      %run_scoped3A_36 = tpu.sem_alloc : memref<!tpu.dma_semaphore, #tpu.memory_space<semaphore_mem>>
      %dma_start3A_37 = arith.constant 0 : i32
      %dma_start3A_38 = tpu.memref_slice %arg6[%arg0, %mul3A_2, %dma_start3A_37] : memref<2x10112x128xf32, #tpu.memory_space<hbm>> -> memref<1x632x128xf32, #tpu.memory_space<hbm>>
      %dma_start3A_39 = tpu.memref_squeeze %dma_start3A_38 : memref<1x632x128xf32, #tpu.memory_space<hbm>> -> memref<632x128xf32, #tpu.memory_space<hbm>>
      %dma_start3A_40 = arith.constant 0 : i32
      %dma_start3A_41 = tpu.memref_slice %arg11[%mul3A_2, %dma_start3A_40] : memref<10112x128xf32, #tpu.memory_space<vmem_shared>> -> memref<632x128xf32, #tpu.memory_space<vmem_shared>>
      tpu.enqueue_dma source(%dma_start3A_41 : memref<632x128xf32, #tpu.memory_space<vmem_shared>>) target(%dma_start3A_39 : memref<632x128xf32, #tpu.memory_space<hbm>>) target_semaphore(%run_scoped3A_36 : memref<!tpu.dma_semaphore, #tpu.memory_space<semaphore_mem>>)
      %dma_wait3A_42 = arith.constant 0 : i32
      %dma_wait3A_43 = tpu.memref_slice %arg6[%arg0, %mul3A_2, %dma_wait3A_42] : memref<2x10112x128xf32, #tpu.memory_space<hbm>> -> memref<1x632x128xf32, #tpu.memory_space<hbm>>
      %dma_wait3A_44 = tpu.memref_squeeze %dma_wait3A_43 : memref<1x632x128xf32, #tpu.memory_space<hbm>> -> memref<632x128xf32, #tpu.memory_space<hbm>>
      %dma_wait3A_45 = arith.constant 0 : i32
      %dma_wait3A_46 = tpu.memref_slice %arg11[%mul3A_2, %dma_wait3A_45] : memref<10112x128xf32, #tpu.memory_space<vmem_shared>> -> memref<632x128xf32, #tpu.memory_space<vmem_shared>>
      tpu.wait_dma2 semaphore(%run_scoped3A_36 : memref<!tpu.dma_semaphore, #tpu.memory_space<semaphore_mem>>) src(%dma_wait3A_46 : memref<632x128xf32, #tpu.memory_space<vmem_shared>>) dst(%dma_wait3A_44 : memref<632x128xf32, #tpu.memory_space<hbm>>)
      tpu.yield
    }) : () -> ()
    return
  }
}

#map = affine_map<(d0, d1) -> (0, 0)>
#map1 = affine_map<(d0, d1) -> (0, 0, 0)>
module attributes {stable_mosaic.version = 14 : i64} {
  func.func @_prop_sc(%arg0: i32, %arg1: i32, %arg2: memref<10000x128xf32, #tpu.memory_space<hbm>>, %arg3: memref<32x40x125xi32, #tpu.memory_space<hbm>>, %arg4: memref<32x40x125xi32, #tpu.memory_space<hbm>>, %arg5: memref<10112x128xf32, #tpu.memory_space<hbm>>, %arg6: memref<2x10112x128xf32, #tpu.memory_space<hbm>>, %arg7: memref<40x125xi32, #tpu.memory_space<vmem>>, %arg8: memref<40x125xi32, #tpu.memory_space<vmem>>, %arg9: memref<125x128xf32, #tpu.memory_space<vmem>>, %arg10: memref<125x128xf32, #tpu.memory_space<vmem>>, %arg11: memref<10112x128xf32, #tpu.memory_space<vmem_shared>>, %arg12: memref<!tpu.dma_semaphore, #tpu.memory_space<semaphore_mem>>, %arg13: memref<!tpu.dma_semaphore, #tpu.memory_space<semaphore_mem>>) attributes {dimension_semantics = [#tpu.dimension_semantics<core_parallel>, #tpu.dimension_semantics<subcore_parallel>], iteration_bounds = array<i64: 2, 16>, scalar_prefetch = 0 : i64, scratch_operands = 7 : i64, tpu.core_type = #tpu.core_type<sc_vector_subcore>, window_params = [{transform_indices = #map}, {transform_indices = #map1}, {transform_indices = #map1}, {transform_indices = #map}, {transform_indices = #map1}]} {
    %mul3A = arith.constant 2 : i32
    %mul3A_0 = arith.muli %arg1, %mul3A : i32
    %add3A = arith.addi %mul3A_0, %arg0 : i32
    "tpu.region"() ({
      %run_scoped3A_36 = tpu.sem_alloc : memref<!tpu.dma_semaphore, #tpu.memory_space<semaphore_mem>>
      %dma_start3A_37 = arith.constant 0 : i32
      %dma_start3A_38 = arith.constant 0 : i32
      %dma_start3A_39 = tpu.memref_slice %arg3[%add3A, %dma_start3A_37, %dma_start3A_38] : memref<32x40x125xi32, #tpu.memory_space<hbm>> -> memref<1x40x125xi32, #tpu.memory_space<hbm>>
      %dma_start3A_40 = tpu.memref_squeeze %dma_start3A_39 : memref<1x40x125xi32, #tpu.memory_space<hbm>> -> memref<40x125xi32, #tpu.memory_space<hbm>>
      %dma_start3A_41 = arith.constant 0 : i32
      %dma_start3A_42 = arith.constant 0 : i32
      %dma_start3A_43 = tpu.memref_slice %arg3[%add3A, %dma_start3A_41, %dma_start3A_42] : memref<32x40x125xi32, #tpu.memory_space<hbm>> -> memref<1x40x125xi32, #tpu.memory_space<hbm>>
      %dma_start3A_44 = tpu.memref_squeeze %dma_start3A_43 : memref<1x40x125xi32, #tpu.memory_space<hbm>> -> memref<40x125xi32, #tpu.memory_space<hbm>>
      tpu.enqueue_dma source(%dma_start3A_44 : memref<40x125xi32, #tpu.memory_space<hbm>>) target(%arg7 : memref<40x125xi32, #tpu.memory_space<vmem>>) target_semaphore(%run_scoped3A_36 : memref<!tpu.dma_semaphore, #tpu.memory_space<semaphore_mem>>)
      %dma_wait3A_45 = arith.constant 0 : i32
      %dma_wait3A_46 = arith.constant 0 : i32
      %dma_wait3A_47 = tpu.memref_slice %arg3[%add3A, %dma_wait3A_45, %dma_wait3A_46] : memref<32x40x125xi32, #tpu.memory_space<hbm>> -> memref<1x40x125xi32, #tpu.memory_space<hbm>>
      %dma_wait3A_48 = tpu.memref_squeeze %dma_wait3A_47 : memref<1x40x125xi32, #tpu.memory_space<hbm>> -> memref<40x125xi32, #tpu.memory_space<hbm>>
      %dma_wait3A_49 = arith.constant 0 : i32
      %dma_wait3A_50 = arith.constant 0 : i32
      %dma_wait3A_51 = tpu.memref_slice %arg3[%add3A, %dma_wait3A_49, %dma_wait3A_50] : memref<32x40x125xi32, #tpu.memory_space<hbm>> -> memref<1x40x125xi32, #tpu.memory_space<hbm>>
      %dma_wait3A_52 = tpu.memref_squeeze %dma_wait3A_51 : memref<1x40x125xi32, #tpu.memory_space<hbm>> -> memref<40x125xi32, #tpu.memory_space<hbm>>
      tpu.wait_dma2 semaphore(%run_scoped3A_36 : memref<!tpu.dma_semaphore, #tpu.memory_space<semaphore_mem>>) src(%dma_wait3A_52 : memref<40x125xi32, #tpu.memory_space<hbm>>) dst(%arg7 : memref<40x125xi32, #tpu.memory_space<vmem>>)
      tpu.yield
    }) : () -> ()
    "tpu.region"() ({
      %run_scoped3A_36 = tpu.sem_alloc : memref<!tpu.dma_semaphore, #tpu.memory_space<semaphore_mem>>
      %dma_start3A_37 = arith.constant 0 : i32
      %dma_start3A_38 = arith.constant 0 : i32
      %dma_start3A_39 = tpu.memref_slice %arg4[%add3A, %dma_start3A_37, %dma_start3A_38] : memref<32x40x125xi32, #tpu.memory_space<hbm>> -> memref<1x40x125xi32, #tpu.memory_space<hbm>>
      %dma_start3A_40 = tpu.memref_squeeze %dma_start3A_39 : memref<1x40x125xi32, #tpu.memory_space<hbm>> -> memref<40x125xi32, #tpu.memory_space<hbm>>
      %dma_start3A_41 = arith.constant 0 : i32
      %dma_start3A_42 = arith.constant 0 : i32
      %dma_start3A_43 = tpu.memref_slice %arg4[%add3A, %dma_start3A_41, %dma_start3A_42] : memref<32x40x125xi32, #tpu.memory_space<hbm>> -> memref<1x40x125xi32, #tpu.memory_space<hbm>>
      %dma_start3A_44 = tpu.memref_squeeze %dma_start3A_43 : memref<1x40x125xi32, #tpu.memory_space<hbm>> -> memref<40x125xi32, #tpu.memory_space<hbm>>
      tpu.enqueue_dma source(%dma_start3A_44 : memref<40x125xi32, #tpu.memory_space<hbm>>) target(%arg8 : memref<40x125xi32, #tpu.memory_space<vmem>>) target_semaphore(%run_scoped3A_36 : memref<!tpu.dma_semaphore, #tpu.memory_space<semaphore_mem>>)
      %dma_wait3A_45 = arith.constant 0 : i32
      %dma_wait3A_46 = arith.constant 0 : i32
      %dma_wait3A_47 = tpu.memref_slice %arg4[%add3A, %dma_wait3A_45, %dma_wait3A_46] : memref<32x40x125xi32, #tpu.memory_space<hbm>> -> memref<1x40x125xi32, #tpu.memory_space<hbm>>
      %dma_wait3A_48 = tpu.memref_squeeze %dma_wait3A_47 : memref<1x40x125xi32, #tpu.memory_space<hbm>> -> memref<40x125xi32, #tpu.memory_space<hbm>>
      %dma_wait3A_49 = arith.constant 0 : i32
      %dma_wait3A_50 = arith.constant 0 : i32
      %dma_wait3A_51 = tpu.memref_slice %arg4[%add3A, %dma_wait3A_49, %dma_wait3A_50] : memref<32x40x125xi32, #tpu.memory_space<hbm>> -> memref<1x40x125xi32, #tpu.memory_space<hbm>>
      %dma_wait3A_52 = tpu.memref_squeeze %dma_wait3A_51 : memref<1x40x125xi32, #tpu.memory_space<hbm>> -> memref<40x125xi32, #tpu.memory_space<hbm>>
      tpu.wait_dma2 semaphore(%run_scoped3A_36 : memref<!tpu.dma_semaphore, #tpu.memory_space<semaphore_mem>>) src(%dma_wait3A_52 : memref<40x125xi32, #tpu.memory_space<hbm>>) dst(%arg8 : memref<40x125xi32, #tpu.memory_space<vmem>>)
      tpu.yield
    }) : () -> ()
    %mul3A_1 = arith.constant 632 : i32
    %mul3A_2 = arith.muli %arg1, %mul3A_1 : i32
    "tpu.region"() ({
      %run_scoped3A_36 = tpu.sem_alloc : memref<!tpu.dma_semaphore, #tpu.memory_space<semaphore_mem>>
      %dma_start3A_37 = arith.constant 0 : i32
      %dma_start3A_38 = tpu.memref_slice %arg11[%mul3A_2, %dma_start3A_37] : memref<10112x128xf32, #tpu.memory_space<vmem_shared>> -> memref<632x128xf32, #tpu.memory_space<vmem_shared>>
      %dma_start3A_39 = arith.constant 0 : i32
      %dma_start3A_40 = tpu.memref_slice %arg5[%mul3A_2, %dma_start3A_39] : memref<10112x128xf32, #tpu.memory_space<hbm>> -> memref<632x128xf32, #tpu.memory_space<hbm>>
      tpu.enqueue_dma source(%dma_start3A_40 : memref<632x128xf32, #tpu.memory_space<hbm>>) target(%dma_start3A_38 : memref<632x128xf32, #tpu.memory_space<vmem_shared>>) target_semaphore(%run_scoped3A_36 : memref<!tpu.dma_semaphore, #tpu.memory_space<semaphore_mem>>)
      %dma_wait3A_41 = arith.constant 0 : i32
      %dma_wait3A_42 = tpu.memref_slice %arg11[%mul3A_2, %dma_wait3A_41] : memref<10112x128xf32, #tpu.memory_space<vmem_shared>> -> memref<632x128xf32, #tpu.memory_space<vmem_shared>>
      %dma_wait3A_43 = arith.constant 0 : i32
      %dma_wait3A_44 = tpu.memref_slice %arg5[%mul3A_2, %dma_wait3A_43] : memref<10112x128xf32, #tpu.memory_space<hbm>> -> memref<632x128xf32, #tpu.memory_space<hbm>>
      tpu.wait_dma2 semaphore(%run_scoped3A_36 : memref<!tpu.dma_semaphore, #tpu.memory_space<semaphore_mem>>) src(%dma_wait3A_44 : memref<632x128xf32, #tpu.memory_space<hbm>>) dst(%dma_wait3A_42 : memref<632x128xf32, #tpu.memory_space<vmem_shared>>)
      tpu.yield
    }) : () -> ()
    %barrier3A = arith.constant 0 : index
    tpu.barrier barrier_id(%barrier3A)
    %dma_start3A = arith.constant 0 : i32
    %dma_start3A_3 = arith.constant 0 : i32
    %dma_start3A_4 = tpu.memref_slice %arg7[%dma_start3A, %dma_start3A_3] : memref<40x125xi32, #tpu.memory_space<vmem>> -> memref<1x125xi32, #tpu.memory_space<vmem>>
    %dma_start3A_5 = tpu.memref_squeeze %dma_start3A_4 : memref<1x125xi32, #tpu.memory_space<vmem>> -> memref<125xi32, #tpu.memory_space<vmem>>
    %dma_start3A_6 = arith.constant 0 : i32
    %dma_start3A_7 = arith.constant 0 : i32
    %dma_start3A_8 = tpu.memref_slice %arg2[%dma_start3A_6, %dma_start3A_7] : memref<10000x128xf32, #tpu.memory_space<hbm>> -> memref<10000x128xf32, #tpu.memory_space<hbm>>
    tpu.enqueue_indirect_dma source(%dma_start3A_8 : memref<10000x128xf32, #tpu.memory_space<hbm>>) target(%arg9 : memref<125x128xf32, #tpu.memory_space<vmem>>) offsets(%dma_start3A_5 : memref<125xi32, #tpu.memory_space<vmem>>) semaphore(%arg12 : memref<!tpu.dma_semaphore, #tpu.memory_space<semaphore_mem>>)
    %dma_start3A_9 = arith.constant 1 : i32
    %dma_start3A_10 = arith.constant 0 : i32
    %dma_start3A_11 = tpu.memref_slice %arg7[%dma_start3A_9, %dma_start3A_10] : memref<40x125xi32, #tpu.memory_space<vmem>> -> memref<1x125xi32, #tpu.memory_space<vmem>>
    %dma_start3A_12 = tpu.memref_squeeze %dma_start3A_11 : memref<1x125xi32, #tpu.memory_space<vmem>> -> memref<125xi32, #tpu.memory_space<vmem>>
    %dma_start3A_13 = arith.constant 0 : i32
    %dma_start3A_14 = arith.constant 0 : i32
    %dma_start3A_15 = tpu.memref_slice %arg2[%dma_start3A_13, %dma_start3A_14] : memref<10000x128xf32, #tpu.memory_space<hbm>> -> memref<10000x128xf32, #tpu.memory_space<hbm>>
    tpu.enqueue_indirect_dma source(%dma_start3A_15 : memref<10000x128xf32, #tpu.memory_space<hbm>>) target(%arg10 : memref<125x128xf32, #tpu.memory_space<vmem>>) offsets(%dma_start3A_12 : memref<125xi32, #tpu.memory_space<vmem>>) semaphore(%arg13 : memref<!tpu.dma_semaphore, #tpu.memory_space<semaphore_mem>>)
    %scan3A = arith.constant 0 : i32
    %scan3A_16 = arith.constant 0 : i32
    %scan3A_17 = arith.constant 19 : i32
    %scan3A_18 = arith.addi %scan3A_16, %scan3A_17 : i32
    %scan3A_19 = arith.constant 1 : i32
    scf.for %scan3A_36 = %scan3A_16 to %scan3A_18 step %scan3A_19  : i32 {
      %mul3A_37 = arith.constant 2 : i32
      %mul3A_38 = arith.muli %mul3A_37, %scan3A_36 : i32
      %dma_wait3A_39 = arith.constant 0 : i32
      %dma_wait3A_40 = tpu.memref_slice %arg7[%mul3A_38, %dma_wait3A_39] : memref<40x125xi32, #tpu.memory_space<vmem>> -> memref<1x125xi32, #tpu.memory_space<vmem>>
      %dma_wait3A_41 = tpu.memref_squeeze %dma_wait3A_40 : memref<1x125xi32, #tpu.memory_space<vmem>> -> memref<125xi32, #tpu.memory_space<vmem>>
      %dma_wait3A_42 = arith.constant 0 : i32
      %dma_wait3A_43 = arith.constant 0 : i32
      %dma_wait3A_44 = tpu.memref_slice %arg2[%dma_wait3A_42, %dma_wait3A_43] : memref<10000x128xf32, #tpu.memory_space<hbm>> -> memref<10000x128xf32, #tpu.memory_space<hbm>>
      tpu.wait_indirect_dma semaphore(%arg12 : memref<!tpu.dma_semaphore, #tpu.memory_space<semaphore_mem>>) src(%dma_wait3A_44 : memref<10000x128xf32, #tpu.memory_space<hbm>>) dst(%arg9 : memref<125x128xf32, #tpu.memory_space<vmem>>)
      "tpu.region"() ({
        %run_scoped3A_71 = tpu.sem_alloc : memref<!tpu.dma_semaphore, #tpu.memory_space<semaphore_mem>>
        %dma_start3A_72 = arith.constant 0 : i32
        %dma_start3A_73 = tpu.memref_slice %arg8[%mul3A_38, %dma_start3A_72] : memref<40x125xi32, #tpu.memory_space<vmem>> -> memref<1x125xi32, #tpu.memory_space<vmem>>
        %dma_start3A_74 = tpu.memref_squeeze %dma_start3A_73 : memref<1x125xi32, #tpu.memory_space<vmem>> -> memref<125xi32, #tpu.memory_space<vmem>>
        %dma_start3A_75 = arith.constant 0 : i32
        %dma_start3A_76 = arith.constant 0 : i32
        %dma_start3A_77 = tpu.memref_slice %arg11[%dma_start3A_75, %dma_start3A_76] : memref<10112x128xf32, #tpu.memory_space<vmem_shared>> -> memref<10112x128xf32, #tpu.memory_space<vmem_shared>>
        tpu.enqueue_indirect_dma source(%arg9 : memref<125x128xf32, #tpu.memory_space<vmem>>) target(%dma_start3A_77 : memref<10112x128xf32, #tpu.memory_space<vmem_shared>>) offsets(%dma_start3A_74 : memref<125xi32, #tpu.memory_space<vmem>>) semaphore(%run_scoped3A_71 : memref<!tpu.dma_semaphore, #tpu.memory_space<semaphore_mem>>) {add = true}
        %dma_wait3A_78 = arith.constant 0 : i32
        %dma_wait3A_79 = tpu.memref_slice %arg8[%mul3A_38, %dma_wait3A_78] : memref<40x125xi32, #tpu.memory_space<vmem>> -> memref<1x125xi32, #tpu.memory_space<vmem>>
        %dma_wait3A_80 = tpu.memref_squeeze %dma_wait3A_79 : memref<1x125xi32, #tpu.memory_space<vmem>> -> memref<125xi32, #tpu.memory_space<vmem>>
        %dma_wait3A_81 = arith.constant 0 : i32
        %dma_wait3A_82 = arith.constant 0 : i32
        %dma_wait3A_83 = tpu.memref_slice %arg11[%dma_wait3A_81, %dma_wait3A_82] : memref<10112x128xf32, #tpu.memory_space<vmem_shared>> -> memref<10112x128xf32, #tpu.memory_space<vmem_shared>>
        tpu.wait_indirect_dma semaphore(%run_scoped3A_71 : memref<!tpu.dma_semaphore, #tpu.memory_space<semaphore_mem>>) src(%arg9 : memref<125x128xf32, #tpu.memory_space<vmem>>) dst(%dma_wait3A_83 : memref<10112x128xf32, #tpu.memory_space<vmem_shared>>)
        tpu.yield
      }) : () -> ()
      %add3A_45 = arith.constant 2 : i32
      %add3A_46 = arith.addi %mul3A_38, %add3A_45 : i32
      %dma_start3A_47 = arith.constant 0 : i32
      %dma_start3A_48 = tpu.memref_slice %arg7[%add3A_46, %dma_start3A_47] : memref<40x125xi32, #tpu.memory_space<vmem>> -> memref<1x125xi32, #tpu.memory_space<vmem>>
      %dma_start3A_49 = tpu.memref_squeeze %dma_start3A_48 : memref<1x125xi32, #tpu.memory_space<vmem>> -> memref<125xi32, #tpu.memory_space<vmem>>
      %dma_start3A_50 = arith.constant 0 : i32
      %dma_start3A_51 = arith.constant 0 : i32
      %dma_start3A_52 = tpu.memref_slice %arg2[%dma_start3A_50, %dma_start3A_51] : memref<10000x128xf32, #tpu.memory_space<hbm>> -> memref<10000x128xf32, #tpu.memory_space<hbm>>
      tpu.enqueue_indirect_dma source(%dma_start3A_52 : memref<10000x128xf32, #tpu.memory_space<hbm>>) target(%arg9 : memref<125x128xf32, #tpu.memory_space<vmem>>) offsets(%dma_start3A_49 : memref<125xi32, #tpu.memory_space<vmem>>) semaphore(%arg12 : memref<!tpu.dma_semaphore, #tpu.memory_space<semaphore_mem>>)
      %add3A_53 = arith.constant 1 : i32
      %add3A_54 = arith.addi %mul3A_38, %add3A_53 : i32
      %dma_wait3A_55 = arith.constant 0 : i32
      %dma_wait3A_56 = tpu.memref_slice %arg7[%add3A_54, %dma_wait3A_55] : memref<40x125xi32, #tpu.memory_space<vmem>> -> memref<1x125xi32, #tpu.memory_space<vmem>>
      %dma_wait3A_57 = tpu.memref_squeeze %dma_wait3A_56 : memref<1x125xi32, #tpu.memory_space<vmem>> -> memref<125xi32, #tpu.memory_space<vmem>>
      %dma_wait3A_58 = arith.constant 0 : i32
      %dma_wait3A_59 = arith.constant 0 : i32
      %dma_wait3A_60 = tpu.memref_slice %arg2[%dma_wait3A_58, %dma_wait3A_59] : memref<10000x128xf32, #tpu.memory_space<hbm>> -> memref<10000x128xf32, #tpu.memory_space<hbm>>
      tpu.wait_indirect_dma semaphore(%arg13 : memref<!tpu.dma_semaphore, #tpu.memory_space<semaphore_mem>>) src(%dma_wait3A_60 : memref<10000x128xf32, #tpu.memory_space<hbm>>) dst(%arg10 : memref<125x128xf32, #tpu.memory_space<vmem>>)
      %add3A_61 = arith.constant 1 : i32
      %add3A_62 = arith.addi %mul3A_38, %add3A_61 : i32
      "tpu.region"() ({
        %run_scoped3A_71 = tpu.sem_alloc : memref<!tpu.dma_semaphore, #tpu.memory_space<semaphore_mem>>
        %dma_start3A_72 = arith.constant 0 : i32
        %dma_start3A_73 = tpu.memref_slice %arg8[%add3A_62, %dma_start3A_72] : memref<40x125xi32, #tpu.memory_space<vmem>> -> memref<1x125xi32, #tpu.memory_space<vmem>>
        %dma_start3A_74 = tpu.memref_squeeze %dma_start3A_73 : memref<1x125xi32, #tpu.memory_space<vmem>> -> memref<125xi32, #tpu.memory_space<vmem>>
        %dma_start3A_75 = arith.constant 0 : i32
        %dma_start3A_76 = arith.constant 0 : i32
        %dma_start3A_77 = tpu.memref_slice %arg11[%dma_start3A_75, %dma_start3A_76] : memref<10112x128xf32, #tpu.memory_space<vmem_shared>> -> memref<10112x128xf32, #tpu.memory_space<vmem_shared>>
        tpu.enqueue_indirect_dma source(%arg10 : memref<125x128xf32, #tpu.memory_space<vmem>>) target(%dma_start3A_77 : memref<10112x128xf32, #tpu.memory_space<vmem_shared>>) offsets(%dma_start3A_74 : memref<125xi32, #tpu.memory_space<vmem>>) semaphore(%run_scoped3A_71 : memref<!tpu.dma_semaphore, #tpu.memory_space<semaphore_mem>>) {add = true}
        %dma_wait3A_78 = arith.constant 0 : i32
        %dma_wait3A_79 = tpu.memref_slice %arg8[%add3A_62, %dma_wait3A_78] : memref<40x125xi32, #tpu.memory_space<vmem>> -> memref<1x125xi32, #tpu.memory_space<vmem>>
        %dma_wait3A_80 = tpu.memref_squeeze %dma_wait3A_79 : memref<1x125xi32, #tpu.memory_space<vmem>> -> memref<125xi32, #tpu.memory_space<vmem>>
        %dma_wait3A_81 = arith.constant 0 : i32
        %dma_wait3A_82 = arith.constant 0 : i32
        %dma_wait3A_83 = tpu.memref_slice %arg11[%dma_wait3A_81, %dma_wait3A_82] : memref<10112x128xf32, #tpu.memory_space<vmem_shared>> -> memref<10112x128xf32, #tpu.memory_space<vmem_shared>>
        tpu.wait_indirect_dma semaphore(%run_scoped3A_71 : memref<!tpu.dma_semaphore, #tpu.memory_space<semaphore_mem>>) src(%arg10 : memref<125x128xf32, #tpu.memory_space<vmem>>) dst(%dma_wait3A_83 : memref<10112x128xf32, #tpu.memory_space<vmem_shared>>)
        tpu.yield
      }) : () -> ()
      %add3A_63 = arith.constant 3 : i32
      %add3A_64 = arith.addi %mul3A_38, %add3A_63 : i32
      %dma_start3A_65 = arith.constant 0 : i32
      %dma_start3A_66 = tpu.memref_slice %arg7[%add3A_64, %dma_start3A_65] : memref<40x125xi32, #tpu.memory_space<vmem>> -> memref<1x125xi32, #tpu.memory_space<vmem>>
      %dma_start3A_67 = tpu.memref_squeeze %dma_start3A_66 : memref<1x125xi32, #tpu.memory_space<vmem>> -> memref<125xi32, #tpu.memory_space<vmem>>
      %dma_start3A_68 = arith.constant 0 : i32
      %dma_start3A_69 = arith.constant 0 : i32
      %dma_start3A_70 = tpu.memref_slice %arg2[%dma_start3A_68, %dma_start3A_69] : memref<10000x128xf32, #tpu.memory_space<hbm>> -> memref<10000x128xf32, #tpu.memory_space<hbm>>
      tpu.enqueue_indirect_dma source(%dma_start3A_70 : memref<10000x128xf32, #tpu.memory_space<hbm>>) target(%arg10 : memref<125x128xf32, #tpu.memory_space<vmem>>) offsets(%dma_start3A_67 : memref<125xi32, #tpu.memory_space<vmem>>) semaphore(%arg13 : memref<!tpu.dma_semaphore, #tpu.memory_space<semaphore_mem>>)
    }
    %scan3A_20 = arith.constant 19 : i32
    %dma_wait3A = arith.constant 38 : i32
    %dma_wait3A_21 = arith.constant 0 : i32
    %dma_wait3A_22 = tpu.memref_slice %arg7[%dma_wait3A, %dma_wait3A_21] : memref<40x125xi32, #tpu.memory_space<vmem>> -> memref<1x125xi32, #tpu.memory_space<vmem>>
    %dma_wait3A_23 = tpu.memref_squeeze %dma_wait3A_22 : memref<1x125xi32, #tpu.memory_space<vmem>> -> memref<125xi32, #tpu.memory_space<vmem>>
    %dma_wait3A_24 = arith.constant 0 : i32
    %dma_wait3A_25 = arith.constant 0 : i32
    %dma_wait3A_26 = tpu.memref_slice %arg2[%dma_wait3A_24, %dma_wait3A_25] : memref<10000x128xf32, #tpu.memory_space<hbm>> -> memref<10000x128xf32, #tpu.memory_space<hbm>>
    tpu.wait_indirect_dma semaphore(%arg12 : memref<!tpu.dma_semaphore, #tpu.memory_space<semaphore_mem>>) src(%dma_wait3A_26 : memref<10000x128xf32, #tpu.memory_space<hbm>>) dst(%arg9 : memref<125x128xf32, #tpu.memory_space<vmem>>)
    %run_scoped3A = arith.constant 38 : i32
    "tpu.region"() ({
      %run_scoped3A_36 = tpu.sem_alloc : memref<!tpu.dma_semaphore, #tpu.memory_space<semaphore_mem>>
      %dma_start3A_37 = arith.constant 0 : i32
      %dma_start3A_38 = tpu.memref_slice %arg8[%run_scoped3A, %dma_start3A_37] : memref<40x125xi32, #tpu.memory_space<vmem>> -> memref<1x125xi32, #tpu.memory_space<vmem>>
      %dma_start3A_39 = tpu.memref_squeeze %dma_start3A_38 : memref<1x125xi32, #tpu.memory_space<vmem>> -> memref<125xi32, #tpu.memory_space<vmem>>
      %dma_start3A_40 = arith.constant 0 : i32
      %dma_start3A_41 = arith.constant 0 : i32
      %dma_start3A_42 = tpu.memref_slice %arg11[%dma_start3A_40, %dma_start3A_41] : memref<10112x128xf32, #tpu.memory_space<vmem_shared>> -> memref<10112x128xf32, #tpu.memory_space<vmem_shared>>
      tpu.enqueue_indirect_dma source(%arg9 : memref<125x128xf32, #tpu.memory_space<vmem>>) target(%dma_start3A_42 : memref<10112x128xf32, #tpu.memory_space<vmem_shared>>) offsets(%dma_start3A_39 : memref<125xi32, #tpu.memory_space<vmem>>) semaphore(%run_scoped3A_36 : memref<!tpu.dma_semaphore, #tpu.memory_space<semaphore_mem>>) {add = true}
      %dma_wait3A_43 = arith.constant 0 : i32
      %dma_wait3A_44 = tpu.memref_slice %arg8[%run_scoped3A, %dma_wait3A_43] : memref<40x125xi32, #tpu.memory_space<vmem>> -> memref<1x125xi32, #tpu.memory_space<vmem>>
      %dma_wait3A_45 = tpu.memref_squeeze %dma_wait3A_44 : memref<1x125xi32, #tpu.memory_space<vmem>> -> memref<125xi32, #tpu.memory_space<vmem>>
      %dma_wait3A_46 = arith.constant 0 : i32
      %dma_wait3A_47 = arith.constant 0 : i32
      %dma_wait3A_48 = tpu.memref_slice %arg11[%dma_wait3A_46, %dma_wait3A_47] : memref<10112x128xf32, #tpu.memory_space<vmem_shared>> -> memref<10112x128xf32, #tpu.memory_space<vmem_shared>>
      tpu.wait_indirect_dma semaphore(%run_scoped3A_36 : memref<!tpu.dma_semaphore, #tpu.memory_space<semaphore_mem>>) src(%arg9 : memref<125x128xf32, #tpu.memory_space<vmem>>) dst(%dma_wait3A_48 : memref<10112x128xf32, #tpu.memory_space<vmem_shared>>)
      tpu.yield
    }) : () -> ()
    %dma_wait3A_27 = arith.constant 39 : i32
    %dma_wait3A_28 = arith.constant 0 : i32
    %dma_wait3A_29 = tpu.memref_slice %arg7[%dma_wait3A_27, %dma_wait3A_28] : memref<40x125xi32, #tpu.memory_space<vmem>> -> memref<1x125xi32, #tpu.memory_space<vmem>>
    %dma_wait3A_30 = tpu.memref_squeeze %dma_wait3A_29 : memref<1x125xi32, #tpu.memory_space<vmem>> -> memref<125xi32, #tpu.memory_space<vmem>>
    %dma_wait3A_31 = arith.constant 0 : i32
    %dma_wait3A_32 = arith.constant 0 : i32
    %dma_wait3A_33 = tpu.memref_slice %arg2[%dma_wait3A_31, %dma_wait3A_32] : memref<10000x128xf32, #tpu.memory_space<hbm>> -> memref<10000x128xf32, #tpu.memory_space<hbm>>
    tpu.wait_indirect_dma semaphore(%arg13 : memref<!tpu.dma_semaphore, #tpu.memory_space<semaphore_mem>>) src(%dma_wait3A_33 : memref<10000x128xf32, #tpu.memory_space<hbm>>) dst(%arg10 : memref<125x128xf32, #tpu.memory_space<vmem>>)
    %run_scoped3A_34 = arith.constant 39 : i32
    "tpu.region"() ({
      %run_scoped3A_36 = tpu.sem_alloc : memref<!tpu.dma_semaphore, #tpu.memory_space<semaphore_mem>>
      %dma_start3A_37 = arith.constant 0 : i32
      %dma_start3A_38 = tpu.memref_slice %arg8[%run_scoped3A_34, %dma_start3A_37] : memref<40x125xi32, #tpu.memory_space<vmem>> -> memref<1x125xi32, #tpu.memory_space<vmem>>
      %dma_start3A_39 = tpu.memref_squeeze %dma_start3A_38 : memref<1x125xi32, #tpu.memory_space<vmem>> -> memref<125xi32, #tpu.memory_space<vmem>>
      %dma_start3A_40 = arith.constant 0 : i32
      %dma_start3A_41 = arith.constant 0 : i32
      %dma_start3A_42 = tpu.memref_slice %arg11[%dma_start3A_40, %dma_start3A_41] : memref<10112x128xf32, #tpu.memory_space<vmem_shared>> -> memref<10112x128xf32, #tpu.memory_space<vmem_shared>>
      tpu.enqueue_indirect_dma source(%arg10 : memref<125x128xf32, #tpu.memory_space<vmem>>) target(%dma_start3A_42 : memref<10112x128xf32, #tpu.memory_space<vmem_shared>>) offsets(%dma_start3A_39 : memref<125xi32, #tpu.memory_space<vmem>>) semaphore(%run_scoped3A_36 : memref<!tpu.dma_semaphore, #tpu.memory_space<semaphore_mem>>) {add = true}
      %dma_wait3A_43 = arith.constant 0 : i32
      %dma_wait3A_44 = tpu.memref_slice %arg8[%run_scoped3A_34, %dma_wait3A_43] : memref<40x125xi32, #tpu.memory_space<vmem>> -> memref<1x125xi32, #tpu.memory_space<vmem>>
      %dma_wait3A_45 = tpu.memref_squeeze %dma_wait3A_44 : memref<1x125xi32, #tpu.memory_space<vmem>> -> memref<125xi32, #tpu.memory_space<vmem>>
      %dma_wait3A_46 = arith.constant 0 : i32
      %dma_wait3A_47 = arith.constant 0 : i32
      %dma_wait3A_48 = tpu.memref_slice %arg11[%dma_wait3A_46, %dma_wait3A_47] : memref<10112x128xf32, #tpu.memory_space<vmem_shared>> -> memref<10112x128xf32, #tpu.memory_space<vmem_shared>>
      tpu.wait_indirect_dma semaphore(%run_scoped3A_36 : memref<!tpu.dma_semaphore, #tpu.memory_space<semaphore_mem>>) src(%arg10 : memref<125x128xf32, #tpu.memory_space<vmem>>) dst(%dma_wait3A_48 : memref<10112x128xf32, #tpu.memory_space<vmem_shared>>)
      tpu.yield
    }) : () -> ()
    %barrier3A_35 = arith.constant 0 : index
    tpu.barrier barrier_id(%barrier3A_35)
    "tpu.region"() ({
      %run_scoped3A_36 = tpu.sem_alloc : memref<!tpu.dma_semaphore, #tpu.memory_space<semaphore_mem>>
      %dma_start3A_37 = arith.constant 0 : i32
      %dma_start3A_38 = tpu.memref_slice %arg6[%arg0, %mul3A_2, %dma_start3A_37] : memref<2x10112x128xf32, #tpu.memory_space<hbm>> -> memref<1x632x128xf32, #tpu.memory_space<hbm>>
      %dma_start3A_39 = tpu.memref_squeeze %dma_start3A_38 : memref<1x632x128xf32, #tpu.memory_space<hbm>> -> memref<632x128xf32, #tpu.memory_space<hbm>>
      %dma_start3A_40 = arith.constant 0 : i32
      %dma_start3A_41 = tpu.memref_slice %arg11[%mul3A_2, %dma_start3A_40] : memref<10112x128xf32, #tpu.memory_space<vmem_shared>> -> memref<632x128xf32, #tpu.memory_space<vmem_shared>>
      tpu.enqueue_dma source(%dma_start3A_41 : memref<632x128xf32, #tpu.memory_space<vmem_shared>>) target(%dma_start3A_39 : memref<632x128xf32, #tpu.memory_space<hbm>>) target_semaphore(%run_scoped3A_36 : memref<!tpu.dma_semaphore, #tpu.memory_space<semaphore_mem>>)
      %dma_wait3A_42 = arith.constant 0 : i32
      %dma_wait3A_43 = tpu.memref_slice %arg6[%arg0, %mul3A_2, %dma_wait3A_42] : memref<2x10112x128xf32, #tpu.memory_space<hbm>> -> memref<1x632x128xf32, #tpu.memory_space<hbm>>
      %dma_wait3A_44 = tpu.memref_squeeze %dma_wait3A_43 : memref<1x632x128xf32, #tpu.memory_space<hbm>> -> memref<632x128xf32, #tpu.memory_space<hbm>>
      %dma_wait3A_45 = arith.constant 0 : i32
      %dma_wait3A_46 = tpu.memref_slice %arg11[%mul3A_2, %dma_wait3A_45] : memref<10112x128xf32, #tpu.memory_space<vmem_shared>> -> memref<632x128xf32, #tpu.memory_space<vmem_shared>>
      tpu.wait_dma2 semaphore(%run_scoped3A_36 : memref<!tpu.dma_semaphore, #tpu.memory_space<semaphore_mem>>) src(%dma_wait3A_46 : memref<632x128xf32, #tpu.memory_space<vmem_shared>>) dst(%dma_wait3A_44 : memref<632x128xf32, #tpu.memory_space<hbm>>)
      tpu.yield
    }) : () -> ()
    return
  }
}

#map = affine_map<(d0, d1) -> (0, 0)>
#map1 = affine_map<(d0, d1) -> (0, 0, 0)>
module attributes {stable_mosaic.version = 14 : i64} {
  func.func @_prop_sc(%arg0: i32, %arg1: i32, %arg2: memref<10000x128xf32, #tpu.memory_space<hbm>>, %arg3: memref<32x40x125xi32, #tpu.memory_space<hbm>>, %arg4: memref<32x40x125xi32, #tpu.memory_space<hbm>>, %arg5: memref<10112x128xf32, #tpu.memory_space<hbm>>, %arg6: memref<2x10112x128xf32, #tpu.memory_space<hbm>>, %arg7: memref<40x125xi32, #tpu.memory_space<vmem>>, %arg8: memref<40x125xi32, #tpu.memory_space<vmem>>, %arg9: memref<125x128xf32, #tpu.memory_space<vmem>>, %arg10: memref<125x128xf32, #tpu.memory_space<vmem>>, %arg11: memref<10112x128xf32, #tpu.memory_space<vmem_shared>>, %arg12: memref<!tpu.dma_semaphore, #tpu.memory_space<semaphore_mem>>, %arg13: memref<!tpu.dma_semaphore, #tpu.memory_space<semaphore_mem>>) attributes {dimension_semantics = [#tpu.dimension_semantics<core_parallel>, #tpu.dimension_semantics<subcore_parallel>], iteration_bounds = array<i64: 2, 16>, scalar_prefetch = 0 : i64, scratch_operands = 7 : i64, tpu.core_type = #tpu.core_type<sc_vector_subcore>, window_params = [{transform_indices = #map}, {transform_indices = #map1}, {transform_indices = #map1}, {transform_indices = #map}, {transform_indices = #map1}]} {
    %mul3A = arith.constant 2 : i32
    %mul3A_0 = arith.muli %arg1, %mul3A : i32
    %add3A = arith.addi %mul3A_0, %arg0 : i32
    "tpu.region"() ({
      %run_scoped3A_36 = tpu.sem_alloc : memref<!tpu.dma_semaphore, #tpu.memory_space<semaphore_mem>>
      %dma_start3A_37 = arith.constant 0 : i32
      %dma_start3A_38 = arith.constant 0 : i32
      %dma_start3A_39 = tpu.memref_slice %arg3[%add3A, %dma_start3A_37, %dma_start3A_38] : memref<32x40x125xi32, #tpu.memory_space<hbm>> -> memref<1x40x125xi32, #tpu.memory_space<hbm>>
      %dma_start3A_40 = tpu.memref_squeeze %dma_start3A_39 : memref<1x40x125xi32, #tpu.memory_space<hbm>> -> memref<40x125xi32, #tpu.memory_space<hbm>>
      %dma_start3A_41 = arith.constant 0 : i32
      %dma_start3A_42 = arith.constant 0 : i32
      %dma_start3A_43 = tpu.memref_slice %arg3[%add3A, %dma_start3A_41, %dma_start3A_42] : memref<32x40x125xi32, #tpu.memory_space<hbm>> -> memref<1x40x125xi32, #tpu.memory_space<hbm>>
      %dma_start3A_44 = tpu.memref_squeeze %dma_start3A_43 : memref<1x40x125xi32, #tpu.memory_space<hbm>> -> memref<40x125xi32, #tpu.memory_space<hbm>>
      tpu.enqueue_dma source(%dma_start3A_44 : memref<40x125xi32, #tpu.memory_space<hbm>>) target(%arg7 : memref<40x125xi32, #tpu.memory_space<vmem>>) target_semaphore(%run_scoped3A_36 : memref<!tpu.dma_semaphore, #tpu.memory_space<semaphore_mem>>)
      %dma_wait3A_45 = arith.constant 0 : i32
      %dma_wait3A_46 = arith.constant 0 : i32
      %dma_wait3A_47 = tpu.memref_slice %arg3[%add3A, %dma_wait3A_45, %dma_wait3A_46] : memref<32x40x125xi32, #tpu.memory_space<hbm>> -> memref<1x40x125xi32, #tpu.memory_space<hbm>>
      %dma_wait3A_48 = tpu.memref_squeeze %dma_wait3A_47 : memref<1x40x125xi32, #tpu.memory_space<hbm>> -> memref<40x125xi32, #tpu.memory_space<hbm>>
      %dma_wait3A_49 = arith.constant 0 : i32
      %dma_wait3A_50 = arith.constant 0 : i32
      %dma_wait3A_51 = tpu.memref_slice %arg3[%add3A, %dma_wait3A_49, %dma_wait3A_50] : memref<32x40x125xi32, #tpu.memory_space<hbm>> -> memref<1x40x125xi32, #tpu.memory_space<hbm>>
      %dma_wait3A_52 = tpu.memref_squeeze %dma_wait3A_51 : memref<1x40x125xi32, #tpu.memory_space<hbm>> -> memref<40x125xi32, #tpu.memory_space<hbm>>
      tpu.wait_dma2 semaphore(%run_scoped3A_36 : memref<!tpu.dma_semaphore, #tpu.memory_space<semaphore_mem>>) src(%dma_wait3A_52 : memref<40x125xi32, #tpu.memory_space<hbm>>) dst(%arg7 : memref<40x125xi32, #tpu.memory_space<vmem>>)
      tpu.yield
    }) : () -> ()
    "tpu.region"() ({
      %run_scoped3A_36 = tpu.sem_alloc : memref<!tpu.dma_semaphore, #tpu.memory_space<semaphore_mem>>
      %dma_start3A_37 = arith.constant 0 : i32
      %dma_start3A_38 = arith.constant 0 : i32
      %dma_start3A_39 = tpu.memref_slice %arg4[%add3A, %dma_start3A_37, %dma_start3A_38] : memref<32x40x125xi32, #tpu.memory_space<hbm>> -> memref<1x40x125xi32, #tpu.memory_space<hbm>>
      %dma_start3A_40 = tpu.memref_squeeze %dma_start3A_39 : memref<1x40x125xi32, #tpu.memory_space<hbm>> -> memref<40x125xi32, #tpu.memory_space<hbm>>
      %dma_start3A_41 = arith.constant 0 : i32
      %dma_start3A_42 = arith.constant 0 : i32
      %dma_start3A_43 = tpu.memref_slice %arg4[%add3A, %dma_start3A_41, %dma_start3A_42] : memref<32x40x125xi32, #tpu.memory_space<hbm>> -> memref<1x40x125xi32, #tpu.memory_space<hbm>>
      %dma_start3A_44 = tpu.memref_squeeze %dma_start3A_43 : memref<1x40x125xi32, #tpu.memory_space<hbm>> -> memref<40x125xi32, #tpu.memory_space<hbm>>
      tpu.enqueue_dma source(%dma_start3A_44 : memref<40x125xi32, #tpu.memory_space<hbm>>) target(%arg8 : memref<40x125xi32, #tpu.memory_space<vmem>>) target_semaphore(%run_scoped3A_36 : memref<!tpu.dma_semaphore, #tpu.memory_space<semaphore_mem>>)
      %dma_wait3A_45 = arith.constant 0 : i32
      %dma_wait3A_46 = arith.constant 0 : i32
      %dma_wait3A_47 = tpu.memref_slice %arg4[%add3A, %dma_wait3A_45, %dma_wait3A_46] : memref<32x40x125xi32, #tpu.memory_space<hbm>> -> memref<1x40x125xi32, #tpu.memory_space<hbm>>
      %dma_wait3A_48 = tpu.memref_squeeze %dma_wait3A_47 : memref<1x40x125xi32, #tpu.memory_space<hbm>> -> memref<40x125xi32, #tpu.memory_space<hbm>>
      %dma_wait3A_49 = arith.constant 0 : i32
      %dma_wait3A_50 = arith.constant 0 : i32
      %dma_wait3A_51 = tpu.memref_slice %arg4[%add3A, %dma_wait3A_49, %dma_wait3A_50] : memref<32x40x125xi32, #tpu.memory_space<hbm>> -> memref<1x40x125xi32, #tpu.memory_space<hbm>>
      %dma_wait3A_52 = tpu.memref_squeeze %dma_wait3A_51 : memref<1x40x125xi32, #tpu.memory_space<hbm>> -> memref<40x125xi32, #tpu.memory_space<hbm>>
      tpu.wait_dma2 semaphore(%run_scoped3A_36 : memref<!tpu.dma_semaphore, #tpu.memory_space<semaphore_mem>>) src(%dma_wait3A_52 : memref<40x125xi32, #tpu.memory_space<hbm>>) dst(%arg8 : memref<40x125xi32, #tpu.memory_space<vmem>>)
      tpu.yield
    }) : () -> ()
    %mul3A_1 = arith.constant 632 : i32
    %mul3A_2 = arith.muli %arg1, %mul3A_1 : i32
    "tpu.region"() ({
      %run_scoped3A_36 = tpu.sem_alloc : memref<!tpu.dma_semaphore, #tpu.memory_space<semaphore_mem>>
      %dma_start3A_37 = arith.constant 0 : i32
      %dma_start3A_38 = tpu.memref_slice %arg11[%mul3A_2, %dma_start3A_37] : memref<10112x128xf32, #tpu.memory_space<vmem_shared>> -> memref<632x128xf32, #tpu.memory_space<vmem_shared>>
      %dma_start3A_39 = arith.constant 0 : i32
      %dma_start3A_40 = tpu.memref_slice %arg5[%mul3A_2, %dma_start3A_39] : memref<10112x128xf32, #tpu.memory_space<hbm>> -> memref<632x128xf32, #tpu.memory_space<hbm>>
      tpu.enqueue_dma source(%dma_start3A_40 : memref<632x128xf32, #tpu.memory_space<hbm>>) target(%dma_start3A_38 : memref<632x128xf32, #tpu.memory_space<vmem_shared>>) target_semaphore(%run_scoped3A_36 : memref<!tpu.dma_semaphore, #tpu.memory_space<semaphore_mem>>)
      %dma_wait3A_41 = arith.constant 0 : i32
      %dma_wait3A_42 = tpu.memref_slice %arg11[%mul3A_2, %dma_wait3A_41] : memref<10112x128xf32, #tpu.memory_space<vmem_shared>> -> memref<632x128xf32, #tpu.memory_space<vmem_shared>>
      %dma_wait3A_43 = arith.constant 0 : i32
      %dma_wait3A_44 = tpu.memref_slice %arg5[%mul3A_2, %dma_wait3A_43] : memref<10112x128xf32, #tpu.memory_space<hbm>> -> memref<632x128xf32, #tpu.memory_space<hbm>>
      tpu.wait_dma2 semaphore(%run_scoped3A_36 : memref<!tpu.dma_semaphore, #tpu.memory_space<semaphore_mem>>) src(%dma_wait3A_44 : memref<632x128xf32, #tpu.memory_space<hbm>>) dst(%dma_wait3A_42 : memref<632x128xf32, #tpu.memory_space<vmem_shared>>)
      tpu.yield
    }) : () -> ()
    %barrier3A = arith.constant 0 : index
    tpu.barrier barrier_id(%barrier3A)
    %dma_start3A = arith.constant 0 : i32
    %dma_start3A_3 = arith.constant 0 : i32
    %dma_start3A_4 = tpu.memref_slice %arg7[%dma_start3A, %dma_start3A_3] : memref<40x125xi32, #tpu.memory_space<vmem>> -> memref<1x125xi32, #tpu.memory_space<vmem>>
    %dma_start3A_5 = tpu.memref_squeeze %dma_start3A_4 : memref<1x125xi32, #tpu.memory_space<vmem>> -> memref<125xi32, #tpu.memory_space<vmem>>
    %dma_start3A_6 = arith.constant 0 : i32
    %dma_start3A_7 = arith.constant 0 : i32
    %dma_start3A_8 = tpu.memref_slice %arg2[%dma_start3A_6, %dma_start3A_7] : memref<10000x128xf32, #tpu.memory_space<hbm>> -> memref<10000x128xf32, #tpu.memory_space<hbm>>
    tpu.enqueue_indirect_dma source(%dma_start3A_8 : memref<10000x128xf32, #tpu.memory_space<hbm>>) target(%arg9 : memref<125x128xf32, #tpu.memory_space<vmem>>) offsets(%dma_start3A_5 : memref<125xi32, #tpu.memory_space<vmem>>) semaphore(%arg12 : memref<!tpu.dma_semaphore, #tpu.memory_space<semaphore_mem>>)
    %dma_start3A_9 = arith.constant 1 : i32
    %dma_start3A_10 = arith.constant 0 : i32
    %dma_start3A_11 = tpu.memref_slice %arg7[%dma_start3A_9, %dma_start3A_10] : memref<40x125xi32, #tpu.memory_space<vmem>> -> memref<1x125xi32, #tpu.memory_space<vmem>>
    %dma_start3A_12 = tpu.memref_squeeze %dma_start3A_11 : memref<1x125xi32, #tpu.memory_space<vmem>> -> memref<125xi32, #tpu.memory_space<vmem>>
    %dma_start3A_13 = arith.constant 0 : i32
    %dma_start3A_14 = arith.constant 0 : i32
    %dma_start3A_15 = tpu.memref_slice %arg2[%dma_start3A_13, %dma_start3A_14] : memref<10000x128xf32, #tpu.memory_space<hbm>> -> memref<10000x128xf32, #tpu.memory_space<hbm>>
    tpu.enqueue_indirect_dma source(%dma_start3A_15 : memref<10000x128xf32, #tpu.memory_space<hbm>>) target(%arg10 : memref<125x128xf32, #tpu.memory_space<vmem>>) offsets(%dma_start3A_12 : memref<125xi32, #tpu.memory_space<vmem>>) semaphore(%arg13 : memref<!tpu.dma_semaphore, #tpu.memory_space<semaphore_mem>>)
    %scan3A = arith.constant 0 : i32
    %scan3A_16 = arith.constant 0 : i32
    %scan3A_17 = arith.constant 19 : i32
    %scan3A_18 = arith.addi %scan3A_16, %scan3A_17 : i32
    %scan3A_19 = arith.constant 1 : i32
    scf.for %scan3A_36 = %scan3A_16 to %scan3A_18 step %scan3A_19  : i32 {
      %mul3A_37 = arith.constant 2 : i32
      %mul3A_38 = arith.muli %mul3A_37, %scan3A_36 : i32
      %dma_wait3A_39 = arith.constant 0 : i32
      %dma_wait3A_40 = tpu.memref_slice %arg7[%mul3A_38, %dma_wait3A_39] : memref<40x125xi32, #tpu.memory_space<vmem>> -> memref<1x125xi32, #tpu.memory_space<vmem>>
      %dma_wait3A_41 = tpu.memref_squeeze %dma_wait3A_40 : memref<1x125xi32, #tpu.memory_space<vmem>> -> memref<125xi32, #tpu.memory_space<vmem>>
      %dma_wait3A_42 = arith.constant 0 : i32
      %dma_wait3A_43 = arith.constant 0 : i32
      %dma_wait3A_44 = tpu.memref_slice %arg2[%dma_wait3A_42, %dma_wait3A_43] : memref<10000x128xf32, #tpu.memory_space<hbm>> -> memref<10000x128xf32, #tpu.memory_space<hbm>>
      tpu.wait_indirect_dma semaphore(%arg12 : memref<!tpu.dma_semaphore, #tpu.memory_space<semaphore_mem>>) src(%dma_wait3A_44 : memref<10000x128xf32, #tpu.memory_space<hbm>>) dst(%arg9 : memref<125x128xf32, #tpu.memory_space<vmem>>)
      "tpu.region"() ({
        %run_scoped3A_71 = tpu.sem_alloc : memref<!tpu.dma_semaphore, #tpu.memory_space<semaphore_mem>>
        %dma_start3A_72 = arith.constant 0 : i32
        %dma_start3A_73 = tpu.memref_slice %arg8[%mul3A_38, %dma_start3A_72] : memref<40x125xi32, #tpu.memory_space<vmem>> -> memref<1x125xi32, #tpu.memory_space<vmem>>
        %dma_start3A_74 = tpu.memref_squeeze %dma_start3A_73 : memref<1x125xi32, #tpu.memory_space<vmem>> -> memref<125xi32, #tpu.memory_space<vmem>>
        %dma_start3A_75 = arith.constant 0 : i32
        %dma_start3A_76 = arith.constant 0 : i32
        %dma_start3A_77 = tpu.memref_slice %arg11[%dma_start3A_75, %dma_start3A_76] : memref<10112x128xf32, #tpu.memory_space<vmem_shared>> -> memref<10112x128xf32, #tpu.memory_space<vmem_shared>>
        tpu.enqueue_indirect_dma source(%arg9 : memref<125x128xf32, #tpu.memory_space<vmem>>) target(%dma_start3A_77 : memref<10112x128xf32, #tpu.memory_space<vmem_shared>>) offsets(%dma_start3A_74 : memref<125xi32, #tpu.memory_space<vmem>>) semaphore(%run_scoped3A_71 : memref<!tpu.dma_semaphore, #tpu.memory_space<semaphore_mem>>) {add = true}
        %dma_wait3A_78 = arith.constant 0 : i32
        %dma_wait3A_79 = tpu.memref_slice %arg8[%mul3A_38, %dma_wait3A_78] : memref<40x125xi32, #tpu.memory_space<vmem>> -> memref<1x125xi32, #tpu.memory_space<vmem>>
        %dma_wait3A_80 = tpu.memref_squeeze %dma_wait3A_79 : memref<1x125xi32, #tpu.memory_space<vmem>> -> memref<125xi32, #tpu.memory_space<vmem>>
        %dma_wait3A_81 = arith.constant 0 : i32
        %dma_wait3A_82 = arith.constant 0 : i32
        %dma_wait3A_83 = tpu.memref_slice %arg11[%dma_wait3A_81, %dma_wait3A_82] : memref<10112x128xf32, #tpu.memory_space<vmem_shared>> -> memref<10112x128xf32, #tpu.memory_space<vmem_shared>>
        tpu.wait_indirect_dma semaphore(%run_scoped3A_71 : memref<!tpu.dma_semaphore, #tpu.memory_space<semaphore_mem>>) src(%arg9 : memref<125x128xf32, #tpu.memory_space<vmem>>) dst(%dma_wait3A_83 : memref<10112x128xf32, #tpu.memory_space<vmem_shared>>)
        tpu.yield
      }) : () -> ()
      %add3A_45 = arith.constant 2 : i32
      %add3A_46 = arith.addi %mul3A_38, %add3A_45 : i32
      %dma_start3A_47 = arith.constant 0 : i32
      %dma_start3A_48 = tpu.memref_slice %arg7[%add3A_46, %dma_start3A_47] : memref<40x125xi32, #tpu.memory_space<vmem>> -> memref<1x125xi32, #tpu.memory_space<vmem>>
      %dma_start3A_49 = tpu.memref_squeeze %dma_start3A_48 : memref<1x125xi32, #tpu.memory_space<vmem>> -> memref<125xi32, #tpu.memory_space<vmem>>
      %dma_start3A_50 = arith.constant 0 : i32
      %dma_start3A_51 = arith.constant 0 : i32
      %dma_start3A_52 = tpu.memref_slice %arg2[%dma_start3A_50, %dma_start3A_51] : memref<10000x128xf32, #tpu.memory_space<hbm>> -> memref<10000x128xf32, #tpu.memory_space<hbm>>
      tpu.enqueue_indirect_dma source(%dma_start3A_52 : memref<10000x128xf32, #tpu.memory_space<hbm>>) target(%arg9 : memref<125x128xf32, #tpu.memory_space<vmem>>) offsets(%dma_start3A_49 : memref<125xi32, #tpu.memory_space<vmem>>) semaphore(%arg12 : memref<!tpu.dma_semaphore, #tpu.memory_space<semaphore_mem>>)
      %add3A_53 = arith.constant 1 : i32
      %add3A_54 = arith.addi %mul3A_38, %add3A_53 : i32
      %dma_wait3A_55 = arith.constant 0 : i32
      %dma_wait3A_56 = tpu.memref_slice %arg7[%add3A_54, %dma_wait3A_55] : memref<40x125xi32, #tpu.memory_space<vmem>> -> memref<1x125xi32, #tpu.memory_space<vmem>>
      %dma_wait3A_57 = tpu.memref_squeeze %dma_wait3A_56 : memref<1x125xi32, #tpu.memory_space<vmem>> -> memref<125xi32, #tpu.memory_space<vmem>>
      %dma_wait3A_58 = arith.constant 0 : i32
      %dma_wait3A_59 = arith.constant 0 : i32
      %dma_wait3A_60 = tpu.memref_slice %arg2[%dma_wait3A_58, %dma_wait3A_59] : memref<10000x128xf32, #tpu.memory_space<hbm>> -> memref<10000x128xf32, #tpu.memory_space<hbm>>
      tpu.wait_indirect_dma semaphore(%arg13 : memref<!tpu.dma_semaphore, #tpu.memory_space<semaphore_mem>>) src(%dma_wait3A_60 : memref<10000x128xf32, #tpu.memory_space<hbm>>) dst(%arg10 : memref<125x128xf32, #tpu.memory_space<vmem>>)
      %add3A_61 = arith.constant 1 : i32
      %add3A_62 = arith.addi %mul3A_38, %add3A_61 : i32
      "tpu.region"() ({
        %run_scoped3A_71 = tpu.sem_alloc : memref<!tpu.dma_semaphore, #tpu.memory_space<semaphore_mem>>
        %dma_start3A_72 = arith.constant 0 : i32
        %dma_start3A_73 = tpu.memref_slice %arg8[%add3A_62, %dma_start3A_72] : memref<40x125xi32, #tpu.memory_space<vmem>> -> memref<1x125xi32, #tpu.memory_space<vmem>>
        %dma_start3A_74 = tpu.memref_squeeze %dma_start3A_73 : memref<1x125xi32, #tpu.memory_space<vmem>> -> memref<125xi32, #tpu.memory_space<vmem>>
        %dma_start3A_75 = arith.constant 0 : i32
        %dma_start3A_76 = arith.constant 0 : i32
        %dma_start3A_77 = tpu.memref_slice %arg11[%dma_start3A_75, %dma_start3A_76] : memref<10112x128xf32, #tpu.memory_space<vmem_shared>> -> memref<10112x128xf32, #tpu.memory_space<vmem_shared>>
        tpu.enqueue_indirect_dma source(%arg10 : memref<125x128xf32, #tpu.memory_space<vmem>>) target(%dma_start3A_77 : memref<10112x128xf32, #tpu.memory_space<vmem_shared>>) offsets(%dma_start3A_74 : memref<125xi32, #tpu.memory_space<vmem>>) semaphore(%run_scoped3A_71 : memref<!tpu.dma_semaphore, #tpu.memory_space<semaphore_mem>>) {add = true}
        %dma_wait3A_78 = arith.constant 0 : i32
        %dma_wait3A_79 = tpu.memref_slice %arg8[%add3A_62, %dma_wait3A_78] : memref<40x125xi32, #tpu.memory_space<vmem>> -> memref<1x125xi32, #tpu.memory_space<vmem>>
        %dma_wait3A_80 = tpu.memref_squeeze %dma_wait3A_79 : memref<1x125xi32, #tpu.memory_space<vmem>> -> memref<125xi32, #tpu.memory_space<vmem>>
        %dma_wait3A_81 = arith.constant 0 : i32
        %dma_wait3A_82 = arith.constant 0 : i32
        %dma_wait3A_83 = tpu.memref_slice %arg11[%dma_wait3A_81, %dma_wait3A_82] : memref<10112x128xf32, #tpu.memory_space<vmem_shared>> -> memref<10112x128xf32, #tpu.memory_space<vmem_shared>>
        tpu.wait_indirect_dma semaphore(%run_scoped3A_71 : memref<!tpu.dma_semaphore, #tpu.memory_space<semaphore_mem>>) src(%arg10 : memref<125x128xf32, #tpu.memory_space<vmem>>) dst(%dma_wait3A_83 : memref<10112x128xf32, #tpu.memory_space<vmem_shared>>)
        tpu.yield
      }) : () -> ()
      %add3A_63 = arith.constant 3 : i32
      %add3A_64 = arith.addi %mul3A_38, %add3A_63 : i32
      %dma_start3A_65 = arith.constant 0 : i32
      %dma_start3A_66 = tpu.memref_slice %arg7[%add3A_64, %dma_start3A_65] : memref<40x125xi32, #tpu.memory_space<vmem>> -> memref<1x125xi32, #tpu.memory_space<vmem>>
      %dma_start3A_67 = tpu.memref_squeeze %dma_start3A_66 : memref<1x125xi32, #tpu.memory_space<vmem>> -> memref<125xi32, #tpu.memory_space<vmem>>
      %dma_start3A_68 = arith.constant 0 : i32
      %dma_start3A_69 = arith.constant 0 : i32
      %dma_start3A_70 = tpu.memref_slice %arg2[%dma_start3A_68, %dma_start3A_69] : memref<10000x128xf32, #tpu.memory_space<hbm>> -> memref<10000x128xf32, #tpu.memory_space<hbm>>
      tpu.enqueue_indirect_dma source(%dma_start3A_70 : memref<10000x128xf32, #tpu.memory_space<hbm>>) target(%arg10 : memref<125x128xf32, #tpu.memory_space<vmem>>) offsets(%dma_start3A_67 : memref<125xi32, #tpu.memory_space<vmem>>) semaphore(%arg13 : memref<!tpu.dma_semaphore, #tpu.memory_space<semaphore_mem>>)
    }
    %scan3A_20 = arith.constant 19 : i32
    %dma_wait3A = arith.constant 38 : i32
    %dma_wait3A_21 = arith.constant 0 : i32
    %dma_wait3A_22 = tpu.memref_slice %arg7[%dma_wait3A, %dma_wait3A_21] : memref<40x125xi32, #tpu.memory_space<vmem>> -> memref<1x125xi32, #tpu.memory_space<vmem>>
    %dma_wait3A_23 = tpu.memref_squeeze %dma_wait3A_22 : memref<1x125xi32, #tpu.memory_space<vmem>> -> memref<125xi32, #tpu.memory_space<vmem>>
    %dma_wait3A_24 = arith.constant 0 : i32
    %dma_wait3A_25 = arith.constant 0 : i32
    %dma_wait3A_26 = tpu.memref_slice %arg2[%dma_wait3A_24, %dma_wait3A_25] : memref<10000x128xf32, #tpu.memory_space<hbm>> -> memref<10000x128xf32, #tpu.memory_space<hbm>>
    tpu.wait_indirect_dma semaphore(%arg12 : memref<!tpu.dma_semaphore, #tpu.memory_space<semaphore_mem>>) src(%dma_wait3A_26 : memref<10000x128xf32, #tpu.memory_space<hbm>>) dst(%arg9 : memref<125x128xf32, #tpu.memory_space<vmem>>)
    %run_scoped3A = arith.constant 38 : i32
    "tpu.region"() ({
      %run_scoped3A_36 = tpu.sem_alloc : memref<!tpu.dma_semaphore, #tpu.memory_space<semaphore_mem>>
      %dma_start3A_37 = arith.constant 0 : i32
      %dma_start3A_38 = tpu.memref_slice %arg8[%run_scoped3A, %dma_start3A_37] : memref<40x125xi32, #tpu.memory_space<vmem>> -> memref<1x125xi32, #tpu.memory_space<vmem>>
      %dma_start3A_39 = tpu.memref_squeeze %dma_start3A_38 : memref<1x125xi32, #tpu.memory_space<vmem>> -> memref<125xi32, #tpu.memory_space<vmem>>
      %dma_start3A_40 = arith.constant 0 : i32
      %dma_start3A_41 = arith.constant 0 : i32
      %dma_start3A_42 = tpu.memref_slice %arg11[%dma_start3A_40, %dma_start3A_41] : memref<10112x128xf32, #tpu.memory_space<vmem_shared>> -> memref<10112x128xf32, #tpu.memory_space<vmem_shared>>
      tpu.enqueue_indirect_dma source(%arg9 : memref<125x128xf32, #tpu.memory_space<vmem>>) target(%dma_start3A_42 : memref<10112x128xf32, #tpu.memory_space<vmem_shared>>) offsets(%dma_start3A_39 : memref<125xi32, #tpu.memory_space<vmem>>) semaphore(%run_scoped3A_36 : memref<!tpu.dma_semaphore, #tpu.memory_space<semaphore_mem>>) {add = true}
      %dma_wait3A_43 = arith.constant 0 : i32
      %dma_wait3A_44 = tpu.memref_slice %arg8[%run_scoped3A, %dma_wait3A_43] : memref<40x125xi32, #tpu.memory_space<vmem>> -> memref<1x125xi32, #tpu.memory_space<vmem>>
      %dma_wait3A_45 = tpu.memref_squeeze %dma_wait3A_44 : memref<1x125xi32, #tpu.memory_space<vmem>> -> memref<125xi32, #tpu.memory_space<vmem>>
      %dma_wait3A_46 = arith.constant 0 : i32
      %dma_wait3A_47 = arith.constant 0 : i32
      %dma_wait3A_48 = tpu.memref_slice %arg11[%dma_wait3A_46, %dma_wait3A_47] : memref<10112x128xf32, #tpu.memory_space<vmem_shared>> -> memref<10112x128xf32, #tpu.memory_space<vmem_shared>>
      tpu.wait_indirect_dma semaphore(%run_scoped3A_36 : memref<!tpu.dma_semaphore, #tpu.memory_space<semaphore_mem>>) src(%arg9 : memref<125x128xf32, #tpu.memory_space<vmem>>) dst(%dma_wait3A_48 : memref<10112x128xf32, #tpu.memory_space<vmem_shared>>)
      tpu.yield
    }) : () -> ()
    %dma_wait3A_27 = arith.constant 39 : i32
    %dma_wait3A_28 = arith.constant 0 : i32
    %dma_wait3A_29 = tpu.memref_slice %arg7[%dma_wait3A_27, %dma_wait3A_28] : memref<40x125xi32, #tpu.memory_space<vmem>> -> memref<1x125xi32, #tpu.memory_space<vmem>>
    %dma_wait3A_30 = tpu.memref_squeeze %dma_wait3A_29 : memref<1x125xi32, #tpu.memory_space<vmem>> -> memref<125xi32, #tpu.memory_space<vmem>>
    %dma_wait3A_31 = arith.constant 0 : i32
    %dma_wait3A_32 = arith.constant 0 : i32
    %dma_wait3A_33 = tpu.memref_slice %arg2[%dma_wait3A_31, %dma_wait3A_32] : memref<10000x128xf32, #tpu.memory_space<hbm>> -> memref<10000x128xf32, #tpu.memory_space<hbm>>
    tpu.wait_indirect_dma semaphore(%arg13 : memref<!tpu.dma_semaphore, #tpu.memory_space<semaphore_mem>>) src(%dma_wait3A_33 : memref<10000x128xf32, #tpu.memory_space<hbm>>) dst(%arg10 : memref<125x128xf32, #tpu.memory_space<vmem>>)
    %run_scoped3A_34 = arith.constant 39 : i32
    "tpu.region"() ({
      %run_scoped3A_36 = tpu.sem_alloc : memref<!tpu.dma_semaphore, #tpu.memory_space<semaphore_mem>>
      %dma_start3A_37 = arith.constant 0 : i32
      %dma_start3A_38 = tpu.memref_slice %arg8[%run_scoped3A_34, %dma_start3A_37] : memref<40x125xi32, #tpu.memory_space<vmem>> -> memref<1x125xi32, #tpu.memory_space<vmem>>
      %dma_start3A_39 = tpu.memref_squeeze %dma_start3A_38 : memref<1x125xi32, #tpu.memory_space<vmem>> -> memref<125xi32, #tpu.memory_space<vmem>>
      %dma_start3A_40 = arith.constant 0 : i32
      %dma_start3A_41 = arith.constant 0 : i32
      %dma_start3A_42 = tpu.memref_slice %arg11[%dma_start3A_40, %dma_start3A_41] : memref<10112x128xf32, #tpu.memory_space<vmem_shared>> -> memref<10112x128xf32, #tpu.memory_space<vmem_shared>>
      tpu.enqueue_indirect_dma source(%arg10 : memref<125x128xf32, #tpu.memory_space<vmem>>) target(%dma_start3A_42 : memref<10112x128xf32, #tpu.memory_space<vmem_shared>>) offsets(%dma_start3A_39 : memref<125xi32, #tpu.memory_space<vmem>>) semaphore(%run_scoped3A_36 : memref<!tpu.dma_semaphore, #tpu.memory_space<semaphore_mem>>) {add = true}
      %dma_wait3A_43 = arith.constant 0 : i32
      %dma_wait3A_44 = tpu.memref_slice %arg8[%run_scoped3A_34, %dma_wait3A_43] : memref<40x125xi32, #tpu.memory_space<vmem>> -> memref<1x125xi32, #tpu.memory_space<vmem>>
      %dma_wait3A_45 = tpu.memref_squeeze %dma_wait3A_44 : memref<1x125xi32, #tpu.memory_space<vmem>> -> memref<125xi32, #tpu.memory_space<vmem>>
      %dma_wait3A_46 = arith.constant 0 : i32
      %dma_wait3A_47 = arith.constant 0 : i32
      %dma_wait3A_48 = tpu.memref_slice %arg11[%dma_wait3A_46, %dma_wait3A_47] : memref<10112x128xf32, #tpu.memory_space<vmem_shared>> -> memref<10112x128xf32, #tpu.memory_space<vmem_shared>>
      tpu.wait_indirect_dma semaphore(%run_scoped3A_36 : memref<!tpu.dma_semaphore, #tpu.memory_space<semaphore_mem>>) src(%arg10 : memref<125x128xf32, #tpu.memory_space<vmem>>) dst(%dma_wait3A_48 : memref<10112x128xf32, #tpu.memory_space<vmem_shared>>)
      tpu.yield
    }) : () -> ()
    %barrier3A_35 = arith.constant 0 : index
    tpu.barrier barrier_id(%barrier3A_35)
    "tpu.region"() ({
      %run_scoped3A_36 = tpu.sem_alloc : memref<!tpu.dma_semaphore, #tpu.memory_space<semaphore_mem>>
      %dma_start3A_37 = arith.constant 0 : i32
      %dma_start3A_38 = tpu.memref_slice %arg6[%arg0, %mul3A_2, %dma_start3A_37] : memref<2x10112x128xf32, #tpu.memory_space<hbm>> -> memref<1x632x128xf32, #tpu.memory_space<hbm>>
      %dma_start3A_39 = tpu.memref_squeeze %dma_start3A_38 : memref<1x632x128xf32, #tpu.memory_space<hbm>> -> memref<632x128xf32, #tpu.memory_space<hbm>>
      %dma_start3A_40 = arith.constant 0 : i32
      %dma_start3A_41 = tpu.memref_slice %arg11[%mul3A_2, %dma_start3A_40] : memref<10112x128xf32, #tpu.memory_space<vmem_shared>> -> memref<632x128xf32, #tpu.memory_space<vmem_shared>>
      tpu.enqueue_dma source(%dma_start3A_41 : memref<632x128xf32, #tpu.memory_space<vmem_shared>>) target(%dma_start3A_39 : memref<632x128xf32, #tpu.memory_space<hbm>>) target_semaphore(%run_scoped3A_36 : memref<!tpu.dma_semaphore, #tpu.memory_space<semaphore_mem>>)
      %dma_wait3A_42 = arith.constant 0 : i32
      %dma_wait3A_43 = tpu.memref_slice %arg6[%arg0, %mul3A_2, %dma_wait3A_42] : memref<2x10112x128xf32, #tpu.memory_space<hbm>> -> memref<1x632x128xf32, #tpu.memory_space<hbm>>
      %dma_wait3A_44 = tpu.memref_squeeze %dma_wait3A_43 : memref<1x632x128xf32, #tpu.memory_space<hbm>> -> memref<632x128xf32, #tpu.memory_space<hbm>>
      %dma_wait3A_45 = arith.constant 0 : i32
      %dma_wait3A_46 = tpu.memref_slice %arg11[%mul3A_2, %dma_wait3A_45] : memref<10112x128xf32, #tpu.memory_space<vmem_shared>> -> memref<632x128xf32, #tpu.memory_space<vmem_shared>>
      tpu.wait_dma2 semaphore(%run_scoped3A_36 : memref<!tpu.dma_semaphore, #tpu.memory_space<semaphore_mem>>) src(%dma_wait3A_46 : memref<632x128xf32, #tpu.memory_space<vmem_shared>>) dst(%dma_wait3A_44 : memref<632x128xf32, #tpu.memory_space<hbm>>)
      tpu.yield
    }) : () -> ()
    return
  }
}

#map = affine_map<(d0, d1) -> (0, 0)>
#map1 = affine_map<(d0, d1) -> (0, 0, 0)>
module attributes {stable_mosaic.version = 14 : i64} {
  func.func @_prop_sc(%arg0: i32, %arg1: i32, %arg2: memref<10000x128xf32, #tpu.memory_space<hbm>>, %arg3: memref<32x40x125xi32, #tpu.memory_space<hbm>>, %arg4: memref<32x40x125xi32, #tpu.memory_space<hbm>>, %arg5: memref<10112x128xf32, #tpu.memory_space<hbm>>, %arg6: memref<2x10112x128xf32, #tpu.memory_space<hbm>>, %arg7: memref<40x125xi32, #tpu.memory_space<vmem>>, %arg8: memref<40x125xi32, #tpu.memory_space<vmem>>, %arg9: memref<125x128xf32, #tpu.memory_space<vmem>>, %arg10: memref<125x128xf32, #tpu.memory_space<vmem>>, %arg11: memref<10112x128xf32, #tpu.memory_space<vmem_shared>>, %arg12: memref<!tpu.dma_semaphore, #tpu.memory_space<semaphore_mem>>, %arg13: memref<!tpu.dma_semaphore, #tpu.memory_space<semaphore_mem>>) attributes {dimension_semantics = [#tpu.dimension_semantics<core_parallel>, #tpu.dimension_semantics<subcore_parallel>], iteration_bounds = array<i64: 2, 16>, scalar_prefetch = 0 : i64, scratch_operands = 7 : i64, tpu.core_type = #tpu.core_type<sc_vector_subcore>, window_params = [{transform_indices = #map}, {transform_indices = #map1}, {transform_indices = #map1}, {transform_indices = #map}, {transform_indices = #map1}]} {
    %mul3A = arith.constant 2 : i32
    %mul3A_0 = arith.muli %arg1, %mul3A : i32
    %add3A = arith.addi %mul3A_0, %arg0 : i32
    "tpu.region"() ({
      %run_scoped3A_36 = tpu.sem_alloc : memref<!tpu.dma_semaphore, #tpu.memory_space<semaphore_mem>>
      %dma_start3A_37 = arith.constant 0 : i32
      %dma_start3A_38 = arith.constant 0 : i32
      %dma_start3A_39 = tpu.memref_slice %arg3[%add3A, %dma_start3A_37, %dma_start3A_38] : memref<32x40x125xi32, #tpu.memory_space<hbm>> -> memref<1x40x125xi32, #tpu.memory_space<hbm>>
      %dma_start3A_40 = tpu.memref_squeeze %dma_start3A_39 : memref<1x40x125xi32, #tpu.memory_space<hbm>> -> memref<40x125xi32, #tpu.memory_space<hbm>>
      %dma_start3A_41 = arith.constant 0 : i32
      %dma_start3A_42 = arith.constant 0 : i32
      %dma_start3A_43 = tpu.memref_slice %arg3[%add3A, %dma_start3A_41, %dma_start3A_42] : memref<32x40x125xi32, #tpu.memory_space<hbm>> -> memref<1x40x125xi32, #tpu.memory_space<hbm>>
      %dma_start3A_44 = tpu.memref_squeeze %dma_start3A_43 : memref<1x40x125xi32, #tpu.memory_space<hbm>> -> memref<40x125xi32, #tpu.memory_space<hbm>>
      tpu.enqueue_dma source(%dma_start3A_44 : memref<40x125xi32, #tpu.memory_space<hbm>>) target(%arg7 : memref<40x125xi32, #tpu.memory_space<vmem>>) target_semaphore(%run_scoped3A_36 : memref<!tpu.dma_semaphore, #tpu.memory_space<semaphore_mem>>)
      %dma_wait3A_45 = arith.constant 0 : i32
      %dma_wait3A_46 = arith.constant 0 : i32
      %dma_wait3A_47 = tpu.memref_slice %arg3[%add3A, %dma_wait3A_45, %dma_wait3A_46] : memref<32x40x125xi32, #tpu.memory_space<hbm>> -> memref<1x40x125xi32, #tpu.memory_space<hbm>>
      %dma_wait3A_48 = tpu.memref_squeeze %dma_wait3A_47 : memref<1x40x125xi32, #tpu.memory_space<hbm>> -> memref<40x125xi32, #tpu.memory_space<hbm>>
      %dma_wait3A_49 = arith.constant 0 : i32
      %dma_wait3A_50 = arith.constant 0 : i32
      %dma_wait3A_51 = tpu.memref_slice %arg3[%add3A, %dma_wait3A_49, %dma_wait3A_50] : memref<32x40x125xi32, #tpu.memory_space<hbm>> -> memref<1x40x125xi32, #tpu.memory_space<hbm>>
      %dma_wait3A_52 = tpu.memref_squeeze %dma_wait3A_51 : memref<1x40x125xi32, #tpu.memory_space<hbm>> -> memref<40x125xi32, #tpu.memory_space<hbm>>
      tpu.wait_dma2 semaphore(%run_scoped3A_36 : memref<!tpu.dma_semaphore, #tpu.memory_space<semaphore_mem>>) src(%dma_wait3A_52 : memref<40x125xi32, #tpu.memory_space<hbm>>) dst(%arg7 : memref<40x125xi32, #tpu.memory_space<vmem>>)
      tpu.yield
    }) : () -> ()
    "tpu.region"() ({
      %run_scoped3A_36 = tpu.sem_alloc : memref<!tpu.dma_semaphore, #tpu.memory_space<semaphore_mem>>
      %dma_start3A_37 = arith.constant 0 : i32
      %dma_start3A_38 = arith.constant 0 : i32
      %dma_start3A_39 = tpu.memref_slice %arg4[%add3A, %dma_start3A_37, %dma_start3A_38] : memref<32x40x125xi32, #tpu.memory_space<hbm>> -> memref<1x40x125xi32, #tpu.memory_space<hbm>>
      %dma_start3A_40 = tpu.memref_squeeze %dma_start3A_39 : memref<1x40x125xi32, #tpu.memory_space<hbm>> -> memref<40x125xi32, #tpu.memory_space<hbm>>
      %dma_start3A_41 = arith.constant 0 : i32
      %dma_start3A_42 = arith.constant 0 : i32
      %dma_start3A_43 = tpu.memref_slice %arg4[%add3A, %dma_start3A_41, %dma_start3A_42] : memref<32x40x125xi32, #tpu.memory_space<hbm>> -> memref<1x40x125xi32, #tpu.memory_space<hbm>>
      %dma_start3A_44 = tpu.memref_squeeze %dma_start3A_43 : memref<1x40x125xi32, #tpu.memory_space<hbm>> -> memref<40x125xi32, #tpu.memory_space<hbm>>
      tpu.enqueue_dma source(%dma_start3A_44 : memref<40x125xi32, #tpu.memory_space<hbm>>) target(%arg8 : memref<40x125xi32, #tpu.memory_space<vmem>>) target_semaphore(%run_scoped3A_36 : memref<!tpu.dma_semaphore, #tpu.memory_space<semaphore_mem>>)
      %dma_wait3A_45 = arith.constant 0 : i32
      %dma_wait3A_46 = arith.constant 0 : i32
      %dma_wait3A_47 = tpu.memref_slice %arg4[%add3A, %dma_wait3A_45, %dma_wait3A_46] : memref<32x40x125xi32, #tpu.memory_space<hbm>> -> memref<1x40x125xi32, #tpu.memory_space<hbm>>
      %dma_wait3A_48 = tpu.memref_squeeze %dma_wait3A_47 : memref<1x40x125xi32, #tpu.memory_space<hbm>> -> memref<40x125xi32, #tpu.memory_space<hbm>>
      %dma_wait3A_49 = arith.constant 0 : i32
      %dma_wait3A_50 = arith.constant 0 : i32
      %dma_wait3A_51 = tpu.memref_slice %arg4[%add3A, %dma_wait3A_49, %dma_wait3A_50] : memref<32x40x125xi32, #tpu.memory_space<hbm>> -> memref<1x40x125xi32, #tpu.memory_space<hbm>>
      %dma_wait3A_52 = tpu.memref_squeeze %dma_wait3A_51 : memref<1x40x125xi32, #tpu.memory_space<hbm>> -> memref<40x125xi32, #tpu.memory_space<hbm>>
      tpu.wait_dma2 semaphore(%run_scoped3A_36 : memref<!tpu.dma_semaphore, #tpu.memory_space<semaphore_mem>>) src(%dma_wait3A_52 : memref<40x125xi32, #tpu.memory_space<hbm>>) dst(%arg8 : memref<40x125xi32, #tpu.memory_space<vmem>>)
      tpu.yield
    }) : () -> ()
    %mul3A_1 = arith.constant 632 : i32
    %mul3A_2 = arith.muli %arg1, %mul3A_1 : i32
    "tpu.region"() ({
      %run_scoped3A_36 = tpu.sem_alloc : memref<!tpu.dma_semaphore, #tpu.memory_space<semaphore_mem>>
      %dma_start3A_37 = arith.constant 0 : i32
      %dma_start3A_38 = tpu.memref_slice %arg11[%mul3A_2, %dma_start3A_37] : memref<10112x128xf32, #tpu.memory_space<vmem_shared>> -> memref<632x128xf32, #tpu.memory_space<vmem_shared>>
      %dma_start3A_39 = arith.constant 0 : i32
      %dma_start3A_40 = tpu.memref_slice %arg5[%mul3A_2, %dma_start3A_39] : memref<10112x128xf32, #tpu.memory_space<hbm>> -> memref<632x128xf32, #tpu.memory_space<hbm>>
      tpu.enqueue_dma source(%dma_start3A_40 : memref<632x128xf32, #tpu.memory_space<hbm>>) target(%dma_start3A_38 : memref<632x128xf32, #tpu.memory_space<vmem_shared>>) target_semaphore(%run_scoped3A_36 : memref<!tpu.dma_semaphore, #tpu.memory_space<semaphore_mem>>)
      %dma_wait3A_41 = arith.constant 0 : i32
      %dma_wait3A_42 = tpu.memref_slice %arg11[%mul3A_2, %dma_wait3A_41] : memref<10112x128xf32, #tpu.memory_space<vmem_shared>> -> memref<632x128xf32, #tpu.memory_space<vmem_shared>>
      %dma_wait3A_43 = arith.constant 0 : i32
      %dma_wait3A_44 = tpu.memref_slice %arg5[%mul3A_2, %dma_wait3A_43] : memref<10112x128xf32, #tpu.memory_space<hbm>> -> memref<632x128xf32, #tpu.memory_space<hbm>>
      tpu.wait_dma2 semaphore(%run_scoped3A_36 : memref<!tpu.dma_semaphore, #tpu.memory_space<semaphore_mem>>) src(%dma_wait3A_44 : memref<632x128xf32, #tpu.memory_space<hbm>>) dst(%dma_wait3A_42 : memref<632x128xf32, #tpu.memory_space<vmem_shared>>)
      tpu.yield
    }) : () -> ()
    %barrier3A = arith.constant 0 : index
    tpu.barrier barrier_id(%barrier3A)
    %dma_start3A = arith.constant 0 : i32
    %dma_start3A_3 = arith.constant 0 : i32
    %dma_start3A_4 = tpu.memref_slice %arg7[%dma_start3A, %dma_start3A_3] : memref<40x125xi32, #tpu.memory_space<vmem>> -> memref<1x125xi32, #tpu.memory_space<vmem>>
    %dma_start3A_5 = tpu.memref_squeeze %dma_start3A_4 : memref<1x125xi32, #tpu.memory_space<vmem>> -> memref<125xi32, #tpu.memory_space<vmem>>
    %dma_start3A_6 = arith.constant 0 : i32
    %dma_start3A_7 = arith.constant 0 : i32
    %dma_start3A_8 = tpu.memref_slice %arg2[%dma_start3A_6, %dma_start3A_7] : memref<10000x128xf32, #tpu.memory_space<hbm>> -> memref<10000x128xf32, #tpu.memory_space<hbm>>
    tpu.enqueue_indirect_dma source(%dma_start3A_8 : memref<10000x128xf32, #tpu.memory_space<hbm>>) target(%arg9 : memref<125x128xf32, #tpu.memory_space<vmem>>) offsets(%dma_start3A_5 : memref<125xi32, #tpu.memory_space<vmem>>) semaphore(%arg12 : memref<!tpu.dma_semaphore, #tpu.memory_space<semaphore_mem>>)
    %dma_start3A_9 = arith.constant 1 : i32
    %dma_start3A_10 = arith.constant 0 : i32
    %dma_start3A_11 = tpu.memref_slice %arg7[%dma_start3A_9, %dma_start3A_10] : memref<40x125xi32, #tpu.memory_space<vmem>> -> memref<1x125xi32, #tpu.memory_space<vmem>>
    %dma_start3A_12 = tpu.memref_squeeze %dma_start3A_11 : memref<1x125xi32, #tpu.memory_space<vmem>> -> memref<125xi32, #tpu.memory_space<vmem>>
    %dma_start3A_13 = arith.constant 0 : i32
    %dma_start3A_14 = arith.constant 0 : i32
    %dma_start3A_15 = tpu.memref_slice %arg2[%dma_start3A_13, %dma_start3A_14] : memref<10000x128xf32, #tpu.memory_space<hbm>> -> memref<10000x128xf32, #tpu.memory_space<hbm>>
    tpu.enqueue_indirect_dma source(%dma_start3A_15 : memref<10000x128xf32, #tpu.memory_space<hbm>>) target(%arg10 : memref<125x128xf32, #tpu.memory_space<vmem>>) offsets(%dma_start3A_12 : memref<125xi32, #tpu.memory_space<vmem>>) semaphore(%arg13 : memref<!tpu.dma_semaphore, #tpu.memory_space<semaphore_mem>>)
    %scan3A = arith.constant 0 : i32
    %scan3A_16 = arith.constant 0 : i32
    %scan3A_17 = arith.constant 19 : i32
    %scan3A_18 = arith.addi %scan3A_16, %scan3A_17 : i32
    %scan3A_19 = arith.constant 1 : i32
    scf.for %scan3A_36 = %scan3A_16 to %scan3A_18 step %scan3A_19  : i32 {
      %mul3A_37 = arith.constant 2 : i32
      %mul3A_38 = arith.muli %mul3A_37, %scan3A_36 : i32
      %dma_wait3A_39 = arith.constant 0 : i32
      %dma_wait3A_40 = tpu.memref_slice %arg7[%mul3A_38, %dma_wait3A_39] : memref<40x125xi32, #tpu.memory_space<vmem>> -> memref<1x125xi32, #tpu.memory_space<vmem>>
      %dma_wait3A_41 = tpu.memref_squeeze %dma_wait3A_40 : memref<1x125xi32, #tpu.memory_space<vmem>> -> memref<125xi32, #tpu.memory_space<vmem>>
      %dma_wait3A_42 = arith.constant 0 : i32
      %dma_wait3A_43 = arith.constant 0 : i32
      %dma_wait3A_44 = tpu.memref_slice %arg2[%dma_wait3A_42, %dma_wait3A_43] : memref<10000x128xf32, #tpu.memory_space<hbm>> -> memref<10000x128xf32, #tpu.memory_space<hbm>>
      tpu.wait_indirect_dma semaphore(%arg12 : memref<!tpu.dma_semaphore, #tpu.memory_space<semaphore_mem>>) src(%dma_wait3A_44 : memref<10000x128xf32, #tpu.memory_space<hbm>>) dst(%arg9 : memref<125x128xf32, #tpu.memory_space<vmem>>)
      "tpu.region"() ({
        %run_scoped3A_71 = tpu.sem_alloc : memref<!tpu.dma_semaphore, #tpu.memory_space<semaphore_mem>>
        %dma_start3A_72 = arith.constant 0 : i32
        %dma_start3A_73 = tpu.memref_slice %arg8[%mul3A_38, %dma_start3A_72] : memref<40x125xi32, #tpu.memory_space<vmem>> -> memref<1x125xi32, #tpu.memory_space<vmem>>
        %dma_start3A_74 = tpu.memref_squeeze %dma_start3A_73 : memref<1x125xi32, #tpu.memory_space<vmem>> -> memref<125xi32, #tpu.memory_space<vmem>>
        %dma_start3A_75 = arith.constant 0 : i32
        %dma_start3A_76 = arith.constant 0 : i32
        %dma_start3A_77 = tpu.memref_slice %arg11[%dma_start3A_75, %dma_start3A_76] : memref<10112x128xf32, #tpu.memory_space<vmem_shared>> -> memref<10112x128xf32, #tpu.memory_space<vmem_shared>>
        tpu.enqueue_indirect_dma source(%arg9 : memref<125x128xf32, #tpu.memory_space<vmem>>) target(%dma_start3A_77 : memref<10112x128xf32, #tpu.memory_space<vmem_shared>>) offsets(%dma_start3A_74 : memref<125xi32, #tpu.memory_space<vmem>>) semaphore(%run_scoped3A_71 : memref<!tpu.dma_semaphore, #tpu.memory_space<semaphore_mem>>) {add = true}
        %dma_wait3A_78 = arith.constant 0 : i32
        %dma_wait3A_79 = tpu.memref_slice %arg8[%mul3A_38, %dma_wait3A_78] : memref<40x125xi32, #tpu.memory_space<vmem>> -> memref<1x125xi32, #tpu.memory_space<vmem>>
        %dma_wait3A_80 = tpu.memref_squeeze %dma_wait3A_79 : memref<1x125xi32, #tpu.memory_space<vmem>> -> memref<125xi32, #tpu.memory_space<vmem>>
        %dma_wait3A_81 = arith.constant 0 : i32
        %dma_wait3A_82 = arith.constant 0 : i32
        %dma_wait3A_83 = tpu.memref_slice %arg11[%dma_wait3A_81, %dma_wait3A_82] : memref<10112x128xf32, #tpu.memory_space<vmem_shared>> -> memref<10112x128xf32, #tpu.memory_space<vmem_shared>>
        tpu.wait_indirect_dma semaphore(%run_scoped3A_71 : memref<!tpu.dma_semaphore, #tpu.memory_space<semaphore_mem>>) src(%arg9 : memref<125x128xf32, #tpu.memory_space<vmem>>) dst(%dma_wait3A_83 : memref<10112x128xf32, #tpu.memory_space<vmem_shared>>)
        tpu.yield
      }) : () -> ()
      %add3A_45 = arith.constant 2 : i32
      %add3A_46 = arith.addi %mul3A_38, %add3A_45 : i32
      %dma_start3A_47 = arith.constant 0 : i32
      %dma_start3A_48 = tpu.memref_slice %arg7[%add3A_46, %dma_start3A_47] : memref<40x125xi32, #tpu.memory_space<vmem>> -> memref<1x125xi32, #tpu.memory_space<vmem>>
      %dma_start3A_49 = tpu.memref_squeeze %dma_start3A_48 : memref<1x125xi32, #tpu.memory_space<vmem>> -> memref<125xi32, #tpu.memory_space<vmem>>
      %dma_start3A_50 = arith.constant 0 : i32
      %dma_start3A_51 = arith.constant 0 : i32
      %dma_start3A_52 = tpu.memref_slice %arg2[%dma_start3A_50, %dma_start3A_51] : memref<10000x128xf32, #tpu.memory_space<hbm>> -> memref<10000x128xf32, #tpu.memory_space<hbm>>
      tpu.enqueue_indirect_dma source(%dma_start3A_52 : memref<10000x128xf32, #tpu.memory_space<hbm>>) target(%arg9 : memref<125x128xf32, #tpu.memory_space<vmem>>) offsets(%dma_start3A_49 : memref<125xi32, #tpu.memory_space<vmem>>) semaphore(%arg12 : memref<!tpu.dma_semaphore, #tpu.memory_space<semaphore_mem>>)
      %add3A_53 = arith.constant 1 : i32
      %add3A_54 = arith.addi %mul3A_38, %add3A_53 : i32
      %dma_wait3A_55 = arith.constant 0 : i32
      %dma_wait3A_56 = tpu.memref_slice %arg7[%add3A_54, %dma_wait3A_55] : memref<40x125xi32, #tpu.memory_space<vmem>> -> memref<1x125xi32, #tpu.memory_space<vmem>>
      %dma_wait3A_57 = tpu.memref_squeeze %dma_wait3A_56 : memref<1x125xi32, #tpu.memory_space<vmem>> -> memref<125xi32, #tpu.memory_space<vmem>>
      %dma_wait3A_58 = arith.constant 0 : i32
      %dma_wait3A_59 = arith.constant 0 : i32
      %dma_wait3A_60 = tpu.memref_slice %arg2[%dma_wait3A_58, %dma_wait3A_59] : memref<10000x128xf32, #tpu.memory_space<hbm>> -> memref<10000x128xf32, #tpu.memory_space<hbm>>
      tpu.wait_indirect_dma semaphore(%arg13 : memref<!tpu.dma_semaphore, #tpu.memory_space<semaphore_mem>>) src(%dma_wait3A_60 : memref<10000x128xf32, #tpu.memory_space<hbm>>) dst(%arg10 : memref<125x128xf32, #tpu.memory_space<vmem>>)
      %add3A_61 = arith.constant 1 : i32
      %add3A_62 = arith.addi %mul3A_38, %add3A_61 : i32
      "tpu.region"() ({
        %run_scoped3A_71 = tpu.sem_alloc : memref<!tpu.dma_semaphore, #tpu.memory_space<semaphore_mem>>
        %dma_start3A_72 = arith.constant 0 : i32
        %dma_start3A_73 = tpu.memref_slice %arg8[%add3A_62, %dma_start3A_72] : memref<40x125xi32, #tpu.memory_space<vmem>> -> memref<1x125xi32, #tpu.memory_space<vmem>>
        %dma_start3A_74 = tpu.memref_squeeze %dma_start3A_73 : memref<1x125xi32, #tpu.memory_space<vmem>> -> memref<125xi32, #tpu.memory_space<vmem>>
        %dma_start3A_75 = arith.constant 0 : i32
        %dma_start3A_76 = arith.constant 0 : i32
        %dma_start3A_77 = tpu.memref_slice %arg11[%dma_start3A_75, %dma_start3A_76] : memref<10112x128xf32, #tpu.memory_space<vmem_shared>> -> memref<10112x128xf32, #tpu.memory_space<vmem_shared>>
        tpu.enqueue_indirect_dma source(%arg10 : memref<125x128xf32, #tpu.memory_space<vmem>>) target(%dma_start3A_77 : memref<10112x128xf32, #tpu.memory_space<vmem_shared>>) offsets(%dma_start3A_74 : memref<125xi32, #tpu.memory_space<vmem>>) semaphore(%run_scoped3A_71 : memref<!tpu.dma_semaphore, #tpu.memory_space<semaphore_mem>>) {add = true}
        %dma_wait3A_78 = arith.constant 0 : i32
        %dma_wait3A_79 = tpu.memref_slice %arg8[%add3A_62, %dma_wait3A_78] : memref<40x125xi32, #tpu.memory_space<vmem>> -> memref<1x125xi32, #tpu.memory_space<vmem>>
        %dma_wait3A_80 = tpu.memref_squeeze %dma_wait3A_79 : memref<1x125xi32, #tpu.memory_space<vmem>> -> memref<125xi32, #tpu.memory_space<vmem>>
        %dma_wait3A_81 = arith.constant 0 : i32
        %dma_wait3A_82 = arith.constant 0 : i32
        %dma_wait3A_83 = tpu.memref_slice %arg11[%dma_wait3A_81, %dma_wait3A_82] : memref<10112x128xf32, #tpu.memory_space<vmem_shared>> -> memref<10112x128xf32, #tpu.memory_space<vmem_shared>>
        tpu.wait_indirect_dma semaphore(%run_scoped3A_71 : memref<!tpu.dma_semaphore, #tpu.memory_space<semaphore_mem>>) src(%arg10 : memref<125x128xf32, #tpu.memory_space<vmem>>) dst(%dma_wait3A_83 : memref<10112x128xf32, #tpu.memory_space<vmem_shared>>)
        tpu.yield
      }) : () -> ()
      %add3A_63 = arith.constant 3 : i32
      %add3A_64 = arith.addi %mul3A_38, %add3A_63 : i32
      %dma_start3A_65 = arith.constant 0 : i32
      %dma_start3A_66 = tpu.memref_slice %arg7[%add3A_64, %dma_start3A_65] : memref<40x125xi32, #tpu.memory_space<vmem>> -> memref<1x125xi32, #tpu.memory_space<vmem>>
      %dma_start3A_67 = tpu.memref_squeeze %dma_start3A_66 : memref<1x125xi32, #tpu.memory_space<vmem>> -> memref<125xi32, #tpu.memory_space<vmem>>
      %dma_start3A_68 = arith.constant 0 : i32
      %dma_start3A_69 = arith.constant 0 : i32
      %dma_start3A_70 = tpu.memref_slice %arg2[%dma_start3A_68, %dma_start3A_69] : memref<10000x128xf32, #tpu.memory_space<hbm>> -> memref<10000x128xf32, #tpu.memory_space<hbm>>
      tpu.enqueue_indirect_dma source(%dma_start3A_70 : memref<10000x128xf32, #tpu.memory_space<hbm>>) target(%arg10 : memref<125x128xf32, #tpu.memory_space<vmem>>) offsets(%dma_start3A_67 : memref<125xi32, #tpu.memory_space<vmem>>) semaphore(%arg13 : memref<!tpu.dma_semaphore, #tpu.memory_space<semaphore_mem>>)
    }
    %scan3A_20 = arith.constant 19 : i32
    %dma_wait3A = arith.constant 38 : i32
    %dma_wait3A_21 = arith.constant 0 : i32
    %dma_wait3A_22 = tpu.memref_slice %arg7[%dma_wait3A, %dma_wait3A_21] : memref<40x125xi32, #tpu.memory_space<vmem>> -> memref<1x125xi32, #tpu.memory_space<vmem>>
    %dma_wait3A_23 = tpu.memref_squeeze %dma_wait3A_22 : memref<1x125xi32, #tpu.memory_space<vmem>> -> memref<125xi32, #tpu.memory_space<vmem>>
    %dma_wait3A_24 = arith.constant 0 : i32
    %dma_wait3A_25 = arith.constant 0 : i32
    %dma_wait3A_26 = tpu.memref_slice %arg2[%dma_wait3A_24, %dma_wait3A_25] : memref<10000x128xf32, #tpu.memory_space<hbm>> -> memref<10000x128xf32, #tpu.memory_space<hbm>>
    tpu.wait_indirect_dma semaphore(%arg12 : memref<!tpu.dma_semaphore, #tpu.memory_space<semaphore_mem>>) src(%dma_wait3A_26 : memref<10000x128xf32, #tpu.memory_space<hbm>>) dst(%arg9 : memref<125x128xf32, #tpu.memory_space<vmem>>)
    %run_scoped3A = arith.constant 38 : i32
    "tpu.region"() ({
      %run_scoped3A_36 = tpu.sem_alloc : memref<!tpu.dma_semaphore, #tpu.memory_space<semaphore_mem>>
      %dma_start3A_37 = arith.constant 0 : i32
      %dma_start3A_38 = tpu.memref_slice %arg8[%run_scoped3A, %dma_start3A_37] : memref<40x125xi32, #tpu.memory_space<vmem>> -> memref<1x125xi32, #tpu.memory_space<vmem>>
      %dma_start3A_39 = tpu.memref_squeeze %dma_start3A_38 : memref<1x125xi32, #tpu.memory_space<vmem>> -> memref<125xi32, #tpu.memory_space<vmem>>
      %dma_start3A_40 = arith.constant 0 : i32
      %dma_start3A_41 = arith.constant 0 : i32
      %dma_start3A_42 = tpu.memref_slice %arg11[%dma_start3A_40, %dma_start3A_41] : memref<10112x128xf32, #tpu.memory_space<vmem_shared>> -> memref<10112x128xf32, #tpu.memory_space<vmem_shared>>
      tpu.enqueue_indirect_dma source(%arg9 : memref<125x128xf32, #tpu.memory_space<vmem>>) target(%dma_start3A_42 : memref<10112x128xf32, #tpu.memory_space<vmem_shared>>) offsets(%dma_start3A_39 : memref<125xi32, #tpu.memory_space<vmem>>) semaphore(%run_scoped3A_36 : memref<!tpu.dma_semaphore, #tpu.memory_space<semaphore_mem>>) {add = true}
      %dma_wait3A_43 = arith.constant 0 : i32
      %dma_wait3A_44 = tpu.memref_slice %arg8[%run_scoped3A, %dma_wait3A_43] : memref<40x125xi32, #tpu.memory_space<vmem>> -> memref<1x125xi32, #tpu.memory_space<vmem>>
      %dma_wait3A_45 = tpu.memref_squeeze %dma_wait3A_44 : memref<1x125xi32, #tpu.memory_space<vmem>> -> memref<125xi32, #tpu.memory_space<vmem>>
      %dma_wait3A_46 = arith.constant 0 : i32
      %dma_wait3A_47 = arith.constant 0 : i32
      %dma_wait3A_48 = tpu.memref_slice %arg11[%dma_wait3A_46, %dma_wait3A_47] : memref<10112x128xf32, #tpu.memory_space<vmem_shared>> -> memref<10112x128xf32, #tpu.memory_space<vmem_shared>>
      tpu.wait_indirect_dma semaphore(%run_scoped3A_36 : memref<!tpu.dma_semaphore, #tpu.memory_space<semaphore_mem>>) src(%arg9 : memref<125x128xf32, #tpu.memory_space<vmem>>) dst(%dma_wait3A_48 : memref<10112x128xf32, #tpu.memory_space<vmem_shared>>)
      tpu.yield
    }) : () -> ()
    %dma_wait3A_27 = arith.constant 39 : i32
    %dma_wait3A_28 = arith.constant 0 : i32
    %dma_wait3A_29 = tpu.memref_slice %arg7[%dma_wait3A_27, %dma_wait3A_28] : memref<40x125xi32, #tpu.memory_space<vmem>> -> memref<1x125xi32, #tpu.memory_space<vmem>>
    %dma_wait3A_30 = tpu.memref_squeeze %dma_wait3A_29 : memref<1x125xi32, #tpu.memory_space<vmem>> -> memref<125xi32, #tpu.memory_space<vmem>>
    %dma_wait3A_31 = arith.constant 0 : i32
    %dma_wait3A_32 = arith.constant 0 : i32
    %dma_wait3A_33 = tpu.memref_slice %arg2[%dma_wait3A_31, %dma_wait3A_32] : memref<10000x128xf32, #tpu.memory_space<hbm>> -> memref<10000x128xf32, #tpu.memory_space<hbm>>
    tpu.wait_indirect_dma semaphore(%arg13 : memref<!tpu.dma_semaphore, #tpu.memory_space<semaphore_mem>>) src(%dma_wait3A_33 : memref<10000x128xf32, #tpu.memory_space<hbm>>) dst(%arg10 : memref<125x128xf32, #tpu.memory_space<vmem>>)
    %run_scoped3A_34 = arith.constant 39 : i32
    "tpu.region"() ({
      %run_scoped3A_36 = tpu.sem_alloc : memref<!tpu.dma_semaphore, #tpu.memory_space<semaphore_mem>>
      %dma_start3A_37 = arith.constant 0 : i32
      %dma_start3A_38 = tpu.memref_slice %arg8[%run_scoped3A_34, %dma_start3A_37] : memref<40x125xi32, #tpu.memory_space<vmem>> -> memref<1x125xi32, #tpu.memory_space<vmem>>
      %dma_start3A_39 = tpu.memref_squeeze %dma_start3A_38 : memref<1x125xi32, #tpu.memory_space<vmem>> -> memref<125xi32, #tpu.memory_space<vmem>>
      %dma_start3A_40 = arith.constant 0 : i32
      %dma_start3A_41 = arith.constant 0 : i32
      %dma_start3A_42 = tpu.memref_slice %arg11[%dma_start3A_40, %dma_start3A_41] : memref<10112x128xf32, #tpu.memory_space<vmem_shared>> -> memref<10112x128xf32, #tpu.memory_space<vmem_shared>>
      tpu.enqueue_indirect_dma source(%arg10 : memref<125x128xf32, #tpu.memory_space<vmem>>) target(%dma_start3A_42 : memref<10112x128xf32, #tpu.memory_space<vmem_shared>>) offsets(%dma_start3A_39 : memref<125xi32, #tpu.memory_space<vmem>>) semaphore(%run_scoped3A_36 : memref<!tpu.dma_semaphore, #tpu.memory_space<semaphore_mem>>) {add = true}
      %dma_wait3A_43 = arith.constant 0 : i32
      %dma_wait3A_44 = tpu.memref_slice %arg8[%run_scoped3A_34, %dma_wait3A_43] : memref<40x125xi32, #tpu.memory_space<vmem>> -> memref<1x125xi32, #tpu.memory_space<vmem>>
      %dma_wait3A_45 = tpu.memref_squeeze %dma_wait3A_44 : memref<1x125xi32, #tpu.memory_space<vmem>> -> memref<125xi32, #tpu.memory_space<vmem>>
      %dma_wait3A_46 = arith.constant 0 : i32
      %dma_wait3A_47 = arith.constant 0 : i32
      %dma_wait3A_48 = tpu.memref_slice %arg11[%dma_wait3A_46, %dma_wait3A_47] : memref<10112x128xf32, #tpu.memory_space<vmem_shared>> -> memref<10112x128xf32, #tpu.memory_space<vmem_shared>>
      tpu.wait_indirect_dma semaphore(%run_scoped3A_36 : memref<!tpu.dma_semaphore, #tpu.memory_space<semaphore_mem>>) src(%arg10 : memref<125x128xf32, #tpu.memory_space<vmem>>) dst(%dma_wait3A_48 : memref<10112x128xf32, #tpu.memory_space<vmem_shared>>)
      tpu.yield
    }) : () -> ()
    %barrier3A_35 = arith.constant 0 : index
    tpu.barrier barrier_id(%barrier3A_35)
    "tpu.region"() ({
      %run_scoped3A_36 = tpu.sem_alloc : memref<!tpu.dma_semaphore, #tpu.memory_space<semaphore_mem>>
      %dma_start3A_37 = arith.constant 0 : i32
      %dma_start3A_38 = tpu.memref_slice %arg6[%arg0, %mul3A_2, %dma_start3A_37] : memref<2x10112x128xf32, #tpu.memory_space<hbm>> -> memref<1x632x128xf32, #tpu.memory_space<hbm>>
      %dma_start3A_39 = tpu.memref_squeeze %dma_start3A_38 : memref<1x632x128xf32, #tpu.memory_space<hbm>> -> memref<632x128xf32, #tpu.memory_space<hbm>>
      %dma_start3A_40 = arith.constant 0 : i32
      %dma_start3A_41 = tpu.memref_slice %arg11[%mul3A_2, %dma_start3A_40] : memref<10112x128xf32, #tpu.memory_space<vmem_shared>> -> memref<632x128xf32, #tpu.memory_space<vmem_shared>>
      tpu.enqueue_dma source(%dma_start3A_41 : memref<632x128xf32, #tpu.memory_space<vmem_shared>>) target(%dma_start3A_39 : memref<632x128xf32, #tpu.memory_space<hbm>>) target_semaphore(%run_scoped3A_36 : memref<!tpu.dma_semaphore, #tpu.memory_space<semaphore_mem>>)
      %dma_wait3A_42 = arith.constant 0 : i32
      %dma_wait3A_43 = tpu.memref_slice %arg6[%arg0, %mul3A_2, %dma_wait3A_42] : memref<2x10112x128xf32, #tpu.memory_space<hbm>> -> memref<1x632x128xf32, #tpu.memory_space<hbm>>
      %dma_wait3A_44 = tpu.memref_squeeze %dma_wait3A_43 : memref<1x632x128xf32, #tpu.memory_space<hbm>> -> memref<632x128xf32, #tpu.memory_space<hbm>>
      %dma_wait3A_45 = arith.constant 0 : i32
      %dma_wait3A_46 = tpu.memref_slice %arg11[%mul3A_2, %dma_wait3A_45] : memref<10112x128xf32, #tpu.memory_space<vmem_shared>> -> memref<632x128xf32, #tpu.memory_space<vmem_shared>>
      tpu.wait_dma2 semaphore(%run_scoped3A_36 : memref<!tpu.dma_semaphore, #tpu.memory_space<semaphore_mem>>) src(%dma_wait3A_46 : memref<632x128xf32, #tpu.memory_space<vmem_shared>>) dst(%dma_wait3A_44 : memref<632x128xf32, #tpu.memory_space<hbm>>)
      tpu.yield
    }) : () -> ()
    return
  }
}

module attributes {stable_mosaic.version = 14 : i64} {
  func.func @_dis_body(%arg0: i32, %arg1: memref<2x1000x128xf32, #tpu.memory_space<vmem>>, %arg2: memref<1000x1xf32, #tpu.memory_space<vmem>>) attributes {dimension_semantics = [#tpu.dimension_semantics<arbitrary>], iteration_bounds = array<i64: 11>, scalar_prefetch = 0 : i64, scratch_operands = 0 : i64, tpu.core_type = #tpu.core_type<tc>, window_params = [{transform_indices = @transform_0, window_bounds = array<i64: 2, 1000, 128>}, {transform_indices = @transform_1, window_bounds = array<i64: 1000, 1>}]} {
    %get3A = arith.constant 0 : index
    %get3A_0 = arith.constant 0 : index
    %get3A_1 = arith.constant 0 : index
    %get3A_2 = vector.load %arg1[%get3A, %get3A_0, %get3A_1] : memref<2x1000x128xf32, #tpu.memory_space<vmem>>, vector<1x1000x128xf32>
    %get3A_3 = vector.shape_cast %get3A_2 : vector<1x1000x128xf32> to vector<1000x128xf32>
    %get3A_4 = arith.constant 1 : index
    %get3A_5 = arith.constant 0 : index
    %get3A_6 = arith.constant 0 : index
    %get3A_7 = vector.load %arg1[%get3A_4, %get3A_5, %get3A_6] : memref<2x1000x128xf32, #tpu.memory_space<vmem>>, vector<1x1000x128xf32>
    %get3A_8 = vector.shape_cast %get3A_7 : vector<1x1000x128xf32> to vector<1000x128xf32>
    %add3A = arith.addf %get3A_3, %get3A_8 : vector<1000x128xf32>
    %gt3A = arith.constant 0.000000e+00 : f32
    %gt3A_9 = vector.broadcast %gt3A : f32 to vector<1000x128xf32>
    %gt3A_10 = arith.cmpf ogt, %add3A, %gt3A_9 : vector<1000x128xf32>
    %max3A = arith.constant 9.99999996E-13 : f32
    %max3A_11 = vector.broadcast %max3A : f32 to vector<1000x128xf32>
    %max3A_12 = arith.maximumf %add3A, %max3A_11 : vector<1000x128xf32>
    %rsqrt3A = math.rsqrt %max3A_12 : vector<1000x128xf32>
    %jit3A = arith.constant 0.000000e+00 : f32
    %broadcast_in_dim3A = vector.broadcast %jit3A : f32 to vector<1000x128xf32>
    %select_n3A = arith.select %gt3A_10, %rsqrt3A, %broadcast_in_dim3A : vector<1000x128xi1>, vector<1000x128xf32>
    %slice3A = vector.extract_strided_slice %select_n3A {offsets = [0, 0], sizes = [1000, 1], strides = [1, 1]} : vector<1000x128xf32> to vector<1000x1xf32>
    %swap3A = arith.constant 0 : index
    %swap3A_13 = arith.constant 0 : index
    %swap3A_14 = vector.load %arg2[%swap3A, %swap3A_13] : memref<1000x1xf32, #tpu.memory_space<vmem>>, vector<1000x1xf32>
    tpu.vector_store %arg2[%swap3A, %swap3A_13], %slice3A {strides = array<i32>} : memref<1000x1xf32, #tpu.memory_space<vmem>>, vector<1000x1xf32>,
    return
  }
  func.func @transform_0(%arg0: i32) -> (i32, i32, i32) {
    %c0_i32 = arith.constant 0 : i32
    %c0_i32_0 = arith.constant 0 : i32
    %c0_i32_1 = arith.constant 0 : i32
    return %c0_i32, %arg0, %c0_i32_0 : i32, i32, i32
  }
  func.func @transform_1(%arg0: i32) -> (i32, i32) {
    %c0_i32 = arith.constant 0 : i32
    %c0_i32_0 = arith.constant 0 : i32
    return %arg0, %c0_i32 : i32, i32
  }
}

module attributes {stable_mosaic.version = 14 : i64} {
  func.func @_pre_body(%arg0: i32, %arg1: memref<1000x256xbf16, #tpu.memory_space<vmem>>, %arg2: memref<256x384xbf16, #tpu.memory_space<vmem>>, %arg3: memref<1000x1xf32, #tpu.memory_space<vmem>>, %arg4: memref<1000x128xf32, #tpu.memory_space<vmem>>, %arg5: memref<1000x128xf32, #tpu.memory_space<vmem>>, %arg6: memref<1000x128xf32, #tpu.memory_space<vmem>>) attributes {dimension_semantics = [#tpu.dimension_semantics<arbitrary>], iteration_bounds = array<i64: 10>, scalar_prefetch = 0 : i64, scratch_operands = 0 : i64, tpu.core_type = #tpu.core_type<tc>, window_params = [{transform_indices = @transform_0, window_bounds = array<i64: 1000, 256>}, {pipeline_mode = #tpu.pipeline_mode<synchronous>, transform_indices = @transform_1, window_bounds = array<i64: 256, 384>}, {transform_indices = @transform_2, window_bounds = array<i64: 1000, 1>}, {transform_indices = @transform_3, window_bounds = array<i64: 1000, 128>}, {transform_indices = @transform_4, window_bounds = array<i64: 1000, 128>}, {transform_indices = @transform_5, window_bounds = array<i64: 1000, 128>}]} {
    %get3A = arith.constant 0 : index
    %get3A_0 = arith.constant 0 : index
    %get3A_1 = vector.load %arg1[%get3A, %get3A_0] : memref<1000x256xbf16, #tpu.memory_space<vmem>>, vector<1000x256xbf16>
    %get3A_2 = arith.constant 0 : index
    %get3A_3 = arith.constant 0 : index
    %get3A_4 = vector.load %arg2[%get3A_2, %get3A_3] : memref<256x384xbf16, #tpu.memory_space<vmem>>, vector<256x384xbf16>
    %dot_general3A = arith.constant dense<0.000000e+00> : vector<1000x384xf32>
    %dot_general3A_5 = tpu.matmul %get3A_1, %get3A_4, %dot_general3A {dimension_numbers = #tpu.dot_dimension_numbers<[1], [0], [0], [1], [0, 0, 1, 1], [], []>, transpose_lhs_hint = false} : vector<1000x256xbf16>, vector<256x384xbf16>, vector<1000x384xf32> -> vector<1000x384xf32>
    %get3A_6 = arith.constant 0 : index
    %get3A_7 = arith.constant 0 : index
    %get3A_8 = vector.load %arg3[%get3A_6, %get3A_7] : memref<1000x1xf32, #tpu.memory_space<vmem>>, vector<1000x1xf32>
    %slice3A = vector.extract_strided_slice %dot_general3A_5 {offsets = [0, 256], sizes = [1000, 128], strides = [1, 1]} : vector<1000x384xf32> to vector<1000x128xf32>
    %mul3A = vector.broadcast %get3A_8 : vector<1000x1xf32> to vector<1000x128xf32>
    %mul3A_9 = arith.mulf %mul3A, %slice3A : vector<1000x128xf32>
    %swap3A = arith.constant 0 : index
    %swap3A_10 = arith.constant 0 : index
    %swap3A_11 = vector.load %arg4[%swap3A, %swap3A_10] : memref<1000x128xf32, #tpu.memory_space<vmem>>, vector<1000x128xf32>
    tpu.vector_store %arg4[%swap3A, %swap3A_10], %mul3A_9 {strides = array<i32>} : memref<1000x128xf32, #tpu.memory_space<vmem>>, vector<1000x128xf32>,
    %slice3A_12 = vector.extract_strided_slice %dot_general3A_5 {offsets = [0, 128], sizes = [1000, 128], strides = [1, 1]} : vector<1000x384xf32> to vector<1000x128xf32>
    %mul3A_13 = vector.broadcast %get3A_8 : vector<1000x1xf32> to vector<1000x128xf32>
    %mul3A_14 = arith.mulf %mul3A_13, %slice3A_12 : vector<1000x128xf32>
    %swap3A_15 = arith.constant 0 : index
    %swap3A_16 = arith.constant 0 : index
    %swap3A_17 = vector.load %arg5[%swap3A_15, %swap3A_16] : memref<1000x128xf32, #tpu.memory_space<vmem>>, vector<1000x128xf32>
    tpu.vector_store %arg5[%swap3A_15, %swap3A_16], %mul3A_14 {strides = array<i32>} : memref<1000x128xf32, #tpu.memory_space<vmem>>, vector<1000x128xf32>,
    %slice3A_18 = vector.extract_strided_slice %dot_general3A_5 {offsets = [0, 0], sizes = [1000, 128], strides = [1, 1]} : vector<1000x384xf32> to vector<1000x128xf32>
    %slice3A_19 = vector.extract_strided_slice %dot_general3A_5 {offsets = [0, 256], sizes = [1000, 128], strides = [1, 1]} : vector<1000x384xf32> to vector<1000x128xf32>
    %sub3A = arith.subf %slice3A_18, %slice3A_19 : vector<1000x128xf32>
    %swap3A_20 = arith.constant 0 : index
    %swap3A_21 = arith.constant 0 : index
    %swap3A_22 = vector.load %arg6[%swap3A_20, %swap3A_21] : memref<1000x128xf32, #tpu.memory_space<vmem>>, vector<1000x128xf32>
    tpu.vector_store %arg6[%swap3A_20, %swap3A_21], %sub3A {strides = array<i32>} : memref<1000x128xf32, #tpu.memory_space<vmem>>, vector<1000x128xf32>,
    return
  }
  func.func @transform_0(%arg0: i32) -> (i32, i32) {
    %c0_i32 = arith.constant 0 : i32
    %c0_i32_0 = arith.constant 0 : i32
    return %arg0, %c0_i32 : i32, i32
  }
  func.func @transform_1(%arg0: i32) -> (i32, i32) {
    %c0_i32 = arith.constant 0 : i32
    %c0_i32_0 = arith.constant 0 : i32
    %c0_i32_1 = arith.constant 0 : i32
    return %c0_i32, %c0_i32_0 : i32, i32
  }
  func.func @transform_2(%arg0: i32) -> (i32, i32) {
    %c0_i32 = arith.constant 0 : i32
    %c0_i32_0 = arith.constant 0 : i32
    return %arg0, %c0_i32 : i32, i32
  }
  func.func @transform_3(%arg0: i32) -> (i32, i32) {
    %c0_i32 = arith.constant 0 : i32
    %c0_i32_0 = arith.constant 0 : i32
    return %arg0, %c0_i32 : i32, i32
  }
  func.func @transform_4(%arg0: i32) -> (i32, i32) {
    %c0_i32 = arith.constant 0 : i32
    %c0_i32_0 = arith.constant 0 : i32
    return %arg0, %c0_i32 : i32, i32
  }
  func.func @transform_5(%arg0: i32) -> (i32, i32) {
    %c0_i32 = arith.constant 0 : i32
    %c0_i32_0 = arith.constant 0 : i32
    return %arg0, %c0_i32 : i32, i32
  }
}

module attributes {stable_mosaic.version = 14 : i64} {
  func.func @_mid_body(%arg0: i32, %arg1: memref<1000x128xf32, #tpu.memory_space<vmem>>, %arg2: memref<2x1000x128xf32, #tpu.memory_space<vmem>>, %arg3: memref<1000x1xf32, #tpu.memory_space<vmem>>, %arg4: memref<1000x128xf32, #tpu.memory_space<vmem>>) attributes {dimension_semantics = [#tpu.dimension_semantics<arbitrary>], iteration_bounds = array<i64: 10>, scalar_prefetch = 0 : i64, scratch_operands = 0 : i64, tpu.core_type = #tpu.core_type<tc>, window_params = [{transform_indices = @transform_0, window_bounds = array<i64: 1000, 128>}, {transform_indices = @transform_1, window_bounds = array<i64: 2, 1000, 128>}, {transform_indices = @transform_2, window_bounds = array<i64: 1000, 1>}, {transform_indices = @transform_3, window_bounds = array<i64: 1000, 128>}]} {
    %get3A = arith.constant 0 : index
    %get3A_0 = arith.constant 0 : index
    %get3A_1 = vector.load %arg3[%get3A, %get3A_0] : memref<1000x1xf32, #tpu.memory_space<vmem>>, vector<1000x1xf32>
    %get3A_2 = arith.constant 0 : index
    %get3A_3 = arith.constant 0 : index
    %get3A_4 = vector.load %arg1[%get3A_2, %get3A_3] : memref<1000x128xf32, #tpu.memory_space<vmem>>, vector<1000x128xf32>
    %mul3A = arith.constant 2.000000e+00 : f32
    %mul3A_5 = vector.broadcast %mul3A : f32 to vector<1000x1xf32>
    %mul3A_6 = arith.mulf %mul3A_5, %get3A_1 : vector<1000x1xf32>
    %mul3A_7 = arith.mulf %mul3A_6, %get3A_1 : vector<1000x1xf32>
    %get3A_8 = arith.constant 0 : index
    %get3A_9 = arith.constant 0 : index
    %get3A_10 = arith.constant 0 : index
    %get3A_11 = vector.load %arg2[%get3A_8, %get3A_9, %get3A_10] : memref<2x1000x128xf32, #tpu.memory_space<vmem>>, vector<1x1000x128xf32>
    %get3A_12 = vector.shape_cast %get3A_11 : vector<1x1000x128xf32> to vector<1000x128xf32>
    %get3A_13 = arith.constant 1 : index
    %get3A_14 = arith.constant 0 : index
    %get3A_15 = arith.constant 0 : index
    %get3A_16 = vector.load %arg2[%get3A_13, %get3A_14, %get3A_15] : memref<2x1000x128xf32, #tpu.memory_space<vmem>>, vector<1x1000x128xf32>
    %get3A_17 = vector.shape_cast %get3A_16 : vector<1x1000x128xf32> to vector<1000x128xf32>
    %add3A = arith.addf %get3A_12, %get3A_17 : vector<1000x128xf32>
    %mul3A_18 = vector.broadcast %mul3A_7 : vector<1000x1xf32> to vector<1000x128xf32>
    %mul3A_19 = arith.mulf %mul3A_18, %add3A : vector<1000x128xf32>
    %sub3A = arith.subf %get3A_4, %mul3A_19 : vector<1000x128xf32>
    %swap3A = arith.constant 0 : index
    %swap3A_20 = arith.constant 0 : index
    %swap3A_21 = vector.load %arg4[%swap3A, %swap3A_20] : memref<1000x128xf32, #tpu.memory_space<vmem>>, vector<1000x128xf32>
    tpu.vector_store %arg4[%swap3A, %swap3A_20], %sub3A {strides = array<i32>} : memref<1000x128xf32, #tpu.memory_space<vmem>>, vector<1000x128xf32>,
    return
  }
  func.func @transform_0(%arg0: i32) -> (i32, i32) {
    %c0_i32 = arith.constant 0 : i32
    %c0_i32_0 = arith.constant 0 : i32
    return %arg0, %c0_i32 : i32, i32
  }
  func.func @transform_1(%arg0: i32) -> (i32, i32, i32) {
    %c0_i32 = arith.constant 0 : i32
    %c0_i32_0 = arith.constant 0 : i32
    %c0_i32_1 = arith.constant 0 : i32
    return %c0_i32, %arg0, %c0_i32_0 : i32, i32, i32
  }
  func.func @transform_2(%arg0: i32) -> (i32, i32) {
    %c0_i32 = arith.constant 0 : i32
    %c0_i32_0 = arith.constant 0 : i32
    return %arg0, %c0_i32 : i32, i32
  }
  func.func @transform_3(%arg0: i32) -> (i32, i32) {
    %c0_i32 = arith.constant 0 : i32
    %c0_i32_0 = arith.constant 0 : i32
    return %arg0, %c0_i32 : i32, i32
  }
}

module attributes {stable_mosaic.version = 14 : i64} {
  func.func @_postpre_body(%arg0: i32, %arg1: memref<1000x128xf32, #tpu.memory_space<vmem>>, %arg2: memref<2x1000x128xf32, #tpu.memory_space<vmem>>, %arg3: memref<1000x1xf32, #tpu.memory_space<vmem>>, %arg4: memref<1x128xf32, #tpu.memory_space<vmem>>, %arg5: memref<1x128xf32, #tpu.memory_space<vmem>>, %arg6: memref<128x384xbf16, #tpu.memory_space<vmem>>, %arg7: memref<1000x128xf32, #tpu.memory_space<vmem>>, %arg8: memref<1000x128xf32, #tpu.memory_space<vmem>>, %arg9: memref<1000x128xf32, #tpu.memory_space<vmem>>) attributes {dimension_semantics = [#tpu.dimension_semantics<arbitrary>], iteration_bounds = array<i64: 10>, scalar_prefetch = 0 : i64, scratch_operands = 0 : i64, tpu.core_type = #tpu.core_type<tc>, window_params = [{transform_indices = @transform_0, window_bounds = array<i64: 1000, 128>}, {transform_indices = @transform_1, window_bounds = array<i64: 2, 1000, 128>}, {transform_indices = @transform_2, window_bounds = array<i64: 1000, 1>}, {pipeline_mode = #tpu.pipeline_mode<synchronous>, transform_indices = @transform_3, window_bounds = array<i64: 1, 128>}, {pipeline_mode = #tpu.pipeline_mode<synchronous>, transform_indices = @transform_4, window_bounds = array<i64: 1, 128>}, {pipeline_mode = #tpu.pipeline_mode<synchronous>, transform_indices = @transform_5, window_bounds = array<i64: 128, 384>}, {transform_indices = @transform_6, window_bounds = array<i64: 1000, 128>}, {transform_indices = @transform_7, window_bounds = array<i64: 1000, 128>}, {transform_indices = @transform_8, window_bounds = array<i64: 1000, 128>}]} {
    %get3A = arith.constant 0 : index
    %get3A_0 = arith.constant 0 : index
    %get3A_1 = vector.load %arg3[%get3A, %get3A_0] : memref<1000x1xf32, #tpu.memory_space<vmem>>, vector<1000x1xf32>
    %get3A_2 = arith.constant 0 : index
    %get3A_3 = arith.constant 0 : index
    %get3A_4 = vector.load %arg1[%get3A_2, %get3A_3] : memref<1000x128xf32, #tpu.memory_space<vmem>>, vector<1000x128xf32>
    %get3A_5 = arith.constant 0 : index
    %get3A_6 = arith.constant 0 : index
    %get3A_7 = arith.constant 0 : index
    %get3A_8 = vector.load %arg2[%get3A_5, %get3A_6, %get3A_7] : memref<2x1000x128xf32, #tpu.memory_space<vmem>>, vector<1x1000x128xf32>
    %get3A_9 = vector.shape_cast %get3A_8 : vector<1x1000x128xf32> to vector<1000x128xf32>
    %get3A_10 = arith.constant 1 : index
    %get3A_11 = arith.constant 0 : index
    %get3A_12 = arith.constant 0 : index
    %get3A_13 = vector.load %arg2[%get3A_10, %get3A_11, %get3A_12] : memref<2x1000x128xf32, #tpu.memory_space<vmem>>, vector<1x1000x128xf32>
    %get3A_14 = vector.shape_cast %get3A_13 : vector<1x1000x128xf32> to vector<1000x128xf32>
    %add3A = arith.addf %get3A_9, %get3A_14 : vector<1000x128xf32>
    %mul3A = vector.broadcast %get3A_1 : vector<1000x1xf32> to vector<1000x128xf32>
    %mul3A_15 = arith.mulf %mul3A, %add3A : vector<1000x128xf32>
    %sub3A = arith.subf %get3A_4, %mul3A_15 : vector<1000x128xf32>
    %get3A_16 = arith.constant 0 : index
    %get3A_17 = arith.constant 0 : index
    %get3A_18 = vector.load %arg4[%get3A_16, %get3A_17] : memref<1x128xf32, #tpu.memory_space<vmem>>, vector<1x128xf32>
    %add3A_19 = vector.broadcast %get3A_18 : vector<1x128xf32> to vector<1000x128xf32>
    %add3A_20 = arith.addf %sub3A, %add3A_19 : vector<1000x128xf32>
    %ge3A = arith.constant 0.000000e+00 : f32
    %ge3A_21 = vector.broadcast %ge3A : f32 to vector<1000x128xf32>
    %ge3A_22 = arith.cmpf oge, %add3A_20, %ge3A_21 : vector<1000x128xf32>
    %get3A_23 = arith.constant 0 : index
    %get3A_24 = arith.constant 0 : index
    %get3A_25 = vector.load %arg5[%get3A_23, %get3A_24] : memref<1x128xf32, #tpu.memory_space<vmem>>, vector<1x128xf32>
    %mul3A_26 = vector.broadcast %get3A_25 : vector<1x128xf32> to vector<1000x128xf32>
    %mul3A_27 = arith.mulf %mul3A_26, %add3A_20 : vector<1000x128xf32>
    %select_n3A = arith.select %ge3A_22, %add3A_20, %mul3A_27 : vector<1000x128xi1>, vector<1000x128xf32>
    %convert_element_type3A = arith.truncf %select_n3A : vector<1000x128xf32> to vector<1000x128xbf16>
    %get3A_28 = arith.constant 0 : index
    %get3A_29 = arith.constant 0 : index
    %get3A_30 = vector.load %arg6[%get3A_28, %get3A_29] : memref<128x384xbf16, #tpu.memory_space<vmem>>, vector<128x384xbf16>
    %dot_general3A = arith.constant dense<0.000000e+00> : vector<1000x384xf32>
    %dot_general3A_31 = tpu.matmul %convert_element_type3A, %get3A_30, %dot_general3A {dimension_numbers = #tpu.dot_dimension_numbers<[1], [0], [0], [1], [0, 0, 1, 1], [], []>, transpose_lhs_hint = false} : vector<1000x128xbf16>, vector<128x384xbf16>, vector<1000x384xf32> -> vector<1000x384xf32>
    %slice3A = vector.extract_strided_slice %dot_general3A_31 {offsets = [0, 256], sizes = [1000, 128], strides = [1, 1]} : vector<1000x384xf32> to vector<1000x128xf32>
    %mul3A_32 = vector.broadcast %get3A_1 : vector<1000x1xf32> to vector<1000x128xf32>
    %mul3A_33 = arith.mulf %mul3A_32, %slice3A : vector<1000x128xf32>
    %swap3A = arith.constant 0 : index
    %swap3A_34 = arith.constant 0 : index
    %swap3A_35 = vector.load %arg7[%swap3A, %swap3A_34] : memref<1000x128xf32, #tpu.memory_space<vmem>>, vector<1000x128xf32>
    tpu.vector_store %arg7[%swap3A, %swap3A_34], %mul3A_33 {strides = array<i32>} : memref<1000x128xf32, #tpu.memory_space<vmem>>, vector<1000x128xf32>,
    %slice3A_36 = vector.extract_strided_slice %dot_general3A_31 {offsets = [0, 128], sizes = [1000, 128], strides = [1, 1]} : vector<1000x384xf32> to vector<1000x128xf32>
    %mul3A_37 = vector.broadcast %get3A_1 : vector<1000x1xf32> to vector<1000x128xf32>
    %mul3A_38 = arith.mulf %mul3A_37, %slice3A_36 : vector<1000x128xf32>
    %swap3A_39 = arith.constant 0 : index
    %swap3A_40 = arith.constant 0 : index
    %swap3A_41 = vector.load %arg8[%swap3A_39, %swap3A_40] : memref<1000x128xf32, #tpu.memory_space<vmem>>, vector<1000x128xf32>
    tpu.vector_store %arg8[%swap3A_39, %swap3A_40], %mul3A_38 {strides = array<i32>} : memref<1000x128xf32, #tpu.memory_space<vmem>>, vector<1000x128xf32>,
    %slice3A_42 = vector.extract_strided_slice %dot_general3A_31 {offsets = [0, 0], sizes = [1000, 128], strides = [1, 1]} : vector<1000x384xf32> to vector<1000x128xf32>
    %slice3A_43 = vector.extract_strided_slice %dot_general3A_31 {offsets = [0, 256], sizes = [1000, 128], strides = [1, 1]} : vector<1000x384xf32> to vector<1000x128xf32>
    %sub3A_44 = arith.subf %slice3A_42, %slice3A_43 : vector<1000x128xf32>
    %swap3A_45 = arith.constant 0 : index
    %swap3A_46 = arith.constant 0 : index
    %swap3A_47 = vector.load %arg9[%swap3A_45, %swap3A_46] : memref<1000x128xf32, #tpu.memory_space<vmem>>, vector<1000x128xf32>
    tpu.vector_store %arg9[%swap3A_45, %swap3A_46], %sub3A_44 {strides = array<i32>} : memref<1000x128xf32, #tpu.memory_space<vmem>>, vector<1000x128xf32>,
    return
  }
  func.func @transform_0(%arg0: i32) -> (i32, i32) {
    %c0_i32 = arith.constant 0 : i32
    %c0_i32_0 = arith.constant 0 : i32
    return %arg0, %c0_i32 : i32, i32
  }
  func.func @transform_1(%arg0: i32) -> (i32, i32, i32) {
    %c0_i32 = arith.constant 0 : i32
    %c0_i32_0 = arith.constant 0 : i32
    %c0_i32_1 = arith.constant 0 : i32
    return %c0_i32, %arg0, %c0_i32_0 : i32, i32, i32
  }
  func.func @transform_2(%arg0: i32) -> (i32, i32) {
    %c0_i32 = arith.constant 0 : i32
    %c0_i32_0 = arith.constant 0 : i32
    return %arg0, %c0_i32 : i32, i32
  }
  func.func @transform_3(%arg0: i32) -> (i32, i32) {
    %c0_i32 = arith.constant 0 : i32
    %c0_i32_0 = arith.constant 0 : i32
    %c0_i32_1 = arith.constant 0 : i32
    return %c0_i32, %c0_i32_0 : i32, i32
  }
  func.func @transform_4(%arg0: i32) -> (i32, i32) {
    %c0_i32 = arith.constant 0 : i32
    %c0_i32_0 = arith.constant 0 : i32
    %c0_i32_1 = arith.constant 0 : i32
    return %c0_i32, %c0_i32_0 : i32, i32
  }
  func.func @transform_5(%arg0: i32) -> (i32, i32) {
    %c0_i32 = arith.constant 0 : i32
    %c0_i32_0 = arith.constant 0 : i32
    %c0_i32_1 = arith.constant 0 : i32
    return %c0_i32, %c0_i32_0 : i32, i32
  }
  func.func @transform_6(%arg0: i32) -> (i32, i32) {
    %c0_i32 = arith.constant 0 : i32
    %c0_i32_0 = arith.constant 0 : i32
    return %arg0, %c0_i32 : i32, i32
  }
  func.func @transform_7(%arg0: i32) -> (i32, i32) {
    %c0_i32 = arith.constant 0 : i32
    %c0_i32_0 = arith.constant 0 : i32
    return %arg0, %c0_i32 : i32, i32
  }
  func.func @transform_8(%arg0: i32) -> (i32, i32) {
    %c0_i32 = arith.constant 0 : i32
    %c0_i32_0 = arith.constant 0 : i32
    return %arg0, %c0_i32 : i32, i32
  }
}

module attributes {stable_mosaic.version = 14 : i64} {
  func.func @_pool_body(%arg0: i32, %arg1: memref<1000x128xf32, #tpu.memory_space<vmem>>, %arg2: memref<2x1000x128xf32, #tpu.memory_space<vmem>>, %arg3: memref<1000x1xf32, #tpu.memory_space<vmem>>, %arg4: memref<1x128xf32, #tpu.memory_space<vmem>>, %arg5: memref<1x128xf32, #tpu.memory_space<vmem>>, %arg6: memref<1000x1xi32, #tpu.memory_space<vmem>>, %arg7: memref<64x128xf32, #tpu.memory_space<vmem>>, %arg8: memref<64x128xf32, #tpu.memory_space<vmem>>, %arg9: memref<64x128xf32, #tpu.memory_space<vmem>>) attributes {dimension_semantics = [#tpu.dimension_semantics<arbitrary>], iteration_bounds = array<i64: 10>, scalar_prefetch = 0 : i64, scratch_operands = 2 : i64, tpu.core_type = #tpu.core_type<tc>, window_params = [{transform_indices = @transform_0, window_bounds = array<i64: 1000, 128>}, {transform_indices = @transform_1, window_bounds = array<i64: 2, 1000, 128>}, {transform_indices = @transform_2, window_bounds = array<i64: 1000, 1>}, {pipeline_mode = #tpu.pipeline_mode<synchronous>, transform_indices = @transform_3, window_bounds = array<i64: 1, 128>}, {pipeline_mode = #tpu.pipeline_mode<synchronous>, transform_indices = @transform_4, window_bounds = array<i64: 1, 128>}, {transform_indices = @transform_5, window_bounds = array<i64: 1000, 1>}, {pipeline_mode = #tpu.pipeline_mode<synchronous>, transform_indices = @transform_6, window_bounds = array<i64: 64, 128>}]} {
    %eq3A = arith.constant 0 : i32
    %eq3A_0 = arith.cmpi eq, %arg0, %eq3A : i32
    %convert_element_type3A = arith.extui %eq3A_0 : i1 to i32
    %cond3A = arith.constant 0 : i32
    %cond3A_1 = arith.cmpi ne, %convert_element_type3A, %cond3A : i32
    scf.if %cond3A_1 {
      %broadcast_in_dim3A_59 = arith.constant 0.000000e+00 : f32
      %broadcast_in_dim3A_60 = vector.broadcast %broadcast_in_dim3A_59 : f32 to vector<64x128xf32>
      %swap3A_61 = arith.constant 0 : index
      %swap3A_62 = arith.constant 0 : index
      %swap3A_63 = vector.load %arg8[%swap3A_61, %swap3A_62] : memref<64x128xf32, #tpu.memory_space<vmem>>, vector<64x128xf32>
      tpu.vector_store %arg8[%swap3A_61, %swap3A_62], %broadcast_in_dim3A_60 {strides = array<i32>} : memref<64x128xf32, #tpu.memory_space<vmem>>, vector<64x128xf32>,
      %broadcast_in_dim3A_64 = arith.constant 0.000000e+00 : f32
      %broadcast_in_dim3A_65 = vector.broadcast %broadcast_in_dim3A_64 : f32 to vector<64x128xf32>
      %swap3A_66 = arith.constant 0 : index
      %swap3A_67 = arith.constant 0 : index
      %swap3A_68 = vector.load %arg9[%swap3A_66, %swap3A_67] : memref<64x128xf32, #tpu.memory_space<vmem>>, vector<64x128xf32>
      tpu.vector_store %arg9[%swap3A_66, %swap3A_67], %broadcast_in_dim3A_65 {strides = array<i32>} : memref<64x128xf32, #tpu.memory_space<vmem>>, vector<64x128xf32>,
    } else {
    }
    %get3A = arith.constant 0 : index
    %get3A_2 = arith.constant 0 : index
    %get3A_3 = vector.load %arg3[%get3A, %get3A_2] : memref<1000x1xf32, #tpu.memory_space<vmem>>, vector<1000x1xf32>
    %get3A_4 = arith.constant 0 : index
    %get3A_5 = arith.constant 0 : index
    %get3A_6 = vector.load %arg1[%get3A_4, %get3A_5] : memref<1000x128xf32, #tpu.memory_space<vmem>>, vector<1000x128xf32>
    %get3A_7 = arith.constant 0 : index
    %get3A_8 = arith.constant 0 : index
    %get3A_9 = arith.constant 0 : index
    %get3A_10 = vector.load %arg2[%get3A_7, %get3A_8, %get3A_9] : memref<2x1000x128xf32, #tpu.memory_space<vmem>>, vector<1x1000x128xf32>
    %get3A_11 = vector.shape_cast %get3A_10 : vector<1x1000x128xf32> to vector<1000x128xf32>
    %get3A_12 = arith.constant 1 : index
    %get3A_13 = arith.constant 0 : index
    %get3A_14 = arith.constant 0 : index
    %get3A_15 = vector.load %arg2[%get3A_12, %get3A_13, %get3A_14] : memref<2x1000x128xf32, #tpu.memory_space<vmem>>, vector<1x1000x128xf32>
    %get3A_16 = vector.shape_cast %get3A_15 : vector<1x1000x128xf32> to vector<1000x128xf32>
    %add3A = arith.addf %get3A_11, %get3A_16 : vector<1000x128xf32>
    %mul3A = vector.broadcast %get3A_3 : vector<1000x1xf32> to vector<1000x128xf32>
    %mul3A_17 = arith.mulf %mul3A, %add3A : vector<1000x128xf32>
    %sub3A = arith.subf %get3A_6, %mul3A_17 : vector<1000x128xf32>
    %get3A_18 = arith.constant 0 : index
    %get3A_19 = arith.constant 0 : index
    %get3A_20 = vector.load %arg4[%get3A_18, %get3A_19] : memref<1x128xf32, #tpu.memory_space<vmem>>, vector<1x128xf32>
    %add3A_21 = vector.broadcast %get3A_20 : vector<1x128xf32> to vector<1000x128xf32>
    %add3A_22 = arith.addf %sub3A, %add3A_21 : vector<1000x128xf32>
    %ge3A = arith.constant 0.000000e+00 : f32
    %ge3A_23 = vector.broadcast %ge3A : f32 to vector<1000x128xf32>
    %ge3A_24 = arith.cmpf oge, %add3A_22, %ge3A_23 : vector<1000x128xf32>
    %get3A_25 = arith.constant 0 : index
    %get3A_26 = arith.constant 0 : index
    %get3A_27 = vector.load %arg5[%get3A_25, %get3A_26] : memref<1x128xf32, #tpu.memory_space<vmem>>, vector<1x128xf32>
    %mul3A_28 = vector.broadcast %get3A_27 : vector<1x128xf32> to vector<1000x128xf32>
    %mul3A_29 = arith.mulf %mul3A_28, %add3A_22 : vector<1000x128xf32>
    %select_n3A = arith.select %ge3A_24, %add3A_22, %mul3A_29 : vector<1000x128xi1>, vector<1000x128xf32>
    %iota3A = tpu.iota {dimensions = array<i32: 1>} : vector<1000x64xi32>
    %get3A_30 = arith.constant 0 : index
    %get3A_31 = arith.constant 0 : index
    %get3A_32 = vector.load %arg6[%get3A_30, %get3A_31] : memref<1000x1xi32, #tpu.memory_space<vmem>>, vector<1000x1xi32>
    %eq3A_33 = vector.broadcast %get3A_32 : vector<1000x1xi32> to vector<1000x64xi32>
    %eq3A_34 = arith.cmpi eq, %eq3A_33, %iota3A : vector<1000x64xi32>
    %convert_element_type3A_35 = arith.extui %eq3A_34 : vector<1000x64xi1> to vector<1000x64xi32>
    %convert_element_type3A_36 = arith.sitofp %convert_element_type3A_35 : vector<1000x64xi32> to vector<1000x64xf32>
    %get3A_37 = arith.constant 0 : index
    %get3A_38 = arith.constant 0 : index
    %get3A_39 = vector.load %arg8[%get3A_37, %get3A_38] : memref<64x128xf32, #tpu.memory_space<vmem>>, vector<64x128xf32>
    %dot_general3A = arith.constant dense<0.000000e+00> : vector<64x128xf32>
    %dot_general3A_40 = tpu.matmul %convert_element_type3A_36, %select_n3A, %dot_general3A {dimension_numbers = #tpu.dot_dimension_numbers<[0], [0], [1], [1], [0, 1, 1, 1], [], []>, transpose_lhs_hint = false} : vector<1000x64xf32>, vector<1000x128xf32>, vector<64x128xf32> -> vector<64x128xf32>
    %add3A_41 = arith.addf %get3A_39, %dot_general3A_40 : vector<64x128xf32>
    %swap3A = arith.constant 0 : index
    %swap3A_42 = arith.constant 0 : index
    %swap3A_43 = vector.load %arg8[%swap3A, %swap3A_42] : memref<64x128xf32, #tpu.memory_space<vmem>>, vector<64x128xf32>
    tpu.vector_store %arg8[%swap3A, %swap3A_42], %add3A_41 {strides = array<i32>} : memref<64x128xf32, #tpu.memory_space<vmem>>, vector<64x128xf32>,
    %get3A_44 = arith.constant 0 : index
    %get3A_45 = arith.constant 0 : index
    %get3A_46 = vector.load %arg9[%get3A_44, %get3A_45] : memref<64x128xf32, #tpu.memory_space<vmem>>, vector<64x128xf32>
    %broadcast_in_dim3A = arith.constant 1.000000e+00 : f32
    %broadcast_in_dim3A_47 = vector.broadcast %broadcast_in_dim3A : f32 to vector<1000x128xf32>
    %dot_general3A_48 = arith.constant dense<0.000000e+00> : vector<64x128xf32>
    %dot_general3A_49 = tpu.matmul %convert_element_type3A_36, %broadcast_in_dim3A_47, %dot_general3A_48 {dimension_numbers = #tpu.dot_dimension_numbers<[0], [0], [1], [1], [0, 1, 1, 1], [], []>, transpose_lhs_hint = false} : vector<1000x64xf32>, vector<1000x128xf32>, vector<64x128xf32> -> vector<64x128xf32>
    %add3A_50 = arith.addf %get3A_46, %dot_general3A_49 : vector<64x128xf32>
    %swap3A_51 = arith.constant 0 : index
    %swap3A_52 = arith.constant 0 : index
    %swap3A_53 = vector.load %arg9[%swap3A_51, %swap3A_52] : memref<64x128xf32, #tpu.memory_space<vmem>>, vector<64x128xf32>
    tpu.vector_store %arg9[%swap3A_51, %swap3A_52], %add3A_50 {strides = array<i32>} : memref<64x128xf32, #tpu.memory_space<vmem>>, vector<64x128xf32>,
    %eq3A_54 = arith.constant 9 : i32
    %eq3A_55 = arith.cmpi eq, %arg0, %eq3A_54 : i32
    %convert_element_type3A_56 = arith.extui %eq3A_55 : i1 to i32
    %cond3A_57 = arith.constant 0 : i32
    %cond3A_58 = arith.cmpi ne, %convert_element_type3A_56, %cond3A_57 : i32
    scf.if %cond3A_58 {
      %get3A_59 = arith.constant 0 : index
      %get3A_60 = arith.constant 0 : index
      %get3A_61 = vector.load %arg8[%get3A_59, %get3A_60] : memref<64x128xf32, #tpu.memory_space<vmem>>, vector<64x128xf32>
      %get3A_62 = arith.constant 0 : index
      %get3A_63 = arith.constant 0 : index
      %get3A_64 = vector.load %arg9[%get3A_62, %get3A_63] : memref<64x128xf32, #tpu.memory_space<vmem>>, vector<64x128xf32>
      %max3A = arith.constant 1.000000e+00 : f32
      %max3A_65 = vector.broadcast %max3A : f32 to vector<64x128xf32>
      %max3A_66 = arith.maximumf %get3A_64, %max3A_65 : vector<64x128xf32>
      %div3A = arith.divf %get3A_61, %max3A_66 : vector<64x128xf32>
      %swap3A_67 = arith.constant 0 : index
      %swap3A_68 = arith.constant 0 : index
      %swap3A_69 = vector.load %arg7[%swap3A_67, %swap3A_68] : memref<64x128xf32, #tpu.memory_space<vmem>>, vector<64x128xf32>
      tpu.vector_store %arg7[%swap3A_67, %swap3A_68], %div3A {strides = array<i32>} : memref<64x128xf32, #tpu.memory_space<vmem>>, vector<64x128xf32>,
    } else {
    }
    return
  }
  func.func @transform_0(%arg0: i32) -> (i32, i32) {
    %c0_i32 = arith.constant 0 : i32
    %c0_i32_0 = arith.constant 0 : i32
    return %arg0, %c0_i32 : i32, i32
  }
  func.func @transform_1(%arg0: i32) -> (i32, i32, i32) {
    %c0_i32 = arith.constant 0 : i32
    %c0_i32_0 = arith.constant 0 : i32
    %c0_i32_1 = arith.constant 0 : i32
    return %c0_i32, %arg0, %c0_i32_0 : i32, i32, i32
  }
  func.func @transform_2(%arg0: i32) -> (i32, i32) {
    %c0_i32 = arith.constant 0 : i32
    %c0_i32_0 = arith.constant 0 : i32
    return %arg0, %c0_i32 : i32, i32
  }
  func.func @transform_3(%arg0: i32) -> (i32, i32) {
    %c0_i32 = arith.constant 0 : i32
    %c0_i32_0 = arith.constant 0 : i32
    %c0_i32_1 = arith.constant 0 : i32
    return %c0_i32, %c0_i32_0 : i32, i32
  }
  func.func @transform_4(%arg0: i32) -> (i32, i32) {
    %c0_i32 = arith.constant 0 : i32
    %c0_i32_0 = arith.constant 0 : i32
    %c0_i32_1 = arith.constant 0 : i32
    return %c0_i32, %c0_i32_0 : i32, i32
  }
  func.func @transform_5(%arg0: i32) -> (i32, i32) {
    %c0_i32 = arith.constant 0 : i32
    %c0_i32_0 = arith.constant 0 : i32
    return %arg0, %c0_i32 : i32, i32
  }
  func.func @transform_6(%arg0: i32) -> (i32, i32) {
    %c0_i32 = arith.constant 0 : i32
    %c0_i32_0 = arith.constant 0 : i32
    %c0_i32_1 = arith.constant 0 : i32
    return %c0_i32, %c0_i32_0 : i32, i32
  }
}

module attributes {stable_mosaic.version = 14 : i64} {
  func.func @_cls_body(%arg0: memref<64x128xf32, #tpu.memory_space<vmem>>, %arg1: memref<64x128xf32, #tpu.memory_space<vmem>>, %arg2: memref<256x256xf32, #tpu.memory_space<vmem>>, %arg3: memref<1x256xf32, #tpu.memory_space<vmem>>, %arg4: memref<1x256xf32, #tpu.memory_space<vmem>>, %arg5: memref<256x2xf32, #tpu.memory_space<vmem>>, %arg6: memref<1x2xf32, #tpu.memory_space<vmem>>, %arg7: memref<64x2xf32, #tpu.memory_space<vmem>>, %arg8: memref<64x256xf32, #tpu.memory_space<vmem>>) attributes {dimension_semantics = [], scalar_prefetch = 0 : i64, scratch_operands = 0 : i64, tpu.core_type = #tpu.core_type<tc>} {
    %get3A = arith.constant 0 : index
    %get3A_0 = arith.constant 0 : index
    %get3A_1 = vector.load %arg0[%get3A, %get3A_0] : memref<64x128xf32, #tpu.memory_space<vmem>>, vector<64x128xf32>
    %get3A_2 = arith.constant 0 : index
    %get3A_3 = arith.constant 0 : index
    %get3A_4 = vector.load %arg1[%get3A_2, %get3A_3] : memref<64x128xf32, #tpu.memory_space<vmem>>, vector<64x128xf32>
    %concatenate3A = tpu.concatenate %get3A_1, %get3A_4 in 1 : vector<64x128xf32>, vector<64x128xf32> -> vector<64x256xf32>
    %get3A_5 = arith.constant 0 : index
    %get3A_6 = arith.constant 0 : index
    %get3A_7 = vector.load %arg2[%get3A_5, %get3A_6] : memref<256x256xf32, #tpu.memory_space<vmem>>, vector<256x256xf32>
    %dot_general3A = arith.constant dense<0.000000e+00> : vector<64x256xf32>
    %dot_general3A_8 = tpu.matmul %concatenate3A, %get3A_7, %dot_general3A {dimension_numbers = #tpu.dot_dimension_numbers<[1], [0], [0], [1], [0, 0, 1, 1], [], []>, transpose_lhs_hint = false} : vector<64x256xf32>, vector<256x256xf32>, vector<64x256xf32> -> vector<64x256xf32>
    %get3A_9 = arith.constant 0 : index
    %get3A_10 = arith.constant 0 : index
    %get3A_11 = vector.load %arg3[%get3A_9, %get3A_10] : memref<1x256xf32, #tpu.memory_space<vmem>>, vector<1x256xf32>
    %add3A = vector.broadcast %get3A_11 : vector<1x256xf32> to vector<64x256xf32>
    %add3A_12 = arith.addf %dot_general3A_8, %add3A : vector<64x256xf32>
    %ge3A = arith.constant 0.000000e+00 : f32
    %ge3A_13 = vector.broadcast %ge3A : f32 to vector<64x256xf32>
    %ge3A_14 = arith.cmpf oge, %add3A_12, %ge3A_13 : vector<64x256xf32>
    %get3A_15 = arith.constant 0 : index
    %get3A_16 = arith.constant 0 : index
    %get3A_17 = vector.load %arg4[%get3A_15, %get3A_16] : memref<1x256xf32, #tpu.memory_space<vmem>>, vector<1x256xf32>
    %mul3A = vector.broadcast %get3A_17 : vector<1x256xf32> to vector<64x256xf32>
    %mul3A_18 = arith.mulf %mul3A, %add3A_12 : vector<64x256xf32>
    %select_n3A = arith.select %ge3A_14, %add3A_12, %mul3A_18 : vector<64x256xi1>, vector<64x256xf32>
    %get3A_19 = arith.constant 0 : index
    %get3A_20 = arith.constant 0 : index
    %get3A_21 = vector.load %arg5[%get3A_19, %get3A_20] : memref<256x2xf32, #tpu.memory_space<vmem>>, vector<256x2xf32>
    %dot_general3A_22 = arith.constant dense<0.000000e+00> : vector<64x2xf32>
    %dot_general3A_23 = tpu.matmul %select_n3A, %get3A_21, %dot_general3A_22 {dimension_numbers = #tpu.dot_dimension_numbers<[1], [0], [0], [1], [0, 0, 1, 1], [], []>, transpose_lhs_hint = false} : vector<64x256xf32>, vector<256x2xf32>, vector<64x2xf32> -> vector<64x2xf32>
    %get3A_24 = arith.constant 0 : index
    %get3A_25 = arith.constant 0 : index
    %get3A_26 = vector.load %arg6[%get3A_24, %get3A_25] : memref<1x2xf32, #tpu.memory_space<vmem>>, vector<1x2xf32>
    %add3A_27 = vector.broadcast %get3A_26 : vector<1x2xf32> to vector<64x2xf32>
    %add3A_28 = arith.addf %dot_general3A_23, %add3A_27 : vector<64x2xf32>
    %swap3A = arith.constant 0 : index
    %swap3A_29 = arith.constant 0 : index
    %swap3A_30 = vector.load %arg7[%swap3A, %swap3A_29] : memref<64x2xf32, #tpu.memory_space<vmem>>, vector<64x2xf32>
    tpu.vector_store %arg7[%swap3A, %swap3A_29], %add3A_28 {strides = array<i32>} : memref<64x2xf32, #tpu.memory_space<vmem>>, vector<64x2xf32>,
    %swap3A_31 = arith.constant 0 : index
    %swap3A_32 = arith.constant 0 : index
    %swap3A_33 = vector.load %arg8[%swap3A_31, %swap3A_32] : memref<64x256xf32, #tpu.memory_space<vmem>>, vector<64x256xf32>
    tpu.vector_store %arg8[%swap3A_31, %swap3A_32], %concatenate3A {strides = array<i32>} : memref<64x256xf32, #tpu.memory_space<vmem>>, vector<64x256xf32>,
    return
  }
}

</mosaic_0001>

<sc_bundles>
// kernel: kernel.25.cloned.1.call-start
scs
__scs_entry_jumppad:
0x0: {  	(pc) =	sbr.rel $0x88, $3  }
0x1: {  	(tag) =	ssettag $0x0;
	lr =	simm.s32 $0x1  }
0x2: {  	[smem:$0x3F8C] =	sst lr;
	_ =	strace $0xD0000000  }
0x3: {  	_ = 	snop  }
0x4: {  	_ = 	snop  }
0x5: {  	_ = 	snop  }
0x6: {  	_ = 	snop  }
0x7: {  	_ = 	snop  }
__scs_overlays_trampoline_lowered:
0x8: {  	[smem:$0x3F9B] =	sst s0  }
0x9: {  	[smem:$0x3F9C] =	sst s1  }
0xa: {  	[smem:$0x3F9D] =	sst s2  }
0xb: {  	[smem:$0x3F9E] =	sst s3  }
0xc: {  	[smem:$0x3F9F] =	sst s4  }
0xd: {  	[smem:$0x3FA0] =	sst s5  }
0xe: {  	[smem:$0x3FA1] =	sst s6  }
0xf: {  	[smem:$0x3FA2] =	sst s7  }
0x10: {  	[smem:$0x3FA3] =	sst s8  }
0x11: {  	[smem:$0x3FA4] =	sst s9;
	s0 =	simm.s32 @!p0 $0x0  }
0x12: {  	s1 =	sld [smem:$0x3F8A];
	s0 =	simm.s32 @p0 $0x1  }
0x13: {  	[smem:$0x3FA5] =	sst s0;
	s0 =	simm.s32 @!p1 $0x0  }
0x14: {  	s2 =	sld [smem:$0x3F89];
	s0 =	simm.s32 @p1 $0x1  }
0x15: {  	[smem:$0x3FA6] =	sst s0;
	s0 =	simm.s32 @!p2 $0x0  }
0x16: {  	s3 =	sld [smem:$0x3FDB];
	s0 =	simm.s32 @p2 $0x1  }
0x17: {  	s4 =	simm.s32 $0x1BF5;
	[smem:$0x3FA8] =	sst s0  }
0x18: {  	s0 =	sld [smem:$0x3F8B];
	_ =	swait.ge [sflag:s4], $0x0  }
0x19: {  	s7 =	sld [smem:$0x3F8C]  }
0x1a: {  	s8 =	sadd.s32 $0xFFFFE003, lr  }
0x1b: {  	s9 =	sadd.s32 $0xFFFFFEF7, lr;
	s5 =	simm.s32 $0xFFFFFFFF;
	p2 =	slt.u32 s8, $0xFFFFF086  }
0x1c: {  	p1 =	slt.u32 s9, $0xF7A;
	s5 =	simm.s32 @!p2 $0x0  }
0x1d: {  	s5 =	simm.s32 @p1 $0x1;
	p0 =	seq.s32 s7, s2  }
0x1e: {  	s7 =	smul.u32 @!p0 $0xF7A, s2;
	p2 =	seq.s32 @!p0 s5, $0x0  }
0x1f: {  	s9 =	smul.u32 $0xF7A, s1;
	s8 =	simm.s32 @!p0 $0x1BF5;
	p2 =	por !p2, p0  }
0x20: {  	[sflag:s8] =	ssyncset.s32 @!p0 $0xFFFFF086;
	s6 =	sadd.s32 @!p0 s3, s7;
	s7 =	simm.s32 @!p0 $0x108  }
0x21: {  	s3 =	sadd.s32 s3, s9;
	s6 =	sadd.s32 @!p0 $0x88, s6;
	s7 =	simm.s32 @p2 $0x1082  }
0x22: {  	[simem:s7], [sflag:s8] =	dma.local @!p0 [hbm:s6], $0xF7A  }
0x23: {  	s9 =	sor.u32 $0xD0000000, s2;
	s6 =	simm.s32 $0x108;
	_ =	swait.ge @!p0 [sflag:s8], $0x0  }
0x24: {  	s3 =	sadd.s32 $0x88, s3;
	s6 =	simm.s32 @!p1 $0x1082;
	[sflag:s4] =	ssyncset.s32 $0xFFFFF086  }
0x25: {  	[simem:s6], [sflag:s4] =	dma.local [hbm:s3], $0xF7A  }
0x26: {  	[smem:$0x3F8C] =	sst s1;
	(tag) =	ssettag s2;
	_ =	strace s9  }
0x27: {  	s1 =	sld [smem:$0x3F9C]  }
0x28: {  	s2 =	sld [smem:$0x3F9D]  }
0x29: {  	s4 =	sld [smem:$0x3F9F]  }
0x2a: {  	p0 =	seq.s32 s5, $0x0;
	s5 =	sld [smem:$0x3FA0]  }
0x2b: {  	s6 =	sld [smem:$0x3FA1]  }
0x2c: {  	s7 =	sld [smem:$0x3FA2]  }
0x2d: {  	s3 =	simm.s32 $0x108;
	s8 =	sld [smem:$0x3FA3]  }
0x2e: {  	s3 =	simm.s32 @!p0 $0x1082;
	s9 =	sld [smem:$0x3FA4]  }
0x2f: {  	lr =	sadd.s32 s0, s3;
	s0 =	sld [smem:$0x3F9B]  }
0x30: {  	s3 =	sld [smem:$0x3F9E]  }
0x31: {  	[smem:$0x3FA7] =	sst s10  }
0x32: {  	s10 =	sld [smem:$0x3FA5];
	_ =	sdelay $0x3  }
0x33: {  	p0 =	seq.s32 s10, $0x1;
	s10 =	sld [smem:$0x3FA7];
	_ =	sdelay $0x3  }
0x34: {  	[smem:$0x3FA7] =	sst s10  }
0x35: {  	s10 =	sld [smem:$0x3FA6];
	_ =	sdelay $0x3  }
0x36: {  	p1 =	seq.s32 s10, $0x1;
	s10 =	sld [smem:$0x3FA7];
	_ =	sdelay $0x3  }
0x37: {  	[smem:$0x3FA7] =	sst s10  }
0x38: {  	s10 =	sld [smem:$0x3FA8]  }
0x39: {  	_ = 	snop;
	(pc) =	sbr.ind lr, $3  }
0x3a: {  	_ = 	snop  }
0x3b: {  	_ = 	snop  }
0x3c: {  	p2 =	seq.s32 s10, $0x1;
	s10 =	sld [smem:$0x3FA7]  }
0x3d: {  	_ =	shalt  }
0x3e: {  	_ =	shalt  }
0x3f: {  	_ =	shalt  }
0x40: {  	_ =	shalt  }
0x41: {  	_ =	shalt  }
0x42: {  	_ =	shalt  }
0x43: {  	_ =	shalt  }
0x44: {  	_ =	shalt  }
0x45: {  	_ =	shalt  }
0x46: {  	_ =	shalt  }
0x47: {  	_ =	shalt  }
0x48: {  	_ =	shalt  }
0x49: {  	_ =	shalt  }
0x4a: {  	_ =	shalt  }
0x4b: {  	_ =	shalt  }
0x4c: {  	_ =	shalt  }
0x4d: {  	_ =	shalt  }
0x4e: {  	_ =	shalt  }
0x4f: {  	_ =	shalt  }
0x50: {  	_ =	shalt  }
0x51: {  	_ =	shalt  }
0x52: {  	_ =	shalt  }
0x53: {  	_ =	shalt  }
0x54: {  	_ =	shalt  }
0x55: {  	_ =	shalt  }
0x56: {  	_ =	shalt  }
0x57: {  	_ =	shalt  }
0x58: {  	_ =	shalt  }
0x59: {  	_ =	shalt  }
0x5a: {  	_ =	shalt  }
0x5b: {  	_ =	shalt  }
0x5c: {  	_ =	shalt  }
0x5d: {  	_ =	shalt  }
0x5e: {  	_ =	shalt  }
0x5f: {  	_ =	shalt  }
0x60: {  	_ =	shalt  }
0x61: {  	_ =	shalt  }
0x62: {  	_ =	shalt  }
0x63: {  	_ =	shalt  }
0x64: {  	_ =	shalt  }
0x65: {  	_ =	shalt  }
0x66: {  	_ =	shalt  }
0x67: {  	_ =	shalt  }
0x68: {  	_ =	shalt  }
0x69: {  	_ =	shalt  }
0x6a: {  	_ =	shalt  }
0x6b: {  	_ =	shalt  }
0x6c: {  	_ =	shalt  }
0x6d: {  	_ =	shalt  }
0x6e: {  	_ =	shalt  }
0x6f: {  	_ =	shalt  }
0x70: {  	_ =	shalt  }
0x71: {  	_ =	shalt  }
0x72: {  	_ =	shalt  }
0x73: {  	_ =	shalt  }
0x74: {  	_ =	shalt  }
0x75: {  	_ =	shalt  }
0x76: {  	_ =	shalt  }
0x77: {  	_ =	shalt  }
0x78: {  	_ =	shalt  }
0x79: {  	_ =	shalt  }
0x7a: {  	_ =	shalt  }
0x7b: {  	_ =	shalt  }
0x7c: {  	_ =	shalt  }
0x7d: {  	_ =	shalt  }
0x7e: {  	_ =	shalt  }
0x7f: {  	_ =	shalt  }
0x80: {  	_ =	shalt  }
0x81: {  	_ =	shalt  }
0x82: {  	_ =	shalt  }
0x83: {  	_ =	shalt  }
0x84: {  	_ =	shalt  }
0x85: {  	_ =	shalt  }
0x86: {  	_ =	shalt  }
0x87: {  	_ =	shalt  }
.Lfunc_end0:
.L_simem_size_0:
called_computation_lowered:
.L_overlay_start_0:
0x88: {  	s2 =	sld [smem:$0x3FD9]  }
0x89: {  	s3 =	sld [smem:$0x3FFE];
	_ =	sdelay $0x1  }
0x8a: {  	s1 =	srdreg.scid  }
0x8b: {  	s0 =	sand.u32 $0x1, s1  }
0x8c: {  	s15 =	sshll.u32 s0, $0xA;
	s2 =	sadd.s32 s3, s2  }
0x8d: {  	s2 =	sadd.s32 s2, s15  }
0x8e: {  	[smem:$0x3FB3] =	sst s2  }
0x8f: {  	_ = 	snop  }
0x90: {  	s2 =	sld [smem:$0x3FD0];
	_ =	sdelay $0x2  }
0x91: {  	s16 =	simm.s32 $0xB;
	s4 =	simm.s32 $0x10  }
0x92: {  	[smem:s4], [sflag:s16] =	dma.local [hbm:s2], $0x1  }
0x93: {  	_ =	swait.eq [sflag:s16], $0x1  }
0x94: {  	[sflag:s16] =	ssyncset.done $0x0  }
0x95: {  	[sflag:s16] =	ssyncadd.s32 $0xFFFFFFFF  }
0x96: {  	s17 =	sld [smem:$0x11];
	(tm) =	ssettm $0x1  }
0x97: {  	s18 =	sld [smem:$0x3FFB];
	_ =	sdelay $0x3  }
0x98: {  	_ =	strace s18  }
0x99: {  	s2 =	sld [smem:$0x3FFC];
	_ =	sdelay $0x3  }
0x9a: {  	_ =	strace s2  }
0x9b: {  	s2 =	sld [smem:$0x3FFD];
	_ =	sdelay $0x3  }
0x9c: {  	_ =	strace s2  }
0x9d: {  	_ =	strace $0x8FFFFFFF  }
0x9e: {  	s19 =	sld [smem:$0x3FDB];
	_ =	sdelay $0x1  }
0x9f: {  	s20 =	simm.s32 $_scs_section_size  }
0xa0: {  	s5 =	simm.s32 $_size__tile_overlayer_lowered;
	s6 =	simm.s32 $_tile_overlayer_lowered  }
0xa1: {  	s7 =	simm.s32 $0x1BFF;
	s21 =	sshll.u32 s6, $0x1;
	s4 =	sadd.s32 s20, s19  }
0xa2: {  	s22 =	simm.s32 $0x0;
	s5 =	sshll.u32 s5, $0x1;
	s6 =	sadd.s32 s21, s4  }
0xa3: {  	[timem:s22], [sflag:s7] =	dma.local [hbm:s6], s5  }
0xa4: {  	_ =	swait.ge [sflag:s7], s5  }
0xa5: {  	s5 =	ssub.s32 $0x0, s5;
	[sflag:s7] =	ssyncset.done $0x0  }
0xa6: {  	[sflag:s7] =	ssyncadd.s32 s5;
	_ =	sdelay $0x1  }
0xa7: {  	s23 =	simm.s32 $0x1B8B  }
0xa8: {  	_ =	swait.ge [sflag:s23], $0x1  }
0xa9: {  	[sflag:s23] =	ssyncset.done $0x0  }
0xaa: {  	[sflag:s23] =	ssyncadd.s32 $0xFFFFFFFF  }
0xab: {  	s5 =	sld [smem:$0x0]  }
0xac: {  	s6 =	sand.u32 $0xFFFFFFFE, s1  }
0xad: {  	p0 =	sne.s32 s1, s6  }
0xae: {  	s6 =	sshll.u32 @p0 s6, $0xE  }
0xaf: {  	s6 =	sadd.s32 @p0 $0x11B8D, s6;
	s7 =	sshll.u32 @p0 s5, $0x11  }
0xb0: {  	s6 =	sor.u32 @p0 s7, s6  }
0xb1: {  	[sflag:s6] =	ssyncadd.remote.s32 @p0 $0x1;
	_ =	sdelay $0x1  }
0xb2: {  	s6 =	simm.s32 @p0 $0x1B8D  }
0xb3: {  	_ =	swait.eq @p0 [sflag:s6], $0x1  }
0xb4: {  	[sflag:s6] =	ssyncadd.s32 @p0 $0xFFFFFFFF  }
0xb5: {  	s7 =	sshll.u32 @!p0 s1, $0xE  }
0xb6: {  	s7 =	sor.u32 @!p0 $0x4000, s7;
	s6 =	simm.s32 @!p0 $0x1B8D  }
0xb7: {  	s5 =	sshll.u32 @!p0 s5, $0x11;
	s7 =	sadd.s32 @!p0 $0x11B8D, s7;
	_ =	swait.eq @!p0 [sflag:s6], $0x1  }
0xb8: {  	s5 =	sor.u32 @!p0 s5, s7;
	[sflag:s6] =	ssyncadd.s32 @!p0 $0xFFFFFFFF  }
0xb9: {  	s25 =	simm.s32 $0x1B8E;
	s24 =	sld [smem:$0x3FFE];
	[sflag:s5] =	ssyncadd.remote.s32 @!p0 $0x1  }
0xba: {  	s26 =	simm.s32 $execute0_lowered;
	[smem:$0x3FD2] =	sst s25  }
0xbb: {  	s6 =	sshll.u32 s26, $0x1;
	_ =	strace $0x80000049;
	[dreg:$0x1] =	wrdreg $0xFFFFFFFF  }
0xbc: {  	s28 =	simm.s32 $_size_execute0_lowered;
	s4 =	sadd.s32 s4, s6;
	[dreg:$0x0] =	wrdreg $0x0  }
0xbd: {  	s6 =	sshll.u32 s28, $0x1;
	[dreg:$0x2] =	wrdreg s4  }
0xbe: {  	[dreg:$0x3] =	wrdreg s6  }
0xbf: {  	[dreg:$0x4] =	wrdreg $0xC0  }
0xc0: {  	_ =	task [dreg:s22], $0x5FFFF  }
0xc1: {  	[dreg:$0x1] =	wrdreg $0xFFFFFFFF  }
0xc2: {  	[dreg:$0x0] =	wrdreg $0x60  }
0xc3: {  	[dreg:$0x2] =	wrdreg s24  }
0xc4: {  	[dreg:$0x3] =	wrdreg s17  }
0xc5: {  	[dreg:$0x4] =	wrdreg $0x54000  }
0xc6: {  	[dreg:$0x5] =	wrdreg $0x9  }
0xc7: {  	_ =	task.clear_ibuf [dreg:s22], $0x6FFFF;
	_ =	strace $0x90000049  }
0xc8: {  	s29 =	simm.s32 $0x9;
	_ =	strace $0x8000004B  }
0xc9: {  	_ =	swait.ge [sflag:s29], $0x1  }
0xca: {  	[sflag:s29] =	ssyncadd.s32 $0xFFFFFFFF  }
0xcb: {  	_ =	strace $0x9000004B  }
0xcc: {  	_ =	sfence  }
0xcd: {  	s30 =	sld [smem:$0x0];
	_ =	sdelay $0x2  }
0xce: {  	s31 =	sshll.u32 s1, $0xD;
	s1 =	sshrl.u32 s1, $0x2  }
0xcf: {  	s4 =	sand.u32 $0x4000, s31;
	s1 =	sadd.s32 s1, s30  }
0xd0: {  	s0 =	sor.u32 s4, s0;
	s1 =	sshll.u32 s1, $0x11  }
0xd1: {  	s0 =	sor.u32 s1, s0  }
0xd2: {  	s0 =	sadd.s32 $0x8F2B, s0  }
0xd3: {  	[sflag:s0] =	ssyncadd.remote.s32 $0x1  }
0xd4: {  	_ =	sfence.sel $0xFFFF  }
0xd5: {  	[dreg:$0x0] =	wrdreg $0xFFFFFFFF;
	(pc) =	sbr.abs _section_cstart, $3  }
0xd6: {  	[dreg:$0x1] =	wrdreg $0xFFFFFFFF  }
0xd7: {  	_ =	task.clear_ibuf [dreg:s22], $0x2FFFF;
	_ =	strace $0x9FFFFFFF  }
0xd8: {  	(tm) =	ssettm $0x7FFFFFFF  }
0xd9: {  	_ =	shalt  }
tec
execute0_lowered:
.L_overlay_start_1:
0x0: {  	(tag) =	ssettag $0x1  }
0x1: {  	s5 =	rddreg [dreg:$0x0]  }
0x2: {  	s1 =	srdreg.scid;
	s2 =	rddreg [dreg:$0x1]  }
0x3: {  	s0 =	stileid.u32;
	s3 =	rddreg [dreg:$0x2]  }
0x4: {  	s4 =	simm.s32 $0x0;
	s13 =	simm.s32 $0x7D;
	s14 =	simm.s32 $0x0  }
0x5: {  	s6 =	sand.u32 $0x1, s1;
	s28 =	sshll.u32 s0, $0x1;
	s8 =	smul.u32 $0x13C00, s0  }
0x6: {  	[smem:$0x7FF] =	sst s4;
	s29 =	smul.u32 $0x4F000, s0;
	s31 =	sshll.u32 s0, $0x6  }
0x7: {  	s1 =	sor.u32 s6, s28;
	s9 =	smul.u32 $0x13C000, s6;
	s6 =	ssub.s32 $0x2, s6  }
0x8: {  	s7 =	smul.u32 $0x280, s1;
	s1 =	rddreg [dreg:$0x3];
	_ =	strace $0x8000004A  }
0x9: {  	s10 =	sshrl.u32 s8, $0x3;
	s11 =	sshrl.u32 s6, $0x1;
	s30 =	sshrl.u32 s29, $0x2  }
0xa: {  	s8 =	sadd.s32 s8, s9;
	s10 =	sadd.s32 s10, s5;
	s11 =	ssub.s32 s6, s11  }
0xb: {  	s12 =	sadd.s32 s30, s3;
	s9 =	simm.s32 $0x1400;
	s8 =	sshrl.u32 s8, $0x3  }
0xc: {  	s7 =	sadd.s32 s7, s5;
	s12 =	sshrl.u32 s12, $0x3;
	s8 =	sadd.s32 s8, s5  }
0xd: {  	s5 =	sadd.s32 $0x11400, s10;
	s6 =	sadd.s32 $0x87C00, s7;
	s10 =	simm.s32 $0x1  }
0xe: {  	s7 =	sadd.s32 $0x8CC00, s8;
	s8 =	smax.u32 s11, $0x1;
	s11 =	sor.u32 $0x1C01, s31  }
.LBB2_1:
0xf: {  	[tilespmem:s9], [sflag:$0x1] =	stream.linear.gather [hbm4b:s2+s4], $0x3E80, $0x38;
	[tilespmem:$0x19000] =	vst v63  }
0x10: {  	_ =	swait.ge [sflag:s10], $0x3E80  }
0x11: {  	[sflag:s10] =	ssyncset.done $0x0  }
0x12: {  	[sflag:s10] =	ssyncadd.s32 $0xFFFFC180  }
0x13: {  	[spmem:s12], [sflag:s11] =	dma.local [hbm:s5], $0x2780  }
0x14: {  	_ =	swait.ge [sflag:s10], $0x2780  }
0x15: {  	[sflag:s10] =	ssyncset.done $0x0  }
0x16: {  	[sflag:s10] =	ssyncadd.s32 $0xFFFFD880  }
0x17: {  	[bflag:$0x0] =	sbarrier.arrive $0xFFFF  }
0x18: {  	[tilespmem:s4], [sflag:$0x1] =	stream.linear.gather [hbm4b:s6+s4], $0x1400, $0x38;
	[tilespmem:$0x19000] =	vst v63  }
0x19: {  	_ =	swait.ge [sflag:s10], $0x1400  }
0x1a: {  	[sflag:s10] =	ssyncset.done $0x0  }
0x1b: {  	s15 =	simm.s32 $0x0;
	[sflag:s10] =	ssyncadd.s32 $0xFFFFEC00  }
0x1c: {  	[spmem:s3] =	stream.indirect.scatter.add.f32 [tilespmem:s9], [sflag:$0x1], $0x80, s15, s13, $0xb8;
	[tilespmem:$0x19000] =	vst v63  }
0x1d: {  	_ =	swait.ge [sflag:s10], $0x3E80  }
0x1e: {  	s15 =	simm.s32 $0x200;
	[sflag:s10] =	ssyncset.done $0x0  }
.LBB2_2:
0x1f: {  	s16 =	sshra.s32 s15, $0x2;
	[sflag:s10] =	ssyncadd.s32 $0xFFFFC180;
	p0 =	sne.s32 s15, $0x4E00  }
0x20: {  	[spmem:s3] =	stream.indirect.scatter.add.f32 [tilespmem:s9], [sflag:$0x1], $0x80, s16, s13, $0xb8;
	[tilespmem:$0x19000] =	vst v63  }
.Ltmp0:
0x21: {  	_ = 	snop;
	(pc) =	sbr.rel @p0 .LBB2_2-.Ltmp0, $4  }
0x22: {  	_ = 	snop  }
0x23: {  	s15 =	sadd.s32 $0x200, s15  }
0x24: {  	_ =	swait.ge [sflag:s10], $0x3E80  }
0x25: {  	[sflag:s10] =	ssyncset.done $0x0  }
0x26: {  	s14 =	sadd.s32 $0x1, s14  }
0x27: {  	[sflag:s10] =	ssyncadd.s32 $0xFFFFC180;
	p0 =	sne.s32 s14, s8  }
.Ltmp1:
0x28: {  	[bflag:$0x0] =	sbarrier.arrive $0xFFFF;
	(pc) =	sbr.rel @p0 .LBB2_1-.Ltmp1, $4  }
0x29: {  	[hbm:s7], [sflag:s11] =	dma.local [spmem:s12], $0x2780  }
0x2a: {  	_ =	swait.ge [sflag:s10], $0x2780  }
0x2b: {  	[sflag:s10] =	ssyncset.done $0x0  }
0x2c: {  	[sflag:s10] =	ssyncadd.s32 $0xFFFFD880  }
0x2d: {  	_ =	sfence.sel $0x180000  }
0x2e: {  	[bflag:$0x0] =	sbarrier.arrive $0xFFFF  }
0x2f: {  	p0 =	sne.s32 s0, $0x0;
	_ =	strace $0x9000004A  }
0x30: {  	s0 =	sadd.s32 @!p0 $0x100000, s1;
	[bflag:$0x2] =	sbarrier.arrive $0xFFFF  }
0x31: {  	[sflag:s0] =	ssyncadd.tile.s32 @!p0 $0x1;
	_ =	shalt  }
.Lfunc_end2:
_tile_overlayer_lowered:
.L_overlay_start_2:
0x32: {  	(tag) =	ssettag $0x2  }
0x33: {  	s0 =	rddreg [dreg:$0x0];
	s2 =	stileid.u32  }
0x34: {  	s1 =	rddreg [dreg:$0x1];
	p0 =	sne.s32 s2, $0x0  }
0x35: {  	s3 =	rddreg [dreg:$0x2];
	[bflag:$0x3] =	sbarrier.arrive $0xFFFF;
	s2 =	simm.s32 @!p0 $0x1C01  }
0x36: {  	[timem:s3], [sflag:s2] =	dma.local @!p0 [hbm:s0], s1  }
0x37: {  	s0 =	simm.s32 @!p0 $0x1  }
0x38: {  	_ =	swait.ge @!p0 [sflag:s0], s1  }
0x39: {  	s1 =	ssub.s32 @!p0 $0x0, s1;
	[sflag:s0] =	ssyncset.done @!p0 $0x0  }
0x3a: {  	[sflag:s0] =	ssyncadd.s32 @!p0 s1  }
0x3b: {  	[bflag:$0x3] =	sbarrier.arrive $0xFFFF  }
0x3c: {  	_ =	shalt  }

// kernel: kernel.28.cloned.1.call-start
scs
__scs_entry_jumppad:
0x0: {  	(pc) =	sbr.rel $0x88, $3  }
0x1: {  	(tag) =	ssettag $0x0;
	lr =	simm.s32 $0x1  }
0x2: {  	[smem:$0x3F8C] =	sst lr;
	_ =	strace $0xD0000000  }
0x3: {  	_ = 	snop  }
0x4: {  	_ = 	snop  }
0x5: {  	_ = 	snop  }
0x6: {  	_ = 	snop  }
0x7: {  	_ = 	snop  }
__scs_overlays_trampoline_lowered:
0x8: {  	[smem:$0x3F9B] =	sst s0  }
0x9: {  	[smem:$0x3F9C] =	sst s1  }
0xa: {  	[smem:$0x3F9D] =	sst s2  }
0xb: {  	[smem:$0x3F9E] =	sst s3  }
0xc: {  	[smem:$0x3F9F] =	sst s4  }
0xd: {  	[smem:$0x3FA0] =	sst s5  }
0xe: {  	[smem:$0x3FA1] =	sst s6  }
0xf: {  	[smem:$0x3FA2] =	sst s7  }
0x10: {  	[smem:$0x3FA3] =	sst s8  }
0x11: {  	[smem:$0x3FA4] =	sst s9;
	s0 =	simm.s32 @!p0 $0x0  }
0x12: {  	s1 =	sld [smem:$0x3F8A];
	s0 =	simm.s32 @p0 $0x1  }
0x13: {  	[smem:$0x3FA5] =	sst s0;
	s0 =	simm.s32 @!p1 $0x0  }
0x14: {  	s2 =	sld [smem:$0x3F89];
	s0 =	simm.s32 @p1 $0x1  }
0x15: {  	[smem:$0x3FA6] =	sst s0;
	s0 =	simm.s32 @!p2 $0x0  }
0x16: {  	s3 =	sld [smem:$0x3FDB];
	s0 =	simm.s32 @p2 $0x1  }
0x17: {  	s4 =	simm.s32 $0x1BF5;
	[smem:$0x3FA8] =	sst s0  }
0x18: {  	s0 =	sld [smem:$0x3F8B];
	_ =	swait.ge [sflag:s4], $0x0  }
0x19: {  	s7 =	sld [smem:$0x3F8C]  }
0x1a: {  	s8 =	sadd.s32 $0xFFFFE003, lr  }
0x1b: {  	s9 =	sadd.s32 $0xFFFFFEF7, lr;
	s5 =	simm.s32 $0xFFFFFFFF;
	p2 =	slt.u32 s8, $0xFFFFF086  }
0x1c: {  	p1 =	slt.u32 s9, $0xF7A;
	s5 =	simm.s32 @!p2 $0x0  }
0x1d: {  	s5 =	simm.s32 @p1 $0x1;
	p0 =	seq.s32 s7, s2  }
0x1e: {  	s7 =	smul.u32 @!p0 $0xF7A, s2;
	p2 =	seq.s32 @!p0 s5, $0x0  }
0x1f: {  	s9 =	smul.u32 $0xF7A, s1;
	s8 =	simm.s32 @!p0 $0x1BF5;
	p2 =	por !p2, p0  }
0x20: {  	[sflag:s8] =	ssyncset.s32 @!p0 $0xFFFFF086;
	s6 =	sadd.s32 @!p0 s3, s7;
	s7 =	simm.s32 @!p0 $0x108  }
0x21: {  	s3 =	sadd.s32 s3, s9;
	s6 =	sadd.s32 @!p0 $0x88, s6;
	s7 =	simm.s32 @p2 $0x1082  }
0x22: {  	[simem:s7], [sflag:s8] =	dma.local @!p0 [hbm:s6], $0xF7A  }
0x23: {  	s9 =	sor.u32 $0xD0000000, s2;
	s6 =	simm.s32 $0x108;
	_ =	swait.ge @!p0 [sflag:s8], $0x0  }
0x24: {  	s3 =	sadd.s32 $0x88, s3;
	s6 =	simm.s32 @!p1 $0x1082;
	[sflag:s4] =	ssyncset.s32 $0xFFFFF086  }
0x25: {  	[simem:s6], [sflag:s4] =	dma.local [hbm:s3], $0xF7A  }
0x26: {  	[smem:$0x3F8C] =	sst s1;
	(tag) =	ssettag s2;
	_ =	strace s9  }
0x27: {  	s1 =	sld [smem:$0x3F9C]  }
0x28: {  	s2 =	sld [smem:$0x3F9D]  }
0x29: {  	s4 =	sld [smem:$0x3F9F]  }
0x2a: {  	p0 =	seq.s32 s5, $0x0;
	s5 =	sld [smem:$0x3FA0]  }
0x2b: {  	s6 =	sld [smem:$0x3FA1]  }
0x2c: {  	s7 =	sld [smem:$0x3FA2]  }
0x2d: {  	s3 =	simm.s32 $0x108;
	s8 =	sld [smem:$0x3FA3]  }
0x2e: {  	s3 =	simm.s32 @!p0 $0x1082;
	s9 =	sld [smem:$0x3FA4]  }
0x2f: {  	lr =	sadd.s32 s0, s3;
	s0 =	sld [smem:$0x3F9B]  }
0x30: {  	s3 =	sld [smem:$0x3F9E]  }
0x31: {  	[smem:$0x3FA7] =	sst s10  }
0x32: {  	s10 =	sld [smem:$0x3FA5];
	_ =	sdelay $0x3  }
0x33: {  	p0 =	seq.s32 s10, $0x1;
	s10 =	sld [smem:$0x3FA7];
	_ =	sdelay $0x3  }
0x34: {  	[smem:$0x3FA7] =	sst s10  }
0x35: {  	s10 =	sld [smem:$0x3FA6];
	_ =	sdelay $0x3  }
0x36: {  	p1 =	seq.s32 s10, $0x1;
	s10 =	sld [smem:$0x3FA7];
	_ =	sdelay $0x3  }
0x37: {  	[smem:$0x3FA7] =	sst s10  }
0x38: {  	s10 =	sld [smem:$0x3FA8]  }
0x39: {  	_ = 	snop;
	(pc) =	sbr.ind lr, $3  }
0x3a: {  	_ = 	snop  }
0x3b: {  	_ = 	snop  }
0x3c: {  	p2 =	seq.s32 s10, $0x1;
	s10 =	sld [smem:$0x3FA7]  }
0x3d: {  	_ =	shalt  }
0x3e: {  	_ =	shalt  }
0x3f: {  	_ =	shalt  }
0x40: {  	_ =	shalt  }
0x41: {  	_ =	shalt  }
0x42: {  	_ =	shalt  }
0x43: {  	_ =	shalt  }
0x44: {  	_ =	shalt  }
0x45: {  	_ =	shalt  }
0x46: {  	_ =	shalt  }
0x47: {  	_ =	shalt  }
0x48: {  	_ =	shalt  }
0x49: {  	_ =	shalt  }
0x4a: {  	_ =	shalt  }
0x4b: {  	_ =	shalt  }
0x4c: {  	_ =	shalt  }
0x4d: {  	_ =	shalt  }
0x4e: {  	_ =	shalt  }
0x4f: {  	_ =	shalt  }
0x50: {  	_ =	shalt  }
0x51: {  	_ =	shalt  }
0x52: {  	_ =	shalt  }
0x53: {  	_ =	shalt  }
0x54: {  	_ =	shalt  }
0x55: {  	_ =	shalt  }
0x56: {  	_ =	shalt  }
0x57: {  	_ =	shalt  }
0x58: {  	_ =	shalt  }
0x59: {  	_ =	shalt  }
0x5a: {  	_ =	shalt  }
0x5b: {  	_ =	shalt  }
0x5c: {  	_ =	shalt  }
0x5d: {  	_ =	shalt  }
0x5e: {  	_ =	shalt  }
0x5f: {  	_ =	shalt  }
0x60: {  	_ =	shalt  }
0x61: {  	_ =	shalt  }
0x62: {  	_ =	shalt  }
0x63: {  	_ =	shalt  }
0x64: {  	_ =	shalt  }
0x65: {  	_ =	shalt  }
0x66: {  	_ =	shalt  }
0x67: {  	_ =	shalt  }
0x68: {  	_ =	shalt  }
0x69: {  	_ =	shalt  }
0x6a: {  	_ =	shalt  }
0x6b: {  	_ =	shalt  }
0x6c: {  	_ =	shalt  }
0x6d: {  	_ =	shalt  }
0x6e: {  	_ =	shalt  }
0x6f: {  	_ =	shalt  }
0x70: {  	_ =	shalt  }
0x71: {  	_ =	shalt  }
0x72: {  	_ =	shalt  }
0x73: {  	_ =	shalt  }
0x74: {  	_ =	shalt  }
0x75: {  	_ =	shalt  }
0x76: {  	_ =	shalt  }
0x77: {  	_ =	shalt  }
0x78: {  	_ =	shalt  }
0x79: {  	_ =	shalt  }
0x7a: {  	_ =	shalt  }
0x7b: {  	_ =	shalt  }
0x7c: {  	_ =	shalt  }
0x7d: {  	_ =	shalt  }
0x7e: {  	_ =	shalt  }
0x7f: {  	_ =	shalt  }
0x80: {  	_ =	shalt  }
0x81: {  	_ =	shalt  }
0x82: {  	_ =	shalt  }
0x83: {  	_ =	shalt  }
0x84: {  	_ =	shalt  }
0x85: {  	_ =	shalt  }
0x86: {  	_ =	shalt  }
0x87: {  	_ =	shalt  }
.Lfunc_end0:
.L_simem_size_0:
called_computation.1_lowered:
.L_overlay_start_0:
0x88: {  	s2 =	sld [smem:$0x3FD9]  }
0x89: {  	s3 =	sld [smem:$0x3FFE];
	_ =	sdelay $0x1  }
0x8a: {  	s1 =	srdreg.scid  }
0x8b: {  	s0 =	sand.u32 $0x1, s1  }
0x8c: {  	s14 =	sshll.u32 s0, $0xA;
	s2 =	sadd.s32 s3, s2  }
0x8d: {  	s2 =	sadd.s32 s2, s14  }
0x8e: {  	[smem:$0x3FB3] =	sst s2  }
0x8f: {  	_ = 	snop  }
0x90: {  	s2 =	sld [smem:$0x3FD0];
	_ =	sdelay $0x2  }
0x91: {  	s15 =	simm.s32 $0xB;
	s4 =	simm.s32 $0x10  }
0x92: {  	[smem:s4], [sflag:s15] =	dma.local [hbm:s2], $0x1  }
0x93: {  	_ =	swait.eq [sflag:s15], $0x1  }
0x94: {  	[sflag:s15] =	ssyncset.done $0x0  }
0x95: {  	[sflag:s15] =	ssyncadd.s32 $0xFFFFFFFF  }
0x96: {  	s16 =	sld [smem:$0x11];
	(tm) =	ssettm $0x1  }
0x97: {  	s17 =	sld [smem:$0x3FFB];
	_ =	sdelay $0x3  }
0x98: {  	_ =	strace s17  }
0x99: {  	s3 =	sld [smem:$0x3FFC];
	_ =	sdelay $0x3  }
0x9a: {  	_ =	strace s3  }
0x9b: {  	s3 =	sld [smem:$0x3FFD];
	_ =	sdelay $0x3  }
0x9c: {  	_ =	strace s3  }
0x9d: {  	_ =	strace $0x8FFFFFFF  }
0x9e: {  	s18 =	sld [smem:$0x3FDB];
	_ =	sdelay $0x1  }
0x9f: {  	s19 =	simm.s32 $_scs_section_size  }
0xa0: {  	s5 =	simm.s32 $_size__tile_overlayer_lowered;
	s6 =	simm.s32 $_tile_overlayer_lowered  }
0xa1: {  	s22 =	simm.s32 $0x1BFF;
	s21 =	sshll.u32 s6, $0x1;
	s3 =	sadd.s32 s19, s18  }
0xa2: {  	s7 =	simm.s32 $0x0;
	s20 =	sshll.u32 s5, $0x1;
	s5 =	sadd.s32 s21, s3  }
0xa3: {  	[timem:s7], [sflag:s22] =	dma.local [hbm:s5], s20  }
0xa4: {  	_ =	swait.ge [sflag:s22], s20  }
0xa5: {  	s4 =	ssub.s32 $0x0, s20;
	[sflag:s22] =	ssyncset.done $0x0  }
0xa6: {  	[sflag:s22] =	ssyncadd.s32 s4;
	_ =	sdelay $0x1  }
0xa7: {  	s23 =	simm.s32 $0x1B8B  }
0xa8: {  	_ =	swait.ge [sflag:s23], $0x1  }
0xa9: {  	[sflag:s23] =	ssyncset.done $0x0  }
0xaa: {  	s25 =	simm.s32 $0x1B8E;
	s24 =	sld [smem:$0x3FFE];
	[sflag:s23] =	ssyncadd.s32 $0xFFFFFFFF  }
0xab: {  	s26 =	simm.s32 $execute0_lowered;
	[smem:$0x3FD2] =	sst s25  }
0xac: {  	s5 =	sshll.u32 s26, $0x1;
	_ =	strace $0x80000046;
	[dreg:$0x1] =	wrdreg $0xFFFFFFFF  }
0xad: {  	s28 =	simm.s32 $_size_execute0_lowered;
	s3 =	sadd.s32 s3, s5;
	[dreg:$0x0] =	wrdreg $0x0  }
0xae: {  	s5 =	sshll.u32 s28, $0x1;
	[dreg:$0x2] =	wrdreg s3  }
0xaf: {  	[dreg:$0x3] =	wrdreg s5  }
0xb0: {  	[dreg:$0x4] =	wrdreg $0xC0  }
0xb1: {  	_ =	task [dreg:s7], $0x5FFFF  }
0xb2: {  	[dreg:$0x1] =	wrdreg $0xFFFFFFFF  }
0xb3: {  	[dreg:$0x0] =	wrdreg $0x60  }
0xb4: {  	[dreg:$0x2] =	wrdreg s24  }
0xb5: {  	[dreg:$0x3] =	wrdreg s16  }
0xb6: {  	[dreg:$0x4] =	wrdreg $0x54000  }
0xb7: {  	[dreg:$0x5] =	wrdreg $0xA  }
0xb8: {  	_ =	task.clear_ibuf [dreg:s7], $0x6FFFF;
	_ =	strace $0x90000046  }
0xb9: {  	s29 =	simm.s32 $0xA;
	_ =	strace $0x80000048  }
0xba: {  	_ =	swait.ge [sflag:s29], $0x1  }
0xbb: {  	[sflag:s29] =	ssyncadd.s32 $0xFFFFFFFF  }
0xbc: {  	_ =	strace $0x90000048  }
0xbd: {  	_ =	sfence  }
0xbe: {  	s30 =	sld [smem:$0x0];
	_ =	sdelay $0x2  }
0xbf: {  	s31 =	sshll.u32 s1, $0xD;
	s1 =	sshrl.u32 s1, $0x2  }
0xc0: {  	s3 =	sand.u32 $0x4000, s31;
	s1 =	sadd.s32 s1, s30  }
0xc1: {  	s0 =	sor.u32 s3, s0;
	s1 =	sshll.u32 s1, $0x11  }
0xc2: {  	s0 =	sor.u32 s1, s0  }
0xc3: {  	s0 =	sadd.s32 $0x8F2B, s0  }
0xc4: {  	[sflag:s0] =	ssyncadd.remote.s32 $0x1  }
0xc5: {  	_ =	sfence.sel $0xFFFF  }
0xc6: {  	[dreg:$0x0] =	wrdreg $0xFFFFFFFF;
	(pc) =	sbr.abs _section_cstart, $3  }
0xc7: {  	[dreg:$0x1] =	wrdreg $0xFFFFFFFF  }
0xc8: {  	_ =	task.clear_ibuf [dreg:s7], $0x2FFFF;
	_ =	strace $0x9FFFFFFF  }
0xc9: {  	(tm) =	ssettm $0x7FFFFFFF  }
tec
execute0_lowered:
.L_overlay_start_1:
0x0: {  	(tag) =	ssettag $0x1  }
0x1: {  	s5 =	rddreg [dreg:$0x0]  }
0x2: {  	s1 =	srdreg.scid;
	s2 =	rddreg [dreg:$0x1]  }
0x3: {  	s0 =	stileid.u32;
	s3 =	rddreg [dreg:$0x2]  }
0x4: {  	s4 =	simm.s32 $0x0;
	s13 =	simm.s32 $0x7D;
	s14 =	simm.s32 $0x0  }
0x5: {  	s6 =	sand.u32 $0x1, s1;
	s28 =	sshll.u32 s0, $0x1;
	s8 =	smul.u32 $0x13C00, s0  }
0x6: {  	[smem:$0x7FF] =	sst s4;
	s29 =	smul.u32 $0x4F000, s0;
	s31 =	sshll.u32 s0, $0x6  }
0x7: {  	s1 =	sor.u32 s6, s28;
	s9 =	smul.u32 $0x13C000, s6;
	s6 =	ssub.s32 $0x2, s6  }
0x8: {  	s7 =	smul.u32 $0x280, s1;
	s1 =	rddreg [dreg:$0x3];
	_ =	strace $0x80000047  }
0x9: {  	s10 =	sshrl.u32 s8, $0x3;
	s11 =	sshrl.u32 s6, $0x1;
	s30 =	sshrl.u32 s29, $0x2  }
0xa: {  	s8 =	sadd.s32 s8, s9;
	s10 =	sadd.s32 s10, s5;
	s11 =	ssub.s32 s6, s11  }
0xb: {  	s12 =	sadd.s32 s30, s3;
	s9 =	simm.s32 $0x1400;
	s8 =	sshrl.u32 s8, $0x3  }
0xc: {  	s7 =	sadd.s32 s7, s5;
	s12 =	sshrl.u32 s12, $0x3;
	s8 =	sadd.s32 s8, s5  }
0xd: {  	s5 =	sadd.s32 $0x11400, s10;
	s6 =	sadd.s32 $0xC400, s7;
	s10 =	simm.s32 $0x1  }
0xe: {  	s7 =	sadd.s32 $0x38C00, s8;
	s8 =	smax.u32 s11, $0x1;
	s11 =	sor.u32 $0x1C01, s31  }
.LBB2_1:
0xf: {  	[tilespmem:s9], [sflag:$0x1] =	stream.linear.gather [hbm4b:s2+s4], $0x3E80, $0x38;
	[tilespmem:$0x19000] =	vst v63  }
0x10: {  	_ =	swait.ge [sflag:s10], $0x3E80  }
0x11: {  	[sflag:s10] =	ssyncset.done $0x0  }
0x12: {  	[sflag:s10] =	ssyncadd.s32 $0xFFFFC180  }
0x13: {  	[spmem:s12], [sflag:s11] =	dma.local [hbm:s5], $0x2780  }
0x14: {  	_ =	swait.ge [sflag:s10], $0x2780  }
0x15: {  	[sflag:s10] =	ssyncset.done $0x0  }
0x16: {  	[sflag:s10] =	ssyncadd.s32 $0xFFFFD880  }
0x17: {  	[bflag:$0x0] =	sbarrier.arrive $0xFFFF  }
0x18: {  	[tilespmem:s4], [sflag:$0x1] =	stream.linear.gather [hbm4b:s6+s4], $0x1400, $0x38;
	[tilespmem:$0x19000] =	vst v63  }
0x19: {  	_ =	swait.ge [sflag:s10], $0x1400  }
0x1a: {  	[sflag:s10] =	ssyncset.done $0x0  }
0x1b: {  	s15 =	simm.s32 $0x0;
	[sflag:s10] =	ssyncadd.s32 $0xFFFFEC00  }
0x1c: {  	[spmem:s3] =	stream.indirect.scatter.add.f32 [tilespmem:s9], [sflag:$0x1], $0x80, s15, s13, $0xb8;
	[tilespmem:$0x19000] =	vst v63  }
0x1d: {  	_ =	swait.ge [sflag:s10], $0x3E80  }
0x1e: {  	s15 =	simm.s32 $0x200;
	[sflag:s10] =	ssyncset.done $0x0  }
.LBB2_2:
0x1f: {  	s16 =	sshra.s32 s15, $0x2;
	[sflag:s10] =	ssyncadd.s32 $0xFFFFC180;
	p0 =	sne.s32 s15, $0x4E00  }
0x20: {  	[spmem:s3] =	stream.indirect.scatter.add.f32 [tilespmem:s9], [sflag:$0x1], $0x80, s16, s13, $0xb8;
	[tilespmem:$0x19000] =	vst v63  }
.Ltmp0:
0x21: {  	_ = 	snop;
	(pc) =	sbr.rel @p0 .LBB2_2-.Ltmp0, $4  }
0x22: {  	_ = 	snop  }
0x23: {  	s15 =	sadd.s32 $0x200, s15  }
0x24: {  	_ =	swait.ge [sflag:s10], $0x3E80  }
0x25: {  	[sflag:s10] =	ssyncset.done $0x0  }
0x26: {  	s14 =	sadd.s32 $0x1, s14  }
0x27: {  	[sflag:s10] =	ssyncadd.s32 $0xFFFFC180;
	p0 =	sne.s32 s14, s8  }
.Ltmp1:
0x28: {  	[bflag:$0x0] =	sbarrier.arrive $0xFFFF;
	(pc) =	sbr.rel @p0 .LBB2_1-.Ltmp1, $4  }
0x29: {  	[hbm:s7], [sflag:s11] =	dma.local [spmem:s12], $0x2780  }
0x2a: {  	_ =	swait.ge [sflag:s10], $0x2780  }
0x2b: {  	[sflag:s10] =	ssyncset.done $0x0  }
0x2c: {  	[sflag:s10] =	ssyncadd.s32 $0xFFFFD880  }
0x2d: {  	_ =	sfence.sel $0x180000  }
0x2e: {  	[bflag:$0x0] =	sbarrier.arrive $0xFFFF  }
0x2f: {  	p0 =	sne.s32 s0, $0x0;
	_ =	strace $0x90000047  }
0x30: {  	s0 =	sadd.s32 @!p0 $0x100000, s1;
	[bflag:$0x2] =	sbarrier.arrive $0xFFFF  }
0x31: {  	[sflag:s0] =	ssyncadd.tile.s32 @!p0 $0x1;
	_ =	shalt  }
.Lfunc_end2:
_tile_overlayer_lowered:
.L_overlay_start_2:
0x32: {  	(tag) =	ssettag $0x2  }
0x33: {  	s0 =	rddreg [dreg:$0x0];
	s2 =	stileid.u32  }
0x34: {  	s1 =	rddreg [dreg:$0x1];
	p0 =	sne.s32 s2, $0x0  }
0x35: {  	s3 =	rddreg [dreg:$0x2];
	[bflag:$0x3] =	sbarrier.arrive $0xFFFF;
	s2 =	simm.s32 @!p0 $0x1C01  }
0x36: {  	[timem:s3], [sflag:s2] =	dma.local @!p0 [hbm:s0], s1  }
0x37: {  	s0 =	simm.s32 @!p0 $0x1  }
0x38: {  	_ =	swait.ge @!p0 [sflag:s0], s1  }
0x39: {  	s1 =	ssub.s32 @!p0 $0x0, s1;
	[sflag:s0] =	ssyncset.done @!p0 $0x0  }
0x3a: {  	[sflag:s0] =	ssyncadd.s32 @!p0 s1  }
0x3b: {  	[bflag:$0x3] =	sbarrier.arrive $0xFFFF  }
0x3c: {  	_ =	shalt  }

// kernel: kernel.31.cloned.1.call-start
scs
__scs_entry_jumppad:
0x0: {  	(pc) =	sbr.rel $0x88, $3  }
0x1: {  	(tag) =	ssettag $0x0;
	lr =	simm.s32 $0x1  }
0x2: {  	[smem:$0x3F8C] =	sst lr;
	_ =	strace $0xD0000000  }
0x3: {  	_ = 	snop  }
0x4: {  	_ = 	snop  }
0x5: {  	_ = 	snop  }
0x6: {  	_ = 	snop  }
0x7: {  	_ = 	snop  }
__scs_overlays_trampoline_lowered:
0x8: {  	[smem:$0x3F9B] =	sst s0  }
0x9: {  	[smem:$0x3F9C] =	sst s1  }
0xa: {  	[smem:$0x3F9D] =	sst s2  }
0xb: {  	[smem:$0x3F9E] =	sst s3  }
0xc: {  	[smem:$0x3F9F] =	sst s4  }
0xd: {  	[smem:$0x3FA0] =	sst s5  }
0xe: {  	[smem:$0x3FA1] =	sst s6  }
0xf: {  	[smem:$0x3FA2] =	sst s7  }
0x10: {  	[smem:$0x3FA3] =	sst s8  }
0x11: {  	[smem:$0x3FA4] =	sst s9;
	s0 =	simm.s32 @!p0 $0x0  }
0x12: {  	s1 =	sld [smem:$0x3F8A];
	s0 =	simm.s32 @p0 $0x1  }
0x13: {  	[smem:$0x3FA5] =	sst s0;
	s0 =	simm.s32 @!p1 $0x0  }
0x14: {  	s2 =	sld [smem:$0x3F89];
	s0 =	simm.s32 @p1 $0x1  }
0x15: {  	[smem:$0x3FA6] =	sst s0;
	s0 =	simm.s32 @!p2 $0x0  }
0x16: {  	s3 =	sld [smem:$0x3FDB];
	s0 =	simm.s32 @p2 $0x1  }
0x17: {  	s4 =	simm.s32 $0x1BF5;
	[smem:$0x3FA8] =	sst s0  }
0x18: {  	s0 =	sld [smem:$0x3F8B];
	_ =	swait.ge [sflag:s4], $0x0  }
0x19: {  	s7 =	sld [smem:$0x3F8C]  }
0x1a: {  	s8 =	sadd.s32 $0xFFFFE003, lr  }
0x1b: {  	s9 =	sadd.s32 $0xFFFFFEF7, lr;
	s5 =	simm.s32 $0xFFFFFFFF;
	p2 =	slt.u32 s8, $0xFFFFF086  }
0x1c: {  	p1 =	slt.u32 s9, $0xF7A;
	s5 =	simm.s32 @!p2 $0x0  }
0x1d: {  	s5 =	simm.s32 @p1 $0x1;
	p0 =	seq.s32 s7, s2  }
0x1e: {  	s7 =	smul.u32 @!p0 $0xF7A, s2;
	p2 =	seq.s32 @!p0 s5, $0x0  }
0x1f: {  	s9 =	smul.u32 $0xF7A, s1;
	s8 =	simm.s32 @!p0 $0x1BF5;
	p2 =	por !p2, p0  }
0x20: {  	[sflag:s8] =	ssyncset.s32 @!p0 $0xFFFFF086;
	s6 =	sadd.s32 @!p0 s3, s7;
	s7 =	simm.s32 @!p0 $0x108  }
0x21: {  	s3 =	sadd.s32 s3, s9;
	s6 =	sadd.s32 @!p0 $0x88, s6;
	s7 =	simm.s32 @p2 $0x1082  }
0x22: {  	[simem:s7], [sflag:s8] =	dma.local @!p0 [hbm:s6], $0xF7A  }
0x23: {  	s9 =	sor.u32 $0xD0000000, s2;
	s6 =	simm.s32 $0x108;
	_ =	swait.ge @!p0 [sflag:s8], $0x0  }
0x24: {  	s3 =	sadd.s32 $0x88, s3;
	s6 =	simm.s32 @!p1 $0x1082;
	[sflag:s4] =	ssyncset.s32 $0xFFFFF086  }
0x25: {  	[simem:s6], [sflag:s4] =	dma.local [hbm:s3], $0xF7A  }
0x26: {  	[smem:$0x3F8C] =	sst s1;
	(tag) =	ssettag s2;
	_ =	strace s9  }
0x27: {  	s1 =	sld [smem:$0x3F9C]  }
0x28: {  	s2 =	sld [smem:$0x3F9D]  }
0x29: {  	s4 =	sld [smem:$0x3F9F]  }
0x2a: {  	p0 =	seq.s32 s5, $0x0;
	s5 =	sld [smem:$0x3FA0]  }
0x2b: {  	s6 =	sld [smem:$0x3FA1]  }
0x2c: {  	s7 =	sld [smem:$0x3FA2]  }
0x2d: {  	s3 =	simm.s32 $0x108;
	s8 =	sld [smem:$0x3FA3]  }
0x2e: {  	s3 =	simm.s32 @!p0 $0x1082;
	s9 =	sld [smem:$0x3FA4]  }
0x2f: {  	lr =	sadd.s32 s0, s3;
	s0 =	sld [smem:$0x3F9B]  }
0x30: {  	s3 =	sld [smem:$0x3F9E]  }
0x31: {  	[smem:$0x3FA7] =	sst s10  }
0x32: {  	s10 =	sld [smem:$0x3FA5];
	_ =	sdelay $0x3  }
0x33: {  	p0 =	seq.s32 s10, $0x1;
	s10 =	sld [smem:$0x3FA7];
	_ =	sdelay $0x3  }
0x34: {  	[smem:$0x3FA7] =	sst s10  }
0x35: {  	s10 =	sld [smem:$0x3FA6];
	_ =	sdelay $0x3  }
0x36: {  	p1 =	seq.s32 s10, $0x1;
	s10 =	sld [smem:$0x3FA7];
	_ =	sdelay $0x3  }
0x37: {  	[smem:$0x3FA7] =	sst s10  }
0x38: {  	s10 =	sld [smem:$0x3FA8]  }
0x39: {  	_ = 	snop;
	(pc) =	sbr.ind lr, $3  }
0x3a: {  	_ = 	snop  }
0x3b: {  	_ = 	snop  }
0x3c: {  	p2 =	seq.s32 s10, $0x1;
	s10 =	sld [smem:$0x3FA7]  }
0x3d: {  	_ =	shalt  }
0x3e: {  	_ =	shalt  }
0x3f: {  	_ =	shalt  }
0x40: {  	_ =	shalt  }
0x41: {  	_ =	shalt  }
0x42: {  	_ =	shalt  }
0x43: {  	_ =	shalt  }
0x44: {  	_ =	shalt  }
0x45: {  	_ =	shalt  }
0x46: {  	_ =	shalt  }
0x47: {  	_ =	shalt  }
0x48: {  	_ =	shalt  }
0x49: {  	_ =	shalt  }
0x4a: {  	_ =	shalt  }
0x4b: {  	_ =	shalt  }
0x4c: {  	_ =	shalt  }
0x4d: {  	_ =	shalt  }
0x4e: {  	_ =	shalt  }
0x4f: {  	_ =	shalt  }
0x50: {  	_ =	shalt  }
0x51: {  	_ =	shalt  }
0x52: {  	_ =	shalt  }
0x53: {  	_ =	shalt  }
0x54: {  	_ =	shalt  }
0x55: {  	_ =	shalt  }
0x56: {  	_ =	shalt  }
0x57: {  	_ =	shalt  }
0x58: {  	_ =	shalt  }
0x59: {  	_ =	shalt  }
0x5a: {  	_ =	shalt  }
0x5b: {  	_ =	shalt  }
0x5c: {  	_ =	shalt  }
0x5d: {  	_ =	shalt  }
0x5e: {  	_ =	shalt  }
0x5f: {  	_ =	shalt  }
0x60: {  	_ =	shalt  }
0x61: {  	_ =	shalt  }
0x62: {  	_ =	shalt  }
0x63: {  	_ =	shalt  }
0x64: {  	_ =	shalt  }
0x65: {  	_ =	shalt  }
0x66: {  	_ =	shalt  }
0x67: {  	_ =	shalt  }
0x68: {  	_ =	shalt  }
0x69: {  	_ =	shalt  }
0x6a: {  	_ =	shalt  }
0x6b: {  	_ =	shalt  }
0x6c: {  	_ =	shalt  }
0x6d: {  	_ =	shalt  }
0x6e: {  	_ =	shalt  }
0x6f: {  	_ =	shalt  }
0x70: {  	_ =	shalt  }
0x71: {  	_ =	shalt  }
0x72: {  	_ =	shalt  }
0x73: {  	_ =	shalt  }
0x74: {  	_ =	shalt  }
0x75: {  	_ =	shalt  }
0x76: {  	_ =	shalt  }
0x77: {  	_ =	shalt  }
0x78: {  	_ =	shalt  }
0x79: {  	_ =	shalt  }
0x7a: {  	_ =	shalt  }
0x7b: {  	_ =	shalt  }
0x7c: {  	_ =	shalt  }
0x7d: {  	_ =	shalt  }
0x7e: {  	_ =	shalt  }
0x7f: {  	_ =	shalt  }
0x80: {  	_ =	shalt  }
0x81: {  	_ =	shalt  }
0x82: {  	_ =	shalt  }
0x83: {  	_ =	shalt  }
0x84: {  	_ =	shalt  }
0x85: {  	_ =	shalt  }
0x86: {  	_ =	shalt  }
0x87: {  	_ =	shalt  }
.Lfunc_end0:
.L_simem_size_0:
called_computation.2_lowered:
.L_overlay_start_0:
0x88: {  	s2 =	sld [smem:$0x3FD9]  }
0x89: {  	s3 =	sld [smem:$0x3FFE];
	_ =	sdelay $0x1  }
0x8a: {  	s1 =	srdreg.scid  }
0x8b: {  	s0 =	sand.u32 $0x1, s1  }
0x8c: {  	s17 =	sshll.u32 s0, $0xA;
	s2 =	sadd.s32 s3, s2  }
0x8d: {  	s2 =	sadd.s32 s2, s17  }
0x8e: {  	[smem:$0x3FB3] =	sst s2  }
0x8f: {  	_ = 	snop  }
0x90: {  	(tm) =	ssettm $0x1  }
0x91: {  	s18 =	sld [smem:$0x3FFB];
	_ =	sdelay $0x3  }
0x92: {  	_ =	strace s18  }
0x93: {  	s2 =	sld [smem:$0x3FFC];
	_ =	sdelay $0x3  }
0x94: {  	_ =	strace s2  }
0x95: {  	s2 =	sld [smem:$0x3FFD];
	_ =	sdelay $0x3  }
0x96: {  	_ =	strace s2  }
0x97: {  	_ =	strace $0x8FFFFFFF  }
0x98: {  	s19 =	sld [smem:$0x3FDB];
	_ =	sdelay $0x1  }
0x99: {  	s20 =	simm.s32 $_scs_section_size  }
0x9a: {  	s4 =	simm.s32 $_size__tile_overlayer_lowered;
	s5 =	simm.s32 $_tile_overlayer_lowered  }
0x9b: {  	s6 =	simm.s32 $0x1BFF;
	s21 =	sshll.u32 s5, $0x1;
	s3 =	sadd.s32 s20, s19  }
0x9c: {  	s22 =	simm.s32 $0x0;
	s4 =	sshll.u32 s4, $0x1;
	s5 =	sadd.s32 s21, s3  }
0x9d: {  	[timem:s22], [sflag:s6] =	dma.local [hbm:s5], s4  }
0x9e: {  	_ =	swait.ge [sflag:s6], s4  }
0x9f: {  	s4 =	ssub.s32 $0x0, s4;
	[sflag:s6] =	ssyncset.done $0x0  }
0xa0: {  	[sflag:s6] =	ssyncadd.s32 s4;
	_ =	sdelay $0x1  }
0xa1: {  	s23 =	simm.s32 $0x1B8B  }
0xa2: {  	_ =	swait.ge [sflag:s23], $0x1  }
0xa3: {  	[sflag:s23] =	ssyncset.done $0x0  }
0xa4: {  	[sflag:s23] =	ssyncadd.s32 $0xFFFFFFFF  }
0xa5: {  	s4 =	sld [smem:$0x0]  }
0xa6: {  	s5 =	sand.u32 $0xFFFFFFFE, s1  }
0xa7: {  	p0 =	sne.s32 s1, s5  }
0xa8: {  	s5 =	sshll.u32 @p0 s5, $0xE  }
0xa9: {  	s5 =	sadd.s32 @p0 $0x11B8D, s5;
	s6 =	sshll.u32 @p0 s4, $0x11  }
0xaa: {  	s5 =	sor.u32 @p0 s6, s5  }
0xab: {  	[sflag:s5] =	ssyncadd.remote.s32 @p0 $0x1;
	_ =	sdelay $0x1  }
0xac: {  	s5 =	simm.s32 @p0 $0x1B8D  }
0xad: {  	_ =	swait.eq @p0 [sflag:s5], $0x1  }
0xae: {  	[sflag:s5] =	ssyncadd.s32 @p0 $0xFFFFFFFF  }
0xaf: {  	s6 =	sshll.u32 @!p0 s1, $0xE  }
0xb0: {  	s6 =	sor.u32 @!p0 $0x4000, s6;
	s5 =	simm.s32 @!p0 $0x1B8D  }
0xb1: {  	s4 =	sshll.u32 @!p0 s4, $0x11;
	s6 =	sadd.s32 @!p0 $0x11B8D, s6;
	_ =	swait.eq @!p0 [sflag:s5], $0x1  }
0xb2: {  	s4 =	sor.u32 @!p0 s4, s6;
	[sflag:s5] =	ssyncadd.s32 @!p0 $0xFFFFFFFF  }
0xb3: {  	s25 =	simm.s32 $0x1B8E;
	s24 =	sld [smem:$0x3FFE];
	[sflag:s4] =	ssyncadd.remote.s32 @!p0 $0x1  }
0xb4: {  	s26 =	simm.s32 $execute0_lowered;
	[smem:$0x3FD2] =	sst s25  }
0xb5: {  	s5 =	sshll.u32 s26, $0x1;
	_ =	strace $0x8000004F;
	[dreg:$0x1] =	wrdreg $0xFFFFFFFF  }
0xb6: {  	s28 =	simm.s32 $_size_execute0_lowered;
	s3 =	sadd.s32 s3, s5;
	[dreg:$0x0] =	wrdreg $0x0  }
0xb7: {  	s5 =	sshll.u32 s28, $0x1;
	[dreg:$0x2] =	wrdreg s3  }
0xb8: {  	[dreg:$0x3] =	wrdreg s5  }
0xb9: {  	[dreg:$0x4] =	wrdreg $0xC0  }
0xba: {  	_ =	task [dreg:s22], $0x5FFFF  }
0xbb: {  	[dreg:$0x1] =	wrdreg $0xFFFFFFFF  }
0xbc: {  	[dreg:$0x0] =	wrdreg $0x60  }
0xbd: {  	[dreg:$0x2] =	wrdreg s24  }
0xbe: {  	[dreg:$0x3] =	wrdreg $0xA8000  }
0xbf: {  	[dreg:$0x4] =	wrdreg $0x9  }
0xc0: {  	_ =	task.clear_ibuf [dreg:s22], $0x5FFFF;
	_ =	strace $0x9000004F  }
0xc1: {  	s29 =	simm.s32 $0x9;
	_ =	strace $0x80000051  }
0xc2: {  	_ =	swait.ge [sflag:s29], $0x1  }
0xc3: {  	[sflag:s29] =	ssyncadd.s32 $0xFFFFFFFF  }
0xc4: {  	_ =	strace $0x90000051  }
0xc5: {  	_ =	sfence  }
0xc6: {  	s30 =	sld [smem:$0x0];
	_ =	sdelay $0x2  }
0xc7: {  	s31 =	sshll.u32 s1, $0xD;
	s1 =	sshrl.u32 s1, $0x2  }
0xc8: {  	s4 =	sand.u32 $0x4000, s31;
	s1 =	sadd.s32 s1, s30  }
0xc9: {  	s0 =	sor.u32 s4, s0;
	s1 =	sshll.u32 s1, $0x11  }
0xca: {  	s0 =	sor.u32 s1, s0  }
0xcb: {  	s0 =	sadd.s32 $0x8F2B, s0  }
0xcc: {  	[sflag:s0] =	ssyncadd.remote.s32 $0x1  }
0xcd: {  	_ =	sfence.sel $0xFFFF  }
0xce: {  	[dreg:$0x0] =	wrdreg $0xFFFFFFFF;
	(pc) =	sbr.abs _section_cstart, $3  }
0xcf: {  	[dreg:$0x1] =	wrdreg $0xFFFFFFFF  }
0xd0: {  	_ =	task.clear_ibuf [dreg:s22], $0x2FFFF;
	_ =	strace $0x9FFFFFFF  }
0xd1: {  	(tm) =	ssettm $0x7FFFFFFF  }
tec
execute0_lowered:
.L_overlay_start_1:
0x0: {  	(tag) =	ssettag $0x1  }
0x1: {  	s1 =	srdreg.scid;
	s6 =	rddreg [dreg:$0x0]  }
0x2: {  	s0 =	stileid.u32;
	s2 =	rddreg [dreg:$0x1]  }
0x3: {  	s3 =	simm.s32 $0x0;
	s14 =	simm.s32 $0x7D;
	s15 =	simm.s32 $0x2800  }
0x4: {  	s16 =	simm.s32 $0x80;
	s17 =	simm.s32 $0x6800;
	s18 =	simm.s32 $0x1  }
0x5: {  	s19 =	simm.s32 $0x2;
	s20 =	simm.s32 $0x2700;
	s21 =	simm.s32 $0x2780  }
0x6: {  	s22 =	simm.s32 $0x0;
	s5 =	sand.u32 $0x1, s1;
	s29 =	sshll.u32 s0, $0x1  }
0x7: {  	s8 =	smul.u32 $0x13C00, s0;
	[smem:$0x7FF] =	sst s3;
	s4 =	sadd.s32 $0xB3E00, s6  }
0x8: {  	s11 =	smul.u32 $0x4F000, s0;
	s12 =	sshll.u32 s0, $0x6;
	s1 =	sor.u32 s5, s29  }
0x9: {  	s9 =	smul.u32 $0x13C000, s5;
	s5 =	ssub.s32 $0x2, s5;
	s12 =	sor.u32 $0x1C03, s12  }
0xa: {  	s7 =	smul.u32 $0x280, s1;
	s1 =	rddreg [dreg:$0x2];
	_ =	strace $0x80000050  }
0xb: {  	s10 =	sshrl.u32 s8, $0x3;
	s30 =	sshrl.u32 s5, $0x1;
	s31 =	sshrl.u32 s11, $0x2  }
0xc: {  	s11 =	simm.s32 $0x1400;
	s8 =	sadd.s32 s8, s9;
	s10 =	sadd.s32 s10, s6  }
0xd: {  	s9 =	ssub.s32 s5, s30;
	s13 =	sadd.s32 s31, s2;
	s7 =	sadd.s32 s7, s6  }
0xe: {  	s8 =	sshrl.u32 s8, $0x3;
	s9 =	smax.u32 s9, $0x1;
	s13 =	sshrl.u32 s13, $0x3  }
0xf: {  	s8 =	sadd.s32 s8, s6;
	s5 =	sadd.s32 $0x87C00, s7;
	s6 =	sadd.s32 $0x17E000, s7  }
0x10: {  	s7 =	sadd.s32 $0x11400, s10;
	s10 =	simm.s32 $0x3;
	s8 =	sadd.s32 $0x1D1400, s8  }
.LBB2_1:
0x11: {  	[tilespmem:s3], [sflag:$0x3] =	stream.linear.gather [hbm4b:s5+s3], $0x1400, $0x38;
	[tilespmem:$0x1E400] =	vst v63  }
0x12: {  	_ =	swait.ge [sflag:s10], $0x1400  }
0x13: {  	[sflag:s10] =	ssyncset.done $0x0  }
0x14: {  	[sflag:s10] =	ssyncadd.s32 $0xFFFFEC00  }
0x15: {  	[tilespmem:s11], [sflag:$0x3] =	stream.linear.gather [hbm4b:s6+s3], $0x1400, $0x38;
	[tilespmem:$0x1E400] =	vst v63  }
0x16: {  	_ =	swait.ge [sflag:s10], $0x1400  }
0x17: {  	[sflag:s10] =	ssyncset.done $0x0  }
0x18: {  	[sflag:s10] =	ssyncadd.s32 $0xFFFFEC00  }
0x19: {  	[spmem:s13], [sflag:s12] =	dma.local [hbm:s7], $0x2780  }
0x1a: {  	_ =	swait.ge [sflag:s10], $0x2780  }
0x1b: {  	[sflag:s10] =	ssyncset.done $0x0  }
0x1c: {  	[sflag:s10] =	ssyncadd.s32 $0xFFFFD880  }
0x1d: {  	[bflag:$0x0] =	sbarrier.arrive $0xFFFF  }
0x1e: {  	[tilespmem:s15], [sflag:$0x1] =	stream.indirect.gather [hbm4b:s4+s14], $0x80, s3, s14, $0xb8;
	[tilespmem:$0x1E400] =	vst v63  }
0x1f: {  	_ = 	snop  }
0x20: {  	[tilespmem:s17], [sflag:$0x2] =	stream.indirect.gather [hbm4b:s4+s14], $0x80, s16, s14, $0xb8;
	[tilespmem:$0x1E400] =	vst v63  }
0x21: {  	_ =	swait.ge [sflag:s18], $0x3E80  }
0x22: {  	[sflag:s18] =	ssyncset.done $0x0  }
0x23: {  	s23 =	simm.s32 $0x1400;
	[sflag:s18] =	ssyncadd.s32 $0xFFFFC180  }
0x24: {  	[spmem:s2] =	stream.indirect.scatter.add.f32 [tilespmem:s15], [sflag:$0x3], $0x80, s23, s14, $0xb8;
	[tilespmem:$0x1E400] =	vst v63  }
0x25: {  	_ =	swait.ge [sflag:s10], $0x3E80  }
0x26: {  	[sflag:s10] =	ssyncset.done $0x0  }
0x27: {  	s30 =	simm.s32 $0x100;
	[sflag:s10] =	ssyncadd.s32 $0xFFFFC180  }
0x28: {  	[tilespmem:s15], [sflag:$0x1] =	stream.indirect.gather [hbm4b:s4+s14], $0x80, s30, s14, $0xb8;
	[tilespmem:$0x1E400] =	vst v63  }
0x29: {  	_ =	swait.ge [sflag:s19], $0x3E80  }
0x2a: {  	[sflag:s19] =	ssyncset.done $0x0  }
0x2b: {  	s31 =	simm.s32 $0x1480;
	[sflag:s19] =	ssyncadd.s32 $0xFFFFC180  }
0x2c: {  	[spmem:s2] =	stream.indirect.scatter.add.f32 [tilespmem:s17], [sflag:$0x3], $0x80, s31, s14, $0xb8;
	[tilespmem:$0x1E400] =	vst v63  }
0x2d: {  	_ =	swait.ge [sflag:s10], $0x3E80  }
0x2e: {  	[sflag:s10] =	ssyncset.done $0x0  }
0x2f: {  	s24 =	simm.s32 $0x180;
	s23 =	simm.s32 $0x400;
	[sflag:s10] =	ssyncadd.s32 $0xFFFFC180  }
.LBB2_2:
0x30: {  	[tilespmem:s17], [sflag:$0x2] =	stream.indirect.gather [hbm4b:s4+s14], $0x80, s24, s14, $0xb8;
	[tilespmem:$0x1E400] =	vst v63  }
0x31: {  	s24 =	smov.u32 s23  }
0x32: {  	p0 =	sne.s32 s23, $0x4800;
	s23 =	sadd.s32 $0x400, s23;
	_ =	swait.ge [sflag:s18], $0x3E80  }
0x33: {  	s24 =	sshra.s32 s24, $0x2;
	[sflag:s18] =	ssyncset.done $0x0  }
0x34: {  	s25 =	sadd.s32 $0x1400, s24;
	[sflag:s18] =	ssyncadd.s32 $0xFFFFC180  }
0x35: {  	[spmem:s2] =	stream.indirect.scatter.add.f32 [tilespmem:s15], [sflag:$0x3], $0x80, s25, s14, $0xb8;
	[tilespmem:$0x1E400] =	vst v63  }
0x36: {  	_ =	swait.ge [sflag:s10], $0x3E80  }
0x37: {  	[sflag:s10] =	ssyncset.done $0x0  }
0x38: {  	s25 =	sadd.s32 $0x100, s24;
	[sflag:s10] =	ssyncadd.s32 $0xFFFFC180  }
0x39: {  	[tilespmem:s15], [sflag:$0x1] =	stream.indirect.gather [hbm4b:s4+s14], $0x80, s25, s14, $0xb8;
	[tilespmem:$0x1E400] =	vst v63  }
0x3a: {  	_ =	swait.ge [sflag:s19], $0x3E80  }
0x3b: {  	[sflag:s19] =	ssyncset.done $0x0  }
.Ltmp0:
0x3c: {  	s25 =	sadd.s32 $0x1480, s24;
	[sflag:s19] =	ssyncadd.s32 $0xFFFFC180;
	(pc) =	sbr.rel @p0 .LBB2_2-.Ltmp0, $4  }
0x3d: {  	[spmem:s2] =	stream.indirect.scatter.add.f32 [tilespmem:s17], [sflag:$0x3], $0x80, s25, s14, $0xb8;
	[tilespmem:$0x1E400] =	vst v63  }
0x3e: {  	_ =	swait.ge [sflag:s10], $0x3E80  }
0x3f: {  	[sflag:s10] =	ssyncset.done $0x0  }
0x40: {  	s24 =	sadd.s32 $0x180, s24;
	[sflag:s10] =	ssyncadd.s32 $0xFFFFC180  }
0x41: {  	[tilespmem:s17], [sflag:$0x2] =	stream.indirect.gather [hbm4b:s4+s14], $0x80, s24, s14, $0xb8;
	[tilespmem:$0x1E400] =	vst v63  }
0x42: {  	_ =	swait.ge [sflag:s18], $0x3E80  }
0x43: {  	[sflag:s18] =	ssyncset.done $0x0  }
0x44: {  	[sflag:s18] =	ssyncadd.s32 $0xFFFFC180  }
0x45: {  	[spmem:s2] =	stream.indirect.scatter.add.f32 [tilespmem:s15], [sflag:$0x3], $0x80, s20, s14, $0xb8;
	[tilespmem:$0x1E400] =	vst v63  }
0x46: {  	_ =	swait.ge [sflag:s10], $0x3E80  }
0x47: {  	[sflag:s10] =	ssyncset.done $0x0  }
0x48: {  	[sflag:s10] =	ssyncadd.s32 $0xFFFFC180  }
0x49: {  	_ =	swait.ge [sflag:s19], $0x3E80  }
0x4a: {  	[sflag:s19] =	ssyncset.done $0x0  }
0x4b: {  	[sflag:s19] =	ssyncadd.s32 $0xFFFFC180  }
0x4c: {  	[spmem:s2] =	stream.indirect.scatter.add.f32 [tilespmem:s17], [sflag:$0x3], $0x80, s21, s14, $0xb8;
	[tilespmem:$0x1E400] =	vst v63  }
0x4d: {  	_ =	swait.ge [sflag:s10], $0x3E80  }
0x4e: {  	s22 =	sadd.s32 $0x1, s22;
	[sflag:s10] =	ssyncset.done $0x0  }
0x4f: {  	p0 =	sne.s32 s22, s9;
	[sflag:s10] =	ssyncadd.s32 $0xFFFFC180  }
.Ltmp1:
0x50: {  	[bflag:$0x0] =	sbarrier.arrive $0xFFFF;
	(pc) =	sbr.rel @p0 .LBB2_1-.Ltmp1, $4  }
0x51: {  	[hbm:s8], [sflag:s12] =	dma.local [spmem:s13], $0x2780  }
0x52: {  	_ =	swait.ge [sflag:s10], $0x2780  }
0x53: {  	[sflag:s10] =	ssyncset.done $0x0  }
0x54: {  	[sflag:s10] =	ssyncadd.s32 $0xFFFFD880  }
0x55: {  	_ =	sfence.sel $0x180000  }
0x56: {  	[bflag:$0x0] =	sbarrier.arrive $0xFFFF  }
0x57: {  	p0 =	sne.s32 s0, $0x0;
	_ =	strace $0x90000050  }
0x58: {  	s0 =	sadd.s32 @!p0 $0x100000, s1;
	[bflag:$0x2] =	sbarrier.arrive $0xFFFF  }
0x59: {  	[sflag:s0] =	ssyncadd.tile.s32 @!p0 $0x1;
	_ =	shalt  }
.Lfunc_end2:
_tile_overlayer_lowered:
.L_overlay_start_2:
0x5a: {  	(tag) =	ssettag $0x2  }
0x5b: {  	s0 =	rddreg [dreg:$0x0];
	s2 =	stileid.u32  }
0x5c: {  	s1 =	rddreg [dreg:$0x1];
	p0 =	sne.s32 s2, $0x0  }
0x5d: {  	s3 =	rddreg [dreg:$0x2];
	[bflag:$0x3] =	sbarrier.arrive $0xFFFF;
	s2 =	simm.s32 @!p0 $0x1C03  }
0x5e: {  	[timem:s3], [sflag:s2] =	dma.local @!p0 [hbm:s0], s1  }
0x5f: {  	s0 =	simm.s32 @!p0 $0x3  }
0x60: {  	_ =	swait.ge @!p0 [sflag:s0], s1  }
0x61: {  	s1 =	ssub.s32 @!p0 $0x0, s1;
	[sflag:s0] =	ssyncset.done @!p0 $0x0  }
0x62: {  	[sflag:s0] =	ssyncadd.s32 @!p0 s1  }
0x63: {  	[bflag:$0x3] =	sbarrier.arrive $0xFFFF  }
0x64: {  	_ =	shalt  }

// kernel: kernel.34.cloned.1.call-start
scs
__scs_entry_jumppad:
0x0: {  	(pc) =	sbr.rel $0x88, $3  }
0x1: {  	(tag) =	ssettag $0x0;
	lr =	simm.s32 $0x1  }
0x2: {  	[smem:$0x3F8C] =	sst lr;
	_ =	strace $0xD0000000  }
0x3: {  	_ = 	snop  }
0x4: {  	_ = 	snop  }
0x5: {  	_ = 	snop  }
0x6: {  	_ = 	snop  }
0x7: {  	_ = 	snop  }
__scs_overlays_trampoline_lowered:
0x8: {  	[smem:$0x3F9B] =	sst s0  }
0x9: {  	[smem:$0x3F9C] =	sst s1  }
0xa: {  	[smem:$0x3F9D] =	sst s2  }
0xb: {  	[smem:$0x3F9E] =	sst s3  }
0xc: {  	[smem:$0x3F9F] =	sst s4  }
0xd: {  	[smem:$0x3FA0] =	sst s5  }
0xe: {  	[smem:$0x3FA1] =	sst s6  }
0xf: {  	[smem:$0x3FA2] =	sst s7  }
0x10: {  	[smem:$0x3FA3] =	sst s8  }
0x11: {  	[smem:$0x3FA4] =	sst s9;
	s0 =	simm.s32 @!p0 $0x0  }
0x12: {  	s1 =	sld [smem:$0x3F8A];
	s0 =	simm.s32 @p0 $0x1  }
0x13: {  	[smem:$0x3FA5] =	sst s0;
	s0 =	simm.s32 @!p1 $0x0  }
0x14: {  	s2 =	sld [smem:$0x3F89];
	s0 =	simm.s32 @p1 $0x1  }
0x15: {  	[smem:$0x3FA6] =	sst s0;
	s0 =	simm.s32 @!p2 $0x0  }
0x16: {  	s3 =	sld [smem:$0x3FDB];
	s0 =	simm.s32 @p2 $0x1  }
0x17: {  	s4 =	simm.s32 $0x1BF5;
	[smem:$0x3FA8] =	sst s0  }
0x18: {  	s0 =	sld [smem:$0x3F8B];
	_ =	swait.ge [sflag:s4], $0x0  }
0x19: {  	s7 =	sld [smem:$0x3F8C]  }
0x1a: {  	s8 =	sadd.s32 $0xFFFFE003, lr  }
0x1b: {  	s9 =	sadd.s32 $0xFFFFFEF7, lr;
	s5 =	simm.s32 $0xFFFFFFFF;
	p2 =	slt.u32 s8, $0xFFFFF086  }
0x1c: {  	p1 =	slt.u32 s9, $0xF7A;
	s5 =	simm.s32 @!p2 $0x0  }
0x1d: {  	s5 =	simm.s32 @p1 $0x1;
	p0 =	seq.s32 s7, s2  }
0x1e: {  	s7 =	smul.u32 @!p0 $0xF7A, s2;
	p2 =	seq.s32 @!p0 s5, $0x0  }
0x1f: {  	s9 =	smul.u32 $0xF7A, s1;
	s8 =	simm.s32 @!p0 $0x1BF5;
	p2 =	por !p2, p0  }
0x20: {  	[sflag:s8] =	ssyncset.s32 @!p0 $0xFFFFF086;
	s6 =	sadd.s32 @!p0 s3, s7;
	s7 =	simm.s32 @!p0 $0x108  }
0x21: {  	s3 =	sadd.s32 s3, s9;
	s6 =	sadd.s32 @!p0 $0x88, s6;
	s7 =	simm.s32 @p2 $0x1082  }
0x22: {  	[simem:s7], [sflag:s8] =	dma.local @!p0 [hbm:s6], $0xF7A  }
0x23: {  	s9 =	sor.u32 $0xD0000000, s2;
	s6 =	simm.s32 $0x108;
	_ =	swait.ge @!p0 [sflag:s8], $0x0  }
0x24: {  	s3 =	sadd.s32 $0x88, s3;
	s6 =	simm.s32 @!p1 $0x1082;
	[sflag:s4] =	ssyncset.s32 $0xFFFFF086  }
0x25: {  	[simem:s6], [sflag:s4] =	dma.local [hbm:s3], $0xF7A  }
0x26: {  	[smem:$0x3F8C] =	sst s1;
	(tag) =	ssettag s2;
	_ =	strace s9  }
0x27: {  	s1 =	sld [smem:$0x3F9C]  }
0x28: {  	s2 =	sld [smem:$0x3F9D]  }
0x29: {  	s4 =	sld [smem:$0x3F9F]  }
0x2a: {  	p0 =	seq.s32 s5, $0x0;
	s5 =	sld [smem:$0x3FA0]  }
0x2b: {  	s6 =	sld [smem:$0x3FA1]  }
0x2c: {  	s7 =	sld [smem:$0x3FA2]  }
0x2d: {  	s3 =	simm.s32 $0x108;
	s8 =	sld [smem:$0x3FA3]  }
0x2e: {  	s3 =	simm.s32 @!p0 $0x1082;
	s9 =	sld [smem:$0x3FA4]  }
0x2f: {  	lr =	sadd.s32 s0, s3;
	s0 =	sld [smem:$0x3F9B]  }
0x30: {  	s3 =	sld [smem:$0x3F9E]  }
0x31: {  	[smem:$0x3FA7] =	sst s10  }
0x32: {  	s10 =	sld [smem:$0x3FA5];
	_ =	sdelay $0x3  }
0x33: {  	p0 =	seq.s32 s10, $0x1;
	s10 =	sld [smem:$0x3FA7];
	_ =	sdelay $0x3  }
0x34: {  	[smem:$0x3FA7] =	sst s10  }
0x35: {  	s10 =	sld [smem:$0x3FA6];
	_ =	sdelay $0x3  }
0x36: {  	p1 =	seq.s32 s10, $0x1;
	s10 =	sld [smem:$0x3FA7];
	_ =	sdelay $0x3  }
0x37: {  	[smem:$0x3FA7] =	sst s10  }
0x38: {  	s10 =	sld [smem:$0x3FA8]  }
0x39: {  	_ = 	snop;
	(pc) =	sbr.ind lr, $3  }
0x3a: {  	_ = 	snop  }
0x3b: {  	_ = 	snop  }
0x3c: {  	p2 =	seq.s32 s10, $0x1;
	s10 =	sld [smem:$0x3FA7]  }
0x3d: {  	_ =	shalt  }
0x3e: {  	_ =	shalt  }
0x3f: {  	_ =	shalt  }
0x40: {  	_ =	shalt  }
0x41: {  	_ =	shalt  }
0x42: {  	_ =	shalt  }
0x43: {  	_ =	shalt  }
0x44: {  	_ =	shalt  }
0x45: {  	_ =	shalt  }
0x46: {  	_ =	shalt  }
0x47: {  	_ =	shalt  }
0x48: {  	_ =	shalt  }
0x49: {  	_ =	shalt  }
0x4a: {  	_ =	shalt  }
0x4b: {  	_ =	shalt  }
0x4c: {  	_ =	shalt  }
0x4d: {  	_ =	shalt  }
0x4e: {  	_ =	shalt  }
0x4f: {  	_ =	shalt  }
0x50: {  	_ =	shalt  }
0x51: {  	_ =	shalt  }
0x52: {  	_ =	shalt  }
0x53: {  	_ =	shalt  }
0x54: {  	_ =	shalt  }
0x55: {  	_ =	shalt  }
0x56: {  	_ =	shalt  }
0x57: {  	_ =	shalt  }
0x58: {  	_ =	shalt  }
0x59: {  	_ =	shalt  }
0x5a: {  	_ =	shalt  }
0x5b: {  	_ =	shalt  }
0x5c: {  	_ =	shalt  }
0x5d: {  	_ =	shalt  }
0x5e: {  	_ =	shalt  }
0x5f: {  	_ =	shalt  }
0x60: {  	_ =	shalt  }
0x61: {  	_ =	shalt  }
0x62: {  	_ =	shalt  }
0x63: {  	_ =	shalt  }
0x64: {  	_ =	shalt  }
0x65: {  	_ =	shalt  }
0x66: {  	_ =	shalt  }
0x67: {  	_ =	shalt  }
0x68: {  	_ =	shalt  }
0x69: {  	_ =	shalt  }
0x6a: {  	_ =	shalt  }
0x6b: {  	_ =	shalt  }
0x6c: {  	_ =	shalt  }
0x6d: {  	_ =	shalt  }
0x6e: {  	_ =	shalt  }
0x6f: {  	_ =	shalt  }
0x70: {  	_ =	shalt  }
0x71: {  	_ =	shalt  }
0x72: {  	_ =	shalt  }
0x73: {  	_ =	shalt  }
0x74: {  	_ =	shalt  }
0x75: {  	_ =	shalt  }
0x76: {  	_ =	shalt  }
0x77: {  	_ =	shalt  }
0x78: {  	_ =	shalt  }
0x79: {  	_ =	shalt  }
0x7a: {  	_ =	shalt  }
0x7b: {  	_ =	shalt  }
0x7c: {  	_ =	shalt  }
0x7d: {  	_ =	shalt  }
0x7e: {  	_ =	shalt  }
0x7f: {  	_ =	shalt  }
0x80: {  	_ =	shalt  }
0x81: {  	_ =	shalt  }
0x82: {  	_ =	shalt  }
0x83: {  	_ =	shalt  }
0x84: {  	_ =	shalt  }
0x85: {  	_ =	shalt  }
0x86: {  	_ =	shalt  }
0x87: {  	_ =	shalt  }
.Lfunc_end0:
.L_simem_size_0:
called_computation.3_lowered:
.L_overlay_start_0:
0x88: {  	s2 =	sld [smem:$0x3FD9]  }
0x89: {  	s3 =	sld [smem:$0x3FFE];
	_ =	sdelay $0x1  }
0x8a: {  	s1 =	srdreg.scid  }
0x8b: {  	s0 =	sand.u32 $0x1, s1  }
0x8c: {  	s17 =	sshll.u32 s0, $0xA;
	s2 =	sadd.s32 s3, s2  }
0x8d: {  	s2 =	sadd.s32 s2, s17  }
0x8e: {  	[smem:$0x3FB3] =	sst s2  }
0x8f: {  	_ = 	snop  }
0x90: {  	(tm) =	ssettm $0x1  }
0x91: {  	s18 =	sld [smem:$0x3FFB];
	_ =	sdelay $0x3  }
0x92: {  	_ =	strace s18  }
0x93: {  	s2 =	sld [smem:$0x3FFC];
	_ =	sdelay $0x3  }
0x94: {  	_ =	strace s2  }
0x95: {  	s2 =	sld [smem:$0x3FFD];
	_ =	sdelay $0x3  }
0x96: {  	_ =	strace s2  }
0x97: {  	_ =	strace $0x8FFFFFFF  }
0x98: {  	s19 =	sld [smem:$0x3FDB];
	_ =	sdelay $0x1  }
0x99: {  	s20 =	simm.s32 $_scs_section_size  }
0x9a: {  	s4 =	simm.s32 $_size__tile_overlayer_lowered;
	s5 =	simm.s32 $_tile_overlayer_lowered  }
0x9b: {  	s6 =	simm.s32 $0x1BFF;
	s21 =	sshll.u32 s5, $0x1;
	s3 =	sadd.s32 s20, s19  }
0x9c: {  	s22 =	simm.s32 $0x0;
	s4 =	sshll.u32 s4, $0x1;
	s5 =	sadd.s32 s21, s3  }
0x9d: {  	[timem:s22], [sflag:s6] =	dma.local [hbm:s5], s4  }
0x9e: {  	_ =	swait.ge [sflag:s6], s4  }
0x9f: {  	s4 =	ssub.s32 $0x0, s4;
	[sflag:s6] =	ssyncset.done $0x0  }
0xa0: {  	[sflag:s6] =	ssyncadd.s32 s4;
	_ =	sdelay $0x1  }
0xa1: {  	s23 =	simm.s32 $0x1B8B  }
0xa2: {  	_ =	swait.ge [sflag:s23], $0x1  }
0xa3: {  	[sflag:s23] =	ssyncset.done $0x0  }
0xa4: {  	[sflag:s23] =	ssyncadd.s32 $0xFFFFFFFF  }
0xa5: {  	s4 =	sld [smem:$0x0]  }
0xa6: {  	s5 =	sand.u32 $0xFFFFFFFE, s1  }
0xa7: {  	p0 =	sne.s32 s1, s5  }
0xa8: {  	s5 =	sshll.u32 @p0 s5, $0xE  }
0xa9: {  	s5 =	sadd.s32 @p0 $0x11B8D, s5;
	s6 =	sshll.u32 @p0 s4, $0x11  }
0xaa: {  	s5 =	sor.u32 @p0 s6, s5  }
0xab: {  	[sflag:s5] =	ssyncadd.remote.s32 @p0 $0x1;
	_ =	sdelay $0x1  }
0xac: {  	s5 =	simm.s32 @p0 $0x1B8D  }
0xad: {  	_ =	swait.eq @p0 [sflag:s5], $0x1  }
0xae: {  	[sflag:s5] =	ssyncadd.s32 @p0 $0xFFFFFFFF  }
0xaf: {  	s6 =	sshll.u32 @!p0 s1, $0xE  }
0xb0: {  	s6 =	sor.u32 @!p0 $0x4000, s6;
	s5 =	simm.s32 @!p0 $0x1B8D  }
0xb1: {  	s4 =	sshll.u32 @!p0 s4, $0x11;
	s6 =	sadd.s32 @!p0 $0x11B8D, s6;
	_ =	swait.eq @!p0 [sflag:s5], $0x1  }
0xb2: {  	s4 =	sor.u32 @!p0 s4, s6;
	[sflag:s5] =	ssyncadd.s32 @!p0 $0xFFFFFFFF  }
0xb3: {  	s25 =	simm.s32 $0x1B8E;
	s24 =	sld [smem:$0x3FFE];
	[sflag:s4] =	ssyncadd.remote.s32 @!p0 $0x1  }
0xb4: {  	s26 =	simm.s32 $execute0_lowered;
	[smem:$0x3FD2] =	sst s25  }
0xb5: {  	s5 =	sshll.u32 s26, $0x1;
	_ =	strace $0x8000004C;
	[dreg:$0x1] =	wrdreg $0xFFFFFFFF  }
0xb6: {  	s28 =	simm.s32 $_size_execute0_lowered;
	s3 =	sadd.s32 s3, s5;
	[dreg:$0x0] =	wrdreg $0x0  }
0xb7: {  	s5 =	sshll.u32 s28, $0x1;
	[dreg:$0x2] =	wrdreg s3  }
0xb8: {  	[dreg:$0x3] =	wrdreg s5  }
0xb9: {  	[dreg:$0x4] =	wrdreg $0xC0  }
0xba: {  	_ =	task [dreg:s22], $0x5FFFF  }
0xbb: {  	[dreg:$0x1] =	wrdreg $0xFFFFFFFF  }
0xbc: {  	[dreg:$0x0] =	wrdreg $0x60  }
0xbd: {  	[dreg:$0x2] =	wrdreg s24  }
0xbe: {  	[dreg:$0x3] =	wrdreg $0xA8000  }
0xbf: {  	[dreg:$0x4] =	wrdreg $0xA  }
0xc0: {  	_ =	task.clear_ibuf [dreg:s22], $0x5FFFF;
	_ =	strace $0x9000004C  }
0xc1: {  	s29 =	simm.s32 $0xA;
	_ =	strace $0x8000004E  }
0xc2: {  	_ =	swait.ge [sflag:s29], $0x1  }
0xc3: {  	[sflag:s29] =	ssyncadd.s32 $0xFFFFFFFF  }
0xc4: {  	_ =	strace $0x9000004E  }
0xc5: {  	_ =	sfence  }
0xc6: {  	s30 =	sld [smem:$0x0];
	_ =	sdelay $0x2  }
0xc7: {  	s31 =	sshll.u32 s1, $0xD;
	s1 =	sshrl.u32 s1, $0x2  }
0xc8: {  	s4 =	sand.u32 $0x4000, s31;
	s1 =	sadd.s32 s1, s30  }
0xc9: {  	s0 =	sor.u32 s4, s0;
	s1 =	sshll.u32 s1, $0x11  }
0xca: {  	s0 =	sor.u32 s1, s0  }
0xcb: {  	s0 =	sadd.s32 $0x8F2B, s0  }
0xcc: {  	[sflag:s0] =	ssyncadd.remote.s32 $0x1  }
0xcd: {  	_ =	sfence.sel $0xFFFF  }
0xce: {  	[dreg:$0x0] =	wrdreg $0xFFFFFFFF;
	(pc) =	sbr.abs _section_cstart, $3  }
0xcf: {  	[dreg:$0x1] =	wrdreg $0xFFFFFFFF  }
0xd0: {  	_ =	task.clear_ibuf [dreg:s22], $0x2FFFF;
	_ =	strace $0x9FFFFFFF  }
0xd1: {  	(tm) =	ssettm $0x7FFFFFFF  }
tec
execute0_lowered:
.L_overlay_start_1:
0x0: {  	(tag) =	ssettag $0x1  }
0x1: {  	s1 =	srdreg.scid;
	s6 =	rddreg [dreg:$0x0]  }
0x2: {  	s0 =	stileid.u32;
	s2 =	rddreg [dreg:$0x1]  }
0x3: {  	s3 =	simm.s32 $0x0;
	s14 =	simm.s32 $0x7D;
	s15 =	simm.s32 $0x2800  }
0x4: {  	s16 =	simm.s32 $0x80;
	s17 =	simm.s32 $0x6800;
	s18 =	simm.s32 $0x1  }
0x5: {  	s19 =	simm.s32 $0x2;
	s20 =	simm.s32 $0x2700;
	s21 =	simm.s32 $0x2780  }
0x6: {  	s22 =	simm.s32 $0x0;
	s5 =	sand.u32 $0x1, s1;
	s29 =	sshll.u32 s0, $0x1  }
0x7: {  	s8 =	smul.u32 $0x13C00, s0;
	[smem:$0x7FF] =	sst s3;
	s4 =	sadd.s32 $0x5FE00, s6  }
0x8: {  	s11 =	smul.u32 $0x4F000, s0;
	s12 =	sshll.u32 s0, $0x6;
	s1 =	sor.u32 s5, s29  }
0x9: {  	s9 =	smul.u32 $0x13C000, s5;
	s5 =	ssub.s32 $0x2, s5;
	s12 =	sor.u32 $0x1C03, s12  }
0xa: {  	s7 =	smul.u32 $0x280, s1;
	s1 =	rddreg [dreg:$0x2];
	_ =	strace $0x8000004D  }
0xb: {  	s10 =	sshrl.u32 s8, $0x3;
	s30 =	sshrl.u32 s5, $0x1;
	s31 =	sshrl.u32 s11, $0x2  }
0xc: {  	s11 =	simm.s32 $0x1400;
	s8 =	sadd.s32 s8, s9;
	s10 =	sadd.s32 s10, s6  }
0xd: {  	s9 =	ssub.s32 s5, s30;
	s13 =	sadd.s32 s31, s2;
	s7 =	sadd.s32 s7, s6  }
0xe: {  	s8 =	sshrl.u32 s8, $0x3;
	s9 =	smax.u32 s9, $0x1;
	s13 =	sshrl.u32 s13, $0x3  }
0xf: {  	s8 =	sadd.s32 s8, s6;
	s5 =	sadd.s32 $0xC400, s7;
	s6 =	sadd.s32 $0xDBC00, s7  }
0x10: {  	s7 =	sadd.s32 $0x11400, s10;
	s10 =	simm.s32 $0x3;
	s8 =	sadd.s32 $0x12F000, s8  }
.LBB2_1:
0x11: {  	[tilespmem:s3], [sflag:$0x3] =	stream.linear.gather [hbm4b:s5+s3], $0x1400, $0x38;
	[tilespmem:$0x1E400] =	vst v63  }
0x12: {  	_ =	swait.ge [sflag:s10], $0x1400  }
0x13: {  	[sflag:s10] =	ssyncset.done $0x0  }
0x14: {  	[sflag:s10] =	ssyncadd.s32 $0xFFFFEC00  }
0x15: {  	[tilespmem:s11], [sflag:$0x3] =	stream.linear.gather [hbm4b:s6+s3], $0x1400, $0x38;
	[tilespmem:$0x1E400] =	vst v63  }
0x16: {  	_ =	swait.ge [sflag:s10], $0x1400  }
0x17: {  	[sflag:s10] =	ssyncset.done $0x0  }
0x18: {  	[sflag:s10] =	ssyncadd.s32 $0xFFFFEC00  }
0x19: {  	[spmem:s13], [sflag:s12] =	dma.local [hbm:s7], $0x2780  }
0x1a: {  	_ =	swait.ge [sflag:s10], $0x2780  }
0x1b: {  	[sflag:s10] =	ssyncset.done $0x0  }
0x1c: {  	[sflag:s10] =	ssyncadd.s32 $0xFFFFD880  }
0x1d: {  	[bflag:$0x0] =	sbarrier.arrive $0xFFFF  }
0x1e: {  	[tilespmem:s15], [sflag:$0x1] =	stream.indirect.gather [hbm4b:s4+s14], $0x80, s3, s14, $0xb8;
	[tilespmem:$0x1E400] =	vst v63  }
0x1f: {  	_ = 	snop  }
0x20: {  	[tilespmem:s17], [sflag:$0x2] =	stream.indirect.gather [hbm4b:s4+s14], $0x80, s16, s14, $0xb8;
	[tilespmem:$0x1E400] =	vst v63  }
0x21: {  	_ =	swait.ge [sflag:s18], $0x3E80  }
0x22: {  	[sflag:s18] =	ssyncset.done $0x0  }
0x23: {  	s23 =	simm.s32 $0x1400;
	[sflag:s18] =	ssyncadd.s32 $0xFFFFC180  }
0x24: {  	[spmem:s2] =	stream.indirect.scatter.add.f32 [tilespmem:s15], [sflag:$0x3], $0x80, s23, s14, $0xb8;
	[tilespmem:$0x1E400] =	vst v63  }
0x25: {  	_ =	swait.ge [sflag:s10], $0x3E80  }
0x26: {  	[sflag:s10] =	ssyncset.done $0x0  }
0x27: {  	s30 =	simm.s32 $0x100;
	[sflag:s10] =	ssyncadd.s32 $0xFFFFC180  }
0x28: {  	[tilespmem:s15], [sflag:$0x1] =	stream.indirect.gather [hbm4b:s4+s14], $0x80, s30, s14, $0xb8;
	[tilespmem:$0x1E400] =	vst v63  }
0x29: {  	_ =	swait.ge [sflag:s19], $0x3E80  }
0x2a: {  	[sflag:s19] =	ssyncset.done $0x0  }
0x2b: {  	s31 =	simm.s32 $0x1480;
	[sflag:s19] =	ssyncadd.s32 $0xFFFFC180  }
0x2c: {  	[spmem:s2] =	stream.indirect.scatter.add.f32 [tilespmem:s17], [sflag:$0x3], $0x80, s31, s14, $0xb8;
	[tilespmem:$0x1E400] =	vst v63  }
0x2d: {  	_ =	swait.ge [sflag:s10], $0x3E80  }
0x2e: {  	[sflag:s10] =	ssyncset.done $0x0  }
0x2f: {  	s24 =	simm.s32 $0x180;
	s23 =	simm.s32 $0x400;
	[sflag:s10] =	ssyncadd.s32 $0xFFFFC180  }
.LBB2_2:
0x30: {  	[tilespmem:s17], [sflag:$0x2] =	stream.indirect.gather [hbm4b:s4+s14], $0x80, s24, s14, $0xb8;
	[tilespmem:$0x1E400] =	vst v63  }
0x31: {  	s24 =	smov.u32 s23  }
0x32: {  	p0 =	sne.s32 s23, $0x4800;
	s23 =	sadd.s32 $0x400, s23;
	_ =	swait.ge [sflag:s18], $0x3E80  }
0x33: {  	s24 =	sshra.s32 s24, $0x2;
	[sflag:s18] =	ssyncset.done $0x0  }
0x34: {  	s25 =	sadd.s32 $0x1400, s24;
	[sflag:s18] =	ssyncadd.s32 $0xFFFFC180  }
0x35: {  	[spmem:s2] =	stream.indirect.scatter.add.f32 [tilespmem:s15], [sflag:$0x3], $0x80, s25, s14, $0xb8;
	[tilespmem:$0x1E400] =	vst v63  }
0x36: {  	_ =	swait.ge [sflag:s10], $0x3E80  }
0x37: {  	[sflag:s10] =	ssyncset.done $0x0  }
0x38: {  	s25 =	sadd.s32 $0x100, s24;
	[sflag:s10] =	ssyncadd.s32 $0xFFFFC180  }
0x39: {  	[tilespmem:s15], [sflag:$0x1] =	stream.indirect.gather [hbm4b:s4+s14], $0x80, s25, s14, $0xb8;
	[tilespmem:$0x1E400] =	vst v63  }
0x3a: {  	_ =	swait.ge [sflag:s19], $0x3E80  }
0x3b: {  	[sflag:s19] =	ssyncset.done $0x0  }
.Ltmp0:
0x3c: {  	s25 =	sadd.s32 $0x1480, s24;
	[sflag:s19] =	ssyncadd.s32 $0xFFFFC180;
	(pc) =	sbr.rel @p0 .LBB2_2-.Ltmp0, $4  }
0x3d: {  	[spmem:s2] =	stream.indirect.scatter.add.f32 [tilespmem:s17], [sflag:$0x3], $0x80, s25, s14, $0xb8;
	[tilespmem:$0x1E400] =	vst v63  }
0x3e: {  	_ =	swait.ge [sflag:s10], $0x3E80  }
0x3f: {  	[sflag:s10] =	ssyncset.done $0x0  }
0x40: {  	s24 =	sadd.s32 $0x180, s24;
	[sflag:s10] =	ssyncadd.s32 $0xFFFFC180  }
0x41: {  	[tilespmem:s17], [sflag:$0x2] =	stream.indirect.gather [hbm4b:s4+s14], $0x80, s24, s14, $0xb8;
	[tilespmem:$0x1E400] =	vst v63  }
0x42: {  	_ =	swait.ge [sflag:s18], $0x3E80  }
0x43: {  	[sflag:s18] =	ssyncset.done $0x0  }
0x44: {  	[sflag:s18] =	ssyncadd.s32 $0xFFFFC180  }
0x45: {  	[spmem:s2] =	stream.indirect.scatter.add.f32 [tilespmem:s15], [sflag:$0x3], $0x80, s20, s14, $0xb8;
	[tilespmem:$0x1E400] =	vst v63  }
0x46: {  	_ =	swait.ge [sflag:s10], $0x3E80  }
0x47: {  	[sflag:s10] =	ssyncset.done $0x0  }
0x48: {  	[sflag:s10] =	ssyncadd.s32 $0xFFFFC180  }
0x49: {  	_ =	swait.ge [sflag:s19], $0x3E80  }
0x4a: {  	[sflag:s19] =	ssyncset.done $0x0  }
0x4b: {  	[sflag:s19] =	ssyncadd.s32 $0xFFFFC180  }
0x4c: {  	[spmem:s2] =	stream.indirect.scatter.add.f32 [tilespmem:s17], [sflag:$0x3], $0x80, s21, s14, $0xb8;
	[tilespmem:$0x1E400] =	vst v63  }
0x4d: {  	_ =	swait.ge [sflag:s10], $0x3E80  }
0x4e: {  	s22 =	sadd.s32 $0x1, s22;
	[sflag:s10] =	ssyncset.done $0x0  }
0x4f: {  	p0 =	sne.s32 s22, s9;
	[sflag:s10] =	ssyncadd.s32 $0xFFFFC180  }
.Ltmp1:
0x50: {  	[bflag:$0x0] =	sbarrier.arrive $0xFFFF;
	(pc) =	sbr.rel @p0 .LBB2_1-.Ltmp1, $4  }
0x51: {  	[hbm:s8], [sflag:s12] =	dma.local [spmem:s13], $0x2780  }
0x52: {  	_ =	swait.ge [sflag:s10], $0x2780  }
0x53: {  	[sflag:s10] =	ssyncset.done $0x0  }
0x54: {  	[sflag:s10] =	ssyncadd.s32 $0xFFFFD880  }
0x55: {  	_ =	sfence.sel $0x180000  }
0x56: {  	[bflag:$0x0] =	sbarrier.arrive $0xFFFF  }
0x57: {  	p0 =	sne.s32 s0, $0x0;
	_ =	strace $0x9000004D  }
0x58: {  	s0 =	sadd.s32 @!p0 $0x100000, s1;
	[bflag:$0x2] =	sbarrier.arrive $0xFFFF  }
0x59: {  	[sflag:s0] =	ssyncadd.tile.s32 @!p0 $0x1;
	_ =	shalt  }
.Lfunc_end2:
_tile_overlayer_lowered:
.L_overlay_start_2:
0x5a: {  	(tag) =	ssettag $0x2  }
0x5b: {  	s0 =	rddreg [dreg:$0x0];
	s2 =	stileid.u32  }
0x5c: {  	s1 =	rddreg [dreg:$0x1];
	p0 =	sne.s32 s2, $0x0  }
0x5d: {  	s3 =	rddreg [dreg:$0x2];
	[bflag:$0x3] =	sbarrier.arrive $0xFFFF;
	s2 =	simm.s32 @!p0 $0x1C03  }
0x5e: {  	[timem:s3], [sflag:s2] =	dma.local @!p0 [hbm:s0], s1  }
0x5f: {  	s0 =	simm.s32 @!p0 $0x3  }
0x60: {  	_ =	swait.ge @!p0 [sflag:s0], s1  }
0x61: {  	s1 =	ssub.s32 @!p0 $0x0, s1;
	[sflag:s0] =	ssyncset.done @!p0 $0x0  }
0x62: {  	[sflag:s0] =	ssyncadd.s32 @!p0 s1  }
0x63: {  	[bflag:$0x3] =	sbarrier.arrive $0xFFFF  }
0x64: {  	_ =	shalt  }

// kernel: kernel.37.cloned.1.call-start
scs
__scs_entry_jumppad:
0x0: {  	(pc) =	sbr.rel $0x88, $3  }
0x1: {  	(tag) =	ssettag $0x0;
	lr =	simm.s32 $0x1  }
0x2: {  	[smem:$0x3F8C] =	sst lr;
	_ =	strace $0xD0000000  }
0x3: {  	_ = 	snop  }
0x4: {  	_ = 	snop  }
0x5: {  	_ = 	snop  }
0x6: {  	_ = 	snop  }
0x7: {  	_ = 	snop  }
__scs_overlays_trampoline_lowered:
0x8: {  	[smem:$0x3F9B] =	sst s0  }
0x9: {  	[smem:$0x3F9C] =	sst s1  }
0xa: {  	[smem:$0x3F9D] =	sst s2  }
0xb: {  	[smem:$0x3F9E] =	sst s3  }
0xc: {  	[smem:$0x3F9F] =	sst s4  }
0xd: {  	[smem:$0x3FA0] =	sst s5  }
0xe: {  	[smem:$0x3FA1] =	sst s6  }
0xf: {  	[smem:$0x3FA2] =	sst s7  }
0x10: {  	[smem:$0x3FA3] =	sst s8  }
0x11: {  	[smem:$0x3FA4] =	sst s9;
	s0 =	simm.s32 @!p0 $0x0  }
0x12: {  	s1 =	sld [smem:$0x3F8A];
	s0 =	simm.s32 @p0 $0x1  }
0x13: {  	[smem:$0x3FA5] =	sst s0;
	s0 =	simm.s32 @!p1 $0x0  }
0x14: {  	s2 =	sld [smem:$0x3F89];
	s0 =	simm.s32 @p1 $0x1  }
0x15: {  	[smem:$0x3FA6] =	sst s0;
	s0 =	simm.s32 @!p2 $0x0  }
0x16: {  	s3 =	sld [smem:$0x3FDB];
	s0 =	simm.s32 @p2 $0x1  }
0x17: {  	s4 =	simm.s32 $0x1BF5;
	[smem:$0x3FA8] =	sst s0  }
0x18: {  	s0 =	sld [smem:$0x3F8B];
	_ =	swait.ge [sflag:s4], $0x0  }
0x19: {  	s7 =	sld [smem:$0x3F8C]  }
0x1a: {  	s8 =	sadd.s32 $0xFFFFE003, lr  }
0x1b: {  	s9 =	sadd.s32 $0xFFFFFEF7, lr;
	s5 =	simm.s32 $0xFFFFFFFF;
	p2 =	slt.u32 s8, $0xFFFFF086  }
0x1c: {  	p1 =	slt.u32 s9, $0xF7A;
	s5 =	simm.s32 @!p2 $0x0  }
0x1d: {  	s5 =	simm.s32 @p1 $0x1;
	p0 =	seq.s32 s7, s2  }
0x1e: {  	s7 =	smul.u32 @!p0 $0xF7A, s2;
	p2 =	seq.s32 @!p0 s5, $0x0  }
0x1f: {  	s9 =	smul.u32 $0xF7A, s1;
	s8 =	simm.s32 @!p0 $0x1BF5;
	p2 =	por !p2, p0  }
0x20: {  	[sflag:s8] =	ssyncset.s32 @!p0 $0xFFFFF086;
	s6 =	sadd.s32 @!p0 s3, s7;
	s7 =	simm.s32 @!p0 $0x108  }
0x21: {  	s3 =	sadd.s32 s3, s9;
	s6 =	sadd.s32 @!p0 $0x88, s6;
	s7 =	simm.s32 @p2 $0x1082  }
0x22: {  	[simem:s7], [sflag:s8] =	dma.local @!p0 [hbm:s6], $0xF7A  }
0x23: {  	s9 =	sor.u32 $0xD0000000, s2;
	s6 =	simm.s32 $0x108;
	_ =	swait.ge @!p0 [sflag:s8], $0x0  }
0x24: {  	s3 =	sadd.s32 $0x88, s3;
	s6 =	simm.s32 @!p1 $0x1082;
	[sflag:s4] =	ssyncset.s32 $0xFFFFF086  }
0x25: {  	[simem:s6], [sflag:s4] =	dma.local [hbm:s3], $0xF7A  }
0x26: {  	[smem:$0x3F8C] =	sst s1;
	(tag) =	ssettag s2;
	_ =	strace s9  }
0x27: {  	s1 =	sld [smem:$0x3F9C]  }
0x28: {  	s2 =	sld [smem:$0x3F9D]  }
0x29: {  	s4 =	sld [smem:$0x3F9F]  }
0x2a: {  	p0 =	seq.s32 s5, $0x0;
	s5 =	sld [smem:$0x3FA0]  }
0x2b: {  	s6 =	sld [smem:$0x3FA1]  }
0x2c: {  	s7 =	sld [smem:$0x3FA2]  }
0x2d: {  	s3 =	simm.s32 $0x108;
	s8 =	sld [smem:$0x3FA3]  }
0x2e: {  	s3 =	simm.s32 @!p0 $0x1082;
	s9 =	sld [smem:$0x3FA4]  }
0x2f: {  	lr =	sadd.s32 s0, s3;
	s0 =	sld [smem:$0x3F9B]  }
0x30: {  	s3 =	sld [smem:$0x3F9E]  }
0x31: {  	[smem:$0x3FA7] =	sst s10  }
0x32: {  	s10 =	sld [smem:$0x3FA5];
	_ =	sdelay $0x3  }
0x33: {  	p0 =	seq.s32 s10, $0x1;
	s10 =	sld [smem:$0x3FA7];
	_ =	sdelay $0x3  }
0x34: {  	[smem:$0x3FA7] =	sst s10  }
0x35: {  	s10 =	sld [smem:$0x3FA6];
	_ =	sdelay $0x3  }
0x36: {  	p1 =	seq.s32 s10, $0x1;
	s10 =	sld [smem:$0x3FA7];
	_ =	sdelay $0x3  }
0x37: {  	[smem:$0x3FA7] =	sst s10  }
0x38: {  	s10 =	sld [smem:$0x3FA8]  }
0x39: {  	_ = 	snop;
	(pc) =	sbr.ind lr, $3  }
0x3a: {  	_ = 	snop  }
0x3b: {  	_ = 	snop  }
0x3c: {  	p2 =	seq.s32 s10, $0x1;
	s10 =	sld [smem:$0x3FA7]  }
0x3d: {  	_ =	shalt  }
0x3e: {  	_ =	shalt  }
0x3f: {  	_ =	shalt  }
0x40: {  	_ =	shalt  }
0x41: {  	_ =	shalt  }
0x42: {  	_ =	shalt  }
0x43: {  	_ =	shalt  }
0x44: {  	_ =	shalt  }
0x45: {  	_ =	shalt  }
0x46: {  	_ =	shalt  }
0x47: {  	_ =	shalt  }
0x48: {  	_ =	shalt  }
0x49: {  	_ =	shalt  }
0x4a: {  	_ =	shalt  }
0x4b: {  	_ =	shalt  }
0x4c: {  	_ =	shalt  }
0x4d: {  	_ =	shalt  }
0x4e: {  	_ =	shalt  }
0x4f: {  	_ =	shalt  }
0x50: {  	_ =	shalt  }
0x51: {  	_ =	shalt  }
0x52: {  	_ =	shalt  }
0x53: {  	_ =	shalt  }
0x54: {  	_ =	shalt  }
0x55: {  	_ =	shalt  }
0x56: {  	_ =	shalt  }
0x57: {  	_ =	shalt  }
0x58: {  	_ =	shalt  }
0x59: {  	_ =	shalt  }
0x5a: {  	_ =	shalt  }
0x5b: {  	_ =	shalt  }
0x5c: {  	_ =	shalt  }
0x5d: {  	_ =	shalt  }
0x5e: {  	_ =	shalt  }
0x5f: {  	_ =	shalt  }
0x60: {  	_ =	shalt  }
0x61: {  	_ =	shalt  }
0x62: {  	_ =	shalt  }
0x63: {  	_ =	shalt  }
0x64: {  	_ =	shalt  }
0x65: {  	_ =	shalt  }
0x66: {  	_ =	shalt  }
0x67: {  	_ =	shalt  }
0x68: {  	_ =	shalt  }
0x69: {  	_ =	shalt  }
0x6a: {  	_ =	shalt  }
0x6b: {  	_ =	shalt  }
0x6c: {  	_ =	shalt  }
0x6d: {  	_ =	shalt  }
0x6e: {  	_ =	shalt  }
0x6f: {  	_ =	shalt  }
0x70: {  	_ =	shalt  }
0x71: {  	_ =	shalt  }
0x72: {  	_ =	shalt  }
0x73: {  	_ =	shalt  }
0x74: {  	_ =	shalt  }
0x75: {  	_ =	shalt  }
0x76: {  	_ =	shalt  }
0x77: {  	_ =	shalt  }
0x78: {  	_ =	shalt  }
0x79: {  	_ =	shalt  }
0x7a: {  	_ =	shalt  }
0x7b: {  	_ =	shalt  }
0x7c: {  	_ =	shalt  }
0x7d: {  	_ =	shalt  }
0x7e: {  	_ =	shalt  }
0x7f: {  	_ =	shalt  }
0x80: {  	_ =	shalt  }
0x81: {  	_ =	shalt  }
0x82: {  	_ =	shalt  }
0x83: {  	_ =	shalt  }
0x84: {  	_ =	shalt  }
0x85: {  	_ =	shalt  }
0x86: {  	_ =	shalt  }
0x87: {  	_ =	shalt  }
.Lfunc_end0:
.L_simem_size_0:
called_computation.4_lowered:
.L_overlay_start_0:
0x88: {  	s2 =	sld [smem:$0x3FD9]  }
0x89: {  	s3 =	sld [smem:$0x3FFE];
	_ =	sdelay $0x1  }
0x8a: {  	s1 =	srdreg.scid  }
0x8b: {  	s0 =	sand.u32 $0x1, s1  }
0x8c: {  	s17 =	sshll.u32 s0, $0xA;
	s2 =	sadd.s32 s3, s2  }
0x8d: {  	s2 =	sadd.s32 s2, s17  }
0x8e: {  	[smem:$0x3FB3] =	sst s2  }
0x8f: {  	_ = 	snop  }
0x90: {  	(tm) =	ssettm $0x1  }
0x91: {  	s18 =	sld [smem:$0x3FFB];
	_ =	sdelay $0x3  }
0x92: {  	_ =	strace s18  }
0x93: {  	s2 =	sld [smem:$0x3FFC];
	_ =	sdelay $0x3  }
0x94: {  	_ =	strace s2  }
0x95: {  	s2 =	sld [smem:$0x3FFD];
	_ =	sdelay $0x3  }
0x96: {  	_ =	strace s2  }
0x97: {  	_ =	strace $0x8FFFFFFF  }
0x98: {  	s19 =	sld [smem:$0x3FDB];
	_ =	sdelay $0x1  }
0x99: {  	s20 =	simm.s32 $_scs_section_size  }
0x9a: {  	s4 =	simm.s32 $_size__tile_overlayer_lowered;
	s5 =	simm.s32 $_tile_overlayer_lowered  }
0x9b: {  	s6 =	simm.s32 $0x1BFF;
	s21 =	sshll.u32 s5, $0x1;
	s3 =	sadd.s32 s20, s19  }
0x9c: {  	s22 =	simm.s32 $0x0;
	s4 =	sshll.u32 s4, $0x1;
	s5 =	sadd.s32 s21, s3  }
0x9d: {  	[timem:s22], [sflag:s6] =	dma.local [hbm:s5], s4  }
0x9e: {  	_ =	swait.ge [sflag:s6], s4  }
0x9f: {  	s4 =	ssub.s32 $0x0, s4;
	[sflag:s6] =	ssyncset.done $0x0  }
0xa0: {  	[sflag:s6] =	ssyncadd.s32 s4;
	_ =	sdelay $0x1  }
0xa1: {  	s23 =	simm.s32 $0x1B8B  }
0xa2: {  	_ =	swait.ge [sflag:s23], $0x1  }
0xa3: {  	[sflag:s23] =	ssyncset.done $0x0  }
0xa4: {  	[sflag:s23] =	ssyncadd.s32 $0xFFFFFFFF  }
0xa5: {  	s4 =	sld [smem:$0x0]  }
0xa6: {  	s5 =	sand.u32 $0xFFFFFFFE, s1  }
0xa7: {  	p0 =	sne.s32 s1, s5  }
0xa8: {  	s5 =	sshll.u32 @p0 s5, $0xE  }
0xa9: {  	s5 =	sadd.s32 @p0 $0x11B8D, s5;
	s6 =	sshll.u32 @p0 s4, $0x11  }
0xaa: {  	s5 =	sor.u32 @p0 s6, s5  }
0xab: {  	[sflag:s5] =	ssyncadd.remote.s32 @p0 $0x1;
	_ =	sdelay $0x1  }
0xac: {  	s5 =	simm.s32 @p0 $0x1B8D  }
0xad: {  	_ =	swait.eq @p0 [sflag:s5], $0x1  }
0xae: {  	[sflag:s5] =	ssyncadd.s32 @p0 $0xFFFFFFFF  }
0xaf: {  	s6 =	sshll.u32 @!p0 s1, $0xE  }
0xb0: {  	s6 =	sor.u32 @!p0 $0x4000, s6;
	s5 =	simm.s32 @!p0 $0x1B8D  }
0xb1: {  	s4 =	sshll.u32 @!p0 s4, $0x11;
	s6 =	sadd.s32 @!p0 $0x11B8D, s6;
	_ =	swait.eq @!p0 [sflag:s5], $0x1  }
0xb2: {  	s4 =	sor.u32 @!p0 s4, s6;
	[sflag:s5] =	ssyncadd.s32 @!p0 $0xFFFFFFFF  }
0xb3: {  	s25 =	simm.s32 $0x1B8E;
	s24 =	sld [smem:$0x3FFE];
	[sflag:s4] =	ssyncadd.remote.s32 @!p0 $0x1  }
0xb4: {  	s26 =	simm.s32 $execute0_lowered;
	[smem:$0x3FD2] =	sst s25  }
0xb5: {  	s5 =	sshll.u32 s26, $0x1;
	_ =	strace $0x80000055;
	[dreg:$0x1] =	wrdreg $0xFFFFFFFF  }
0xb6: {  	s28 =	simm.s32 $_size_execute0_lowered;
	s3 =	sadd.s32 s3, s5;
	[dreg:$0x0] =	wrdreg $0x0  }
0xb7: {  	s5 =	sshll.u32 s28, $0x1;
	[dreg:$0x2] =	wrdreg s3  }
0xb8: {  	[dreg:$0x3] =	wrdreg s5  }
0xb9: {  	[dreg:$0x4] =	wrdreg $0xC0  }
0xba: {  	_ =	task [dreg:s22], $0x5FFFF  }
0xbb: {  	[dreg:$0x1] =	wrdreg $0xFFFFFFFF  }
0xbc: {  	[dreg:$0x0] =	wrdreg $0x60  }
0xbd: {  	[dreg:$0x2] =	wrdreg s24  }
0xbe: {  	[dreg:$0x3] =	wrdreg $0xA8000  }
0xbf: {  	[dreg:$0x4] =	wrdreg $0x9  }
0xc0: {  	_ =	task.clear_ibuf [dreg:s22], $0x5FFFF;
	_ =	strace $0x90000055  }
0xc1: {  	s29 =	simm.s32 $0x9;
	_ =	strace $0x80000057  }
0xc2: {  	_ =	swait.ge [sflag:s29], $0x1  }
0xc3: {  	[sflag:s29] =	ssyncadd.s32 $0xFFFFFFFF  }
0xc4: {  	_ =	strace $0x90000057  }
0xc5: {  	_ =	sfence  }
0xc6: {  	s30 =	sld [smem:$0x0];
	_ =	sdelay $0x2  }
0xc7: {  	s31 =	sshll.u32 s1, $0xD;
	s1 =	sshrl.u32 s1, $0x2  }
0xc8: {  	s4 =	sand.u32 $0x4000, s31;
	s1 =	sadd.s32 s1, s30  }
0xc9: {  	s0 =	sor.u32 s4, s0;
	s1 =	sshll.u32 s1, $0x11  }
0xca: {  	s0 =	sor.u32 s1, s0  }
0xcb: {  	s0 =	sadd.s32 $0x8F2B, s0  }
0xcc: {  	[sflag:s0] =	ssyncadd.remote.s32 $0x1  }
0xcd: {  	_ =	sfence.sel $0xFFFF  }
0xce: {  	[dreg:$0x0] =	wrdreg $0xFFFFFFFF;
	(pc) =	sbr.abs _section_cstart, $3  }
0xcf: {  	[dreg:$0x1] =	wrdreg $0xFFFFFFFF  }
0xd0: {  	_ =	task.clear_ibuf [dreg:s22], $0x2FFFF;
	_ =	strace $0x9FFFFFFF  }
0xd1: {  	(tm) =	ssettm $0x7FFFFFFF  }
tec
execute0_lowered:
.L_overlay_start_1:
0x0: {  	(tag) =	ssettag $0x1  }
0x1: {  	s1 =	srdreg.scid;
	s6 =	rddreg [dreg:$0x0]  }
0x2: {  	s0 =	stileid.u32;
	s2 =	rddreg [dreg:$0x1]  }
0x3: {  	s3 =	simm.s32 $0x0;
	s14 =	simm.s32 $0x7D;
	s15 =	simm.s32 $0x2800  }
0x4: {  	s16 =	simm.s32 $0x80;
	s17 =	simm.s32 $0x6800;
	s18 =	simm.s32 $0x1  }
0x5: {  	s19 =	simm.s32 $0x2;
	s20 =	simm.s32 $0x2700;
	s21 =	simm.s32 $0x2780  }
0x6: {  	s22 =	simm.s32 $0x0;
	s5 =	sand.u32 $0x1, s1;
	s29 =	sshll.u32 s0, $0x1  }
0x7: {  	s8 =	smul.u32 $0x13C00, s0;
	[smem:$0x7FF] =	sst s3;
	s4 =	sadd.s32 $0x5FE00, s6  }
0x8: {  	s11 =	smul.u32 $0x4F000, s0;
	s12 =	sshll.u32 s0, $0x6;
	s1 =	sor.u32 s5, s29  }
0x9: {  	s9 =	smul.u32 $0x13C000, s5;
	s5 =	ssub.s32 $0x2, s5;
	s12 =	sor.u32 $0x1C03, s12  }
0xa: {  	s7 =	smul.u32 $0x280, s1;
	s1 =	rddreg [dreg:$0x2];
	_ =	strace $0x80000056  }
0xb: {  	s10 =	sshrl.u32 s8, $0x3;
	s30 =	sshrl.u32 s5, $0x1;
	s31 =	sshrl.u32 s11, $0x2  }
0xc: {  	s11 =	simm.s32 $0x1400;
	s8 =	sadd.s32 s8, s9;
	s10 =	sadd.s32 s10, s6  }
0xd: {  	s9 =	ssub.s32 s5, s30;
	s13 =	sadd.s32 s31, s2;
	s7 =	sadd.s32 s7, s6  }
0xe: {  	s8 =	sshrl.u32 s8, $0x3;
	s9 =	smax.u32 s9, $0x1;
	s13 =	sshrl.u32 s13, $0x3  }
0xf: {  	s8 =	sadd.s32 s8, s6;
	s5 =	sadd.s32 $0x87C00, s7;
	s6 =	sadd.s32 $0x17E000, s7  }
0x10: {  	s7 =	sadd.s32 $0x11400, s10;
	s10 =	simm.s32 $0x3;
	s8 =	sadd.s32 $0x1AA200, s8  }
.LBB2_1:
0x11: {  	[tilespmem:s3], [sflag:$0x3] =	stream.linear.gather [hbm4b:s5+s3], $0x1400, $0x38;
	[tilespmem:$0x1E400] =	vst v63  }
0x12: {  	_ =	swait.ge [sflag:s10], $0x1400  }
0x13: {  	[sflag:s10] =	ssyncset.done $0x0  }
0x14: {  	[sflag:s10] =	ssyncadd.s32 $0xFFFFEC00  }
0x15: {  	[tilespmem:s11], [sflag:$0x3] =	stream.linear.gather [hbm4b:s6+s3], $0x1400, $0x38;
	[tilespmem:$0x1E400] =	vst v63  }
0x16: {  	_ =	swait.ge [sflag:s10], $0x1400  }
0x17: {  	[sflag:s10] =	ssyncset.done $0x0  }
0x18: {  	[sflag:s10] =	ssyncadd.s32 $0xFFFFEC00  }
0x19: {  	[spmem:s13], [sflag:s12] =	dma.local [hbm:s7], $0x2780  }
0x1a: {  	_ =	swait.ge [sflag:s10], $0x2780  }
0x1b: {  	[sflag:s10] =	ssyncset.done $0x0  }
0x1c: {  	[sflag:s10] =	ssyncadd.s32 $0xFFFFD880  }
0x1d: {  	[bflag:$0x0] =	sbarrier.arrive $0xFFFF  }
0x1e: {  	[tilespmem:s15], [sflag:$0x1] =	stream.indirect.gather [hbm4b:s4+s14], $0x80, s3, s14, $0xb8;
	[tilespmem:$0x1E400] =	vst v63  }
0x1f: {  	_ = 	snop  }
0x20: {  	[tilespmem:s17], [sflag:$0x2] =	stream.indirect.gather [hbm4b:s4+s14], $0x80, s16, s14, $0xb8;
	[tilespmem:$0x1E400] =	vst v63  }
0x21: {  	_ =	swait.ge [sflag:s18], $0x3E80  }
0x22: {  	[sflag:s18] =	ssyncset.done $0x0  }
0x23: {  	s23 =	simm.s32 $0x1400;
	[sflag:s18] =	ssyncadd.s32 $0xFFFFC180  }
0x24: {  	[spmem:s2] =	stream.indirect.scatter.add.f32 [tilespmem:s15], [sflag:$0x3], $0x80, s23, s14, $0xb8;
	[tilespmem:$0x1E400] =	vst v63  }
0x25: {  	_ =	swait.ge [sflag:s10], $0x3E80  }
0x26: {  	[sflag:s10] =	ssyncset.done $0x0  }
0x27: {  	s30 =	simm.s32 $0x100;
	[sflag:s10] =	ssyncadd.s32 $0xFFFFC180  }
0x28: {  	[tilespmem:s15], [sflag:$0x1] =	stream.indirect.gather [hbm4b:s4+s14], $0x80, s30, s14, $0xb8;
	[tilespmem:$0x1E400] =	vst v63  }
0x29: {  	_ =	swait.ge [sflag:s19], $0x3E80  }
0x2a: {  	[sflag:s19] =	ssyncset.done $0x0  }
0x2b: {  	s31 =	simm.s32 $0x1480;
	[sflag:s19] =	ssyncadd.s32 $0xFFFFC180  }
0x2c: {  	[spmem:s2] =	stream.indirect.scatter.add.f32 [tilespmem:s17], [sflag:$0x3], $0x80, s31, s14, $0xb8;
	[tilespmem:$0x1E400] =	vst v63  }
0x2d: {  	_ =	swait.ge [sflag:s10], $0x3E80  }
0x2e: {  	[sflag:s10] =	ssyncset.done $0x0  }
0x2f: {  	s24 =	simm.s32 $0x180;
	s23 =	simm.s32 $0x400;
	[sflag:s10] =	ssyncadd.s32 $0xFFFFC180  }
.LBB2_2:
0x30: {  	[tilespmem:s17], [sflag:$0x2] =	stream.indirect.gather [hbm4b:s4+s14], $0x80, s24, s14, $0xb8;
	[tilespmem:$0x1E400] =	vst v63  }
0x31: {  	s24 =	smov.u32 s23  }
0x32: {  	p0 =	sne.s32 s23, $0x4800;
	s23 =	sadd.s32 $0x400, s23;
	_ =	swait.ge [sflag:s18], $0x3E80  }
0x33: {  	s24 =	sshra.s32 s24, $0x2;
	[sflag:s18] =	ssyncset.done $0x0  }
0x34: {  	s25 =	sadd.s32 $0x1400, s24;
	[sflag:s18] =	ssyncadd.s32 $0xFFFFC180  }
0x35: {  	[spmem:s2] =	stream.indirect.scatter.add.f32 [tilespmem:s15], [sflag:$0x3], $0x80, s25, s14, $0xb8;
	[tilespmem:$0x1E400] =	vst v63  }
0x36: {  	_ =	swait.ge [sflag:s10], $0x3E80  }
0x37: {  	[sflag:s10] =	ssyncset.done $0x0  }
0x38: {  	s25 =	sadd.s32 $0x100, s24;
	[sflag:s10] =	ssyncadd.s32 $0xFFFFC180  }
0x39: {  	[tilespmem:s15], [sflag:$0x1] =	stream.indirect.gather [hbm4b:s4+s14], $0x80, s25, s14, $0xb8;
	[tilespmem:$0x1E400] =	vst v63  }
0x3a: {  	_ =	swait.ge [sflag:s19], $0x3E80  }
0x3b: {  	[sflag:s19] =	ssyncset.done $0x0  }
.Ltmp0:
0x3c: {  	s25 =	sadd.s32 $0x1480, s24;
	[sflag:s19] =	ssyncadd.s32 $0xFFFFC180;
	(pc) =	sbr.rel @p0 .LBB2_2-.Ltmp0, $4  }
0x3d: {  	[spmem:s2] =	stream.indirect.scatter.add.f32 [tilespmem:s17], [sflag:$0x3], $0x80, s25, s14, $0xb8;
	[tilespmem:$0x1E400] =	vst v63  }
0x3e: {  	_ =	swait.ge [sflag:s10], $0x3E80  }
0x3f: {  	[sflag:s10] =	ssyncset.done $0x0  }
0x40: {  	s24 =	sadd.s32 $0x180, s24;
	[sflag:s10] =	ssyncadd.s32 $0xFFFFC180  }
0x41: {  	[tilespmem:s17], [sflag:$0x2] =	stream.indirect.gather [hbm4b:s4+s14], $0x80, s24, s14, $0xb8;
	[tilespmem:$0x1E400] =	vst v63  }
0x42: {  	_ =	swait.ge [sflag:s18], $0x3E80  }
0x43: {  	[sflag:s18] =	ssyncset.done $0x0  }
0x44: {  	[sflag:s18] =	ssyncadd.s32 $0xFFFFC180  }
0x45: {  	[spmem:s2] =	stream.indirect.scatter.add.f32 [tilespmem:s15], [sflag:$0x3], $0x80, s20, s14, $0xb8;
	[tilespmem:$0x1E400] =	vst v63  }
0x46: {  	_ =	swait.ge [sflag:s10], $0x3E80  }
0x47: {  	[sflag:s10] =	ssyncset.done $0x0  }
0x48: {  	[sflag:s10] =	ssyncadd.s32 $0xFFFFC180  }
0x49: {  	_ =	swait.ge [sflag:s19], $0x3E80  }
0x4a: {  	[sflag:s19] =	ssyncset.done $0x0  }
0x4b: {  	[sflag:s19] =	ssyncadd.s32 $0xFFFFC180  }
0x4c: {  	[spmem:s2] =	stream.indirect.scatter.add.f32 [tilespmem:s17], [sflag:$0x3], $0x80, s21, s14, $0xb8;
	[tilespmem:$0x1E400] =	vst v63  }
0x4d: {  	_ =	swait.ge [sflag:s10], $0x3E80  }
0x4e: {  	s22 =	sadd.s32 $0x1, s22;
	[sflag:s10] =	ssyncset.done $0x0  }
0x4f: {  	p0 =	sne.s32 s22, s9;
	[sflag:s10] =	ssyncadd.s32 $0xFFFFC180  }
.Ltmp1:
0x50: {  	[bflag:$0x0] =	sbarrier.arrive $0xFFFF;
	(pc) =	sbr.rel @p0 .LBB2_1-.Ltmp1, $4  }
0x51: {  	[hbm:s8], [sflag:s12] =	dma.local [spmem:s13], $0x2780  }
0x52: {  	_ =	swait.ge [sflag:s10], $0x2780  }
0x53: {  	[sflag:s10] =	ssyncset.done $0x0  }
0x54: {  	[sflag:s10] =	ssyncadd.s32 $0xFFFFD880  }
0x55: {  	_ =	sfence.sel $0x180000  }
0x56: {  	[bflag:$0x0] =	sbarrier.arrive $0xFFFF  }
0x57: {  	p0 =	sne.s32 s0, $0x0;
	_ =	strace $0x90000056  }
0x58: {  	s0 =	sadd.s32 @!p0 $0x100000, s1;
	[bflag:$0x2] =	sbarrier.arrive $0xFFFF  }
0x59: {  	[sflag:s0] =	ssyncadd.tile.s32 @!p0 $0x1;
	_ =	shalt  }
.Lfunc_end2:
_tile_overlayer_lowered:
.L_overlay_start_2:
0x5a: {  	(tag) =	ssettag $0x2  }
0x5b: {  	s0 =	rddreg [dreg:$0x0];
	s2 =	stileid.u32  }
0x5c: {  	s1 =	rddreg [dreg:$0x1];
	p0 =	sne.s32 s2, $0x0  }
0x5d: {  	s3 =	rddreg [dreg:$0x2];
	[bflag:$0x3] =	sbarrier.arrive $0xFFFF;
	s2 =	simm.s32 @!p0 $0x1C03  }
0x5e: {  	[timem:s3], [sflag:s2] =	dma.local @!p0 [hbm:s0], s1  }
0x5f: {  	s0 =	simm.s32 @!p0 $0x3  }
0x60: {  	_ =	swait.ge @!p0 [sflag:s0], s1  }
0x61: {  	s1 =	ssub.s32 @!p0 $0x0, s1;
	[sflag:s0] =	ssyncset.done @!p0 $0x0  }
0x62: {  	[sflag:s0] =	ssyncadd.s32 @!p0 s1  }
0x63: {  	[bflag:$0x3] =	sbarrier.arrive $0xFFFF  }
0x64: {  	_ =	shalt  }

// kernel: kernel.40.cloned.1.call-start
scs
__scs_entry_jumppad:
0x0: {  	(pc) =	sbr.rel $0x88, $3  }
0x1: {  	(tag) =	ssettag $0x0;
	lr =	simm.s32 $0x1  }
0x2: {  	[smem:$0x3F8C] =	sst lr;
	_ =	strace $0xD0000000  }
0x3: {  	_ = 	snop  }
0x4: {  	_ = 	snop  }
0x5: {  	_ = 	snop  }
0x6: {  	_ = 	snop  }
0x7: {  	_ = 	snop  }
__scs_overlays_trampoline_lowered:
0x8: {  	[smem:$0x3F9B] =	sst s0  }
0x9: {  	[smem:$0x3F9C] =	sst s1  }
0xa: {  	[smem:$0x3F9D] =	sst s2  }
0xb: {  	[smem:$0x3F9E] =	sst s3  }
0xc: {  	[smem:$0x3F9F] =	sst s4  }
0xd: {  	[smem:$0x3FA0] =	sst s5  }
0xe: {  	[smem:$0x3FA1] =	sst s6  }
0xf: {  	[smem:$0x3FA2] =	sst s7  }
0x10: {  	[smem:$0x3FA3] =	sst s8  }
0x11: {  	[smem:$0x3FA4] =	sst s9;
	s0 =	simm.s32 @!p0 $0x0  }
0x12: {  	s1 =	sld [smem:$0x3F8A];
	s0 =	simm.s32 @p0 $0x1  }
0x13: {  	[smem:$0x3FA5] =	sst s0;
	s0 =	simm.s32 @!p1 $0x0  }
0x14: {  	s2 =	sld [smem:$0x3F89];
	s0 =	simm.s32 @p1 $0x1  }
0x15: {  	[smem:$0x3FA6] =	sst s0;
	s0 =	simm.s32 @!p2 $0x0  }
0x16: {  	s3 =	sld [smem:$0x3FDB];
	s0 =	simm.s32 @p2 $0x1  }
0x17: {  	s4 =	simm.s32 $0x1BF5;
	[smem:$0x3FA8] =	sst s0  }
0x18: {  	s0 =	sld [smem:$0x3F8B];
	_ =	swait.ge [sflag:s4], $0x0  }
0x19: {  	s7 =	sld [smem:$0x3F8C]  }
0x1a: {  	s8 =	sadd.s32 $0xFFFFE003, lr  }
0x1b: {  	s9 =	sadd.s32 $0xFFFFFEF7, lr;
	s5 =	simm.s32 $0xFFFFFFFF;
	p2 =	slt.u32 s8, $0xFFFFF086  }
0x1c: {  	p1 =	slt.u32 s9, $0xF7A;
	s5 =	simm.s32 @!p2 $0x0  }
0x1d: {  	s5 =	simm.s32 @p1 $0x1;
	p0 =	seq.s32 s7, s2  }
0x1e: {  	s7 =	smul.u32 @!p0 $0xF7A, s2;
	p2 =	seq.s32 @!p0 s5, $0x0  }
0x1f: {  	s9 =	smul.u32 $0xF7A, s1;
	s8 =	simm.s32 @!p0 $0x1BF5;
	p2 =	por !p2, p0  }
0x20: {  	[sflag:s8] =	ssyncset.s32 @!p0 $0xFFFFF086;
	s6 =	sadd.s32 @!p0 s3, s7;
	s7 =	simm.s32 @!p0 $0x108  }
0x21: {  	s3 =	sadd.s32 s3, s9;
	s6 =	sadd.s32 @!p0 $0x88, s6;
	s7 =	simm.s32 @p2 $0x1082  }
0x22: {  	[simem:s7], [sflag:s8] =	dma.local @!p0 [hbm:s6], $0xF7A  }
0x23: {  	s9 =	sor.u32 $0xD0000000, s2;
	s6 =	simm.s32 $0x108;
	_ =	swait.ge @!p0 [sflag:s8], $0x0  }
0x24: {  	s3 =	sadd.s32 $0x88, s3;
	s6 =	simm.s32 @!p1 $0x1082;
	[sflag:s4] =	ssyncset.s32 $0xFFFFF086  }
0x25: {  	[simem:s6], [sflag:s4] =	dma.local [hbm:s3], $0xF7A  }
0x26: {  	[smem:$0x3F8C] =	sst s1;
	(tag) =	ssettag s2;
	_ =	strace s9  }
0x27: {  	s1 =	sld [smem:$0x3F9C]  }
0x28: {  	s2 =	sld [smem:$0x3F9D]  }
0x29: {  	s4 =	sld [smem:$0x3F9F]  }
0x2a: {  	p0 =	seq.s32 s5, $0x0;
	s5 =	sld [smem:$0x3FA0]  }
0x2b: {  	s6 =	sld [smem:$0x3FA1]  }
0x2c: {  	s7 =	sld [smem:$0x3FA2]  }
0x2d: {  	s3 =	simm.s32 $0x108;
	s8 =	sld [smem:$0x3FA3]  }
0x2e: {  	s3 =	simm.s32 @!p0 $0x1082;
	s9 =	sld [smem:$0x3FA4]  }
0x2f: {  	lr =	sadd.s32 s0, s3;
	s0 =	sld [smem:$0x3F9B]  }
0x30: {  	s3 =	sld [smem:$0x3F9E]  }
0x31: {  	[smem:$0x3FA7] =	sst s10  }
0x32: {  	s10 =	sld [smem:$0x3FA5];
	_ =	sdelay $0x3  }
0x33: {  	p0 =	seq.s32 s10, $0x1;
	s10 =	sld [smem:$0x3FA7];
	_ =	sdelay $0x3  }
0x34: {  	[smem:$0x3FA7] =	sst s10  }
0x35: {  	s10 =	sld [smem:$0x3FA6];
	_ =	sdelay $0x3  }
0x36: {  	p1 =	seq.s32 s10, $0x1;
	s10 =	sld [smem:$0x3FA7];
	_ =	sdelay $0x3  }
0x37: {  	[smem:$0x3FA7] =	sst s10  }
0x38: {  	s10 =	sld [smem:$0x3FA8]  }
0x39: {  	_ = 	snop;
	(pc) =	sbr.ind lr, $3  }
0x3a: {  	_ = 	snop  }
0x3b: {  	_ = 	snop  }
0x3c: {  	p2 =	seq.s32 s10, $0x1;
	s10 =	sld [smem:$0x3FA7]  }
0x3d: {  	_ =	shalt  }
0x3e: {  	_ =	shalt  }
0x3f: {  	_ =	shalt  }
0x40: {  	_ =	shalt  }
0x41: {  	_ =	shalt  }
0x42: {  	_ =	shalt  }
0x43: {  	_ =	shalt  }
0x44: {  	_ =	shalt  }
0x45: {  	_ =	shalt  }
0x46: {  	_ =	shalt  }
0x47: {  	_ =	shalt  }
0x48: {  	_ =	shalt  }
0x49: {  	_ =	shalt  }
0x4a: {  	_ =	shalt  }
0x4b: {  	_ =	shalt  }
0x4c: {  	_ =	shalt  }
0x4d: {  	_ =	shalt  }
0x4e: {  	_ =	shalt  }
0x4f: {  	_ =	shalt  }
0x50: {  	_ =	shalt  }
0x51: {  	_ =	shalt  }
0x52: {  	_ =	shalt  }
0x53: {  	_ =	shalt  }
0x54: {  	_ =	shalt  }
0x55: {  	_ =	shalt  }
0x56: {  	_ =	shalt  }
0x57: {  	_ =	shalt  }
0x58: {  	_ =	shalt  }
0x59: {  	_ =	shalt  }
0x5a: {  	_ =	shalt  }
0x5b: {  	_ =	shalt  }
0x5c: {  	_ =	shalt  }
0x5d: {  	_ =	shalt  }
0x5e: {  	_ =	shalt  }
0x5f: {  	_ =	shalt  }
0x60: {  	_ =	shalt  }
0x61: {  	_ =	shalt  }
0x62: {  	_ =	shalt  }
0x63: {  	_ =	shalt  }
0x64: {  	_ =	shalt  }
0x65: {  	_ =	shalt  }
0x66: {  	_ =	shalt  }
0x67: {  	_ =	shalt  }
0x68: {  	_ =	shalt  }
0x69: {  	_ =	shalt  }
0x6a: {  	_ =	shalt  }
0x6b: {  	_ =	shalt  }
0x6c: {  	_ =	shalt  }
0x6d: {  	_ =	shalt  }
0x6e: {  	_ =	shalt  }
0x6f: {  	_ =	shalt  }
0x70: {  	_ =	shalt  }
0x71: {  	_ =	shalt  }
0x72: {  	_ =	shalt  }
0x73: {  	_ =	shalt  }
0x74: {  	_ =	shalt  }
0x75: {  	_ =	shalt  }
0x76: {  	_ =	shalt  }
0x77: {  	_ =	shalt  }
0x78: {  	_ =	shalt  }
0x79: {  	_ =	shalt  }
0x7a: {  	_ =	shalt  }
0x7b: {  	_ =	shalt  }
0x7c: {  	_ =	shalt  }
0x7d: {  	_ =	shalt  }
0x7e: {  	_ =	shalt  }
0x7f: {  	_ =	shalt  }
0x80: {  	_ =	shalt  }
0x81: {  	_ =	shalt  }
0x82: {  	_ =	shalt  }
0x83: {  	_ =	shalt  }
0x84: {  	_ =	shalt  }
0x85: {  	_ =	shalt  }
0x86: {  	_ =	shalt  }
0x87: {  	_ =	shalt  }
.Lfunc_end0:
.L_simem_size_0:
called_computation.5_lowered:
.L_overlay_start_0:
0x88: {  	s2 =	sld [smem:$0x3FD9]  }
0x89: {  	s3 =	sld [smem:$0x3FFE];
	_ =	sdelay $0x1  }
0x8a: {  	s1 =	srdreg.scid  }
0x8b: {  	s0 =	sand.u32 $0x1, s1  }
0x8c: {  	s17 =	sshll.u32 s0, $0xA;
	s2 =	sadd.s32 s3, s2  }
0x8d: {  	s2 =	sadd.s32 s2, s17  }
0x8e: {  	[smem:$0x3FB3] =	sst s2  }
0x8f: {  	_ = 	snop  }
0x90: {  	(tm) =	ssettm $0x1  }
0x91: {  	s18 =	sld [smem:$0x3FFB];
	_ =	sdelay $0x3  }
0x92: {  	_ =	strace s18  }
0x93: {  	s2 =	sld [smem:$0x3FFC];
	_ =	sdelay $0x3  }
0x94: {  	_ =	strace s2  }
0x95: {  	s2 =	sld [smem:$0x3FFD];
	_ =	sdelay $0x3  }
0x96: {  	_ =	strace s2  }
0x97: {  	_ =	strace $0x8FFFFFFF  }
0x98: {  	s19 =	sld [smem:$0x3FDB];
	_ =	sdelay $0x1  }
0x99: {  	s20 =	simm.s32 $_scs_section_size  }
0x9a: {  	s4 =	simm.s32 $_size__tile_overlayer_lowered;
	s5 =	simm.s32 $_tile_overlayer_lowered  }
0x9b: {  	s6 =	simm.s32 $0x1BFF;
	s21 =	sshll.u32 s5, $0x1;
	s3 =	sadd.s32 s20, s19  }
0x9c: {  	s22 =	simm.s32 $0x0;
	s4 =	sshll.u32 s4, $0x1;
	s5 =	sadd.s32 s21, s3  }
0x9d: {  	[timem:s22], [sflag:s6] =	dma.local [hbm:s5], s4  }
0x9e: {  	_ =	swait.ge [sflag:s6], s4  }
0x9f: {  	s4 =	ssub.s32 $0x0, s4;
	[sflag:s6] =	ssyncset.done $0x0  }
0xa0: {  	[sflag:s6] =	ssyncadd.s32 s4;
	_ =	sdelay $0x1  }
0xa1: {  	s23 =	simm.s32 $0x1B8B  }
0xa2: {  	_ =	swait.ge [sflag:s23], $0x1  }
0xa3: {  	[sflag:s23] =	ssyncset.done $0x0  }
0xa4: {  	[sflag:s23] =	ssyncadd.s32 $0xFFFFFFFF  }
0xa5: {  	s4 =	sld [smem:$0x0]  }
0xa6: {  	s5 =	sand.u32 $0xFFFFFFFE, s1  }
0xa7: {  	p0 =	sne.s32 s1, s5  }
0xa8: {  	s5 =	sshll.u32 @p0 s5, $0xE  }
0xa9: {  	s5 =	sadd.s32 @p0 $0x11B8D, s5;
	s6 =	sshll.u32 @p0 s4, $0x11  }
0xaa: {  	s5 =	sor.u32 @p0 s6, s5  }
0xab: {  	[sflag:s5] =	ssyncadd.remote.s32 @p0 $0x1;
	_ =	sdelay $0x1  }
0xac: {  	s5 =	simm.s32 @p0 $0x1B8D  }
0xad: {  	_ =	swait.eq @p0 [sflag:s5], $0x1  }
0xae: {  	[sflag:s5] =	ssyncadd.s32 @p0 $0xFFFFFFFF  }
0xaf: {  	s6 =	sshll.u32 @!p0 s1, $0xE  }
0xb0: {  	s6 =	sor.u32 @!p0 $0x4000, s6;
	s5 =	simm.s32 @!p0 $0x1B8D  }
0xb1: {  	s4 =	sshll.u32 @!p0 s4, $0x11;
	s6 =	sadd.s32 @!p0 $0x11B8D, s6;
	_ =	swait.eq @!p0 [sflag:s5], $0x1  }
0xb2: {  	s4 =	sor.u32 @!p0 s4, s6;
	[sflag:s5] =	ssyncadd.s32 @!p0 $0xFFFFFFFF  }
0xb3: {  	s25 =	simm.s32 $0x1B8E;
	s24 =	sld [smem:$0x3FFE];
	[sflag:s4] =	ssyncadd.remote.s32 @!p0 $0x1  }
0xb4: {  	s26 =	simm.s32 $execute0_lowered;
	[smem:$0x3FD2] =	sst s25  }
0xb5: {  	s5 =	sshll.u32 s26, $0x1;
	_ =	strace $0x80000052;
	[dreg:$0x1] =	wrdreg $0xFFFFFFFF  }
0xb6: {  	s28 =	simm.s32 $_size_execute0_lowered;
	s3 =	sadd.s32 s3, s5;
	[dreg:$0x0] =	wrdreg $0x0  }
0xb7: {  	s5 =	sshll.u32 s28, $0x1;
	[dreg:$0x2] =	wrdreg s3  }
0xb8: {  	[dreg:$0x3] =	wrdreg s5  }
0xb9: {  	[dreg:$0x4] =	wrdreg $0xC0  }
0xba: {  	_ =	task [dreg:s22], $0x5FFFF  }
0xbb: {  	[dreg:$0x1] =	wrdreg $0xFFFFFFFF  }
0xbc: {  	[dreg:$0x0] =	wrdreg $0x60  }
0xbd: {  	[dreg:$0x2] =	wrdreg s24  }
0xbe: {  	[dreg:$0x3] =	wrdreg $0xA8000  }
0xbf: {  	[dreg:$0x4] =	wrdreg $0xA  }
0xc0: {  	_ =	task.clear_ibuf [dreg:s22], $0x5FFFF;
	_ =	strace $0x90000052  }
0xc1: {  	s29 =	simm.s32 $0xA;
	_ =	strace $0x80000054  }
0xc2: {  	_ =	swait.ge [sflag:s29], $0x1  }
0xc3: {  	[sflag:s29] =	ssyncadd.s32 $0xFFFFFFFF  }
0xc4: {  	_ =	strace $0x90000054  }
0xc5: {  	_ =	sfence  }
0xc6: {  	s30 =	sld [smem:$0x0];
	_ =	sdelay $0x2  }
0xc7: {  	s31 =	sshll.u32 s1, $0xD;
	s1 =	sshrl.u32 s1, $0x2  }
0xc8: {  	s4 =	sand.u32 $0x4000, s31;
	s1 =	sadd.s32 s1, s30  }
0xc9: {  	s0 =	sor.u32 s4, s0;
	s1 =	sshll.u32 s1, $0x11  }
0xca: {  	s0 =	sor.u32 s1, s0  }
0xcb: {  	s0 =	sadd.s32 $0x8F2B, s0  }
0xcc: {  	[sflag:s0] =	ssyncadd.remote.s32 $0x1  }
0xcd: {  	_ =	sfence.sel $0xFFFF  }
0xce: {  	[dreg:$0x0] =	wrdreg $0xFFFFFFFF;
	(pc) =	sbr.abs _section_cstart, $3  }
0xcf: {  	[dreg:$0x1] =	wrdreg $0xFFFFFFFF  }
0xd0: {  	_ =	task.clear_ibuf [dreg:s22], $0x2FFFF;
	_ =	strace $0x9FFFFFFF  }
0xd1: {  	(tm) =	ssettm $0x7FFFFFFF  }
tec
execute0_lowered:
.L_overlay_start_1:
0x0: {  	(tag) =	ssettag $0x1  }
0x1: {  	s1 =	srdreg.scid;
	s6 =	rddreg [dreg:$0x0]  }
0x2: {  	s0 =	stileid.u32;
	s2 =	rddreg [dreg:$0x1]  }
0x3: {  	s3 =	simm.s32 $0x0;
	s14 =	simm.s32 $0x7D;
	s15 =	simm.s32 $0x2800  }
0x4: {  	s16 =	simm.s32 $0x80;
	s17 =	simm.s32 $0x6800;
	s18 =	simm.s32 $0x1  }
0x5: {  	s19 =	simm.s32 $0x2;
	s20 =	simm.s32 $0x2700;
	s21 =	simm.s32 $0x2780  }
0x6: {  	s22 =	simm.s32 $0x0;
	s5 =	sand.u32 $0x1, s1;
	s29 =	sshll.u32 s0, $0x1  }
0x7: {  	s8 =	smul.u32 $0x13C00, s0;
	[smem:$0x7FF] =	sst s3;
	s4 =	sadd.s32 $0xE0C00, s6  }
0x8: {  	s11 =	smul.u32 $0x4F000, s0;
	s12 =	sshll.u32 s0, $0x6;
	s1 =	sor.u32 s5, s29  }
0x9: {  	s9 =	smul.u32 $0x13C000, s5;
	s5 =	ssub.s32 $0x2, s5;
	s12 =	sor.u32 $0x1C03, s12  }
0xa: {  	s7 =	smul.u32 $0x280, s1;
	s1 =	rddreg [dreg:$0x2];
	_ =	strace $0x80000053  }
0xb: {  	s10 =	sshrl.u32 s8, $0x3;
	s30 =	sshrl.u32 s5, $0x1;
	s31 =	sshrl.u32 s11, $0x2  }
0xc: {  	s11 =	simm.s32 $0x1400;
	s8 =	sadd.s32 s8, s9;
	s10 =	sadd.s32 s10, s6  }
0xd: {  	s9 =	ssub.s32 s5, s30;
	s13 =	sadd.s32 s31, s2;
	s7 =	sadd.s32 s7, s6  }
0xe: {  	s8 =	sshrl.u32 s8, $0x3;
	s9 =	smax.u32 s9, $0x1;
	s13 =	sshrl.u32 s13, $0x3  }
0xf: {  	s8 =	sadd.s32 s8, s6;
	s5 =	sadd.s32 $0xC400, s7;
	s6 =	sadd.s32 $0xDBC00, s7  }
0x10: {  	s7 =	sadd.s32 $0x11400, s10;
	s10 =	simm.s32 $0x3;
	s8 =	sadd.s32 $0x12F000, s8  }
.LBB2_1:
0x11: {  	[tilespmem:s3], [sflag:$0x3] =	stream.linear.gather [hbm4b:s5+s3], $0x1400, $0x38;
	[tilespmem:$0x1E400] =	vst v63  }
0x12: {  	_ =	swait.ge [sflag:s10], $0x1400  }
0x13: {  	[sflag:s10] =	ssyncset.done $0x0  }
0x14: {  	[sflag:s10] =	ssyncadd.s32 $0xFFFFEC00  }
0x15: {  	[tilespmem:s11], [sflag:$0x3] =	stream.linear.gather [hbm4b:s6+s3], $0x1400, $0x38;
	[tilespmem:$0x1E400] =	vst v63  }
0x16: {  	_ =	swait.ge [sflag:s10], $0x1400  }
0x17: {  	[sflag:s10] =	ssyncset.done $0x0  }
0x18: {  	[sflag:s10] =	ssyncadd.s32 $0xFFFFEC00  }
0x19: {  	[spmem:s13], [sflag:s12] =	dma.local [hbm:s7], $0x2780  }
0x1a: {  	_ =	swait.ge [sflag:s10], $0x2780  }
0x1b: {  	[sflag:s10] =	ssyncset.done $0x0  }
0x1c: {  	[sflag:s10] =	ssyncadd.s32 $0xFFFFD880  }
0x1d: {  	[bflag:$0x0] =	sbarrier.arrive $0xFFFF  }
0x1e: {  	[tilespmem:s15], [sflag:$0x1] =	stream.indirect.gather [hbm4b:s4+s14], $0x80, s3, s14, $0xb8;
	[tilespmem:$0x1E400] =	vst v63  }
0x1f: {  	_ = 	snop  }
0x20: {  	[tilespmem:s17], [sflag:$0x2] =	stream.indirect.gather [hbm4b:s4+s14], $0x80, s16, s14, $0xb8;
	[tilespmem:$0x1E400] =	vst v63  }
0x21: {  	_ =	swait.ge [sflag:s18], $0x3E80  }
0x22: {  	[sflag:s18] =	ssyncset.done $0x0  }
0x23: {  	s23 =	simm.s32 $0x1400;
	[sflag:s18] =	ssyncadd.s32 $0xFFFFC180  }
0x24: {  	[spmem:s2] =	stream.indirect.scatter.add.f32 [tilespmem:s15], [sflag:$0x3], $0x80, s23, s14, $0xb8;
	[tilespmem:$0x1E400] =	vst v63  }
0x25: {  	_ =	swait.ge [sflag:s10], $0x3E80  }
0x26: {  	[sflag:s10] =	ssyncset.done $0x0  }
0x27: {  	s30 =	simm.s32 $0x100;
	[sflag:s10] =	ssyncadd.s32 $0xFFFFC180  }
0x28: {  	[tilespmem:s15], [sflag:$0x1] =	stream.indirect.gather [hbm4b:s4+s14], $0x80, s30, s14, $0xb8;
	[tilespmem:$0x1E400] =	vst v63  }
0x29: {  	_ =	swait.ge [sflag:s19], $0x3E80  }
0x2a: {  	[sflag:s19] =	ssyncset.done $0x0  }
0x2b: {  	s31 =	simm.s32 $0x1480;
	[sflag:s19] =	ssyncadd.s32 $0xFFFFC180  }
0x2c: {  	[spmem:s2] =	stream.indirect.scatter.add.f32 [tilespmem:s17], [sflag:$0x3], $0x80, s31, s14, $0xb8;
	[tilespmem:$0x1E400] =	vst v63  }
0x2d: {  	_ =	swait.ge [sflag:s10], $0x3E80  }
0x2e: {  	[sflag:s10] =	ssyncset.done $0x0  }
0x2f: {  	s24 =	simm.s32 $0x180;
	s23 =	simm.s32 $0x400;
	[sflag:s10] =	ssyncadd.s32 $0xFFFFC180  }
.LBB2_2:
0x30: {  	[tilespmem:s17], [sflag:$0x2] =	stream.indirect.gather [hbm4b:s4+s14], $0x80, s24, s14, $0xb8;
	[tilespmem:$0x1E400] =	vst v63  }
0x31: {  	s24 =	smov.u32 s23  }
0x32: {  	p0 =	sne.s32 s23, $0x4800;
	s23 =	sadd.s32 $0x400, s23;
	_ =	swait.ge [sflag:s18], $0x3E80  }
0x33: {  	s24 =	sshra.s32 s24, $0x2;
	[sflag:s18] =	ssyncset.done $0x0  }
0x34: {  	s25 =	sadd.s32 $0x1400, s24;
	[sflag:s18] =	ssyncadd.s32 $0xFFFFC180  }
0x35: {  	[spmem:s2] =	stream.indirect.scatter.add.f32 [tilespmem:s15], [sflag:$0x3], $0x80, s25, s14, $0xb8;
	[tilespmem:$0x1E400] =	vst v63  }
0x36: {  	_ =	swait.ge [sflag:s10], $0x3E80  }
0x37: {  	[sflag:s10] =	ssyncset.done $0x0  }
0x38: {  	s25 =	sadd.s32 $0x100, s24;
	[sflag:s10] =	ssyncadd.s32 $0xFFFFC180  }
0x39: {  	[tilespmem:s15], [sflag:$0x1] =	stream.indirect.gather [hbm4b:s4+s14], $0x80, s25, s14, $0xb8;
	[tilespmem:$0x1E400] =	vst v63  }
0x3a: {  	_ =	swait.ge [sflag:s19], $0x3E80  }
0x3b: {  	[sflag:s19] =	ssyncset.done $0x0  }
.Ltmp0:
0x3c: {  	s25 =	sadd.s32 $0x1480, s24;
	[sflag:s19] =	ssyncadd.s32 $0xFFFFC180;
	(pc) =	sbr.rel @p0 .LBB2_2-.Ltmp0, $4  }
0x3d: {  	[spmem:s2] =	stream.indirect.scatter.add.f32 [tilespmem:s17], [sflag:$0x3], $0x80, s25, s14, $0xb8;
	[tilespmem:$0x1E400] =	vst v63  }
0x3e: {  	_ =	swait.ge [sflag:s10], $0x3E80  }
0x3f: {  	[sflag:s10] =	ssyncset.done $0x0  }
0x40: {  	s24 =	sadd.s32 $0x180, s24;
	[sflag:s10] =	ssyncadd.s32 $0xFFFFC180  }
0x41: {  	[tilespmem:s17], [sflag:$0x2] =	stream.indirect.gather [hbm4b:s4+s14], $0x80, s24, s14, $0xb8;
	[tilespmem:$0x1E400] =	vst v63  }
0x42: {  	_ =	swait.ge [sflag:s18], $0x3E80  }
0x43: {  	[sflag:s18] =	ssyncset.done $0x0  }
0x44: {  	[sflag:s18] =	ssyncadd.s32 $0xFFFFC180  }
0x45: {  	[spmem:s2] =	stream.indirect.scatter.add.f32 [tilespmem:s15], [sflag:$0x3], $0x80, s20, s14, $0xb8;
	[tilespmem:$0x1E400] =	vst v63  }
0x46: {  	_ =	swait.ge [sflag:s10], $0x3E80  }
0x47: {  	[sflag:s10] =	ssyncset.done $0x0  }
0x48: {  	[sflag:s10] =	ssyncadd.s32 $0xFFFFC180  }
0x49: {  	_ =	swait.ge [sflag:s19], $0x3E80  }
0x4a: {  	[sflag:s19] =	ssyncset.done $0x0  }
0x4b: {  	[sflag:s19] =	ssyncadd.s32 $0xFFFFC180  }
0x4c: {  	[spmem:s2] =	stream.indirect.scatter.add.f32 [tilespmem:s17], [sflag:$0x3], $0x80, s21, s14, $0xb8;
	[tilespmem:$0x1E400] =	vst v63  }
0x4d: {  	_ =	swait.ge [sflag:s10], $0x3E80  }
0x4e: {  	s22 =	sadd.s32 $0x1, s22;
	[sflag:s10] =	ssyncset.done $0x0  }
0x4f: {  	p0 =	sne.s32 s22, s9;
	[sflag:s10] =	ssyncadd.s32 $0xFFFFC180  }
.Ltmp1:
0x50: {  	[bflag:$0x0] =	sbarrier.arrive $0xFFFF;
	(pc) =	sbr.rel @p0 .LBB2_1-.Ltmp1, $4  }
0x51: {  	[hbm:s8], [sflag:s12] =	dma.local [spmem:s13], $0x2780  }
0x52: {  	_ =	swait.ge [sflag:s10], $0x2780  }
0x53: {  	[sflag:s10] =	ssyncset.done $0x0  }
0x54: {  	[sflag:s10] =	ssyncadd.s32 $0xFFFFD880  }
0x55: {  	_ =	sfence.sel $0x180000  }
0x56: {  	[bflag:$0x0] =	sbarrier.arrive $0xFFFF  }
0x57: {  	p0 =	sne.s32 s0, $0x0;
	_ =	strace $0x90000053  }
0x58: {  	s0 =	sadd.s32 @!p0 $0x100000, s1;
	[bflag:$0x2] =	sbarrier.arrive $0xFFFF  }
0x59: {  	[sflag:s0] =	ssyncadd.tile.s32 @!p0 $0x1;
	_ =	shalt  }
.Lfunc_end2:
_tile_overlayer_lowered:
.L_overlay_start_2:
0x5a: {  	(tag) =	ssettag $0x2  }
0x5b: {  	s0 =	rddreg [dreg:$0x0];
	s2 =	stileid.u32  }
0x5c: {  	s1 =	rddreg [dreg:$0x1];
	p0 =	sne.s32 s2, $0x0  }
0x5d: {  	s3 =	rddreg [dreg:$0x2];
	[bflag:$0x3] =	sbarrier.arrive $0xFFFF;
	s2 =	simm.s32 @!p0 $0x1C03  }
0x5e: {  	[timem:s3], [sflag:s2] =	dma.local @!p0 [hbm:s0], s1  }
0x5f: {  	s0 =	simm.s32 @!p0 $0x3  }
0x60: {  	_ =	swait.ge @!p0 [sflag:s0], s1  }
0x61: {  	s1 =	ssub.s32 @!p0 $0x0, s1;
	[sflag:s0] =	ssyncset.done @!p0 $0x0  }
0x62: {  	[sflag:s0] =	ssyncadd.s32 @!p0 s1  }
0x63: {  	[bflag:$0x3] =	sbarrier.arrive $0xFFFF  }
0x64: {  	_ =	shalt  }

// kernel: kernel.43.cloned.1.call-start
scs
__scs_entry_jumppad:
0x0: {  	(pc) =	sbr.rel $0x88, $3  }
0x1: {  	(tag) =	ssettag $0x0;
	lr =	simm.s32 $0x1  }
0x2: {  	[smem:$0x3F8C] =	sst lr;
	_ =	strace $0xD0000000  }
0x3: {  	_ = 	snop  }
0x4: {  	_ = 	snop  }
0x5: {  	_ = 	snop  }
0x6: {  	_ = 	snop  }
0x7: {  	_ = 	snop  }
__scs_overlays_trampoline_lowered:
0x8: {  	[smem:$0x3F9B] =	sst s0  }
0x9: {  	[smem:$0x3F9C] =	sst s1  }
0xa: {  	[smem:$0x3F9D] =	sst s2  }
0xb: {  	[smem:$0x3F9E] =	sst s3  }
0xc: {  	[smem:$0x3F9F] =	sst s4  }
0xd: {  	[smem:$0x3FA0] =	sst s5  }
0xe: {  	[smem:$0x3FA1] =	sst s6  }
0xf: {  	[smem:$0x3FA2] =	sst s7  }
0x10: {  	[smem:$0x3FA3] =	sst s8  }
0x11: {  	[smem:$0x3FA4] =	sst s9;
	s0 =	simm.s32 @!p0 $0x0  }
0x12: {  	s1 =	sld [smem:$0x3F8A];
	s0 =	simm.s32 @p0 $0x1  }
0x13: {  	[smem:$0x3FA5] =	sst s0;
	s0 =	simm.s32 @!p1 $0x0  }
0x14: {  	s2 =	sld [smem:$0x3F89];
	s0 =	simm.s32 @p1 $0x1  }
0x15: {  	[smem:$0x3FA6] =	sst s0;
	s0 =	simm.s32 @!p2 $0x0  }
0x16: {  	s3 =	sld [smem:$0x3FDB];
	s0 =	simm.s32 @p2 $0x1  }
0x17: {  	s4 =	simm.s32 $0x1BF5;
	[smem:$0x3FA8] =	sst s0  }
0x18: {  	s0 =	sld [smem:$0x3F8B];
	_ =	swait.ge [sflag:s4], $0x0  }
0x19: {  	s7 =	sld [smem:$0x3F8C]  }
0x1a: {  	s8 =	sadd.s32 $0xFFFFE003, lr  }
0x1b: {  	s9 =	sadd.s32 $0xFFFFFEF7, lr;
	s5 =	simm.s32 $0xFFFFFFFF;
	p2 =	slt.u32 s8, $0xFFFFF086  }
0x1c: {  	p1 =	slt.u32 s9, $0xF7A;
	s5 =	simm.s32 @!p2 $0x0  }
0x1d: {  	s5 =	simm.s32 @p1 $0x1;
	p0 =	seq.s32 s7, s2  }
0x1e: {  	s7 =	smul.u32 @!p0 $0xF7A, s2;
	p2 =	seq.s32 @!p0 s5, $0x0  }
0x1f: {  	s9 =	smul.u32 $0xF7A, s1;
	s8 =	simm.s32 @!p0 $0x1BF5;
	p2 =	por !p2, p0  }
0x20: {  	[sflag:s8] =	ssyncset.s32 @!p0 $0xFFFFF086;
	s6 =	sadd.s32 @!p0 s3, s7;
	s7 =	simm.s32 @!p0 $0x108  }
0x21: {  	s3 =	sadd.s32 s3, s9;
	s6 =	sadd.s32 @!p0 $0x88, s6;
	s7 =	simm.s32 @p2 $0x1082  }
0x22: {  	[simem:s7], [sflag:s8] =	dma.local @!p0 [hbm:s6], $0xF7A  }
0x23: {  	s9 =	sor.u32 $0xD0000000, s2;
	s6 =	simm.s32 $0x108;
	_ =	swait.ge @!p0 [sflag:s8], $0x0  }
0x24: {  	s3 =	sadd.s32 $0x88, s3;
	s6 =	simm.s32 @!p1 $0x1082;
	[sflag:s4] =	ssyncset.s32 $0xFFFFF086  }
0x25: {  	[simem:s6], [sflag:s4] =	dma.local [hbm:s3], $0xF7A  }
0x26: {  	[smem:$0x3F8C] =	sst s1;
	(tag) =	ssettag s2;
	_ =	strace s9  }
0x27: {  	s1 =	sld [smem:$0x3F9C]  }
0x28: {  	s2 =	sld [smem:$0x3F9D]  }
0x29: {  	s4 =	sld [smem:$0x3F9F]  }
0x2a: {  	p0 =	seq.s32 s5, $0x0;
	s5 =	sld [smem:$0x3FA0]  }
0x2b: {  	s6 =	sld [smem:$0x3FA1]  }
0x2c: {  	s7 =	sld [smem:$0x3FA2]  }
0x2d: {  	s3 =	simm.s32 $0x108;
	s8 =	sld [smem:$0x3FA3]  }
0x2e: {  	s3 =	simm.s32 @!p0 $0x1082;
	s9 =	sld [smem:$0x3FA4]  }
0x2f: {  	lr =	sadd.s32 s0, s3;
	s0 =	sld [smem:$0x3F9B]  }
0x30: {  	s3 =	sld [smem:$0x3F9E]  }
0x31: {  	[smem:$0x3FA7] =	sst s10  }
0x32: {  	s10 =	sld [smem:$0x3FA5];
	_ =	sdelay $0x3  }
0x33: {  	p0 =	seq.s32 s10, $0x1;
	s10 =	sld [smem:$0x3FA7];
	_ =	sdelay $0x3  }
0x34: {  	[smem:$0x3FA7] =	sst s10  }
0x35: {  	s10 =	sld [smem:$0x3FA6];
	_ =	sdelay $0x3  }
0x36: {  	p1 =	seq.s32 s10, $0x1;
	s10 =	sld [smem:$0x3FA7];
	_ =	sdelay $0x3  }
0x37: {  	[smem:$0x3FA7] =	sst s10  }
0x38: {  	s10 =	sld [smem:$0x3FA8]  }
0x39: {  	_ = 	snop;
	(pc) =	sbr.ind lr, $3  }
0x3a: {  	_ = 	snop  }
0x3b: {  	_ = 	snop  }
0x3c: {  	p2 =	seq.s32 s10, $0x1;
	s10 =	sld [smem:$0x3FA7]  }
0x3d: {  	_ =	shalt  }
0x3e: {  	_ =	shalt  }
0x3f: {  	_ =	shalt  }
0x40: {  	_ =	shalt  }
0x41: {  	_ =	shalt  }
0x42: {  	_ =	shalt  }
0x43: {  	_ =	shalt  }
0x44: {  	_ =	shalt  }
0x45: {  	_ =	shalt  }
0x46: {  	_ =	shalt  }
0x47: {  	_ =	shalt  }
0x48: {  	_ =	shalt  }
0x49: {  	_ =	shalt  }
0x4a: {  	_ =	shalt  }
0x4b: {  	_ =	shalt  }
0x4c: {  	_ =	shalt  }
0x4d: {  	_ =	shalt  }
0x4e: {  	_ =	shalt  }
0x4f: {  	_ =	shalt  }
0x50: {  	_ =	shalt  }
0x51: {  	_ =	shalt  }
0x52: {  	_ =	shalt  }
0x53: {  	_ =	shalt  }
0x54: {  	_ =	shalt  }
0x55: {  	_ =	shalt  }
0x56: {  	_ =	shalt  }
0x57: {  	_ =	shalt  }
0x58: {  	_ =	shalt  }
0x59: {  	_ =	shalt  }
0x5a: {  	_ =	shalt  }
0x5b: {  	_ =	shalt  }
0x5c: {  	_ =	shalt  }
0x5d: {  	_ =	shalt  }
0x5e: {  	_ =	shalt  }
0x5f: {  	_ =	shalt  }
0x60: {  	_ =	shalt  }
0x61: {  	_ =	shalt  }
0x62: {  	_ =	shalt  }
0x63: {  	_ =	shalt  }
0x64: {  	_ =	shalt  }
0x65: {  	_ =	shalt  }
0x66: {  	_ =	shalt  }
0x67: {  	_ =	shalt  }
0x68: {  	_ =	shalt  }
0x69: {  	_ =	shalt  }
0x6a: {  	_ =	shalt  }
0x6b: {  	_ =	shalt  }
0x6c: {  	_ =	shalt  }
0x6d: {  	_ =	shalt  }
0x6e: {  	_ =	shalt  }
0x6f: {  	_ =	shalt  }
0x70: {  	_ =	shalt  }
0x71: {  	_ =	shalt  }
0x72: {  	_ =	shalt  }
0x73: {  	_ =	shalt  }
0x74: {  	_ =	shalt  }
0x75: {  	_ =	shalt  }
0x76: {  	_ =	shalt  }
0x77: {  	_ =	shalt  }
0x78: {  	_ =	shalt  }
0x79: {  	_ =	shalt  }
0x7a: {  	_ =	shalt  }
0x7b: {  	_ =	shalt  }
0x7c: {  	_ =	shalt  }
0x7d: {  	_ =	shalt  }
0x7e: {  	_ =	shalt  }
0x7f: {  	_ =	shalt  }
0x80: {  	_ =	shalt  }
0x81: {  	_ =	shalt  }
0x82: {  	_ =	shalt  }
0x83: {  	_ =	shalt  }
0x84: {  	_ =	shalt  }
0x85: {  	_ =	shalt  }
0x86: {  	_ =	shalt  }
0x87: {  	_ =	shalt  }
.Lfunc_end0:
.L_simem_size_0:
called_computation.6_lowered:
.L_overlay_start_0:
0x88: {  	s2 =	sld [smem:$0x3FD9]  }
0x89: {  	s3 =	sld [smem:$0x3FFE];
	_ =	sdelay $0x1  }
0x8a: {  	s1 =	srdreg.scid  }
0x8b: {  	s0 =	sand.u32 $0x1, s1  }
0x8c: {  	s17 =	sshll.u32 s0, $0xA;
	s2 =	sadd.s32 s3, s2  }
0x8d: {  	s2 =	sadd.s32 s2, s17  }
0x8e: {  	[smem:$0x3FB3] =	sst s2  }
0x8f: {  	_ = 	snop  }
0x90: {  	(tm) =	ssettm $0x1  }
0x91: {  	s18 =	sld [smem:$0x3FFB];
	_ =	sdelay $0x3  }
0x92: {  	_ =	strace s18  }
0x93: {  	s2 =	sld [smem:$0x3FFC];
	_ =	sdelay $0x3  }
0x94: {  	_ =	strace s2  }
0x95: {  	s2 =	sld [smem:$0x3FFD];
	_ =	sdelay $0x3  }
0x96: {  	_ =	strace s2  }
0x97: {  	_ =	strace $0x8FFFFFFF  }
0x98: {  	s19 =	sld [smem:$0x3FDB];
	_ =	sdelay $0x1  }
0x99: {  	s20 =	simm.s32 $_scs_section_size  }
0x9a: {  	s4 =	simm.s32 $_size__tile_overlayer_lowered;
	s5 =	simm.s32 $_tile_overlayer_lowered  }
0x9b: {  	s6 =	simm.s32 $0x1BFF;
	s21 =	sshll.u32 s5, $0x1;
	s3 =	sadd.s32 s20, s19  }
0x9c: {  	s22 =	simm.s32 $0x0;
	s4 =	sshll.u32 s4, $0x1;
	s5 =	sadd.s32 s21, s3  }
0x9d: {  	[timem:s22], [sflag:s6] =	dma.local [hbm:s5], s4  }
0x9e: {  	_ =	swait.ge [sflag:s6], s4  }
0x9f: {  	s4 =	ssub.s32 $0x0, s4;
	[sflag:s6] =	ssyncset.done $0x0  }
0xa0: {  	[sflag:s6] =	ssyncadd.s32 s4;
	_ =	sdelay $0x1  }
0xa1: {  	s23 =	simm.s32 $0x1B8B  }
0xa2: {  	_ =	swait.ge [sflag:s23], $0x1  }
0xa3: {  	[sflag:s23] =	ssyncset.done $0x0  }
0xa4: {  	[sflag:s23] =	ssyncadd.s32 $0xFFFFFFFF  }
0xa5: {  	s4 =	sld [smem:$0x0]  }
0xa6: {  	s5 =	sand.u32 $0xFFFFFFFE, s1  }
0xa7: {  	p0 =	sne.s32 s1, s5  }
0xa8: {  	s5 =	sshll.u32 @p0 s5, $0xE  }
0xa9: {  	s5 =	sadd.s32 @p0 $0x11B8D, s5;
	s6 =	sshll.u32 @p0 s4, $0x11  }
0xaa: {  	s5 =	sor.u32 @p0 s6, s5  }
0xab: {  	[sflag:s5] =	ssyncadd.remote.s32 @p0 $0x1;
	_ =	sdelay $0x1  }
0xac: {  	s5 =	simm.s32 @p0 $0x1B8D  }
0xad: {  	_ =	swait.eq @p0 [sflag:s5], $0x1  }
0xae: {  	[sflag:s5] =	ssyncadd.s32 @p0 $0xFFFFFFFF  }
0xaf: {  	s6 =	sshll.u32 @!p0 s1, $0xE  }
0xb0: {  	s6 =	sor.u32 @!p0 $0x4000, s6;
	s5 =	simm.s32 @!p0 $0x1B8D  }
0xb1: {  	s4 =	sshll.u32 @!p0 s4, $0x11;
	s6 =	sadd.s32 @!p0 $0x11B8D, s6;
	_ =	swait.eq @!p0 [sflag:s5], $0x1  }
0xb2: {  	s4 =	sor.u32 @!p0 s4, s6;
	[sflag:s5] =	ssyncadd.s32 @!p0 $0xFFFFFFFF  }
0xb3: {  	s25 =	simm.s32 $0x1B8E;
	s24 =	sld [smem:$0x3FFE];
	[sflag:s4] =	ssyncadd.remote.s32 @!p0 $0x1  }
0xb4: {  	s26 =	simm.s32 $execute0_lowered;
	[smem:$0x3FD2] =	sst s25  }
0xb5: {  	s5 =	sshll.u32 s26, $0x1;
	_ =	strace $0x8000005B;
	[dreg:$0x1] =	wrdreg $0xFFFFFFFF  }
0xb6: {  	s28 =	simm.s32 $_size_execute0_lowered;
	s3 =	sadd.s32 s3, s5;
	[dreg:$0x0] =	wrdreg $0x0  }
0xb7: {  	s5 =	sshll.u32 s28, $0x1;
	[dreg:$0x2] =	wrdreg s3  }
0xb8: {  	[dreg:$0x3] =	wrdreg s5  }
0xb9: {  	[dreg:$0x4] =	wrdreg $0xC0  }
0xba: {  	_ =	task [dreg:s22], $0x5FFFF  }
0xbb: {  	[dreg:$0x1] =	wrdreg $0xFFFFFFFF  }
0xbc: {  	[dreg:$0x0] =	wrdreg $0x60  }
0xbd: {  	[dreg:$0x2] =	wrdreg s24  }
0xbe: {  	[dreg:$0x3] =	wrdreg $0xA8000  }
0xbf: {  	[dreg:$0x4] =	wrdreg $0x9  }
0xc0: {  	_ =	task.clear_ibuf [dreg:s22], $0x5FFFF;
	_ =	strace $0x9000005B  }
0xc1: {  	s29 =	simm.s32 $0x9;
	_ =	strace $0x8000005D  }
0xc2: {  	_ =	swait.ge [sflag:s29], $0x1  }
0xc3: {  	[sflag:s29] =	ssyncadd.s32 $0xFFFFFFFF  }
0xc4: {  	_ =	strace $0x9000005D  }
0xc5: {  	_ =	sfence  }
0xc6: {  	s30 =	sld [smem:$0x0];
	_ =	sdelay $0x2  }
0xc7: {  	s31 =	sshll.u32 s1, $0xD;
	s1 =	sshrl.u32 s1, $0x2  }
0xc8: {  	s4 =	sand.u32 $0x4000, s31;
	s1 =	sadd.s32 s1, s30  }
0xc9: {  	s0 =	sor.u32 s4, s0;
	s1 =	sshll.u32 s1, $0x11  }
0xca: {  	s0 =	sor.u32 s1, s0  }
0xcb: {  	s0 =	sadd.s32 $0x8F2B, s0  }
0xcc: {  	[sflag:s0] =	ssyncadd.remote.s32 $0x1  }
0xcd: {  	_ =	sfence.sel $0xFFFF  }
0xce: {  	[dreg:$0x0] =	wrdreg $0xFFFFFFFF;
	(pc) =	sbr.abs _section_cstart, $3  }
0xcf: {  	[dreg:$0x1] =	wrdreg $0xFFFFFFFF  }
0xd0: {  	_ =	task.clear_ibuf [dreg:s22], $0x2FFFF;
	_ =	strace $0x9FFFFFFF  }
0xd1: {  	(tm) =	ssettm $0x7FFFFFFF  }
tec
execute0_lowered:
.L_overlay_start_1:
0x0: {  	(tag) =	ssettag $0x1  }
0x1: {  	s1 =	srdreg.scid;
	s6 =	rddreg [dreg:$0x0]  }
0x2: {  	s0 =	stileid.u32;
	s2 =	rddreg [dreg:$0x1]  }
0x3: {  	s3 =	simm.s32 $0x0;
	s14 =	simm.s32 $0x7D;
	s15 =	simm.s32 $0x2800  }
0x4: {  	s16 =	simm.s32 $0x80;
	s17 =	simm.s32 $0x6800;
	s18 =	simm.s32 $0x1  }
0x5: {  	s19 =	simm.s32 $0x2;
	s20 =	simm.s32 $0x2700;
	s21 =	simm.s32 $0x2780  }
0x6: {  	s22 =	simm.s32 $0x0;
	s5 =	sand.u32 $0x1, s1;
	s29 =	sshll.u32 s0, $0x1  }
0x7: {  	s8 =	smul.u32 $0x13C00, s0;
	[smem:$0x7FF] =	sst s3;
	s4 =	sadd.s32 $0x156E00, s6  }
0x8: {  	s11 =	smul.u32 $0x4F000, s0;
	s12 =	sshll.u32 s0, $0x6;
	s1 =	sor.u32 s5, s29  }
0x9: {  	s9 =	smul.u32 $0x13C000, s5;
	s5 =	ssub.s32 $0x2, s5;
	s12 =	sor.u32 $0x1C03, s12  }
0xa: {  	s7 =	smul.u32 $0x280, s1;
	s1 =	rddreg [dreg:$0x2];
	_ =	strace $0x8000005C  }
0xb: {  	s10 =	sshrl.u32 s8, $0x3;
	s30 =	sshrl.u32 s5, $0x1;
	s31 =	sshrl.u32 s11, $0x2  }
0xc: {  	s11 =	simm.s32 $0x1400;
	s8 =	sadd.s32 s8, s9;
	s10 =	sadd.s32 s10, s6  }
0xd: {  	s9 =	ssub.s32 s5, s30;
	s13 =	sadd.s32 s31, s2;
	s7 =	sadd.s32 s7, s6  }
0xe: {  	s8 =	sshrl.u32 s8, $0x3;
	s9 =	smax.u32 s9, $0x1;
	s13 =	sshrl.u32 s13, $0x3  }
0xf: {  	s8 =	sadd.s32 s8, s6;
	s5 =	sadd.s32 $0x87C00, s7;
	s6 =	sadd.s32 $0x17E000, s7  }
0x10: {  	s7 =	sadd.s32 $0x11400, s10;
	s10 =	simm.s32 $0x3;
	s8 =	sadd.s32 $0x183000, s8  }
.LBB2_1:
0x11: {  	[tilespmem:s3], [sflag:$0x3] =	stream.linear.gather [hbm4b:s5+s3], $0x1400, $0x38;
	[tilespmem:$0x1E400] =	vst v63  }
0x12: {  	_ =	swait.ge [sflag:s10], $0x1400  }
0x13: {  	[sflag:s10] =	ssyncset.done $0x0  }
0x14: {  	[sflag:s10] =	ssyncadd.s32 $0xFFFFEC00  }
0x15: {  	[tilespmem:s11], [sflag:$0x3] =	stream.linear.gather [hbm4b:s6+s3], $0x1400, $0x38;
	[tilespmem:$0x1E400] =	vst v63  }
0x16: {  	_ =	swait.ge [sflag:s10], $0x1400  }
0x17: {  	[sflag:s10] =	ssyncset.done $0x0  }
0x18: {  	[sflag:s10] =	ssyncadd.s32 $0xFFFFEC00  }
0x19: {  	[spmem:s13], [sflag:s12] =	dma.local [hbm:s7], $0x2780  }
0x1a: {  	_ =	swait.ge [sflag:s10], $0x2780  }
0x1b: {  	[sflag:s10] =	ssyncset.done $0x0  }
0x1c: {  	[sflag:s10] =	ssyncadd.s32 $0xFFFFD880  }
0x1d: {  	[bflag:$0x0] =	sbarrier.arrive $0xFFFF  }
0x1e: {  	[tilespmem:s15], [sflag:$0x1] =	stream.indirect.gather [hbm4b:s4+s14], $0x80, s3, s14, $0xb8;
	[tilespmem:$0x1E400] =	vst v63  }
0x1f: {  	_ = 	snop  }
0x20: {  	[tilespmem:s17], [sflag:$0x2] =	stream.indirect.gather [hbm4b:s4+s14], $0x80, s16, s14, $0xb8;
	[tilespmem:$0x1E400] =	vst v63  }
0x21: {  	_ =	swait.ge [sflag:s18], $0x3E80  }
0x22: {  	[sflag:s18] =	ssyncset.done $0x0  }
0x23: {  	s23 =	simm.s32 $0x1400;
	[sflag:s18] =	ssyncadd.s32 $0xFFFFC180  }
0x24: {  	[spmem:s2] =	stream.indirect.scatter.add.f32 [tilespmem:s15], [sflag:$0x3], $0x80, s23, s14, $0xb8;
	[tilespmem:$0x1E400] =	vst v63  }
0x25: {  	_ =	swait.ge [sflag:s10], $0x3E80  }
0x26: {  	[sflag:s10] =	ssyncset.done $0x0  }
0x27: {  	s30 =	simm.s32 $0x100;
	[sflag:s10] =	ssyncadd.s32 $0xFFFFC180  }
0x28: {  	[tilespmem:s15], [sflag:$0x1] =	stream.indirect.gather [hbm4b:s4+s14], $0x80, s30, s14, $0xb8;
	[tilespmem:$0x1E400] =	vst v63  }
0x29: {  	_ =	swait.ge [sflag:s19], $0x3E80  }
0x2a: {  	[sflag:s19] =	ssyncset.done $0x0  }
0x2b: {  	s31 =	simm.s32 $0x1480;
	[sflag:s19] =	ssyncadd.s32 $0xFFFFC180  }
0x2c: {  	[spmem:s2] =	stream.indirect.scatter.add.f32 [tilespmem:s17], [sflag:$0x3], $0x80, s31, s14, $0xb8;
	[tilespmem:$0x1E400] =	vst v63  }
0x2d: {  	_ =	swait.ge [sflag:s10], $0x3E80  }
0x2e: {  	[sflag:s10] =	ssyncset.done $0x0  }
0x2f: {  	s24 =	simm.s32 $0x180;
	s23 =	simm.s32 $0x400;
	[sflag:s10] =	ssyncadd.s32 $0xFFFFC180  }
.LBB2_2:
0x30: {  	[tilespmem:s17], [sflag:$0x2] =	stream.indirect.gather [hbm4b:s4+s14], $0x80, s24, s14, $0xb8;
	[tilespmem:$0x1E400] =	vst v63  }
0x31: {  	s24 =	smov.u32 s23  }
0x32: {  	p0 =	sne.s32 s23, $0x4800;
	s23 =	sadd.s32 $0x400, s23;
	_ =	swait.ge [sflag:s18], $0x3E80  }
0x33: {  	s24 =	sshra.s32 s24, $0x2;
	[sflag:s18] =	ssyncset.done $0x0  }
0x34: {  	s25 =	sadd.s32 $0x1400, s24;
	[sflag:s18] =	ssyncadd.s32 $0xFFFFC180  }
0x35: {  	[spmem:s2] =	stream.indirect.scatter.add.f32 [tilespmem:s15], [sflag:$0x3], $0x80, s25, s14, $0xb8;
	[tilespmem:$0x1E400] =	vst v63  }
0x36: {  	_ =	swait.ge [sflag:s10], $0x3E80  }
0x37: {  	[sflag:s10] =	ssyncset.done $0x0  }
0x38: {  	s25 =	sadd.s32 $0x100, s24;
	[sflag:s10] =	ssyncadd.s32 $0xFFFFC180  }
0x39: {  	[tilespmem:s15], [sflag:$0x1] =	stream.indirect.gather [hbm4b:s4+s14], $0x80, s25, s14, $0xb8;
	[tilespmem:$0x1E400] =	vst v63  }
0x3a: {  	_ =	swait.ge [sflag:s19], $0x3E80  }
0x3b: {  	[sflag:s19] =	ssyncset.done $0x0  }
.Ltmp0:
0x3c: {  	s25 =	sadd.s32 $0x1480, s24;
	[sflag:s19] =	ssyncadd.s32 $0xFFFFC180;
	(pc) =	sbr.rel @p0 .LBB2_2-.Ltmp0, $4  }
0x3d: {  	[spmem:s2] =	stream.indirect.scatter.add.f32 [tilespmem:s17], [sflag:$0x3], $0x80, s25, s14, $0xb8;
	[tilespmem:$0x1E400] =	vst v63  }
0x3e: {  	_ =	swait.ge [sflag:s10], $0x3E80  }
0x3f: {  	[sflag:s10] =	ssyncset.done $0x0  }
0x40: {  	s24 =	sadd.s32 $0x180, s24;
	[sflag:s10] =	ssyncadd.s32 $0xFFFFC180  }
0x41: {  	[tilespmem:s17], [sflag:$0x2] =	stream.indirect.gather [hbm4b:s4+s14], $0x80, s24, s14, $0xb8;
	[tilespmem:$0x1E400] =	vst v63  }
0x42: {  	_ =	swait.ge [sflag:s18], $0x3E80  }
0x43: {  	[sflag:s18] =	ssyncset.done $0x0  }
0x44: {  	[sflag:s18] =	ssyncadd.s32 $0xFFFFC180  }
0x45: {  	[spmem:s2] =	stream.indirect.scatter.add.f32 [tilespmem:s15], [sflag:$0x3], $0x80, s20, s14, $0xb8;
	[tilespmem:$0x1E400] =	vst v63  }
0x46: {  	_ =	swait.ge [sflag:s10], $0x3E80  }
0x47: {  	[sflag:s10] =	ssyncset.done $0x0  }
0x48: {  	[sflag:s10] =	ssyncadd.s32 $0xFFFFC180  }
0x49: {  	_ =	swait.ge [sflag:s19], $0x3E80  }
0x4a: {  	[sflag:s19] =	ssyncset.done $0x0  }
0x4b: {  	[sflag:s19] =	ssyncadd.s32 $0xFFFFC180  }
0x4c: {  	[spmem:s2] =	stream.indirect.scatter.add.f32 [tilespmem:s17], [sflag:$0x3], $0x80, s21, s14, $0xb8;
	[tilespmem:$0x1E400] =	vst v63  }
0x4d: {  	_ =	swait.ge [sflag:s10], $0x3E80  }
0x4e: {  	s22 =	sadd.s32 $0x1, s22;
	[sflag:s10] =	ssyncset.done $0x0  }
0x4f: {  	p0 =	sne.s32 s22, s9;
	[sflag:s10] =	ssyncadd.s32 $0xFFFFC180  }
.Ltmp1:
0x50: {  	[bflag:$0x0] =	sbarrier.arrive $0xFFFF;
	(pc) =	sbr.rel @p0 .LBB2_1-.Ltmp1, $4  }
0x51: {  	[hbm:s8], [sflag:s12] =	dma.local [spmem:s13], $0x2780  }
0x52: {  	_ =	swait.ge [sflag:s10], $0x2780  }
0x53: {  	[sflag:s10] =	ssyncset.done $0x0  }
0x54: {  	[sflag:s10] =	ssyncadd.s32 $0xFFFFD880  }
0x55: {  	_ =	sfence.sel $0x180000  }
0x56: {  	[bflag:$0x0] =	sbarrier.arrive $0xFFFF  }
0x57: {  	p0 =	sne.s32 s0, $0x0;
	_ =	strace $0x9000005C  }
0x58: {  	s0 =	sadd.s32 @!p0 $0x100000, s1;
	[bflag:$0x2] =	sbarrier.arrive $0xFFFF  }
0x59: {  	[sflag:s0] =	ssyncadd.tile.s32 @!p0 $0x1;
	_ =	shalt  }
.Lfunc_end2:
_tile_overlayer_lowered:
.L_overlay_start_2:
0x5a: {  	(tag) =	ssettag $0x2  }
0x5b: {  	s0 =	rddreg [dreg:$0x0];
	s2 =	stileid.u32  }
0x5c: {  	s1 =	rddreg [dreg:$0x1];
	p0 =	sne.s32 s2, $0x0  }
0x5d: {  	s3 =	rddreg [dreg:$0x2];
	[bflag:$0x3] =	sbarrier.arrive $0xFFFF;
	s2 =	simm.s32 @!p0 $0x1C03  }
0x5e: {  	[timem:s3], [sflag:s2] =	dma.local @!p0 [hbm:s0], s1  }
0x5f: {  	s0 =	simm.s32 @!p0 $0x3  }
0x60: {  	_ =	swait.ge @!p0 [sflag:s0], s1  }
0x61: {  	s1 =	ssub.s32 @!p0 $0x0, s1;
	[sflag:s0] =	ssyncset.done @!p0 $0x0  }
0x62: {  	[sflag:s0] =	ssyncadd.s32 @!p0 s1  }
0x63: {  	[bflag:$0x3] =	sbarrier.arrive $0xFFFF  }
0x64: {  	_ =	shalt  }

// kernel: kernel.46.cloned.1.call-start
scs
__scs_entry_jumppad:
0x0: {  	(pc) =	sbr.rel $0x88, $3  }
0x1: {  	(tag) =	ssettag $0x0;
	lr =	simm.s32 $0x1  }
0x2: {  	[smem:$0x3F8C] =	sst lr;
	_ =	strace $0xD0000000  }
0x3: {  	_ = 	snop  }
0x4: {  	_ = 	snop  }
0x5: {  	_ = 	snop  }
0x6: {  	_ = 	snop  }
0x7: {  	_ = 	snop  }
__scs_overlays_trampoline_lowered:
0x8: {  	[smem:$0x3F9B] =	sst s0  }
0x9: {  	[smem:$0x3F9C] =	sst s1  }
0xa: {  	[smem:$0x3F9D] =	sst s2  }
0xb: {  	[smem:$0x3F9E] =	sst s3  }
0xc: {  	[smem:$0x3F9F] =	sst s4  }
0xd: {  	[smem:$0x3FA0] =	sst s5  }
0xe: {  	[smem:$0x3FA1] =	sst s6  }
0xf: {  	[smem:$0x3FA2] =	sst s7  }
0x10: {  	[smem:$0x3FA3] =	sst s8  }
0x11: {  	[smem:$0x3FA4] =	sst s9;
	s0 =	simm.s32 @!p0 $0x0  }
0x12: {  	s1 =	sld [smem:$0x3F8A];
	s0 =	simm.s32 @p0 $0x1  }
0x13: {  	[smem:$0x3FA5] =	sst s0;
	s0 =	simm.s32 @!p1 $0x0  }
0x14: {  	s2 =	sld [smem:$0x3F89];
	s0 =	simm.s32 @p1 $0x1  }
0x15: {  	[smem:$0x3FA6] =	sst s0;
	s0 =	simm.s32 @!p2 $0x0  }
0x16: {  	s3 =	sld [smem:$0x3FDB];
	s0 =	simm.s32 @p2 $0x1  }
0x17: {  	s4 =	simm.s32 $0x1BF5;
	[smem:$0x3FA8] =	sst s0  }
0x18: {  	s0 =	sld [smem:$0x3F8B];
	_ =	swait.ge [sflag:s4], $0x0  }
0x19: {  	s7 =	sld [smem:$0x3F8C]  }
0x1a: {  	s8 =	sadd.s32 $0xFFFFE003, lr  }
0x1b: {  	s9 =	sadd.s32 $0xFFFFFEF7, lr;
	s5 =	simm.s32 $0xFFFFFFFF;
	p2 =	slt.u32 s8, $0xFFFFF086  }
0x1c: {  	p1 =	slt.u32 s9, $0xF7A;
	s5 =	simm.s32 @!p2 $0x0  }
0x1d: {  	s5 =	simm.s32 @p1 $0x1;
	p0 =	seq.s32 s7, s2  }
0x1e: {  	s7 =	smul.u32 @!p0 $0xF7A, s2;
	p2 =	seq.s32 @!p0 s5, $0x0  }
0x1f: {  	s9 =	smul.u32 $0xF7A, s1;
	s8 =	simm.s32 @!p0 $0x1BF5;
	p2 =	por !p2, p0  }
0x20: {  	[sflag:s8] =	ssyncset.s32 @!p0 $0xFFFFF086;
	s6 =	sadd.s32 @!p0 s3, s7;
	s7 =	simm.s32 @!p0 $0x108  }
0x21: {  	s3 =	sadd.s32 s3, s9;
	s6 =	sadd.s32 @!p0 $0x88, s6;
	s7 =	simm.s32 @p2 $0x1082  }
0x22: {  	[simem:s7], [sflag:s8] =	dma.local @!p0 [hbm:s6], $0xF7A  }
0x23: {  	s9 =	sor.u32 $0xD0000000, s2;
	s6 =	simm.s32 $0x108;
	_ =	swait.ge @!p0 [sflag:s8], $0x0  }
0x24: {  	s3 =	sadd.s32 $0x88, s3;
	s6 =	simm.s32 @!p1 $0x1082;
	[sflag:s4] =	ssyncset.s32 $0xFFFFF086  }
0x25: {  	[simem:s6], [sflag:s4] =	dma.local [hbm:s3], $0xF7A  }
0x26: {  	[smem:$0x3F8C] =	sst s1;
	(tag) =	ssettag s2;
	_ =	strace s9  }
0x27: {  	s1 =	sld [smem:$0x3F9C]  }
0x28: {  	s2 =	sld [smem:$0x3F9D]  }
0x29: {  	s4 =	sld [smem:$0x3F9F]  }
0x2a: {  	p0 =	seq.s32 s5, $0x0;
	s5 =	sld [smem:$0x3FA0]  }
0x2b: {  	s6 =	sld [smem:$0x3FA1]  }
0x2c: {  	s7 =	sld [smem:$0x3FA2]  }
0x2d: {  	s3 =	simm.s32 $0x108;
	s8 =	sld [smem:$0x3FA3]  }
0x2e: {  	s3 =	simm.s32 @!p0 $0x1082;
	s9 =	sld [smem:$0x3FA4]  }
0x2f: {  	lr =	sadd.s32 s0, s3;
	s0 =	sld [smem:$0x3F9B]  }
0x30: {  	s3 =	sld [smem:$0x3F9E]  }
0x31: {  	[smem:$0x3FA7] =	sst s10  }
0x32: {  	s10 =	sld [smem:$0x3FA5];
	_ =	sdelay $0x3  }
0x33: {  	p0 =	seq.s32 s10, $0x1;
	s10 =	sld [smem:$0x3FA7];
	_ =	sdelay $0x3  }
0x34: {  	[smem:$0x3FA7] =	sst s10  }
0x35: {  	s10 =	sld [smem:$0x3FA6];
	_ =	sdelay $0x3  }
0x36: {  	p1 =	seq.s32 s10, $0x1;
	s10 =	sld [smem:$0x3FA7];
	_ =	sdelay $0x3  }
0x37: {  	[smem:$0x3FA7] =	sst s10  }
0x38: {  	s10 =	sld [smem:$0x3FA8]  }
0x39: {  	_ = 	snop;
	(pc) =	sbr.ind lr, $3  }
0x3a: {  	_ = 	snop  }
0x3b: {  	_ = 	snop  }
0x3c: {  	p2 =	seq.s32 s10, $0x1;
	s10 =	sld [smem:$0x3FA7]  }
0x3d: {  	_ =	shalt  }
0x3e: {  	_ =	shalt  }
0x3f: {  	_ =	shalt  }
0x40: {  	_ =	shalt  }
0x41: {  	_ =	shalt  }
0x42: {  	_ =	shalt  }
0x43: {  	_ =	shalt  }
0x44: {  	_ =	shalt  }
0x45: {  	_ =	shalt  }
0x46: {  	_ =	shalt  }
0x47: {  	_ =	shalt  }
0x48: {  	_ =	shalt  }
0x49: {  	_ =	shalt  }
0x4a: {  	_ =	shalt  }
0x4b: {  	_ =	shalt  }
0x4c: {  	_ =	shalt  }
0x4d: {  	_ =	shalt  }
0x4e: {  	_ =	shalt  }
0x4f: {  	_ =	shalt  }
0x50: {  	_ =	shalt  }
0x51: {  	_ =	shalt  }
0x52: {  	_ =	shalt  }
0x53: {  	_ =	shalt  }
0x54: {  	_ =	shalt  }
0x55: {  	_ =	shalt  }
0x56: {  	_ =	shalt  }
0x57: {  	_ =	shalt  }
0x58: {  	_ =	shalt  }
0x59: {  	_ =	shalt  }
0x5a: {  	_ =	shalt  }
0x5b: {  	_ =	shalt  }
0x5c: {  	_ =	shalt  }
0x5d: {  	_ =	shalt  }
0x5e: {  	_ =	shalt  }
0x5f: {  	_ =	shalt  }
0x60: {  	_ =	shalt  }
0x61: {  	_ =	shalt  }
0x62: {  	_ =	shalt  }
0x63: {  	_ =	shalt  }
0x64: {  	_ =	shalt  }
0x65: {  	_ =	shalt  }
0x66: {  	_ =	shalt  }
0x67: {  	_ =	shalt  }
0x68: {  	_ =	shalt  }
0x69: {  	_ =	shalt  }
0x6a: {  	_ =	shalt  }
0x6b: {  	_ =	shalt  }
0x6c: {  	_ =	shalt  }
0x6d: {  	_ =	shalt  }
0x6e: {  	_ =	shalt  }
0x6f: {  	_ =	shalt  }
0x70: {  	_ =	shalt  }
0x71: {  	_ =	shalt  }
0x72: {  	_ =	shalt  }
0x73: {  	_ =	shalt  }
0x74: {  	_ =	shalt  }
0x75: {  	_ =	shalt  }
0x76: {  	_ =	shalt  }
0x77: {  	_ =	shalt  }
0x78: {  	_ =	shalt  }
0x79: {  	_ =	shalt  }
0x7a: {  	_ =	shalt  }
0x7b: {  	_ =	shalt  }
0x7c: {  	_ =	shalt  }
0x7d: {  	_ =	shalt  }
0x7e: {  	_ =	shalt  }
0x7f: {  	_ =	shalt  }
0x80: {  	_ =	shalt  }
0x81: {  	_ =	shalt  }
0x82: {  	_ =	shalt  }
0x83: {  	_ =	shalt  }
0x84: {  	_ =	shalt  }
0x85: {  	_ =	shalt  }
0x86: {  	_ =	shalt  }
0x87: {  	_ =	shalt  }
.Lfunc_end0:
.L_simem_size_0:
called_computation.7_lowered:
.L_overlay_start_0:
0x88: {  	s2 =	sld [smem:$0x3FD9]  }
0x89: {  	s3 =	sld [smem:$0x3FFE];
	_ =	sdelay $0x1  }
0x8a: {  	s1 =	srdreg.scid  }
0x8b: {  	s0 =	sand.u32 $0x1, s1  }
0x8c: {  	s17 =	sshll.u32 s0, $0xA;
	s2 =	sadd.s32 s3, s2  }
0x8d: {  	s2 =	sadd.s32 s2, s17  }
0x8e: {  	[smem:$0x3FB3] =	sst s2  }
0x8f: {  	_ = 	snop  }
0x90: {  	(tm) =	ssettm $0x1  }
0x91: {  	s18 =	sld [smem:$0x3FFB];
	_ =	sdelay $0x3  }
0x92: {  	_ =	strace s18  }
0x93: {  	s2 =	sld [smem:$0x3FFC];
	_ =	sdelay $0x3  }
0x94: {  	_ =	strace s2  }
0x95: {  	s2 =	sld [smem:$0x3FFD];
	_ =	sdelay $0x3  }
0x96: {  	_ =	strace s2  }
0x97: {  	_ =	strace $0x8FFFFFFF  }
0x98: {  	s19 =	sld [smem:$0x3FDB];
	_ =	sdelay $0x1  }
0x99: {  	s20 =	simm.s32 $_scs_section_size  }
0x9a: {  	s4 =	simm.s32 $_size__tile_overlayer_lowered;
	s5 =	simm.s32 $_tile_overlayer_lowered  }
0x9b: {  	s6 =	simm.s32 $0x1BFF;
	s21 =	sshll.u32 s5, $0x1;
	s3 =	sadd.s32 s20, s19  }
0x9c: {  	s22 =	simm.s32 $0x0;
	s4 =	sshll.u32 s4, $0x1;
	s5 =	sadd.s32 s21, s3  }
0x9d: {  	[timem:s22], [sflag:s6] =	dma.local [hbm:s5], s4  }
0x9e: {  	_ =	swait.ge [sflag:s6], s4  }
0x9f: {  	s4 =	ssub.s32 $0x0, s4;
	[sflag:s6] =	ssyncset.done $0x0  }
0xa0: {  	[sflag:s6] =	ssyncadd.s32 s4;
	_ =	sdelay $0x1  }
0xa1: {  	s23 =	simm.s32 $0x1B8B  }
0xa2: {  	_ =	swait.ge [sflag:s23], $0x1  }
0xa3: {  	[sflag:s23] =	ssyncset.done $0x0  }
0xa4: {  	[sflag:s23] =	ssyncadd.s32 $0xFFFFFFFF  }
0xa5: {  	s4 =	sld [smem:$0x0]  }
0xa6: {  	s5 =	sand.u32 $0xFFFFFFFE, s1  }
0xa7: {  	p0 =	sne.s32 s1, s5  }
0xa8: {  	s5 =	sshll.u32 @p0 s5, $0xE  }
0xa9: {  	s5 =	sadd.s32 @p0 $0x11B8D, s5;
	s6 =	sshll.u32 @p0 s4, $0x11  }
0xaa: {  	s5 =	sor.u32 @p0 s6, s5  }
0xab: {  	[sflag:s5] =	ssyncadd.remote.s32 @p0 $0x1;
	_ =	sdelay $0x1  }
0xac: {  	s5 =	simm.s32 @p0 $0x1B8D  }
0xad: {  	_ =	swait.eq @p0 [sflag:s5], $0x1  }
0xae: {  	[sflag:s5] =	ssyncadd.s32 @p0 $0xFFFFFFFF  }
0xaf: {  	s6 =	sshll.u32 @!p0 s1, $0xE  }
0xb0: {  	s6 =	sor.u32 @!p0 $0x4000, s6;
	s5 =	simm.s32 @!p0 $0x1B8D  }
0xb1: {  	s4 =	sshll.u32 @!p0 s4, $0x11;
	s6 =	sadd.s32 @!p0 $0x11B8D, s6;
	_ =	swait.eq @!p0 [sflag:s5], $0x1  }
0xb2: {  	s4 =	sor.u32 @!p0 s4, s6;
	[sflag:s5] =	ssyncadd.s32 @!p0 $0xFFFFFFFF  }
0xb3: {  	s25 =	simm.s32 $0x1B8E;
	s24 =	sld [smem:$0x3FFE];
	[sflag:s4] =	ssyncadd.remote.s32 @!p0 $0x1  }
0xb4: {  	s26 =	simm.s32 $execute0_lowered;
	[smem:$0x3FD2] =	sst s25  }
0xb5: {  	s5 =	sshll.u32 s26, $0x1;
	_ =	strace $0x80000058;
	[dreg:$0x1] =	wrdreg $0xFFFFFFFF  }
0xb6: {  	s28 =	simm.s32 $_size_execute0_lowered;
	s3 =	sadd.s32 s3, s5;
	[dreg:$0x0] =	wrdreg $0x0  }
0xb7: {  	s5 =	sshll.u32 s28, $0x1;
	[dreg:$0x2] =	wrdreg s3  }
0xb8: {  	[dreg:$0x3] =	wrdreg s5  }
0xb9: {  	[dreg:$0x4] =	wrdreg $0xC0  }
0xba: {  	_ =	task [dreg:s22], $0x5FFFF  }
0xbb: {  	[dreg:$0x1] =	wrdreg $0xFFFFFFFF  }
0xbc: {  	[dreg:$0x0] =	wrdreg $0x60  }
0xbd: {  	[dreg:$0x2] =	wrdreg s24  }
0xbe: {  	[dreg:$0x3] =	wrdreg $0xA8000  }
0xbf: {  	[dreg:$0x4] =	wrdreg $0xA  }
0xc0: {  	_ =	task.clear_ibuf [dreg:s22], $0x5FFFF;
	_ =	strace $0x90000058  }
0xc1: {  	s29 =	simm.s32 $0xA;
	_ =	strace $0x8000005A  }
0xc2: {  	_ =	swait.ge [sflag:s29], $0x1  }
0xc3: {  	[sflag:s29] =	ssyncadd.s32 $0xFFFFFFFF  }
0xc4: {  	_ =	strace $0x9000005A  }
0xc5: {  	_ =	sfence  }
0xc6: {  	s30 =	sld [smem:$0x0];
	_ =	sdelay $0x2  }
0xc7: {  	s31 =	sshll.u32 s1, $0xD;
	s1 =	sshrl.u32 s1, $0x2  }
0xc8: {  	s4 =	sand.u32 $0x4000, s31;
	s1 =	sadd.s32 s1, s30  }
0xc9: {  	s0 =	sor.u32 s4, s0;
	s1 =	sshll.u32 s1, $0x11  }
0xca: {  	s0 =	sor.u32 s1, s0  }
0xcb: {  	s0 =	sadd.s32 $0x8F2B, s0  }
0xcc: {  	[sflag:s0] =	ssyncadd.remote.s32 $0x1  }
0xcd: {  	_ =	sfence.sel $0xFFFF  }
0xce: {  	[dreg:$0x0] =	wrdreg $0xFFFFFFFF;
	(pc) =	sbr.abs _section_cstart, $3  }
0xcf: {  	[dreg:$0x1] =	wrdreg $0xFFFFFFFF  }
0xd0: {  	_ =	task.clear_ibuf [dreg:s22], $0x2FFFF;
	_ =	strace $0x9FFFFFFF  }
0xd1: {  	(tm) =	ssettm $0x7FFFFFFF  }
tec
execute0_lowered:
.L_overlay_start_1:
0x0: {  	(tag) =	ssettag $0x1  }
0x1: {  	s1 =	srdreg.scid;
	s6 =	rddreg [dreg:$0x0]  }
0x2: {  	s0 =	stileid.u32;
	s2 =	rddreg [dreg:$0x1]  }
0x3: {  	s3 =	simm.s32 $0x0;
	s14 =	simm.s32 $0x7D;
	s15 =	simm.s32 $0x2800  }
0x4: {  	s16 =	simm.s32 $0x80;
	s17 =	simm.s32 $0x6800;
	s18 =	simm.s32 $0x1  }
0x5: {  	s19 =	simm.s32 $0x2;
	s20 =	simm.s32 $0x2700;
	s21 =	simm.s32 $0x2780  }
0x6: {  	s22 =	simm.s32 $0x0;
	s5 =	sand.u32 $0x1, s1;
	s29 =	sshll.u32 s0, $0x1  }
0x7: {  	s8 =	smul.u32 $0x13C00, s0;
	[smem:$0x7FF] =	sst s3;
	s4 =	sadd.s32 $0xB3E00, s6  }
0x8: {  	s11 =	smul.u32 $0x4F000, s0;
	s12 =	sshll.u32 s0, $0x6;
	s1 =	sor.u32 s5, s29  }
0x9: {  	s9 =	smul.u32 $0x13C000, s5;
	s5 =	ssub.s32 $0x2, s5;
	s12 =	sor.u32 $0x1C03, s12  }
0xa: {  	s7 =	smul.u32 $0x280, s1;
	s1 =	rddreg [dreg:$0x2];
	_ =	strace $0x80000059  }
0xb: {  	s10 =	sshrl.u32 s8, $0x3;
	s30 =	sshrl.u32 s5, $0x1;
	s31 =	sshrl.u32 s11, $0x2  }
0xc: {  	s11 =	simm.s32 $0x1400;
	s8 =	sadd.s32 s8, s9;
	s10 =	sadd.s32 s10, s6  }
0xd: {  	s9 =	ssub.s32 s5, s30;
	s13 =	sadd.s32 s31, s2;
	s7 =	sadd.s32 s7, s6  }
0xe: {  	s8 =	sshrl.u32 s8, $0x3;
	s9 =	smax.u32 s9, $0x1;
	s13 =	sshrl.u32 s13, $0x3  }
0xf: {  	s8 =	sadd.s32 s8, s6;
	s5 =	sadd.s32 $0xC400, s7;
	s6 =	sadd.s32 $0xDBC00, s7  }
0x10: {  	s7 =	sadd.s32 $0x11400, s10;
	s10 =	simm.s32 $0x3;
	s8 =	sadd.s32 $0x107E00, s8  }
.LBB2_1:
0x11: {  	[tilespmem:s3], [sflag:$0x3] =	stream.linear.gather [hbm4b:s5+s3], $0x1400, $0x38;
	[tilespmem:$0x1E400] =	vst v63  }
0x12: {  	_ =	swait.ge [sflag:s10], $0x1400  }
0x13: {  	[sflag:s10] =	ssyncset.done $0x0  }
0x14: {  	[sflag:s10] =	ssyncadd.s32 $0xFFFFEC00  }
0x15: {  	[tilespmem:s11], [sflag:$0x3] =	stream.linear.gather [hbm4b:s6+s3], $0x1400, $0x38;
	[tilespmem:$0x1E400] =	vst v63  }
0x16: {  	_ =	swait.ge [sflag:s10], $0x1400  }
0x17: {  	[sflag:s10] =	ssyncset.done $0x0  }
0x18: {  	[sflag:s10] =	ssyncadd.s32 $0xFFFFEC00  }
0x19: {  	[spmem:s13], [sflag:s12] =	dma.local [hbm:s7], $0x2780  }
0x1a: {  	_ =	swait.ge [sflag:s10], $0x2780  }
0x1b: {  	[sflag:s10] =	ssyncset.done $0x0  }
0x1c: {  	[sflag:s10] =	ssyncadd.s32 $0xFFFFD880  }
0x1d: {  	[bflag:$0x0] =	sbarrier.arrive $0xFFFF  }
0x1e: {  	[tilespmem:s15], [sflag:$0x1] =	stream.indirect.gather [hbm4b:s4+s14], $0x80, s3, s14, $0xb8;
	[tilespmem:$0x1E400] =	vst v63  }
0x1f: {  	_ = 	snop  }
0x20: {  	[tilespmem:s17], [sflag:$0x2] =	stream.indirect.gather [hbm4b:s4+s14], $0x80, s16, s14, $0xb8;
	[tilespmem:$0x1E400] =	vst v63  }
0x21: {  	_ =	swait.ge [sflag:s18], $0x3E80  }
0x22: {  	[sflag:s18] =	ssyncset.done $0x0  }
0x23: {  	s23 =	simm.s32 $0x1400;
	[sflag:s18] =	ssyncadd.s32 $0xFFFFC180  }
0x24: {  	[spmem:s2] =	stream.indirect.scatter.add.f32 [tilespmem:s15], [sflag:$0x3], $0x80, s23, s14, $0xb8;
	[tilespmem:$0x1E400] =	vst v63  }
0x25: {  	_ =	swait.ge [sflag:s10], $0x3E80  }
0x26: {  	[sflag:s10] =	ssyncset.done $0x0  }
0x27: {  	s30 =	simm.s32 $0x100;
	[sflag:s10] =	ssyncadd.s32 $0xFFFFC180  }
0x28: {  	[tilespmem:s15], [sflag:$0x1] =	stream.indirect.gather [hbm4b:s4+s14], $0x80, s30, s14, $0xb8;
	[tilespmem:$0x1E400] =	vst v63  }
0x29: {  	_ =	swait.ge [sflag:s19], $0x3E80  }
0x2a: {  	[sflag:s19] =	ssyncset.done $0x0  }
0x2b: {  	s31 =	simm.s32 $0x1480;
	[sflag:s19] =	ssyncadd.s32 $0xFFFFC180  }
0x2c: {  	[spmem:s2] =	stream.indirect.scatter.add.f32 [tilespmem:s17], [sflag:$0x3], $0x80, s31, s14, $0xb8;
	[tilespmem:$0x1E400] =	vst v63  }
0x2d: {  	_ =	swait.ge [sflag:s10], $0x3E80  }
0x2e: {  	[sflag:s10] =	ssyncset.done $0x0  }
0x2f: {  	s24 =	simm.s32 $0x180;
	s23 =	simm.s32 $0x400;
	[sflag:s10] =	ssyncadd.s32 $0xFFFFC180  }
.LBB2_2:
0x30: {  	[tilespmem:s17], [sflag:$0x2] =	stream.indirect.gather [hbm4b:s4+s14], $0x80, s24, s14, $0xb8;
	[tilespmem:$0x1E400] =	vst v63  }
0x31: {  	s24 =	smov.u32 s23  }
0x32: {  	p0 =	sne.s32 s23, $0x4800;
	s23 =	sadd.s32 $0x400, s23;
	_ =	swait.ge [sflag:s18], $0x3E80  }
0x33: {  	s24 =	sshra.s32 s24, $0x2;
	[sflag:s18] =	ssyncset.done $0x0  }
0x34: {  	s25 =	sadd.s32 $0x1400, s24;
	[sflag:s18] =	ssyncadd.s32 $0xFFFFC180  }
0x35: {  	[spmem:s2] =	stream.indirect.scatter.add.f32 [tilespmem:s15], [sflag:$0x3], $0x80, s25, s14, $0xb8;
	[tilespmem:$0x1E400] =	vst v63  }
0x36: {  	_ =	swait.ge [sflag:s10], $0x3E80  }
0x37: {  	[sflag:s10] =	ssyncset.done $0x0  }
0x38: {  	s25 =	sadd.s32 $0x100, s24;
	[sflag:s10] =	ssyncadd.s32 $0xFFFFC180  }
0x39: {  	[tilespmem:s15], [sflag:$0x1] =	stream.indirect.gather [hbm4b:s4+s14], $0x80, s25, s14, $0xb8;
	[tilespmem:$0x1E400] =	vst v63  }
0x3a: {  	_ =	swait.ge [sflag:s19], $0x3E80  }
0x3b: {  	[sflag:s19] =	ssyncset.done $0x0  }
.Ltmp0:
0x3c: {  	s25 =	sadd.s32 $0x1480, s24;
	[sflag:s19] =	ssyncadd.s32 $0xFFFFC180;
	(pc) =	sbr.rel @p0 .LBB2_2-.Ltmp0, $4  }
0x3d: {  	[spmem:s2] =	stream.indirect.scatter.add.f32 [tilespmem:s17], [sflag:$0x3], $0x80, s25, s14, $0xb8;
	[tilespmem:$0x1E400] =	vst v63  }
0x3e: {  	_ =	swait.ge [sflag:s10], $0x3E80  }
0x3f: {  	[sflag:s10] =	ssyncset.done $0x0  }
0x40: {  	s24 =	sadd.s32 $0x180, s24;
	[sflag:s10] =	ssyncadd.s32 $0xFFFFC180  }
0x41: {  	[tilespmem:s17], [sflag:$0x2] =	stream.indirect.gather [hbm4b:s4+s14], $0x80, s24, s14, $0xb8;
	[tilespmem:$0x1E400] =	vst v63  }
0x42: {  	_ =	swait.ge [sflag:s18], $0x3E80  }
0x43: {  	[sflag:s18] =	ssyncset.done $0x0  }
0x44: {  	[sflag:s18] =	ssyncadd.s32 $0xFFFFC180  }
0x45: {  	[spmem:s2] =	stream.indirect.scatter.add.f32 [tilespmem:s15], [sflag:$0x3], $0x80, s20, s14, $0xb8;
	[tilespmem:$0x1E400] =	vst v63  }
0x46: {  	_ =	swait.ge [sflag:s10], $0x3E80  }
0x47: {  	[sflag:s10] =	ssyncset.done $0x0  }
0x48: {  	[sflag:s10] =	ssyncadd.s32 $0xFFFFC180  }
0x49: {  	_ =	swait.ge [sflag:s19], $0x3E80  }
0x4a: {  	[sflag:s19] =	ssyncset.done $0x0  }
0x4b: {  	[sflag:s19] =	ssyncadd.s32 $0xFFFFC180  }
0x4c: {  	[spmem:s2] =	stream.indirect.scatter.add.f32 [tilespmem:s17], [sflag:$0x3], $0x80, s21, s14, $0xb8;
	[tilespmem:$0x1E400] =	vst v63  }
0x4d: {  	_ =	swait.ge [sflag:s10], $0x3E80  }
0x4e: {  	s22 =	sadd.s32 $0x1, s22;
	[sflag:s10] =	ssyncset.done $0x0  }
0x4f: {  	p0 =	sne.s32 s22, s9;
	[sflag:s10] =	ssyncadd.s32 $0xFFFFC180  }
.Ltmp1:
0x50: {  	[bflag:$0x0] =	sbarrier.arrive $0xFFFF;
	(pc) =	sbr.rel @p0 .LBB2_1-.Ltmp1, $4  }
0x51: {  	[hbm:s8], [sflag:s12] =	dma.local [spmem:s13], $0x2780  }
0x52: {  	_ =	swait.ge [sflag:s10], $0x2780  }
0x53: {  	[sflag:s10] =	ssyncset.done $0x0  }
0x54: {  	[sflag:s10] =	ssyncadd.s32 $0xFFFFD880  }
0x55: {  	_ =	sfence.sel $0x180000  }
0x56: {  	[bflag:$0x0] =	sbarrier.arrive $0xFFFF  }
0x57: {  	p0 =	sne.s32 s0, $0x0;
	_ =	strace $0x90000059  }
0x58: {  	s0 =	sadd.s32 @!p0 $0x100000, s1;
	[bflag:$0x2] =	sbarrier.arrive $0xFFFF  }
0x59: {  	[sflag:s0] =	ssyncadd.tile.s32 @!p0 $0x1;
	_ =	shalt  }
.Lfunc_end2:
_tile_overlayer_lowered:
.L_overlay_start_2:
0x5a: {  	(tag) =	ssettag $0x2  }
0x5b: {  	s0 =	rddreg [dreg:$0x0];
	s2 =	stileid.u32  }
0x5c: {  	s1 =	rddreg [dreg:$0x1];
	p0 =	sne.s32 s2, $0x0  }
0x5d: {  	s3 =	rddreg [dreg:$0x2];
	[bflag:$0x3] =	sbarrier.arrive $0xFFFF;
	s2 =	simm.s32 @!p0 $0x1C03  }
0x5e: {  	[timem:s3], [sflag:s2] =	dma.local @!p0 [hbm:s0], s1  }
0x5f: {  	s0 =	simm.s32 @!p0 $0x3  }
0x60: {  	_ =	swait.ge @!p0 [sflag:s0], s1  }
0x61: {  	s1 =	ssub.s32 @!p0 $0x0, s1;
	[sflag:s0] =	ssyncset.done @!p0 $0x0  }
0x62: {  	[sflag:s0] =	ssyncadd.s32 @!p0 s1  }
0x63: {  	[bflag:$0x3] =	sbarrier.arrive $0xFFFF  }
0x64: {  	_ =	shalt  }

// kernel: kernel.49.cloned.1.call-start
scs
__scs_entry_jumppad:
0x0: {  	(pc) =	sbr.rel $0x88, $3  }
0x1: {  	(tag) =	ssettag $0x0;
	lr =	simm.s32 $0x1  }
0x2: {  	[smem:$0x3F8C] =	sst lr;
	_ =	strace $0xD0000000  }
0x3: {  	_ = 	snop  }
0x4: {  	_ = 	snop  }
0x5: {  	_ = 	snop  }
0x6: {  	_ = 	snop  }
0x7: {  	_ = 	snop  }
__scs_overlays_trampoline_lowered:
0x8: {  	[smem:$0x3F9B] =	sst s0  }
0x9: {  	[smem:$0x3F9C] =	sst s1  }
0xa: {  	[smem:$0x3F9D] =	sst s2  }
0xb: {  	[smem:$0x3F9E] =	sst s3  }
0xc: {  	[smem:$0x3F9F] =	sst s4  }
0xd: {  	[smem:$0x3FA0] =	sst s5  }
0xe: {  	[smem:$0x3FA1] =	sst s6  }
0xf: {  	[smem:$0x3FA2] =	sst s7  }
0x10: {  	[smem:$0x3FA3] =	sst s8  }
0x11: {  	[smem:$0x3FA4] =	sst s9;
	s0 =	simm.s32 @!p0 $0x0  }
0x12: {  	s1 =	sld [smem:$0x3F8A];
	s0 =	simm.s32 @p0 $0x1  }
0x13: {  	[smem:$0x3FA5] =	sst s0;
	s0 =	simm.s32 @!p1 $0x0  }
0x14: {  	s2 =	sld [smem:$0x3F89];
	s0 =	simm.s32 @p1 $0x1  }
0x15: {  	[smem:$0x3FA6] =	sst s0;
	s0 =	simm.s32 @!p2 $0x0  }
0x16: {  	s3 =	sld [smem:$0x3FDB];
	s0 =	simm.s32 @p2 $0x1  }
0x17: {  	s4 =	simm.s32 $0x1BF5;
	[smem:$0x3FA8] =	sst s0  }
0x18: {  	s0 =	sld [smem:$0x3F8B];
	_ =	swait.ge [sflag:s4], $0x0  }
0x19: {  	s7 =	sld [smem:$0x3F8C]  }
0x1a: {  	s8 =	sadd.s32 $0xFFFFE003, lr  }
0x1b: {  	s9 =	sadd.s32 $0xFFFFFEF7, lr;
	s5 =	simm.s32 $0xFFFFFFFF;
	p2 =	slt.u32 s8, $0xFFFFF086  }
0x1c: {  	p1 =	slt.u32 s9, $0xF7A;
	s5 =	simm.s32 @!p2 $0x0  }
0x1d: {  	s5 =	simm.s32 @p1 $0x1;
	p0 =	seq.s32 s7, s2  }
0x1e: {  	s7 =	smul.u32 @!p0 $0xF7A, s2;
	p2 =	seq.s32 @!p0 s5, $0x0  }
0x1f: {  	s9 =	smul.u32 $0xF7A, s1;
	s8 =	simm.s32 @!p0 $0x1BF5;
	p2 =	por !p2, p0  }
0x20: {  	[sflag:s8] =	ssyncset.s32 @!p0 $0xFFFFF086;
	s6 =	sadd.s32 @!p0 s3, s7;
	s7 =	simm.s32 @!p0 $0x108  }
0x21: {  	s3 =	sadd.s32 s3, s9;
	s6 =	sadd.s32 @!p0 $0x88, s6;
	s7 =	simm.s32 @p2 $0x1082  }
0x22: {  	[simem:s7], [sflag:s8] =	dma.local @!p0 [hbm:s6], $0xF7A  }
0x23: {  	s9 =	sor.u32 $0xD0000000, s2;
	s6 =	simm.s32 $0x108;
	_ =	swait.ge @!p0 [sflag:s8], $0x0  }
0x24: {  	s3 =	sadd.s32 $0x88, s3;
	s6 =	simm.s32 @!p1 $0x1082;
	[sflag:s4] =	ssyncset.s32 $0xFFFFF086  }
0x25: {  	[simem:s6], [sflag:s4] =	dma.local [hbm:s3], $0xF7A  }
0x26: {  	[smem:$0x3F8C] =	sst s1;
	(tag) =	ssettag s2;
	_ =	strace s9  }
0x27: {  	s1 =	sld [smem:$0x3F9C]  }
0x28: {  	s2 =	sld [smem:$0x3F9D]  }
0x29: {  	s4 =	sld [smem:$0x3F9F]  }
0x2a: {  	p0 =	seq.s32 s5, $0x0;
	s5 =	sld [smem:$0x3FA0]  }
0x2b: {  	s6 =	sld [smem:$0x3FA1]  }
0x2c: {  	s7 =	sld [smem:$0x3FA2]  }
0x2d: {  	s3 =	simm.s32 $0x108;
	s8 =	sld [smem:$0x3FA3]  }
0x2e: {  	s3 =	simm.s32 @!p0 $0x1082;
	s9 =	sld [smem:$0x3FA4]  }
0x2f: {  	lr =	sadd.s32 s0, s3;
	s0 =	sld [smem:$0x3F9B]  }
0x30: {  	s3 =	sld [smem:$0x3F9E]  }
0x31: {  	[smem:$0x3FA7] =	sst s10  }
0x32: {  	s10 =	sld [smem:$0x3FA5];
	_ =	sdelay $0x3  }
0x33: {  	p0 =	seq.s32 s10, $0x1;
	s10 =	sld [smem:$0x3FA7];
	_ =	sdelay $0x3  }
0x34: {  	[smem:$0x3FA7] =	sst s10  }
0x35: {  	s10 =	sld [smem:$0x3FA6];
	_ =	sdelay $0x3  }
0x36: {  	p1 =	seq.s32 s10, $0x1;
	s10 =	sld [smem:$0x3FA7];
	_ =	sdelay $0x3  }
0x37: {  	[smem:$0x3FA7] =	sst s10  }
0x38: {  	s10 =	sld [smem:$0x3FA8]  }
0x39: {  	_ = 	snop;
	(pc) =	sbr.ind lr, $3  }
0x3a: {  	_ = 	snop  }
0x3b: {  	_ = 	snop  }
0x3c: {  	p2 =	seq.s32 s10, $0x1;
	s10 =	sld [smem:$0x3FA7]  }
0x3d: {  	_ =	shalt  }
0x3e: {  	_ =	shalt  }
0x3f: {  	_ =	shalt  }
0x40: {  	_ =	shalt  }
0x41: {  	_ =	shalt  }
0x42: {  	_ =	shalt  }
0x43: {  	_ =	shalt  }
0x44: {  	_ =	shalt  }
0x45: {  	_ =	shalt  }
0x46: {  	_ =	shalt  }
0x47: {  	_ =	shalt  }
0x48: {  	_ =	shalt  }
0x49: {  	_ =	shalt  }
0x4a: {  	_ =	shalt  }
0x4b: {  	_ =	shalt  }
0x4c: {  	_ =	shalt  }
0x4d: {  	_ =	shalt  }
0x4e: {  	_ =	shalt  }
0x4f: {  	_ =	shalt  }
0x50: {  	_ =	shalt  }
0x51: {  	_ =	shalt  }
0x52: {  	_ =	shalt  }
0x53: {  	_ =	shalt  }
0x54: {  	_ =	shalt  }
0x55: {  	_ =	shalt  }
0x56: {  	_ =	shalt  }
0x57: {  	_ =	shalt  }
0x58: {  	_ =	shalt  }
0x59: {  	_ =	shalt  }
0x5a: {  	_ =	shalt  }
0x5b: {  	_ =	shalt  }
0x5c: {  	_ =	shalt  }
0x5d: {  	_ =	shalt  }
0x5e: {  	_ =	shalt  }
0x5f: {  	_ =	shalt  }
0x60: {  	_ =	shalt  }
0x61: {  	_ =	shalt  }
0x62: {  	_ =	shalt  }
0x63: {  	_ =	shalt  }
0x64: {  	_ =	shalt  }
0x65: {  	_ =	shalt  }
0x66: {  	_ =	shalt  }
0x67: {  	_ =	shalt  }
0x68: {  	_ =	shalt  }
0x69: {  	_ =	shalt  }
0x6a: {  	_ =	shalt  }
0x6b: {  	_ =	shalt  }
0x6c: {  	_ =	shalt  }
0x6d: {  	_ =	shalt  }
0x6e: {  	_ =	shalt  }
0x6f: {  	_ =	shalt  }
0x70: {  	_ =	shalt  }
0x71: {  	_ =	shalt  }
0x72: {  	_ =	shalt  }
0x73: {  	_ =	shalt  }
0x74: {  	_ =	shalt  }
0x75: {  	_ =	shalt  }
0x76: {  	_ =	shalt  }
0x77: {  	_ =	shalt  }
0x78: {  	_ =	shalt  }
0x79: {  	_ =	shalt  }
0x7a: {  	_ =	shalt  }
0x7b: {  	_ =	shalt  }
0x7c: {  	_ =	shalt  }
0x7d: {  	_ =	shalt  }
0x7e: {  	_ =	shalt  }
0x7f: {  	_ =	shalt  }
0x80: {  	_ =	shalt  }
0x81: {  	_ =	shalt  }
0x82: {  	_ =	shalt  }
0x83: {  	_ =	shalt  }
0x84: {  	_ =	shalt  }
0x85: {  	_ =	shalt  }
0x86: {  	_ =	shalt  }
0x87: {  	_ =	shalt  }
.Lfunc_end0:
.L_simem_size_0:
called_computation.8_lowered:
.L_overlay_start_0:
0x88: {  	s2 =	sld [smem:$0x3FD9]  }
0x89: {  	s3 =	sld [smem:$0x3FFE];
	_ =	sdelay $0x1  }
0x8a: {  	s1 =	srdreg.scid  }
0x8b: {  	s0 =	sand.u32 $0x1, s1  }
0x8c: {  	s17 =	sshll.u32 s0, $0xA;
	s2 =	sadd.s32 s3, s2  }
0x8d: {  	s2 =	sadd.s32 s2, s17  }
0x8e: {  	[smem:$0x3FB3] =	sst s2  }
0x8f: {  	_ = 	snop  }
0x90: {  	(tm) =	ssettm $0x1  }
0x91: {  	s18 =	sld [smem:$0x3FFB];
	_ =	sdelay $0x3  }
0x92: {  	_ =	strace s18  }
0x93: {  	s2 =	sld [smem:$0x3FFC];
	_ =	sdelay $0x3  }
0x94: {  	_ =	strace s2  }
0x95: {  	s2 =	sld [smem:$0x3FFD];
	_ =	sdelay $0x3  }
0x96: {  	_ =	strace s2  }
0x97: {  	_ =	strace $0x8FFFFFFF  }
0x98: {  	s19 =	sld [smem:$0x3FDB];
	_ =	sdelay $0x1  }
0x99: {  	s20 =	simm.s32 $_scs_section_size  }
0x9a: {  	s4 =	simm.s32 $_size__tile_overlayer_lowered;
	s5 =	simm.s32 $_tile_overlayer_lowered  }
0x9b: {  	s6 =	simm.s32 $0x1BFF;
	s21 =	sshll.u32 s5, $0x1;
	s3 =	sadd.s32 s20, s19  }
0x9c: {  	s22 =	simm.s32 $0x0;
	s4 =	sshll.u32 s4, $0x1;
	s5 =	sadd.s32 s21, s3  }
0x9d: {  	[timem:s22], [sflag:s6] =	dma.local [hbm:s5], s4  }
0x9e: {  	_ =	swait.ge [sflag:s6], s4  }
0x9f: {  	s4 =	ssub.s32 $0x0, s4;
	[sflag:s6] =	ssyncset.done $0x0  }
0xa0: {  	[sflag:s6] =	ssyncadd.s32 s4;
	_ =	sdelay $0x1  }
0xa1: {  	s23 =	simm.s32 $0x1B8B  }
0xa2: {  	_ =	swait.ge [sflag:s23], $0x1  }
0xa3: {  	[sflag:s23] =	ssyncset.done $0x0  }
0xa4: {  	[sflag:s23] =	ssyncadd.s32 $0xFFFFFFFF  }
0xa5: {  	s4 =	sld [smem:$0x0]  }
0xa6: {  	s5 =	sand.u32 $0xFFFFFFFE, s1  }
0xa7: {  	p0 =	sne.s32 s1, s5  }
0xa8: {  	s5 =	sshll.u32 @p0 s5, $0xE  }
0xa9: {  	s5 =	sadd.s32 @p0 $0x11B8D, s5;
	s6 =	sshll.u32 @p0 s4, $0x11  }
0xaa: {  	s5 =	sor.u32 @p0 s6, s5  }
0xab: {  	[sflag:s5] =	ssyncadd.remote.s32 @p0 $0x1;
	_ =	sdelay $0x1  }
0xac: {  	s5 =	simm.s32 @p0 $0x1B8D  }
0xad: {  	_ =	swait.eq @p0 [sflag:s5], $0x1  }
0xae: {  	[sflag:s5] =	ssyncadd.s32 @p0 $0xFFFFFFFF  }
0xaf: {  	s6 =	sshll.u32 @!p0 s1, $0xE  }
0xb0: {  	s6 =	sor.u32 @!p0 $0x4000, s6;
	s5 =	simm.s32 @!p0 $0x1B8D  }
0xb1: {  	s4 =	sshll.u32 @!p0 s4, $0x11;
	s6 =	sadd.s32 @!p0 $0x11B8D, s6;
	_ =	swait.eq @!p0 [sflag:s5], $0x1  }
0xb2: {  	s4 =	sor.u32 @!p0 s4, s6;
	[sflag:s5] =	ssyncadd.s32 @!p0 $0xFFFFFFFF  }
0xb3: {  	s25 =	simm.s32 $0x1B8E;
	s24 =	sld [smem:$0x3FFE];
	[sflag:s4] =	ssyncadd.remote.s32 @!p0 $0x1  }
0xb4: {  	s26 =	simm.s32 $execute0_lowered;
	[smem:$0x3FD2] =	sst s25  }
0xb5: {  	s5 =	sshll.u32 s26, $0x1;
	_ =	strace $0x80000061;
	[dreg:$0x1] =	wrdreg $0xFFFFFFFF  }
0xb6: {  	s28 =	simm.s32 $_size_execute0_lowered;
	s3 =	sadd.s32 s3, s5;
	[dreg:$0x0] =	wrdreg $0x0  }
0xb7: {  	s5 =	sshll.u32 s28, $0x1;
	[dreg:$0x2] =	wrdreg s3  }
0xb8: {  	[dreg:$0x3] =	wrdreg s5  }
0xb9: {  	[dreg:$0x4] =	wrdreg $0xC0  }
0xba: {  	_ =	task [dreg:s22], $0x5FFFF  }
0xbb: {  	[dreg:$0x1] =	wrdreg $0xFFFFFFFF  }
0xbc: {  	[dreg:$0x0] =	wrdreg $0x60  }
0xbd: {  	[dreg:$0x2] =	wrdreg s24  }
0xbe: {  	[dreg:$0x3] =	wrdreg $0xA8000  }
0xbf: {  	[dreg:$0x4] =	wrdreg $0x9  }
0xc0: {  	_ =	task.clear_ibuf [dreg:s22], $0x5FFFF;
	_ =	strace $0x90000061  }
0xc1: {  	s29 =	simm.s32 $0x9;
	_ =	strace $0x80000063  }
0xc2: {  	_ =	swait.ge [sflag:s29], $0x1  }
0xc3: {  	[sflag:s29] =	ssyncadd.s32 $0xFFFFFFFF  }
0xc4: {  	_ =	strace $0x90000063  }
0xc5: {  	_ =	sfence  }
0xc6: {  	s30 =	sld [smem:$0x0];
	_ =	sdelay $0x2  }
0xc7: {  	s31 =	sshll.u32 s1, $0xD;
	s1 =	sshrl.u32 s1, $0x2  }
0xc8: {  	s4 =	sand.u32 $0x4000, s31;
	s1 =	sadd.s32 s1, s30  }
0xc9: {  	s0 =	sor.u32 s4, s0;
	s1 =	sshll.u32 s1, $0x11  }
0xca: {  	s0 =	sor.u32 s1, s0  }
0xcb: {  	s0 =	sadd.s32 $0x8F2B, s0  }
0xcc: {  	[sflag:s0] =	ssyncadd.remote.s32 $0x1  }
0xcd: {  	_ =	sfence.sel $0xFFFF  }
0xce: {  	[dreg:$0x0] =	wrdreg $0xFFFFFFFF;
	(pc) =	sbr.abs _section_cstart, $3  }
0xcf: {  	[dreg:$0x1] =	wrdreg $0xFFFFFFFF  }
0xd0: {  	_ =	task.clear_ibuf [dreg:s22], $0x2FFFF;
	_ =	strace $0x9FFFFFFF  }
0xd1: {  	(tm) =	ssettm $0x7FFFFFFF  }
tec
execute0_lowered:
.L_overlay_start_1:
0x0: {  	(tag) =	ssettag $0x1  }
0x1: {  	s1 =	srdreg.scid;
	s6 =	rddreg [dreg:$0x0]  }
0x2: {  	s0 =	stileid.u32;
	s2 =	rddreg [dreg:$0x1]  }
0x3: {  	s3 =	simm.s32 $0x0;
	s14 =	simm.s32 $0x7D;
	s15 =	simm.s32 $0x2800  }
0x4: {  	s16 =	simm.s32 $0x80;
	s17 =	simm.s32 $0x6800;
	s18 =	simm.s32 $0x1  }
0x5: {  	s19 =	simm.s32 $0x2;
	s20 =	simm.s32 $0x2700;
	s21 =	simm.s32 $0x2780  }
0x6: {  	s22 =	simm.s32 $0x0;
	s5 =	sand.u32 $0x1, s1;
	s29 =	sshll.u32 s0, $0x1  }
0x7: {  	s8 =	smul.u32 $0x13C00, s0;
	[smem:$0x7FF] =	sst s3;
	s4 =	sadd.s32 $0x156E00, s6  }
0x8: {  	s11 =	smul.u32 $0x4F000, s0;
	s12 =	sshll.u32 s0, $0x6;
	s1 =	sor.u32 s5, s29  }
0x9: {  	s9 =	smul.u32 $0x13C000, s5;
	s5 =	ssub.s32 $0x2, s5;
	s12 =	sor.u32 $0x1C03, s12  }
0xa: {  	s7 =	smul.u32 $0x280, s1;
	s1 =	rddreg [dreg:$0x2];
	_ =	strace $0x80000062  }
0xb: {  	s10 =	sshrl.u32 s8, $0x3;
	s30 =	sshrl.u32 s5, $0x1;
	s31 =	sshrl.u32 s11, $0x2  }
0xc: {  	s11 =	simm.s32 $0x1400;
	s8 =	sadd.s32 s8, s9;
	s10 =	sadd.s32 s10, s6  }
0xd: {  	s9 =	ssub.s32 s5, s30;
	s13 =	sadd.s32 s31, s2;
	s7 =	sadd.s32 s7, s6  }
0xe: {  	s8 =	sshrl.u32 s8, $0x3;
	s9 =	smax.u32 s9, $0x1;
	s13 =	sshrl.u32 s13, $0x3  }
0xf: {  	s8 =	sadd.s32 s8, s6;
	s5 =	sadd.s32 $0x87C00, s7;
	s6 =	sadd.s32 $0x17E000, s7  }
0x10: {  	s7 =	sadd.s32 $0x11400, s10;
	s10 =	simm.s32 $0x3;
	s8 =	sadd.s32 $0x8CC00, s8  }
.LBB2_1:
0x11: {  	[tilespmem:s3], [sflag:$0x3] =	stream.linear.gather [hbm4b:s5+s3], $0x1400, $0x38;
	[tilespmem:$0x1E400] =	vst v63  }
0x12: {  	_ =	swait.ge [sflag:s10], $0x1400  }
0x13: {  	[sflag:s10] =	ssyncset.done $0x0  }
0x14: {  	[sflag:s10] =	ssyncadd.s32 $0xFFFFEC00  }
0x15: {  	[tilespmem:s11], [sflag:$0x3] =	stream.linear.gather [hbm4b:s6+s3], $0x1400, $0x38;
	[tilespmem:$0x1E400] =	vst v63  }
0x16: {  	_ =	swait.ge [sflag:s10], $0x1400  }
0x17: {  	[sflag:s10] =	ssyncset.done $0x0  }
0x18: {  	[sflag:s10] =	ssyncadd.s32 $0xFFFFEC00  }
0x19: {  	[spmem:s13], [sflag:s12] =	dma.local [hbm:s7], $0x2780  }
0x1a: {  	_ =	swait.ge [sflag:s10], $0x2780  }
0x1b: {  	[sflag:s10] =	ssyncset.done $0x0  }
0x1c: {  	[sflag:s10] =	ssyncadd.s32 $0xFFFFD880  }
0x1d: {  	[bflag:$0x0] =	sbarrier.arrive $0xFFFF  }
0x1e: {  	[tilespmem:s15], [sflag:$0x1] =	stream.indirect.gather [hbm4b:s4+s14], $0x80, s3, s14, $0xb8;
	[tilespmem:$0x1E400] =	vst v63  }
0x1f: {  	_ = 	snop  }
0x20: {  	[tilespmem:s17], [sflag:$0x2] =	stream.indirect.gather [hbm4b:s4+s14], $0x80, s16, s14, $0xb8;
	[tilespmem:$0x1E400] =	vst v63  }
0x21: {  	_ =	swait.ge [sflag:s18], $0x3E80  }
0x22: {  	[sflag:s18] =	ssyncset.done $0x0  }
0x23: {  	s23 =	simm.s32 $0x1400;
	[sflag:s18] =	ssyncadd.s32 $0xFFFFC180  }
0x24: {  	[spmem:s2] =	stream.indirect.scatter.add.f32 [tilespmem:s15], [sflag:$0x3], $0x80, s23, s14, $0xb8;
	[tilespmem:$0x1E400] =	vst v63  }
0x25: {  	_ =	swait.ge [sflag:s10], $0x3E80  }
0x26: {  	[sflag:s10] =	ssyncset.done $0x0  }
0x27: {  	s30 =	simm.s32 $0x100;
	[sflag:s10] =	ssyncadd.s32 $0xFFFFC180  }
0x28: {  	[tilespmem:s15], [sflag:$0x1] =	stream.indirect.gather [hbm4b:s4+s14], $0x80, s30, s14, $0xb8;
	[tilespmem:$0x1E400] =	vst v63  }
0x29: {  	_ =	swait.ge [sflag:s19], $0x3E80  }
0x2a: {  	[sflag:s19] =	ssyncset.done $0x0  }
0x2b: {  	s31 =	simm.s32 $0x1480;
	[sflag:s19] =	ssyncadd.s32 $0xFFFFC180  }
0x2c: {  	[spmem:s2] =	stream.indirect.scatter.add.f32 [tilespmem:s17], [sflag:$0x3], $0x80, s31, s14, $0xb8;
	[tilespmem:$0x1E400] =	vst v63  }
0x2d: {  	_ =	swait.ge [sflag:s10], $0x3E80  }
0x2e: {  	[sflag:s10] =	ssyncset.done $0x0  }
0x2f: {  	s24 =	simm.s32 $0x180;
	s23 =	simm.s32 $0x400;
	[sflag:s10] =	ssyncadd.s32 $0xFFFFC180  }
.LBB2_2:
0x30: {  	[tilespmem:s17], [sflag:$0x2] =	stream.indirect.gather [hbm4b:s4+s14], $0x80, s24, s14, $0xb8;
	[tilespmem:$0x1E400] =	vst v63  }
0x31: {  	s24 =	smov.u32 s23  }
0x32: {  	p0 =	sne.s32 s23, $0x4800;
	s23 =	sadd.s32 $0x400, s23;
	_ =	swait.ge [sflag:s18], $0x3E80  }
0x33: {  	s24 =	sshra.s32 s24, $0x2;
	[sflag:s18] =	ssyncset.done $0x0  }
0x34: {  	s25 =	sadd.s32 $0x1400, s24;
	[sflag:s18] =	ssyncadd.s32 $0xFFFFC180  }
0x35: {  	[spmem:s2] =	stream.indirect.scatter.add.f32 [tilespmem:s15], [sflag:$0x3], $0x80, s25, s14, $0xb8;
	[tilespmem:$0x1E400] =	vst v63  }
0x36: {  	_ =	swait.ge [sflag:s10], $0x3E80  }
0x37: {  	[sflag:s10] =	ssyncset.done $0x0  }
0x38: {  	s25 =	sadd.s32 $0x100, s24;
	[sflag:s10] =	ssyncadd.s32 $0xFFFFC180  }
0x39: {  	[tilespmem:s15], [sflag:$0x1] =	stream.indirect.gather [hbm4b:s4+s14], $0x80, s25, s14, $0xb8;
	[tilespmem:$0x1E400] =	vst v63  }
0x3a: {  	_ =	swait.ge [sflag:s19], $0x3E80  }
0x3b: {  	[sflag:s19] =	ssyncset.done $0x0  }
.Ltmp0:
0x3c: {  	s25 =	sadd.s32 $0x1480, s24;
	[sflag:s19] =	ssyncadd.s32 $0xFFFFC180;
	(pc) =	sbr.rel @p0 .LBB2_2-.Ltmp0, $4  }
0x3d: {  	[spmem:s2] =	stream.indirect.scatter.add.f32 [tilespmem:s17], [sflag:$0x3], $0x80, s25, s14, $0xb8;
	[tilespmem:$0x1E400] =	vst v63  }
0x3e: {  	_ =	swait.ge [sflag:s10], $0x3E80  }
0x3f: {  	[sflag:s10] =	ssyncset.done $0x0  }
0x40: {  	s24 =	sadd.s32 $0x180, s24;
	[sflag:s10] =	ssyncadd.s32 $0xFFFFC180  }
0x41: {  	[tilespmem:s17], [sflag:$0x2] =	stream.indirect.gather [hbm4b:s4+s14], $0x80, s24, s14, $0xb8;
	[tilespmem:$0x1E400] =	vst v63  }
0x42: {  	_ =	swait.ge [sflag:s18], $0x3E80  }
0x43: {  	[sflag:s18] =	ssyncset.done $0x0  }
0x44: {  	[sflag:s18] =	ssyncadd.s32 $0xFFFFC180  }
0x45: {  	[spmem:s2] =	stream.indirect.scatter.add.f32 [tilespmem:s15], [sflag:$0x3], $0x80, s20, s14, $0xb8;
	[tilespmem:$0x1E400] =	vst v63  }
0x46: {  	_ =	swait.ge [sflag:s10], $0x3E80  }
0x47: {  	[sflag:s10] =	ssyncset.done $0x0  }
0x48: {  	[sflag:s10] =	ssyncadd.s32 $0xFFFFC180  }
0x49: {  	_ =	swait.ge [sflag:s19], $0x3E80  }
0x4a: {  	[sflag:s19] =	ssyncset.done $0x0  }
0x4b: {  	[sflag:s19] =	ssyncadd.s32 $0xFFFFC180  }
0x4c: {  	[spmem:s2] =	stream.indirect.scatter.add.f32 [tilespmem:s17], [sflag:$0x3], $0x80, s21, s14, $0xb8;
	[tilespmem:$0x1E400] =	vst v63  }
0x4d: {  	_ =	swait.ge [sflag:s10], $0x3E80  }
0x4e: {  	s22 =	sadd.s32 $0x1, s22;
	[sflag:s10] =	ssyncset.done $0x0  }
0x4f: {  	p0 =	sne.s32 s22, s9;
	[sflag:s10] =	ssyncadd.s32 $0xFFFFC180  }
.Ltmp1:
0x50: {  	[bflag:$0x0] =	sbarrier.arrive $0xFFFF;
	(pc) =	sbr.rel @p0 .LBB2_1-.Ltmp1, $4  }
0x51: {  	[hbm:s8], [sflag:s12] =	dma.local [spmem:s13], $0x2780  }
0x52: {  	_ =	swait.ge [sflag:s10], $0x2780  }
0x53: {  	[sflag:s10] =	ssyncset.done $0x0  }
0x54: {  	[sflag:s10] =	ssyncadd.s32 $0xFFFFD880  }
0x55: {  	_ =	sfence.sel $0x180000  }
0x56: {  	[bflag:$0x0] =	sbarrier.arrive $0xFFFF  }
0x57: {  	p0 =	sne.s32 s0, $0x0;
	_ =	strace $0x90000062  }
0x58: {  	s0 =	sadd.s32 @!p0 $0x100000, s1;
	[bflag:$0x2] =	sbarrier.arrive $0xFFFF  }
0x59: {  	[sflag:s0] =	ssyncadd.tile.s32 @!p0 $0x1;
	_ =	shalt  }
.Lfunc_end2:
_tile_overlayer_lowered:
.L_overlay_start_2:
0x5a: {  	(tag) =	ssettag $0x2  }
0x5b: {  	s0 =	rddreg [dreg:$0x0];
	s2 =	stileid.u32  }
0x5c: {  	s1 =	rddreg [dreg:$0x1];
	p0 =	sne.s32 s2, $0x0  }
0x5d: {  	s3 =	rddreg [dreg:$0x2];
	[bflag:$0x3] =	sbarrier.arrive $0xFFFF;
	s2 =	simm.s32 @!p0 $0x1C03  }
0x5e: {  	[timem:s3], [sflag:s2] =	dma.local @!p0 [hbm:s0], s1  }
0x5f: {  	s0 =	simm.s32 @!p0 $0x3  }
0x60: {  	_ =	swait.ge @!p0 [sflag:s0], s1  }
0x61: {  	s1 =	ssub.s32 @!p0 $0x0, s1;
	[sflag:s0] =	ssyncset.done @!p0 $0x0  }
0x62: {  	[sflag:s0] =	ssyncadd.s32 @!p0 s1  }
0x63: {  	[bflag:$0x3] =	sbarrier.arrive $0xFFFF  }
0x64: {  	_ =	shalt  }

// kernel: kernel.52.cloned.1.call-start
scs
__scs_entry_jumppad:
0x0: {  	(pc) =	sbr.rel $0x88, $3  }
0x1: {  	(tag) =	ssettag $0x0;
	lr =	simm.s32 $0x1  }
0x2: {  	[smem:$0x3F8C] =	sst lr;
	_ =	strace $0xD0000000  }
0x3: {  	_ = 	snop  }
0x4: {  	_ = 	snop  }
0x5: {  	_ = 	snop  }
0x6: {  	_ = 	snop  }
0x7: {  	_ = 	snop  }
__scs_overlays_trampoline_lowered:
0x8: {  	[smem:$0x3F9B] =	sst s0  }
0x9: {  	[smem:$0x3F9C] =	sst s1  }
0xa: {  	[smem:$0x3F9D] =	sst s2  }
0xb: {  	[smem:$0x3F9E] =	sst s3  }
0xc: {  	[smem:$0x3F9F] =	sst s4  }
0xd: {  	[smem:$0x3FA0] =	sst s5  }
0xe: {  	[smem:$0x3FA1] =	sst s6  }
0xf: {  	[smem:$0x3FA2] =	sst s7  }
0x10: {  	[smem:$0x3FA3] =	sst s8  }
0x11: {  	[smem:$0x3FA4] =	sst s9;
	s0 =	simm.s32 @!p0 $0x0  }
0x12: {  	s1 =	sld [smem:$0x3F8A];
	s0 =	simm.s32 @p0 $0x1  }
0x13: {  	[smem:$0x3FA5] =	sst s0;
	s0 =	simm.s32 @!p1 $0x0  }
0x14: {  	s2 =	sld [smem:$0x3F89];
	s0 =	simm.s32 @p1 $0x1  }
0x15: {  	[smem:$0x3FA6] =	sst s0;
	s0 =	simm.s32 @!p2 $0x0  }
0x16: {  	s3 =	sld [smem:$0x3FDB];
	s0 =	simm.s32 @p2 $0x1  }
0x17: {  	s4 =	simm.s32 $0x1BF5;
	[smem:$0x3FA8] =	sst s0  }
0x18: {  	s0 =	sld [smem:$0x3F8B];
	_ =	swait.ge [sflag:s4], $0x0  }
0x19: {  	s7 =	sld [smem:$0x3F8C]  }
0x1a: {  	s8 =	sadd.s32 $0xFFFFE003, lr  }
0x1b: {  	s9 =	sadd.s32 $0xFFFFFEF7, lr;
	s5 =	simm.s32 $0xFFFFFFFF;
	p2 =	slt.u32 s8, $0xFFFFF086  }
0x1c: {  	p1 =	slt.u32 s9, $0xF7A;
	s5 =	simm.s32 @!p2 $0x0  }
0x1d: {  	s5 =	simm.s32 @p1 $0x1;
	p0 =	seq.s32 s7, s2  }
0x1e: {  	s7 =	smul.u32 @!p0 $0xF7A, s2;
	p2 =	seq.s32 @!p0 s5, $0x0  }
0x1f: {  	s9 =	smul.u32 $0xF7A, s1;
	s8 =	simm.s32 @!p0 $0x1BF5;
	p2 =	por !p2, p0  }
0x20: {  	[sflag:s8] =	ssyncset.s32 @!p0 $0xFFFFF086;
	s6 =	sadd.s32 @!p0 s3, s7;
	s7 =	simm.s32 @!p0 $0x108  }
0x21: {  	s3 =	sadd.s32 s3, s9;
	s6 =	sadd.s32 @!p0 $0x88, s6;
	s7 =	simm.s32 @p2 $0x1082  }
0x22: {  	[simem:s7], [sflag:s8] =	dma.local @!p0 [hbm:s6], $0xF7A  }
0x23: {  	s9 =	sor.u32 $0xD0000000, s2;
	s6 =	simm.s32 $0x108;
	_ =	swait.ge @!p0 [sflag:s8], $0x0  }
0x24: {  	s3 =	sadd.s32 $0x88, s3;
	s6 =	simm.s32 @!p1 $0x1082;
	[sflag:s4] =	ssyncset.s32 $0xFFFFF086  }
0x25: {  	[simem:s6], [sflag:s4] =	dma.local [hbm:s3], $0xF7A  }
0x26: {  	[smem:$0x3F8C] =	sst s1;
	(tag) =	ssettag s2;
	_ =	strace s9  }
0x27: {  	s1 =	sld [smem:$0x3F9C]  }
0x28: {  	s2 =	sld [smem:$0x3F9D]  }
0x29: {  	s4 =	sld [smem:$0x3F9F]  }
0x2a: {  	p0 =	seq.s32 s5, $0x0;
	s5 =	sld [smem:$0x3FA0]  }
0x2b: {  	s6 =	sld [smem:$0x3FA1]  }
0x2c: {  	s7 =	sld [smem:$0x3FA2]  }
0x2d: {  	s3 =	simm.s32 $0x108;
	s8 =	sld [smem:$0x3FA3]  }
0x2e: {  	s3 =	simm.s32 @!p0 $0x1082;
	s9 =	sld [smem:$0x3FA4]  }
0x2f: {  	lr =	sadd.s32 s0, s3;
	s0 =	sld [smem:$0x3F9B]  }
0x30: {  	s3 =	sld [smem:$0x3F9E]  }
0x31: {  	[smem:$0x3FA7] =	sst s10  }
0x32: {  	s10 =	sld [smem:$0x3FA5];
	_ =	sdelay $0x3  }
0x33: {  	p0 =	seq.s32 s10, $0x1;
	s10 =	sld [smem:$0x3FA7];
	_ =	sdelay $0x3  }
0x34: {  	[smem:$0x3FA7] =	sst s10  }
0x35: {  	s10 =	sld [smem:$0x3FA6];
	_ =	sdelay $0x3  }
0x36: {  	p1 =	seq.s32 s10, $0x1;
	s10 =	sld [smem:$0x3FA7];
	_ =	sdelay $0x3  }
0x37: {  	[smem:$0x3FA7] =	sst s10  }
0x38: {  	s10 =	sld [smem:$0x3FA8]  }
0x39: {  	_ = 	snop;
	(pc) =	sbr.ind lr, $3  }
0x3a: {  	_ = 	snop  }
0x3b: {  	_ = 	snop  }
0x3c: {  	p2 =	seq.s32 s10, $0x1;
	s10 =	sld [smem:$0x3FA7]  }
0x3d: {  	_ =	shalt  }
0x3e: {  	_ =	shalt  }
0x3f: {  	_ =	shalt  }
0x40: {  	_ =	shalt  }
0x41: {  	_ =	shalt  }
0x42: {  	_ =	shalt  }
0x43: {  	_ =	shalt  }
0x44: {  	_ =	shalt  }
0x45: {  	_ =	shalt  }
0x46: {  	_ =	shalt  }
0x47: {  	_ =	shalt  }
0x48: {  	_ =	shalt  }
0x49: {  	_ =	shalt  }
0x4a: {  	_ =	shalt  }
0x4b: {  	_ =	shalt  }
0x4c: {  	_ =	shalt  }
0x4d: {  	_ =	shalt  }
0x4e: {  	_ =	shalt  }
0x4f: {  	_ =	shalt  }
0x50: {  	_ =	shalt  }
0x51: {  	_ =	shalt  }
0x52: {  	_ =	shalt  }
0x53: {  	_ =	shalt  }
0x54: {  	_ =	shalt  }
0x55: {  	_ =	shalt  }
0x56: {  	_ =	shalt  }
0x57: {  	_ =	shalt  }
0x58: {  	_ =	shalt  }
0x59: {  	_ =	shalt  }
0x5a: {  	_ =	shalt  }
0x5b: {  	_ =	shalt  }
0x5c: {  	_ =	shalt  }
0x5d: {  	_ =	shalt  }
0x5e: {  	_ =	shalt  }
0x5f: {  	_ =	shalt  }
0x60: {  	_ =	shalt  }
0x61: {  	_ =	shalt  }
0x62: {  	_ =	shalt  }
0x63: {  	_ =	shalt  }
0x64: {  	_ =	shalt  }
0x65: {  	_ =	shalt  }
0x66: {  	_ =	shalt  }
0x67: {  	_ =	shalt  }
0x68: {  	_ =	shalt  }
0x69: {  	_ =	shalt  }
0x6a: {  	_ =	shalt  }
0x6b: {  	_ =	shalt  }
0x6c: {  	_ =	shalt  }
0x6d: {  	_ =	shalt  }
0x6e: {  	_ =	shalt  }
0x6f: {  	_ =	shalt  }
0x70: {  	_ =	shalt  }
0x71: {  	_ =	shalt  }
0x72: {  	_ =	shalt  }
0x73: {  	_ =	shalt  }
0x74: {  	_ =	shalt  }
0x75: {  	_ =	shalt  }
0x76: {  	_ =	shalt  }
0x77: {  	_ =	shalt  }
0x78: {  	_ =	shalt  }
0x79: {  	_ =	shalt  }
0x7a: {  	_ =	shalt  }
0x7b: {  	_ =	shalt  }
0x7c: {  	_ =	shalt  }
0x7d: {  	_ =	shalt  }
0x7e: {  	_ =	shalt  }
0x7f: {  	_ =	shalt  }
0x80: {  	_ =	shalt  }
0x81: {  	_ =	shalt  }
0x82: {  	_ =	shalt  }
0x83: {  	_ =	shalt  }
0x84: {  	_ =	shalt  }
0x85: {  	_ =	shalt  }
0x86: {  	_ =	shalt  }
0x87: {  	_ =	shalt  }
.Lfunc_end0:
.L_simem_size_0:
called_computation.9_lowered:
.L_overlay_start_0:
0x88: {  	s2 =	sld [smem:$0x3FD9]  }
0x89: {  	s3 =	sld [smem:$0x3FFE];
	_ =	sdelay $0x1  }
0x8a: {  	s1 =	srdreg.scid  }
0x8b: {  	s0 =	sand.u32 $0x1, s1  }
0x8c: {  	s17 =	sshll.u32 s0, $0xA;
	s2 =	sadd.s32 s3, s2  }
0x8d: {  	s2 =	sadd.s32 s2, s17  }
0x8e: {  	[smem:$0x3FB3] =	sst s2  }
0x8f: {  	_ = 	snop  }
0x90: {  	(tm) =	ssettm $0x1  }
0x91: {  	s18 =	sld [smem:$0x3FFB];
	_ =	sdelay $0x3  }
0x92: {  	_ =	strace s18  }
0x93: {  	s2 =	sld [smem:$0x3FFC];
	_ =	sdelay $0x3  }
0x94: {  	_ =	strace s2  }
0x95: {  	s2 =	sld [smem:$0x3FFD];
	_ =	sdelay $0x3  }
0x96: {  	_ =	strace s2  }
0x97: {  	_ =	strace $0x8FFFFFFF  }
0x98: {  	s19 =	sld [smem:$0x3FDB];
	_ =	sdelay $0x1  }
0x99: {  	s20 =	simm.s32 $_scs_section_size  }
0x9a: {  	s4 =	simm.s32 $_size__tile_overlayer_lowered;
	s5 =	simm.s32 $_tile_overlayer_lowered  }
0x9b: {  	s6 =	simm.s32 $0x1BFF;
	s21 =	sshll.u32 s5, $0x1;
	s3 =	sadd.s32 s20, s19  }
0x9c: {  	s22 =	simm.s32 $0x0;
	s4 =	sshll.u32 s4, $0x1;
	s5 =	sadd.s32 s21, s3  }
0x9d: {  	[timem:s22], [sflag:s6] =	dma.local [hbm:s5], s4  }
0x9e: {  	_ =	swait.ge [sflag:s6], s4  }
0x9f: {  	s4 =	ssub.s32 $0x0, s4;
	[sflag:s6] =	ssyncset.done $0x0  }
0xa0: {  	[sflag:s6] =	ssyncadd.s32 s4;
	_ =	sdelay $0x1  }
0xa1: {  	s23 =	simm.s32 $0x1B8B  }
0xa2: {  	_ =	swait.ge [sflag:s23], $0x1  }
0xa3: {  	[sflag:s23] =	ssyncset.done $0x0  }
0xa4: {  	[sflag:s23] =	ssyncadd.s32 $0xFFFFFFFF  }
0xa5: {  	s4 =	sld [smem:$0x0]  }
0xa6: {  	s5 =	sand.u32 $0xFFFFFFFE, s1  }
0xa7: {  	p0 =	sne.s32 s1, s5  }
0xa8: {  	s5 =	sshll.u32 @p0 s5, $0xE  }
0xa9: {  	s5 =	sadd.s32 @p0 $0x11B8D, s5;
	s6 =	sshll.u32 @p0 s4, $0x11  }
0xaa: {  	s5 =	sor.u32 @p0 s6, s5  }
0xab: {  	[sflag:s5] =	ssyncadd.remote.s32 @p0 $0x1;
	_ =	sdelay $0x1  }
0xac: {  	s5 =	simm.s32 @p0 $0x1B8D  }
0xad: {  	_ =	swait.eq @p0 [sflag:s5], $0x1  }
0xae: {  	[sflag:s5] =	ssyncadd.s32 @p0 $0xFFFFFFFF  }
0xaf: {  	s6 =	sshll.u32 @!p0 s1, $0xE  }
0xb0: {  	s6 =	sor.u32 @!p0 $0x4000, s6;
	s5 =	simm.s32 @!p0 $0x1B8D  }
0xb1: {  	s4 =	sshll.u32 @!p0 s4, $0x11;
	s6 =	sadd.s32 @!p0 $0x11B8D, s6;
	_ =	swait.eq @!p0 [sflag:s5], $0x1  }
0xb2: {  	s4 =	sor.u32 @!p0 s4, s6;
	[sflag:s5] =	ssyncadd.s32 @!p0 $0xFFFFFFFF  }
0xb3: {  	s25 =	simm.s32 $0x1B8E;
	s24 =	sld [smem:$0x3FFE];
	[sflag:s4] =	ssyncadd.remote.s32 @!p0 $0x1  }
0xb4: {  	s26 =	simm.s32 $execute0_lowered;
	[smem:$0x3FD2] =	sst s25  }
0xb5: {  	s5 =	sshll.u32 s26, $0x1;
	_ =	strace $0x8000005E;
	[dreg:$0x1] =	wrdreg $0xFFFFFFFF  }
0xb6: {  	s28 =	simm.s32 $_size_execute0_lowered;
	s3 =	sadd.s32 s3, s5;
	[dreg:$0x0] =	wrdreg $0x0  }
0xb7: {  	s5 =	sshll.u32 s28, $0x1;
	[dreg:$0x2] =	wrdreg s3  }
0xb8: {  	[dreg:$0x3] =	wrdreg s5  }
0xb9: {  	[dreg:$0x4] =	wrdreg $0xC0  }
0xba: {  	_ =	task [dreg:s22], $0x5FFFF  }
0xbb: {  	[dreg:$0x1] =	wrdreg $0xFFFFFFFF  }
0xbc: {  	[dreg:$0x0] =	wrdreg $0x60  }
0xbd: {  	[dreg:$0x2] =	wrdreg s24  }
0xbe: {  	[dreg:$0x3] =	wrdreg $0xA8000  }
0xbf: {  	[dreg:$0x4] =	wrdreg $0xA  }
0xc0: {  	_ =	task.clear_ibuf [dreg:s22], $0x5FFFF;
	_ =	strace $0x9000005E  }
0xc1: {  	s29 =	simm.s32 $0xA;
	_ =	strace $0x80000060  }
0xc2: {  	_ =	swait.ge [sflag:s29], $0x1  }
0xc3: {  	[sflag:s29] =	ssyncadd.s32 $0xFFFFFFFF  }
0xc4: {  	_ =	strace $0x90000060  }
0xc5: {  	_ =	sfence  }
0xc6: {  	s30 =	sld [smem:$0x0];
	_ =	sdelay $0x2  }
0xc7: {  	s31 =	sshll.u32 s1, $0xD;
	s1 =	sshrl.u32 s1, $0x2  }
0xc8: {  	s4 =	sand.u32 $0x4000, s31;
	s1 =	sadd.s32 s1, s30  }
0xc9: {  	s0 =	sor.u32 s4, s0;
	s1 =	sshll.u32 s1, $0x11  }
0xca: {  	s0 =	sor.u32 s1, s0  }
0xcb: {  	s0 =	sadd.s32 $0x8F2B, s0  }
0xcc: {  	[sflag:s0] =	ssyncadd.remote.s32 $0x1  }
0xcd: {  	_ =	sfence.sel $0xFFFF  }
0xce: {  	[dreg:$0x0] =	wrdreg $0xFFFFFFFF;
	(pc) =	sbr.abs _section_cstart, $3  }
0xcf: {  	[dreg:$0x1] =	wrdreg $0xFFFFFFFF  }
0xd0: {  	_ =	task.clear_ibuf [dreg:s22], $0x2FFFF;
	_ =	strace $0x9FFFFFFF  }
0xd1: {  	(tm) =	ssettm $0x7FFFFFFF  }
tec
execute0_lowered:
.L_overlay_start_1:
0x0: {  	(tag) =	ssettag $0x1  }
0x1: {  	s1 =	srdreg.scid;
	s6 =	rddreg [dreg:$0x0]  }
0x2: {  	s0 =	stileid.u32;
	s2 =	rddreg [dreg:$0x1]  }
0x3: {  	s3 =	simm.s32 $0x0;
	s14 =	simm.s32 $0x7D;
	s15 =	simm.s32 $0x2800  }
0x4: {  	s16 =	simm.s32 $0x80;
	s17 =	simm.s32 $0x6800;
	s18 =	simm.s32 $0x1  }
0x5: {  	s19 =	simm.s32 $0x2;
	s20 =	simm.s32 $0x2700;
	s21 =	simm.s32 $0x2780  }
0x6: {  	s22 =	simm.s32 $0x0;
	s5 =	sand.u32 $0x1, s1;
	s29 =	sshll.u32 s0, $0x1  }
0x7: {  	s8 =	smul.u32 $0x13C00, s0;
	[smem:$0x7FF] =	sst s3;
	s4 =	sadd.s32 $0x38C00, s6  }
0x8: {  	s11 =	smul.u32 $0x4F000, s0;
	s12 =	sshll.u32 s0, $0x6;
	s1 =	sor.u32 s5, s29  }
0x9: {  	s9 =	smul.u32 $0x13C000, s5;
	s5 =	ssub.s32 $0x2, s5;
	s12 =	sor.u32 $0x1C03, s12  }
0xa: {  	s7 =	smul.u32 $0x280, s1;
	s1 =	rddreg [dreg:$0x2];
	_ =	strace $0x8000005F  }
0xb: {  	s10 =	sshrl.u32 s8, $0x3;
	s30 =	sshrl.u32 s5, $0x1;
	s31 =	sshrl.u32 s11, $0x2  }
0xc: {  	s11 =	simm.s32 $0x1400;
	s8 =	sadd.s32 s8, s9;
	s10 =	sadd.s32 s10, s6  }
0xd: {  	s9 =	ssub.s32 s5, s30;
	s13 =	sadd.s32 s31, s2;
	s7 =	sadd.s32 s7, s6  }
0xe: {  	s8 =	sshrl.u32 s8, $0x3;
	s9 =	smax.u32 s9, $0x1;
	s13 =	sshrl.u32 s13, $0x3  }
0xf: {  	s8 =	sadd.s32 s8, s6;
	s5 =	sadd.s32 $0xC400, s7;
	s6 =	sadd.s32 $0xDBC00, s7  }
0x10: {  	s7 =	sadd.s32 $0x11400, s10;
	s10 =	simm.s32 $0x3;
	s8 =	sadd.s32 $0x107E00, s8  }
.LBB2_1:
0x11: {  	[tilespmem:s3], [sflag:$0x3] =	stream.linear.gather [hbm4b:s5+s3], $0x1400, $0x38;
	[tilespmem:$0x1E400] =	vst v63  }
0x12: {  	_ =	swait.ge [sflag:s10], $0x1400  }
0x13: {  	[sflag:s10] =	ssyncset.done $0x0  }
0x14: {  	[sflag:s10] =	ssyncadd.s32 $0xFFFFEC00  }
0x15: {  	[tilespmem:s11], [sflag:$0x3] =	stream.linear.gather [hbm4b:s6+s3], $0x1400, $0x38;
	[tilespmem:$0x1E400] =	vst v63  }
0x16: {  	_ =	swait.ge [sflag:s10], $0x1400  }
0x17: {  	[sflag:s10] =	ssyncset.done $0x0  }
0x18: {  	[sflag:s10] =	ssyncadd.s32 $0xFFFFEC00  }
0x19: {  	[spmem:s13], [sflag:s12] =	dma.local [hbm:s7], $0x2780  }
0x1a: {  	_ =	swait.ge [sflag:s10], $0x2780  }
0x1b: {  	[sflag:s10] =	ssyncset.done $0x0  }
0x1c: {  	[sflag:s10] =	ssyncadd.s32 $0xFFFFD880  }
0x1d: {  	[bflag:$0x0] =	sbarrier.arrive $0xFFFF  }
0x1e: {  	[tilespmem:s15], [sflag:$0x1] =	stream.indirect.gather [hbm4b:s4+s14], $0x80, s3, s14, $0xb8;
	[tilespmem:$0x1E400] =	vst v63  }
0x1f: {  	_ = 	snop  }
0x20: {  	[tilespmem:s17], [sflag:$0x2] =	stream.indirect.gather [hbm4b:s4+s14], $0x80, s16, s14, $0xb8;
	[tilespmem:$0x1E400] =	vst v63  }
0x21: {  	_ =	swait.ge [sflag:s18], $0x3E80  }
0x22: {  	[sflag:s18] =	ssyncset.done $0x0  }
0x23: {  	s23 =	simm.s32 $0x1400;
	[sflag:s18] =	ssyncadd.s32 $0xFFFFC180  }
0x24: {  	[spmem:s2] =	stream.indirect.scatter.add.f32 [tilespmem:s15], [sflag:$0x3], $0x80, s23, s14, $0xb8;
	[tilespmem:$0x1E400] =	vst v63  }
0x25: {  	_ =	swait.ge [sflag:s10], $0x3E80  }
0x26: {  	[sflag:s10] =	ssyncset.done $0x0  }
0x27: {  	s30 =	simm.s32 $0x100;
	[sflag:s10] =	ssyncadd.s32 $0xFFFFC180  }
0x28: {  	[tilespmem:s15], [sflag:$0x1] =	stream.indirect.gather [hbm4b:s4+s14], $0x80, s30, s14, $0xb8;
	[tilespmem:$0x1E400] =	vst v63  }
0x29: {  	_ =	swait.ge [sflag:s19], $0x3E80  }
0x2a: {  	[sflag:s19] =	ssyncset.done $0x0  }
0x2b: {  	s31 =	simm.s32 $0x1480;
	[sflag:s19] =	ssyncadd.s32 $0xFFFFC180  }
0x2c: {  	[spmem:s2] =	stream.indirect.scatter.add.f32 [tilespmem:s17], [sflag:$0x3], $0x80, s31, s14, $0xb8;
	[tilespmem:$0x1E400] =	vst v63  }
0x2d: {  	_ =	swait.ge [sflag:s10], $0x3E80  }
0x2e: {  	[sflag:s10] =	ssyncset.done $0x0  }
0x2f: {  	s24 =	simm.s32 $0x180;
	s23 =	simm.s32 $0x400;
	[sflag:s10] =	ssyncadd.s32 $0xFFFFC180  }
.LBB2_2:
0x30: {  	[tilespmem:s17], [sflag:$0x2] =	stream.indirect.gather [hbm4b:s4+s14], $0x80, s24, s14, $0xb8;
	[tilespmem:$0x1E400] =	vst v63  }
0x31: {  	s24 =	smov.u32 s23  }
0x32: {  	p0 =	sne.s32 s23, $0x4800;
	s23 =	sadd.s32 $0x400, s23;
	_ =	swait.ge [sflag:s18], $0x3E80  }
0x33: {  	s24 =	sshra.s32 s24, $0x2;
	[sflag:s18] =	ssyncset.done $0x0  }
0x34: {  	s25 =	sadd.s32 $0x1400, s24;
	[sflag:s18] =	ssyncadd.s32 $0xFFFFC180  }
0x35: {  	[spmem:s2] =	stream.indirect.scatter.add.f32 [tilespmem:s15], [sflag:$0x3], $0x80, s25, s14, $0xb8;
	[tilespmem:$0x1E400] =	vst v63  }
0x36: {  	_ =	swait.ge [sflag:s10], $0x3E80  }
0x37: {  	[sflag:s10] =	ssyncset.done $0x0  }
0x38: {  	s25 =	sadd.s32 $0x100, s24;
	[sflag:s10] =	ssyncadd.s32 $0xFFFFC180  }
0x39: {  	[tilespmem:s15], [sflag:$0x1] =	stream.indirect.gather [hbm4b:s4+s14], $0x80, s25, s14, $0xb8;
	[tilespmem:$0x1E400] =	vst v63  }
0x3a: {  	_ =	swait.ge [sflag:s19], $0x3E80  }
0x3b: {  	[sflag:s19] =	ssyncset.done $0x0  }
.Ltmp0:
0x3c: {  	s25 =	sadd.s32 $0x1480, s24;
	[sflag:s19] =	ssyncadd.s32 $0xFFFFC180;
	(pc) =	sbr.rel @p0 .LBB2_2-.Ltmp0, $4  }
0x3d: {  	[spmem:s2] =	stream.indirect.scatter.add.f32 [tilespmem:s17], [sflag:$0x3], $0x80, s25, s14, $0xb8;
	[tilespmem:$0x1E400] =	vst v63  }
0x3e: {  	_ =	swait.ge [sflag:s10], $0x3E80  }
0x3f: {  	[sflag:s10] =	ssyncset.done $0x0  }
0x40: {  	s24 =	sadd.s32 $0x180, s24;
	[sflag:s10] =	ssyncadd.s32 $0xFFFFC180  }
0x41: {  	[tilespmem:s17], [sflag:$0x2] =	stream.indirect.gather [hbm4b:s4+s14], $0x80, s24, s14, $0xb8;
	[tilespmem:$0x1E400] =	vst v63  }
0x42: {  	_ =	swait.ge [sflag:s18], $0x3E80  }
0x43: {  	[sflag:s18] =	ssyncset.done $0x0  }
0x44: {  	[sflag:s18] =	ssyncadd.s32 $0xFFFFC180  }
0x45: {  	[spmem:s2] =	stream.indirect.scatter.add.f32 [tilespmem:s15], [sflag:$0x3], $0x80, s20, s14, $0xb8;
	[tilespmem:$0x1E400] =	vst v63  }
0x46: {  	_ =	swait.ge [sflag:s10], $0x3E80  }
0x47: {  	[sflag:s10] =	ssyncset.done $0x0  }
0x48: {  	[sflag:s10] =	ssyncadd.s32 $0xFFFFC180  }
0x49: {  	_ =	swait.ge [sflag:s19], $0x3E80  }
0x4a: {  	[sflag:s19] =	ssyncset.done $0x0  }
0x4b: {  	[sflag:s19] =	ssyncadd.s32 $0xFFFFC180  }
0x4c: {  	[spmem:s2] =	stream.indirect.scatter.add.f32 [tilespmem:s17], [sflag:$0x3], $0x80, s21, s14, $0xb8;
	[tilespmem:$0x1E400] =	vst v63  }
0x4d: {  	_ =	swait.ge [sflag:s10], $0x3E80  }
0x4e: {  	s22 =	sadd.s32 $0x1, s22;
	[sflag:s10] =	ssyncset.done $0x0  }
0x4f: {  	p0 =	sne.s32 s22, s9;
	[sflag:s10] =	ssyncadd.s32 $0xFFFFC180  }
.Ltmp1:
0x50: {  	[bflag:$0x0] =	sbarrier.arrive $0xFFFF;
	(pc) =	sbr.rel @p0 .LBB2_1-.Ltmp1, $4  }
0x51: {  	[hbm:s8], [sflag:s12] =	dma.local [spmem:s13], $0x2780  }
0x52: {  	_ =	swait.ge [sflag:s10], $0x2780  }
0x53: {  	[sflag:s10] =	ssyncset.done $0x0  }
0x54: {  	[sflag:s10] =	ssyncadd.s32 $0xFFFFD880  }
0x55: {  	_ =	sfence.sel $0x180000  }
0x56: {  	[bflag:$0x0] =	sbarrier.arrive $0xFFFF  }
0x57: {  	p0 =	sne.s32 s0, $0x0;
	_ =	strace $0x9000005F  }
0x58: {  	s0 =	sadd.s32 @!p0 $0x100000, s1;
	[bflag:$0x2] =	sbarrier.arrive $0xFFFF  }
0x59: {  	[sflag:s0] =	ssyncadd.tile.s32 @!p0 $0x1;
	_ =	shalt  }
.Lfunc_end2:
_tile_overlayer_lowered:
.L_overlay_start_2:
0x5a: {  	(tag) =	ssettag $0x2  }
0x5b: {  	s0 =	rddreg [dreg:$0x0];
	s2 =	stileid.u32  }
0x5c: {  	s1 =	rddreg [dreg:$0x1];
	p0 =	sne.s32 s2, $0x0  }
0x5d: {  	s3 =	rddreg [dreg:$0x2];
	[bflag:$0x3] =	sbarrier.arrive $0xFFFF;
	s2 =	simm.s32 @!p0 $0x1C03  }
0x5e: {  	[timem:s3], [sflag:s2] =	dma.local @!p0 [hbm:s0], s1  }
0x5f: {  	s0 =	simm.s32 @!p0 $0x3  }
0x60: {  	_ =	swait.ge @!p0 [sflag:s0], s1  }
0x61: {  	s1 =	ssub.s32 @!p0 $0x0, s1;
	[sflag:s0] =	ssyncset.done @!p0 $0x0  }
0x62: {  	[sflag:s0] =	ssyncadd.s32 @!p0 s1  }
0x63: {  	[bflag:$0x3] =	sbarrier.arrive $0xFFFF  }
0x64: {  	_ =	shalt  }

</sc_bundles>
